<compile_context>
chip_gen: v7x
topology: tpu7x:2x2x1
jax: 0.10.2.dev20260603
libtpu: 0.0.44.dev20260713+nightly
codegen_flags: <defaults>
</compile_context>

<pallas_src>
import functools

import jax
import jax.numpy as jnp
from jax import lax
from jax.experimental import pallas as pl
from jax.experimental.pallas import tpu as pltpu
from jax.experimental.pallas import tpu_sc as plsc

_B, _S, _KF = 8, 16, 2048
_D = 64
_NUM_R = 1000
_TOPK = 64
_N = _B * _S
_L = 16

_info = plsc.get_sparse_core_info()
_NC, _NS = _info.num_cores, _info.num_subcores
_NW = _NC * _NS
_ROWS_PER_W = _N // _NW
_CPW = _ROWS_PER_W * _KF
_CHUNK = 128
_STEPS = _CPW // _CHUNK
_GRP = _CHUNK // _L
_VPR = _KF // _L


def _sc_body(fii_hbm, succ_hbm, heads_hbm, rels_hbm, tails_hbm, ent_hbm,
             rel_hbm, out_hbm,
             fid_v, hid_v, rid_v, tid_v, ridc_v, eh_v, et_v, rel_v,
             succ_v, keys_v,
             sem_i0, sem_i1, sem_e0, sem_e1):
    wid = lax.axis_index("s") * _NC + lax.axis_index("c")
    woff = wid * _CPW

    pltpu.sync_copy(rel_hbm, rel_v)
    pltpu.sync_copy(succ_hbm.at[pl.ds(woff, _CPW)], succ_v)
    pltpu.sync_copy(fii_hbm.at[pl.ds(woff, _CPW)], fid_v)

    sem_i = (sem_i0, sem_i1)
    sem_e = (sem_e0, sem_e1)
    hid = (hid_v.at[0], hid_v.at[1])
    rid = (rid_v.at[0], rid_v.at[1])
    tid = (tid_v.at[0], tid_v.at[1])
    eh = (eh_v.at[0], eh_v.at[1])
    et = (et_v.at[0], et_v.at[1])

    lane = lax.iota(jnp.int32, 16)
    one16 = jnp.full((16,), 1, jnp.int32)
    zero16 = jnp.zeros((16,), jnp.int32)

    def issue_ids(s, b):
        idx = fid_v.at[pl.ds(s * _CHUNK, _CHUNK)]
        pltpu.async_copy(heads_hbm.at[idx], hid[b], sem_i[b])
        pltpu.async_copy(rels_hbm.at[idx], rid[b], sem_i[b])
        pltpu.async_copy(tails_hbm.at[idx], tid[b], sem_i[b])

    def wait_ids(s, b):
        idx = fid_v.at[pl.ds(s * _CHUNK, _CHUNK)]
        pltpu.make_async_copy(heads_hbm.at[idx], hid[b], sem_i[b]).wait()
        pltpu.make_async_copy(rels_hbm.at[idx], rid[b], sem_i[b]).wait()
        pltpu.make_async_copy(tails_hbm.at[idx], tid[b], sem_i[b]).wait()

    def issue_emb(b):
        pltpu.async_copy(ent_hbm.at[hid[b]], eh[b], sem_e[b])
        pltpu.async_copy(ent_hbm.at[tid[b]], et[b], sem_e[b])

    def wait_emb(b):
        pltpu.make_async_copy(ent_hbm.at[hid[b]], eh[b], sem_e[b]).wait()
        pltpu.make_async_copy(ent_hbm.at[tid[b]], et[b], sem_e[b]).wait()

    def compute(s, b):
        base = s * _CHUNK
        ehb, etb = eh[b], et[b]

        def cand_group(g, carry):
            rr16 = ridc_v[pl.ds(g * _L, _L)]
            score16 = jnp.zeros((16,), jnp.float32)
            for u in range(_L):
                c = g * _L + u
                rc = rr16[u]
                acc = jnp.zeros((16,), jnp.float32)
                for k in range(_D // _L):
                    e_h = ehb[c, pl.ds(k * _L, _L)]
                    e_t = etb[c, pl.ds(k * _L, _L)]
                    r_r = rel_v[rc, pl.ds(k * _L, _L)]
                    acc = acc + e_h * r_r * e_t
                s_u = jnp.sum(acc)
                score16 = jnp.where(lane == u, jnp.full((16,), s_u, jnp.float32),
                                    score16)
            bits = lax.bitcast_convert_type(score16, jnp.uint32)
            uu = jnp.where(score16 >= 0.0, bits | jnp.uint32(0x80000000), ~bits)
            su = succ_v[pl.ds(base + g * _L, _L)]
            key = jnp.where(su != 0, uu, jnp.zeros((16,), jnp.uint32))
            keys_v[pl.ds(base + g * _L, _L)] = key
            return carry
        lax.fori_loop(0, _GRP, cand_group, 0)

    issue_ids(0, 0)
    wait_ids(0, 0)
    issue_emb(0)
    issue_ids(1, 1)

    def pipe_body(i, carry):
        s0 = i * 2
        for bb in range(2):
            s = s0 + bb
            wait_emb(bb)

            @pl.when(s < _STEPS - 1)
            def _():
                wait_ids(s + 1, 1 - bb)
                issue_emb(1 - bb)

            ridb = rid[bb]
            for g in range(_GRP):
                ridc_v[pl.ds(g * _L, _L)] = ridb[pl.ds(g * _L, _L)]

            @pl.when(s < _STEPS - 2)
            def _():
                issue_ids(s + 2, bb)

            compute(s, bb)
        return carry

    lax.fori_loop(0, _STEPS // 2, pipe_body, 0)

    def row_body(r, c):
        roff = r * _KF
        _CU = 8

        def count_cmp(strict, thr):
            thr16 = jnp.full((16,), thr, jnp.uint32)

            def cb(j, accs):
                a0, a1 = accs
                for q in range(_CU):
                    v = keys_v[pl.ds(roff + (j * _CU + q) * _L, _L)]
                    m = (v > thr16) if strict else (v >= thr16)
                    inc = jnp.where(m, one16, zero16)
                    if q % 2 == 0:
                        a0 = a0 + inc
                    else:
                        a1 = a1 + inc
                return (a0, a1)
            z = jnp.zeros((16,), jnp.int32)
            a0, a1 = lax.fori_loop(0, _VPR // _CU, cb, (z, z))
            return jnp.sum(a0 + a1)

        def bit_body(i, p):
            bit = lax.shift_left(jnp.uint32(1), jnp.uint32(31) - i.astype(jnp.uint32))
            cand_thr = p | bit
            cnt = count_cmp(False, cand_thr)
            return jnp.where(cnt >= _TOPK, cand_thr, p)
        thr = lax.fori_loop(0, 32, bit_body, jnp.uint32(0))

        thr16 = jnp.full((16,), thr, jnp.uint32)
        n_gt = count_cmp(True, thr)
        need = jnp.int32(_TOPK) - n_gt
        need16 = jnp.full((16,), need, jnp.int32)

        def out_body(j, running):
            for q in range(4):
                v = keys_v[pl.ds(roff + (j * 4 + q) * _L, _L)]
                gt = v > thr16
                eq = v == thr16
                eqi = jnp.where(eq, one16, zero16)
                pre = plsc.cumsum(eqi) - eqi + jnp.full((16,), running, jnp.int32)
                keep = gt | (eq & (pre < need16))
                valid = v != jnp.zeros((16,), jnp.uint32)
                fid_v[pl.ds(roff + (j * 4 + q) * _L, _L)] = jnp.where(
                    keep & valid, one16, zero16)
                running = running + jnp.sum(eqi)
            return running
        lax.fori_loop(0, _VPR // 4, out_body, jnp.int32(0))
        return c

    lax.fori_loop(0, _ROWS_PER_W, row_body, 0)
    pltpu.sync_copy(fid_v, out_hbm.at[pl.ds(woff, _CPW)])


_sc_kernel = functools.partial(
    pl.kernel,
    out_type=jax.ShapeDtypeStruct((_N * _KF,), jnp.int32),
    mesh=plsc.VectorSubcoreMesh(core_axis_name="c", subcore_axis_name="s"),
    compiler_params=pltpu.CompilerParams(
        use_tc_tiling_on_sc=False, needs_layout_passes=False),
    scratch_types=[
        pltpu.VMEM((_CPW,), jnp.int32),
        pltpu.VMEM((2, _CHUNK), jnp.int32),
        pltpu.VMEM((2, _CHUNK), jnp.int32),
        pltpu.VMEM((2, _CHUNK), jnp.int32),
        pltpu.VMEM((_CHUNK,), jnp.int32),
        pltpu.VMEM((2, _CHUNK, _D), jnp.float32),
        pltpu.VMEM((2, _CHUNK, _D), jnp.float32),
        pltpu.VMEM((_NUM_R, _D), jnp.float32),
        pltpu.VMEM((_CPW,), jnp.int32),
        pltpu.VMEM((_CPW,), jnp.uint32),
        pltpu.SemaphoreType.DMA,
        pltpu.SemaphoreType.DMA,
        pltpu.SemaphoreType.DMA,
        pltpu.SemaphoreType.DMA,
    ],
)(_sc_body)


@jax.jit
def kernel(fact_goals, fact_success, queries, facts_idx, fact_item_idx,
           entity_emb, rel_emb):
    succ = fact_success.reshape(-1).astype(jnp.int32)
    fii = fact_item_idx.reshape(-1)
    heads = facts_idx[:, 0]
    rels = facts_idx[:, 1]
    tails = facts_idx[:, 2]
    out = _sc_kernel(fii, succ, heads, rels, tails, entity_emb, rel_emb)
    return out.reshape(_B, _S, _KF) != 0

# --- scband reference (transcript-rebuilt; emitter-appended) ---
"""Pipeline reference for scband-kgefact-filter-66460323938769 (READ-ONLY COPY).

The authoritative reference and input builder live on the scoring server;
editing this copy changes nothing except your own understanding.
"""

import jax, jax.numpy as jnp
import numpy as np

B, S, KF = 8, 16, 2048
NUM_E, NUM_R, D = 100000, 1000, 64
F = 1000000
TOP_K = 64


def setup_inputs(seed: int = 0) -> dict:
    key = jax.random.key(seed)
    ks = jax.random.split(key, 8)
    fact_goals = jax.random.randint(ks[0], (B, S, KF), 0, F, dtype=jnp.int32)
    fact_success = jax.random.bernoulli(ks[1], 0.7, (B, S, KF))
    queries = jax.random.randint(ks[2], (B, S, 3), 0, NUM_E, dtype=jnp.int32)
    # facts_idx buffer: [F, 3] ground triples (head, relation, tail)
    heads = jax.random.randint(ks[3], (F,), 0, NUM_E, dtype=jnp.int32)
    rels = jax.random.randint(ks[4], (F,), 0, NUM_R, dtype=jnp.int32)
    tails = jax.random.randint(ks[5], (F,), 0, NUM_E, dtype=jnp.int32)
    facts_idx = jnp.stack([heads, rels, tails], axis=1)
    # fact_index.targeted_lookup(flat_q, K_f) output, materialized: [N, K_f] fact ids
    fact_item_idx = jax.random.randint(ks[6], (B * S, KF), 0, F, dtype=jnp.int32)
    # DistMult KGE parameters (kge_score_triples)
    k7, k8 = jax.random.split(ks[7])
    entity_emb = jax.random.normal(k7, (NUM_E, D), dtype=jnp.float32) * 0.1
    rel_emb = jax.random.normal(k8, (NUM_R, D), dtype=jnp.float32) * 0.1
    return {
        "fact_goals": fact_goals,
        "fact_success": fact_success,
        "queries": queries,
        "facts_idx": facts_idx,
        "fact_item_idx": fact_item_idx,
        "entity_emb": entity_emb,
        "rel_emb": rel_emb,
    }


def reference(fact_goals, fact_success, queries, facts_idx, fact_item_idx, entity_emb, rel_emb):
    Bc, Sc, Kf = fact_success.shape
    N = Bc * Sc
    Fn = facts_idx.shape[0]
    # targeted_lookup result -> clamp to valid fact range
    safe_idx = jnp.clip(fact_item_idx, 0, max(Fn - 1, 0))
    # gather ground triples: [N, K_f, 3]
    fact_triples = jnp.take(facts_idx, safe_idx.reshape(-1), axis=0).reshape(N, Kf, 3)
    # kge_score_triples (DistMult): score = sum(E[h] * R[r] * E[t])
    h = jnp.take(entity_emb, fact_triples[..., 0].reshape(-1), axis=0)
    r = jnp.take(rel_emb, fact_triples[..., 1].reshape(-1), axis=0)
    t = jnp.take(entity_emb, fact_triples[..., 2].reshape(-1), axis=0)
    scores = jnp.sum(h * r * t, axis=-1).reshape(Bc, Sc, Kf)
    scores = jnp.where(fact_success, scores, jnp.float32(-1000000000.0))
    k = min(TOP_K, Kf)
    _, top_idx = jax.lax.top_k(scores.reshape(N, Kf), k)
    keep = jnp.zeros((N, Kf), dtype=bool).at[jnp.arange(N)[:, None], top_idx].set(True)
    return fact_success & keep.reshape(Bc, Sc, Kf)

if __name__ == "__main__":
    import jax
    _d = setup_inputs()
    print(jax.jit(kernel)(*tuple(_d.values())))

</pallas_src>

<mosaic_0001>
#map = affine_map<(d0, d1) -> (0)>
#map1 = affine_map<(d0, d1) -> (0, 0)>
module attributes {stable_mosaic.version = 14 : i64} {
  func.func @_sc_body(%arg0: i32, %arg1: i32, %arg2: memref<262144xi32, #tpu.memory_space<hbm>>, %arg3: memref<262144xi32, #tpu.memory_space<hbm>>, %arg4: memref<1000000xi32, #tpu.memory_space<hbm>>, %arg5: memref<1000000xi32, #tpu.memory_space<hbm>>, %arg6: memref<1000000xi32, #tpu.memory_space<hbm>>, %arg7: memref<100000x64xf32, #tpu.memory_space<hbm>>, %arg8: memref<1000x64xf32, #tpu.memory_space<hbm>>, %arg9: memref<262144xi32, #tpu.memory_space<hbm>>, %arg10: memref<8192xi32, #tpu.memory_space<vmem>>, %arg11: memref<2x128xi32, #tpu.memory_space<vmem>>, %arg12: memref<2x128xi32, #tpu.memory_space<vmem>>, %arg13: memref<2x128xi32, #tpu.memory_space<vmem>>, %arg14: memref<128xi32, #tpu.memory_space<vmem>>, %arg15: memref<2x128x64xf32, #tpu.memory_space<vmem>>, %arg16: memref<2x128x64xf32, #tpu.memory_space<vmem>>, %arg17: memref<1000x64xf32, #tpu.memory_space<vmem>>, %arg18: memref<8192xi32, #tpu.memory_space<vmem>>, %arg19: memref<8192xi32, #tpu.memory_space<vmem>>, %arg20: memref<!tpu.dma_semaphore, #tpu.memory_space<semaphore_mem>>, %arg21: memref<!tpu.dma_semaphore, #tpu.memory_space<semaphore_mem>>, %arg22: memref<!tpu.dma_semaphore, #tpu.memory_space<semaphore_mem>>, %arg23: memref<!tpu.dma_semaphore, #tpu.memory_space<semaphore_mem>>) attributes {dimension_semantics = [#tpu.dimension_semantics<core_parallel>, #tpu.dimension_semantics<subcore_parallel>], iteration_bounds = array<i64: 2, 16>, scalar_prefetch = 0 : i64, scratch_operands = 14 : i64, tpu.core_type = #tpu.core_type<sc_vector_subcore>, window_params = [{transform_indices = #map}, {transform_indices = #map}, {transform_indices = #map}, {transform_indices = #map}, {transform_indices = #map}, {transform_indices = #map1}, {transform_indices = #map1}, {transform_indices = #map}]} {
    %mul3A = arith.constant 2 : i32
    %mul3A_0 = arith.muli %arg1, %mul3A : i32
    %add3A = arith.addi %mul3A_0, %arg0 : i32
    %mul3A_1 = arith.constant 8192 : i32
    %mul3A_2 = arith.muli %add3A, %mul3A_1 : i32
    "tpu.region"() ({
      %run_scoped3A = tpu.sem_alloc : memref<!tpu.dma_semaphore, #tpu.memory_space<semaphore_mem>>
      tpu.enqueue_dma source(%arg8 : memref<1000x64xf32, #tpu.memory_space<hbm>>) target(%arg17 : memref<1000x64xf32, #tpu.memory_space<vmem>>) target_semaphore(%run_scoped3A : memref<!tpu.dma_semaphore, #tpu.memory_space<semaphore_mem>>)
      tpu.wait_dma2 semaphore(%run_scoped3A : memref<!tpu.dma_semaphore, #tpu.memory_space<semaphore_mem>>) src(%arg8 : memref<1000x64xf32, #tpu.memory_space<hbm>>) dst(%arg17 : memref<1000x64xf32, #tpu.memory_space<vmem>>)
      tpu.yield
    }) : () -> ()
    "tpu.region"() ({
      %run_scoped3A = tpu.sem_alloc : memref<!tpu.dma_semaphore, #tpu.memory_space<semaphore_mem>>
      %dma_start3A_121 = tpu.memref_slice %arg3[%mul3A_2] : memref<262144xi32, #tpu.memory_space<hbm>> -> memref<8192xi32, #tpu.memory_space<hbm>>
      %dma_start3A_122 = tpu.memref_slice %arg3[%mul3A_2] : memref<262144xi32, #tpu.memory_space<hbm>> -> memref<8192xi32, #tpu.memory_space<hbm>>
      tpu.enqueue_dma source(%dma_start3A_122 : memref<8192xi32, #tpu.memory_space<hbm>>) target(%arg18 : memref<8192xi32, #tpu.memory_space<vmem>>) target_semaphore(%run_scoped3A : memref<!tpu.dma_semaphore, #tpu.memory_space<semaphore_mem>>)
      %dma_wait3A_123 = tpu.memref_slice %arg3[%mul3A_2] : memref<262144xi32, #tpu.memory_space<hbm>> -> memref<8192xi32, #tpu.memory_space<hbm>>
      %dma_wait3A_124 = tpu.memref_slice %arg3[%mul3A_2] : memref<262144xi32, #tpu.memory_space<hbm>> -> memref<8192xi32, #tpu.memory_space<hbm>>
      tpu.wait_dma2 semaphore(%run_scoped3A : memref<!tpu.dma_semaphore, #tpu.memory_space<semaphore_mem>>) src(%dma_wait3A_124 : memref<8192xi32, #tpu.memory_space<hbm>>) dst(%arg18 : memref<8192xi32, #tpu.memory_space<vmem>>)
      tpu.yield
    }) : () -> ()
    "tpu.region"() ({
      %run_scoped3A = tpu.sem_alloc : memref<!tpu.dma_semaphore, #tpu.memory_space<semaphore_mem>>
      %dma_start3A_121 = tpu.memref_slice %arg2[%mul3A_2] : memref<262144xi32, #tpu.memory_space<hbm>> -> memref<8192xi32, #tpu.memory_space<hbm>>
      %dma_start3A_122 = tpu.memref_slice %arg2[%mul3A_2] : memref<262144xi32, #tpu.memory_space<hbm>> -> memref<8192xi32, #tpu.memory_space<hbm>>
      tpu.enqueue_dma source(%dma_start3A_122 : memref<8192xi32, #tpu.memory_space<hbm>>) target(%arg10 : memref<8192xi32, #tpu.memory_space<vmem>>) target_semaphore(%run_scoped3A : memref<!tpu.dma_semaphore, #tpu.memory_space<semaphore_mem>>)
      %dma_wait3A_123 = tpu.memref_slice %arg2[%mul3A_2] : memref<262144xi32, #tpu.memory_space<hbm>> -> memref<8192xi32, #tpu.memory_space<hbm>>
      %dma_wait3A_124 = tpu.memref_slice %arg2[%mul3A_2] : memref<262144xi32, #tpu.memory_space<hbm>> -> memref<8192xi32, #tpu.memory_space<hbm>>
      tpu.wait_dma2 semaphore(%run_scoped3A : memref<!tpu.dma_semaphore, #tpu.memory_space<semaphore_mem>>) src(%dma_wait3A_124 : memref<8192xi32, #tpu.memory_space<hbm>>) dst(%arg10 : memref<8192xi32, #tpu.memory_space<vmem>>)
      tpu.yield
    }) : () -> ()
    %iota3A = tpu.iota {dimensions = array<i32: 0>} : vector<16xi32>
    %broadcast_in_dim3A = arith.constant 1 : i32
    %broadcast_in_dim3A_3 = vector.broadcast %broadcast_in_dim3A : i32 to vector<16xi32>
    %broadcast_in_dim3A_4 = arith.constant 0 : i32
    %broadcast_in_dim3A_5 = vector.broadcast %broadcast_in_dim3A_4 : i32 to vector<16xi32>
    %dma_start3A = arith.constant 0 : i32
    %dma_start3A_6 = arith.constant 0 : i32
    %dma_start3A_7 = tpu.memref_slice %arg11[%dma_start3A, %dma_start3A_6] : memref<2x128xi32, #tpu.memory_space<vmem>> -> memref<1x128xi32, #tpu.memory_space<vmem>>
    %dma_start3A_8 = tpu.memref_squeeze %dma_start3A_7 : memref<1x128xi32, #tpu.memory_space<vmem>> -> memref<128xi32, #tpu.memory_space<vmem>>
    %dma_start3A_9 = arith.constant 0 : i32
    %dma_start3A_10 = tpu.memref_slice %arg10[%dma_start3A_9] : memref<8192xi32, #tpu.memory_space<vmem>> -> memref<128xi32, #tpu.memory_space<vmem>>
    %dma_start3A_11 = arith.constant 0 : i32
    %dma_start3A_12 = tpu.memref_slice %arg4[%dma_start3A_11] : memref<1000000xi32, #tpu.memory_space<hbm>> -> memref<1000000xi32, #tpu.memory_space<hbm>>
    tpu.enqueue_indirect_dma source(%dma_start3A_12 : memref<1000000xi32, #tpu.memory_space<hbm>>) target(%dma_start3A_8 : memref<128xi32, #tpu.memory_space<vmem>>) offsets(%dma_start3A_10 : memref<128xi32, #tpu.memory_space<vmem>>) semaphore(%arg20 : memref<!tpu.dma_semaphore, #tpu.memory_space<semaphore_mem>>)
    %dma_start3A_13 = arith.constant 0 : i32
    %dma_start3A_14 = arith.constant 0 : i32
    %dma_start3A_15 = tpu.memref_slice %arg12[%dma_start3A_13, %dma_start3A_14] : memref<2x128xi32, #tpu.memory_space<vmem>> -> memref<1x128xi32, #tpu.memory_space<vmem>>
    %dma_start3A_16 = tpu.memref_squeeze %dma_start3A_15 : memref<1x128xi32, #tpu.memory_space<vmem>> -> memref<128xi32, #tpu.memory_space<vmem>>
    %dma_start3A_17 = arith.constant 0 : i32
    %dma_start3A_18 = tpu.memref_slice %arg10[%dma_start3A_17] : memref<8192xi32, #tpu.memory_space<vmem>> -> memref<128xi32, #tpu.memory_space<vmem>>
    %dma_start3A_19 = arith.constant 0 : i32
    %dma_start3A_20 = tpu.memref_slice %arg5[%dma_start3A_19] : memref<1000000xi32, #tpu.memory_space<hbm>> -> memref<1000000xi32, #tpu.memory_space<hbm>>
    tpu.enqueue_indirect_dma source(%dma_start3A_20 : memref<1000000xi32, #tpu.memory_space<hbm>>) target(%dma_start3A_16 : memref<128xi32, #tpu.memory_space<vmem>>) offsets(%dma_start3A_18 : memref<128xi32, #tpu.memory_space<vmem>>) semaphore(%arg20 : memref<!tpu.dma_semaphore, #tpu.memory_space<semaphore_mem>>)
    %dma_start3A_21 = arith.constant 0 : i32
    %dma_start3A_22 = arith.constant 0 : i32
    %dma_start3A_23 = tpu.memref_slice %arg13[%dma_start3A_21, %dma_start3A_22] : memref<2x128xi32, #tpu.memory_space<vmem>> -> memref<1x128xi32, #tpu.memory_space<vmem>>
    %dma_start3A_24 = tpu.memref_squeeze %dma_start3A_23 : memref<1x128xi32, #tpu.memory_space<vmem>> -> memref<128xi32, #tpu.memory_space<vmem>>
    %dma_start3A_25 = arith.constant 0 : i32
    %dma_start3A_26 = tpu.memref_slice %arg10[%dma_start3A_25] : memref<8192xi32, #tpu.memory_space<vmem>> -> memref<128xi32, #tpu.memory_space<vmem>>
    %dma_start3A_27 = arith.constant 0 : i32
    %dma_start3A_28 = tpu.memref_slice %arg6[%dma_start3A_27] : memref<1000000xi32, #tpu.memory_space<hbm>> -> memref<1000000xi32, #tpu.memory_space<hbm>>
    tpu.enqueue_indirect_dma source(%dma_start3A_28 : memref<1000000xi32, #tpu.memory_space<hbm>>) target(%dma_start3A_24 : memref<128xi32, #tpu.memory_space<vmem>>) offsets(%dma_start3A_26 : memref<128xi32, #tpu.memory_space<vmem>>) semaphore(%arg20 : memref<!tpu.dma_semaphore, #tpu.memory_space<semaphore_mem>>)
    %dma_wait3A = arith.constant 0 : i32
    %dma_wait3A_29 = arith.constant 0 : i32
    %dma_wait3A_30 = tpu.memref_slice %arg11[%dma_wait3A, %dma_wait3A_29] : memref<2x128xi32, #tpu.memory_space<vmem>> -> memref<1x128xi32, #tpu.memory_space<vmem>>
    %dma_wait3A_31 = tpu.memref_squeeze %dma_wait3A_30 : memref<1x128xi32, #tpu.memory_space<vmem>> -> memref<128xi32, #tpu.memory_space<vmem>>
    %dma_wait3A_32 = arith.constant 0 : i32
    %dma_wait3A_33 = tpu.memref_slice %arg10[%dma_wait3A_32] : memref<8192xi32, #tpu.memory_space<vmem>> -> memref<128xi32, #tpu.memory_space<vmem>>
    %dma_wait3A_34 = arith.constant 0 : i32
    %dma_wait3A_35 = tpu.memref_slice %arg4[%dma_wait3A_34] : memref<1000000xi32, #tpu.memory_space<hbm>> -> memref<1000000xi32, #tpu.memory_space<hbm>>
    tpu.wait_indirect_dma semaphore(%arg20 : memref<!tpu.dma_semaphore, #tpu.memory_space<semaphore_mem>>) src(%dma_wait3A_35 : memref<1000000xi32, #tpu.memory_space<hbm>>) dst(%dma_wait3A_31 : memref<128xi32, #tpu.memory_space<vmem>>)
    %dma_wait3A_36 = arith.constant 0 : i32
    %dma_wait3A_37 = arith.constant 0 : i32
    %dma_wait3A_38 = tpu.memref_slice %arg12[%dma_wait3A_36, %dma_wait3A_37] : memref<2x128xi32, #tpu.memory_space<vmem>> -> memref<1x128xi32, #tpu.memory_space<vmem>>
    %dma_wait3A_39 = tpu.memref_squeeze %dma_wait3A_38 : memref<1x128xi32, #tpu.memory_space<vmem>> -> memref<128xi32, #tpu.memory_space<vmem>>
    %dma_wait3A_40 = arith.constant 0 : i32
    %dma_wait3A_41 = tpu.memref_slice %arg10[%dma_wait3A_40] : memref<8192xi32, #tpu.memory_space<vmem>> -> memref<128xi32, #tpu.memory_space<vmem>>
    %dma_wait3A_42 = arith.constant 0 : i32
    %dma_wait3A_43 = tpu.memref_slice %arg5[%dma_wait3A_42] : memref<1000000xi32, #tpu.memory_space<hbm>> -> memref<1000000xi32, #tpu.memory_space<hbm>>
    tpu.wait_indirect_dma semaphore(%arg20 : memref<!tpu.dma_semaphore, #tpu.memory_space<semaphore_mem>>) src(%dma_wait3A_43 : memref<1000000xi32, #tpu.memory_space<hbm>>) dst(%dma_wait3A_39 : memref<128xi32, #tpu.memory_space<vmem>>)
    %dma_wait3A_44 = arith.constant 0 : i32
    %dma_wait3A_45 = arith.constant 0 : i32
    %dma_wait3A_46 = tpu.memref_slice %arg13[%dma_wait3A_44, %dma_wait3A_45] : memref<2x128xi32, #tpu.memory_space<vmem>> -> memref<1x128xi32, #tpu.memory_space<vmem>>
    %dma_wait3A_47 = tpu.memref_squeeze %dma_wait3A_46 : memref<1x128xi32, #tpu.memory_space<vmem>> -> memref<128xi32, #tpu.memory_space<vmem>>
    %dma_wait3A_48 = arith.constant 0 : i32
    %dma_wait3A_49 = tpu.memref_slice %arg10[%dma_wait3A_48] : memref<8192xi32, #tpu.memory_space<vmem>> -> memref<128xi32, #tpu.memory_space<vmem>>
    %dma_wait3A_50 = arith.constant 0 : i32
    %dma_wait3A_51 = tpu.memref_slice %arg6[%dma_wait3A_50] : memref<1000000xi32, #tpu.memory_space<hbm>> -> memref<1000000xi32, #tpu.memory_space<hbm>>
    tpu.wait_indirect_dma semaphore(%arg20 : memref<!tpu.dma_semaphore, #tpu.memory_space<semaphore_mem>>) src(%dma_wait3A_51 : memref<1000000xi32, #tpu.memory_space<hbm>>) dst(%dma_wait3A_47 : memref<128xi32, #tpu.memory_space<vmem>>)
    %dma_start3A_52 = arith.constant 0 : i32
    %dma_start3A_53 = arith.constant 0 : i32
    %dma_start3A_54 = arith.constant 0 : i32
    %dma_start3A_55 = arith.constant 0 : i32
    %dma_start3A_56 = tpu.memref_slice %arg15[%dma_start3A_53, %dma_start3A_54, %dma_start3A_55] : memref<2x128x64xf32, #tpu.memory_space<vmem>> -> memref<1x128x64xf32, #tpu.memory_space<vmem>>
    %dma_start3A_57 = tpu.memref_squeeze %dma_start3A_56 : memref<1x128x64xf32, #tpu.memory_space<vmem>> -> memref<128x64xf32, #tpu.memory_space<vmem>>
    %dma_start3A_58 = arith.constant 0 : i32
    %dma_start3A_59 = tpu.memref_slice %arg11[%dma_start3A_52, %dma_start3A_58] : memref<2x128xi32, #tpu.memory_space<vmem>> -> memref<1x128xi32, #tpu.memory_space<vmem>>
    %dma_start3A_60 = tpu.memref_squeeze %dma_start3A_59 : memref<1x128xi32, #tpu.memory_space<vmem>> -> memref<128xi32, #tpu.memory_space<vmem>>
    %dma_start3A_61 = arith.constant 0 : i32
    %dma_start3A_62 = arith.constant 0 : i32
    %dma_start3A_63 = tpu.memref_slice %arg7[%dma_start3A_61, %dma_start3A_62] : memref<100000x64xf32, #tpu.memory_space<hbm>> -> memref<100000x64xf32, #tpu.memory_space<hbm>>
    tpu.enqueue_indirect_dma source(%dma_start3A_63 : memref<100000x64xf32, #tpu.memory_space<hbm>>) target(%dma_start3A_57 : memref<128x64xf32, #tpu.memory_space<vmem>>) offsets(%dma_start3A_60 : memref<128xi32, #tpu.memory_space<vmem>>) semaphore(%arg22 : memref<!tpu.dma_semaphore, #tpu.memory_space<semaphore_mem>>)
    %dma_start3A_64 = arith.constant 0 : i32
    %dma_start3A_65 = arith.constant 0 : i32
    %dma_start3A_66 = arith.constant 0 : i32
    %dma_start3A_67 = arith.constant 0 : i32
    %dma_start3A_68 = tpu.memref_slice %arg16[%dma_start3A_65, %dma_start3A_66, %dma_start3A_67] : memref<2x128x64xf32, #tpu.memory_space<vmem>> -> memref<1x128x64xf32, #tpu.memory_space<vmem>>
    %dma_start3A_69 = tpu.memref_squeeze %dma_start3A_68 : memref<1x128x64xf32, #tpu.memory_space<vmem>> -> memref<128x64xf32, #tpu.memory_space<vmem>>
    %dma_start3A_70 = arith.constant 0 : i32
    %dma_start3A_71 = tpu.memref_slice %arg13[%dma_start3A_64, %dma_start3A_70] : memref<2x128xi32, #tpu.memory_space<vmem>> -> memref<1x128xi32, #tpu.memory_space<vmem>>
    %dma_start3A_72 = tpu.memref_squeeze %dma_start3A_71 : memref<1x128xi32, #tpu.memory_space<vmem>> -> memref<128xi32, #tpu.memory_space<vmem>>
    %dma_start3A_73 = arith.constant 0 : i32
    %dma_start3A_74 = arith.constant 0 : i32
    %dma_start3A_75 = tpu.memref_slice %arg7[%dma_start3A_73, %dma_start3A_74] : memref<100000x64xf32, #tpu.memory_space<hbm>> -> memref<100000x64xf32, #tpu.memory_space<hbm>>
    tpu.enqueue_indirect_dma source(%dma_start3A_75 : memref<100000x64xf32, #tpu.memory_space<hbm>>) target(%dma_start3A_69 : memref<128x64xf32, #tpu.memory_space<vmem>>) offsets(%dma_start3A_72 : memref<128xi32, #tpu.memory_space<vmem>>) semaphore(%arg22 : memref<!tpu.dma_semaphore, #tpu.memory_space<semaphore_mem>>)
    %dma_start3A_76 = arith.constant 1 : i32
    %dma_start3A_77 = arith.constant 0 : i32
    %dma_start3A_78 = tpu.memref_slice %arg11[%dma_start3A_76, %dma_start3A_77] : memref<2x128xi32, #tpu.memory_space<vmem>> -> memref<1x128xi32, #tpu.memory_space<vmem>>
    %dma_start3A_79 = tpu.memref_squeeze %dma_start3A_78 : memref<1x128xi32, #tpu.memory_space<vmem>> -> memref<128xi32, #tpu.memory_space<vmem>>
    %dma_start3A_80 = arith.constant 128 : i32
    %dma_start3A_81 = tpu.memref_slice %arg10[%dma_start3A_80] : memref<8192xi32, #tpu.memory_space<vmem>> -> memref<128xi32, #tpu.memory_space<vmem>>
    %dma_start3A_82 = arith.constant 0 : i32
    %dma_start3A_83 = tpu.memref_slice %arg4[%dma_start3A_82] : memref<1000000xi32, #tpu.memory_space<hbm>> -> memref<1000000xi32, #tpu.memory_space<hbm>>
    tpu.enqueue_indirect_dma source(%dma_start3A_83 : memref<1000000xi32, #tpu.memory_space<hbm>>) target(%dma_start3A_79 : memref<128xi32, #tpu.memory_space<vmem>>) offsets(%dma_start3A_81 : memref<128xi32, #tpu.memory_space<vmem>>) semaphore(%arg21 : memref<!tpu.dma_semaphore, #tpu.memory_space<semaphore_mem>>)
    %dma_start3A_84 = arith.constant 1 : i32
    %dma_start3A_85 = arith.constant 0 : i32
    %dma_start3A_86 = tpu.memref_slice %arg12[%dma_start3A_84, %dma_start3A_85] : memref<2x128xi32, #tpu.memory_space<vmem>> -> memref<1x128xi32, #tpu.memory_space<vmem>>
    %dma_start3A_87 = tpu.memref_squeeze %dma_start3A_86 : memref<1x128xi32, #tpu.memory_space<vmem>> -> memref<128xi32, #tpu.memory_space<vmem>>
    %dma_start3A_88 = arith.constant 128 : i32
    %dma_start3A_89 = tpu.memref_slice %arg10[%dma_start3A_88] : memref<8192xi32, #tpu.memory_space<vmem>> -> memref<128xi32, #tpu.memory_space<vmem>>
    %dma_start3A_90 = arith.constant 0 : i32
    %dma_start3A_91 = tpu.memref_slice %arg5[%dma_start3A_90] : memref<1000000xi32, #tpu.memory_space<hbm>> -> memref<1000000xi32, #tpu.memory_space<hbm>>
    tpu.enqueue_indirect_dma source(%dma_start3A_91 : memref<1000000xi32, #tpu.memory_space<hbm>>) target(%dma_start3A_87 : memref<128xi32, #tpu.memory_space<vmem>>) offsets(%dma_start3A_89 : memref<128xi32, #tpu.memory_space<vmem>>) semaphore(%arg21 : memref<!tpu.dma_semaphore, #tpu.memory_space<semaphore_mem>>)
    %dma_start3A_92 = arith.constant 1 : i32
    %dma_start3A_93 = arith.constant 0 : i32
    %dma_start3A_94 = tpu.memref_slice %arg13[%dma_start3A_92, %dma_start3A_93] : memref<2x128xi32, #tpu.memory_space<vmem>> -> memref<1x128xi32, #tpu.memory_space<vmem>>
    %dma_start3A_95 = tpu.memref_squeeze %dma_start3A_94 : memref<1x128xi32, #tpu.memory_space<vmem>> -> memref<128xi32, #tpu.memory_space<vmem>>
    %dma_start3A_96 = arith.constant 128 : i32
    %dma_start3A_97 = tpu.memref_slice %arg10[%dma_start3A_96] : memref<8192xi32, #tpu.memory_space<vmem>> -> memref<128xi32, #tpu.memory_space<vmem>>
    %dma_start3A_98 = arith.constant 0 : i32
    %dma_start3A_99 = tpu.memref_slice %arg6[%dma_start3A_98] : memref<1000000xi32, #tpu.memory_space<hbm>> -> memref<1000000xi32, #tpu.memory_space<hbm>>
    tpu.enqueue_indirect_dma source(%dma_start3A_99 : memref<1000000xi32, #tpu.memory_space<hbm>>) target(%dma_start3A_95 : memref<128xi32, #tpu.memory_space<vmem>>) offsets(%dma_start3A_97 : memref<128xi32, #tpu.memory_space<vmem>>) semaphore(%arg21 : memref<!tpu.dma_semaphore, #tpu.memory_space<semaphore_mem>>)
    %scan3A = arith.constant 0 : i32
    %scan3A_100 = arith.constant 0 : i32
    %scan3A_101 = arith.constant 0 : i32
    %scan3A_102 = arith.constant 0 : i32
    %scan3A_103 = arith.constant 0 : i32
    %scan3A_104 = arith.constant 1 : i32
    %scan3A_105 = arith.constant 1 : i32
    %scan3A_106 = arith.constant 1 : i32
    %scan3A_107 = arith.constant 1 : i32
    %scan3A_108 = arith.constant 1 : i32
    %scan3A_109 = arith.constant 0 : i32
    %scan3A_110 = arith.constant 0 : i32
    %scan3A_111 = arith.constant 32 : i32
    %scan3A_112 = arith.addi %scan3A_110, %scan3A_111 : i32
    %scan3A_113 = arith.constant 1 : i32
    scf.for %scan3A_121 = %scan3A_110 to %scan3A_112 step %scan3A_113  : i32 {
      %mul3A_122 = arith.constant 2 : i32
      %mul3A_123 = arith.muli %scan3A_121, %mul3A_122 : i32
      %add3A_124 = arith.constant 0 : i32
      %add3A_125 = arith.addi %mul3A_123, %add3A_124 : i32
      %dma_wait3A_126 = arith.constant 0 : i32
      %dma_wait3A_127 = arith.constant 0 : i32
      %dma_wait3A_128 = tpu.memref_slice %arg15[%scan3A_101, %dma_wait3A_126, %dma_wait3A_127] : memref<2x128x64xf32, #tpu.memory_space<vmem>> -> memref<1x128x64xf32, #tpu.memory_space<vmem>>
      %dma_wait3A_129 = tpu.memref_squeeze %dma_wait3A_128 : memref<1x128x64xf32, #tpu.memory_space<vmem>> -> memref<128x64xf32, #tpu.memory_space<vmem>>
      %dma_wait3A_130 = arith.constant 0 : i32
      %dma_wait3A_131 = tpu.memref_slice %arg11[%scan3A_100, %dma_wait3A_130] : memref<2x128xi32, #tpu.memory_space<vmem>> -> memref<1x128xi32, #tpu.memory_space<vmem>>
      %dma_wait3A_132 = tpu.memref_squeeze %dma_wait3A_131 : memref<1x128xi32, #tpu.memory_space<vmem>> -> memref<128xi32, #tpu.memory_space<vmem>>
      %dma_wait3A_133 = arith.constant 0 : i32
      %dma_wait3A_134 = arith.constant 0 : i32
      %dma_wait3A_135 = tpu.memref_slice %arg7[%dma_wait3A_133, %dma_wait3A_134] : memref<100000x64xf32, #tpu.memory_space<hbm>> -> memref<100000x64xf32, #tpu.memory_space<hbm>>
      tpu.wait_indirect_dma semaphore(%arg22 : memref<!tpu.dma_semaphore, #tpu.memory_space<semaphore_mem>>) src(%dma_wait3A_135 : memref<100000x64xf32, #tpu.memory_space<hbm>>) dst(%dma_wait3A_129 : memref<128x64xf32, #tpu.memory_space<vmem>>)
      %dma_wait3A_136 = arith.constant 0 : i32
      %dma_wait3A_137 = arith.constant 0 : i32
      %dma_wait3A_138 = tpu.memref_slice %arg16[%scan3A_103, %dma_wait3A_136, %dma_wait3A_137] : memref<2x128x64xf32, #tpu.memory_space<vmem>> -> memref<1x128x64xf32, #tpu.memory_space<vmem>>
      %dma_wait3A_139 = tpu.memref_squeeze %dma_wait3A_138 : memref<1x128x64xf32, #tpu.memory_space<vmem>> -> memref<128x64xf32, #tpu.memory_space<vmem>>
      %dma_wait3A_140 = arith.constant 0 : i32
      %dma_wait3A_141 = tpu.memref_slice %arg13[%scan3A_102, %dma_wait3A_140] : memref<2x128xi32, #tpu.memory_space<vmem>> -> memref<1x128xi32, #tpu.memory_space<vmem>>
      %dma_wait3A_142 = tpu.memref_squeeze %dma_wait3A_141 : memref<1x128xi32, #tpu.memory_space<vmem>> -> memref<128xi32, #tpu.memory_space<vmem>>
      %dma_wait3A_143 = arith.constant 0 : i32
      %dma_wait3A_144 = arith.constant 0 : i32
      %dma_wait3A_145 = tpu.memref_slice %arg7[%dma_wait3A_143, %dma_wait3A_144] : memref<100000x64xf32, #tpu.memory_space<hbm>> -> memref<100000x64xf32, #tpu.memory_space<hbm>>
      tpu.wait_indirect_dma semaphore(%arg22 : memref<!tpu.dma_semaphore, #tpu.memory_space<semaphore_mem>>) src(%dma_wait3A_145 : memref<100000x64xf32, #tpu.memory_space<hbm>>) dst(%dma_wait3A_139 : memref<128x64xf32, #tpu.memory_space<vmem>>)
      %lt3A = arith.constant 63 : i32
      %lt3A_146 = arith.cmpi slt, %add3A_125, %lt3A : i32
      %convert_element_type3A = arith.extui %lt3A_146 : i1 to i32
      %cond3A = arith.constant 0 : i32
      %cond3A_147 = arith.cmpi ne, %convert_element_type3A, %cond3A : i32
      scf.if %cond3A_147 {
        %add3A_311 = arith.constant 1 : i32
        %add3A_312 = arith.addi %add3A_125, %add3A_311 : i32
        %mul3A_313 = arith.constant 128 : i32
        %mul3A_314 = arith.muli %add3A_312, %mul3A_313 : i32
        %dma_wait3A_315 = arith.constant 0 : i32
        %dma_wait3A_316 = tpu.memref_slice %arg11[%scan3A_104, %dma_wait3A_315] : memref<2x128xi32, #tpu.memory_space<vmem>> -> memref<1x128xi32, #tpu.memory_space<vmem>>
        %dma_wait3A_317 = tpu.memref_squeeze %dma_wait3A_316 : memref<1x128xi32, #tpu.memory_space<vmem>> -> memref<128xi32, #tpu.memory_space<vmem>>
        %dma_wait3A_318 = tpu.memref_slice %arg10[%mul3A_314] : memref<8192xi32, #tpu.memory_space<vmem>> -> memref<128xi32, #tpu.memory_space<vmem>>
        %dma_wait3A_319 = arith.constant 0 : i32
        %dma_wait3A_320 = tpu.memref_slice %arg4[%dma_wait3A_319] : memref<1000000xi32, #tpu.memory_space<hbm>> -> memref<1000000xi32, #tpu.memory_space<hbm>>
        tpu.wait_indirect_dma semaphore(%arg21 : memref<!tpu.dma_semaphore, #tpu.memory_space<semaphore_mem>>) src(%dma_wait3A_320 : memref<1000000xi32, #tpu.memory_space<hbm>>) dst(%dma_wait3A_317 : memref<128xi32, #tpu.memory_space<vmem>>)
        %dma_wait3A_321 = arith.constant 0 : i32
        %dma_wait3A_322 = tpu.memref_slice %arg12[%scan3A_105, %dma_wait3A_321] : memref<2x128xi32, #tpu.memory_space<vmem>> -> memref<1x128xi32, #tpu.memory_space<vmem>>
        %dma_wait3A_323 = tpu.memref_squeeze %dma_wait3A_322 : memref<1x128xi32, #tpu.memory_space<vmem>> -> memref<128xi32, #tpu.memory_space<vmem>>
        %dma_wait3A_324 = tpu.memref_slice %arg10[%mul3A_314] : memref<8192xi32, #tpu.memory_space<vmem>> -> memref<128xi32, #tpu.memory_space<vmem>>
        %dma_wait3A_325 = arith.constant 0 : i32
        %dma_wait3A_326 = tpu.memref_slice %arg5[%dma_wait3A_325] : memref<1000000xi32, #tpu.memory_space<hbm>> -> memref<1000000xi32, #tpu.memory_space<hbm>>
        tpu.wait_indirect_dma semaphore(%arg21 : memref<!tpu.dma_semaphore, #tpu.memory_space<semaphore_mem>>) src(%dma_wait3A_326 : memref<1000000xi32, #tpu.memory_space<hbm>>) dst(%dma_wait3A_323 : memref<128xi32, #tpu.memory_space<vmem>>)
        %dma_wait3A_327 = arith.constant 0 : i32
        %dma_wait3A_328 = tpu.memref_slice %arg13[%scan3A_106, %dma_wait3A_327] : memref<2x128xi32, #tpu.memory_space<vmem>> -> memref<1x128xi32, #tpu.memory_space<vmem>>
        %dma_wait3A_329 = tpu.memref_squeeze %dma_wait3A_328 : memref<1x128xi32, #tpu.memory_space<vmem>> -> memref<128xi32, #tpu.memory_space<vmem>>
        %dma_wait3A_330 = tpu.memref_slice %arg10[%mul3A_314] : memref<8192xi32, #tpu.memory_space<vmem>> -> memref<128xi32, #tpu.memory_space<vmem>>
        %dma_wait3A_331 = arith.constant 0 : i32
        %dma_wait3A_332 = tpu.memref_slice %arg6[%dma_wait3A_331] : memref<1000000xi32, #tpu.memory_space<hbm>> -> memref<1000000xi32, #tpu.memory_space<hbm>>
        tpu.wait_indirect_dma semaphore(%arg21 : memref<!tpu.dma_semaphore, #tpu.memory_space<semaphore_mem>>) src(%dma_wait3A_332 : memref<1000000xi32, #tpu.memory_space<hbm>>) dst(%dma_wait3A_329 : memref<128xi32, #tpu.memory_space<vmem>>)
        %dma_start3A_333 = arith.constant 0 : i32
        %dma_start3A_334 = arith.constant 0 : i32
        %dma_start3A_335 = tpu.memref_slice %arg15[%scan3A_107, %dma_start3A_333, %dma_start3A_334] : memref<2x128x64xf32, #tpu.memory_space<vmem>> -> memref<1x128x64xf32, #tpu.memory_space<vmem>>
        %dma_start3A_336 = tpu.memref_squeeze %dma_start3A_335 : memref<1x128x64xf32, #tpu.memory_space<vmem>> -> memref<128x64xf32, #tpu.memory_space<vmem>>
        %dma_start3A_337 = arith.constant 0 : i32
        %dma_start3A_338 = tpu.memref_slice %arg11[%scan3A_104, %dma_start3A_337] : memref<2x128xi32, #tpu.memory_space<vmem>> -> memref<1x128xi32, #tpu.memory_space<vmem>>
        %dma_start3A_339 = tpu.memref_squeeze %dma_start3A_338 : memref<1x128xi32, #tpu.memory_space<vmem>> -> memref<128xi32, #tpu.memory_space<vmem>>
        %dma_start3A_340 = arith.constant 0 : i32
        %dma_start3A_341 = arith.constant 0 : i32
        %dma_start3A_342 = tpu.memref_slice %arg7[%dma_start3A_340, %dma_start3A_341] : memref<100000x64xf32, #tpu.memory_space<hbm>> -> memref<100000x64xf32, #tpu.memory_space<hbm>>
        tpu.enqueue_indirect_dma source(%dma_start3A_342 : memref<100000x64xf32, #tpu.memory_space<hbm>>) target(%dma_start3A_336 : memref<128x64xf32, #tpu.memory_space<vmem>>) offsets(%dma_start3A_339 : memref<128xi32, #tpu.memory_space<vmem>>) semaphore(%arg23 : memref<!tpu.dma_semaphore, #tpu.memory_space<semaphore_mem>>)
        %dma_start3A_343 = arith.constant 0 : i32
        %dma_start3A_344 = arith.constant 0 : i32
        %dma_start3A_345 = tpu.memref_slice %arg16[%scan3A_108, %dma_start3A_343, %dma_start3A_344] : memref<2x128x64xf32, #tpu.memory_space<vmem>> -> memref<1x128x64xf32, #tpu.memory_space<vmem>>
        %dma_start3A_346 = tpu.memref_squeeze %dma_start3A_345 : memref<1x128x64xf32, #tpu.memory_space<vmem>> -> memref<128x64xf32, #tpu.memory_space<vmem>>
        %dma_start3A_347 = arith.constant 0 : i32
        %dma_start3A_348 = tpu.memref_slice %arg13[%scan3A_106, %dma_start3A_347] : memref<2x128xi32, #tpu.memory_space<vmem>> -> memref<1x128xi32, #tpu.memory_space<vmem>>
        %dma_start3A_349 = tpu.memref_squeeze %dma_start3A_348 : memref<1x128xi32, #tpu.memory_space<vmem>> -> memref<128xi32, #tpu.memory_space<vmem>>
        %dma_start3A_350 = arith.constant 0 : i32
        %dma_start3A_351 = arith.constant 0 : i32
        %dma_start3A_352 = tpu.memref_slice %arg7[%dma_start3A_350, %dma_start3A_351] : memref<100000x64xf32, #tpu.memory_space<hbm>> -> memref<100000x64xf32, #tpu.memory_space<hbm>>
        tpu.enqueue_indirect_dma source(%dma_start3A_352 : memref<100000x64xf32, #tpu.memory_space<hbm>>) target(%dma_start3A_346 : memref<128x64xf32, #tpu.memory_space<vmem>>) offsets(%dma_start3A_349 : memref<128xi32, #tpu.memory_space<vmem>>) semaphore(%arg23 : memref<!tpu.dma_semaphore, #tpu.memory_space<semaphore_mem>>)
      } else {
      }
      %get3A = arith.constant 0 : i32
      %get3A_148 = tpu.memref_slice %arg12[%scan3A_109, %get3A] : memref<2x128xi32, #tpu.memory_space<vmem>> -> memref<1x128xi32, #tpu.memory_space<vmem>>
      %get3A_149 = tpu.memref_squeeze %get3A_148 : memref<1x128xi32, #tpu.memory_space<vmem>> -> memref<128xi32, #tpu.memory_space<vmem>>
      %get3A_150 = arith.constant 0 : index
      %get3A_151 = tpu.vector_load %get3A_149[%get3A_150] {strides = array<i32>} : memref<128xi32, #tpu.memory_space<vmem>>, vector<16xi32>,
      %swap3A = arith.constant 0 : index
      %swap3A_152 = tpu.vector_load %arg14[%swap3A] {strides = array<i32>} : memref<128xi32, #tpu.memory_space<vmem>>, vector<16xi32>,
      tpu.vector_store %arg14[%swap3A], %get3A_151 {strides = array<i32>} : memref<128xi32, #tpu.memory_space<vmem>>, vector<16xi32>,
      %get3A_153 = arith.constant 0 : i32
      %get3A_154 = tpu.memref_slice %arg12[%scan3A_109, %get3A_153] : memref<2x128xi32, #tpu.memory_space<vmem>> -> memref<1x128xi32, #tpu.memory_space<vmem>>
      %get3A_155 = tpu.memref_squeeze %get3A_154 : memref<1x128xi32, #tpu.memory_space<vmem>> -> memref<128xi32, #tpu.memory_space<vmem>>
      %get3A_156 = arith.constant 16 : index
      %get3A_157 = tpu.vector_load %get3A_155[%get3A_156] {strides = array<i32>} : memref<128xi32, #tpu.memory_space<vmem>>, vector<16xi32>,
      %swap3A_158 = arith.constant 16 : index
      %swap3A_159 = tpu.vector_load %arg14[%swap3A_158] {strides = array<i32>} : memref<128xi32, #tpu.memory_space<vmem>>, vector<16xi32>,
      tpu.vector_store %arg14[%swap3A_158], %get3A_157 {strides = array<i32>} : memref<128xi32, #tpu.memory_space<vmem>>, vector<16xi32>,
      %get3A_160 = arith.constant 0 : i32
      %get3A_161 = tpu.memref_slice %arg12[%scan3A_109, %get3A_160] : memref<2x128xi32, #tpu.memory_space<vmem>> -> memref<1x128xi32, #tpu.memory_space<vmem>>
      %get3A_162 = tpu.memref_squeeze %get3A_161 : memref<1x128xi32, #tpu.memory_space<vmem>> -> memref<128xi32, #tpu.memory_space<vmem>>
      %get3A_163 = arith.constant 32 : index
      %get3A_164 = tpu.vector_load %get3A_162[%get3A_163] {strides = array<i32>} : memref<128xi32, #tpu.memory_space<vmem>>, vector<16xi32>,
      %swap3A_165 = arith.constant 32 : index
      %swap3A_166 = tpu.vector_load %arg14[%swap3A_165] {strides = array<i32>} : memref<128xi32, #tpu.memory_space<vmem>>, vector<16xi32>,
      tpu.vector_store %arg14[%swap3A_165], %get3A_164 {strides = array<i32>} : memref<128xi32, #tpu.memory_space<vmem>>, vector<16xi32>,
      %get3A_167 = arith.constant 0 : i32
      %get3A_168 = tpu.memref_slice %arg12[%scan3A_109, %get3A_167] : memref<2x128xi32, #tpu.memory_space<vmem>> -> memref<1x128xi32, #tpu.memory_space<vmem>>
      %get3A_169 = tpu.memref_squeeze %get3A_168 : memref<1x128xi32, #tpu.memory_space<vmem>> -> memref<128xi32, #tpu.memory_space<vmem>>
      %get3A_170 = arith.constant 48 : index
      %get3A_171 = tpu.vector_load %get3A_169[%get3A_170] {strides = array<i32>} : memref<128xi32, #tpu.memory_space<vmem>>, vector<16xi32>,
      %swap3A_172 = arith.constant 48 : index
      %swap3A_173 = tpu.vector_load %arg14[%swap3A_172] {strides = array<i32>} : memref<128xi32, #tpu.memory_space<vmem>>, vector<16xi32>,
      tpu.vector_store %arg14[%swap3A_172], %get3A_171 {strides = array<i32>} : memref<128xi32, #tpu.memory_space<vmem>>, vector<16xi32>,
      %get3A_174 = arith.constant 0 : i32
      %get3A_175 = tpu.memref_slice %arg12[%scan3A_109, %get3A_174] : memref<2x128xi32, #tpu.memory_space<vmem>> -> memref<1x128xi32, #tpu.memory_space<vmem>>
      %get3A_176 = tpu.memref_squeeze %get3A_175 : memref<1x128xi32, #tpu.memory_space<vmem>> -> memref<128xi32, #tpu.memory_space<vmem>>
      %get3A_177 = arith.constant 64 : index
      %get3A_178 = tpu.vector_load %get3A_176[%get3A_177] {strides = array<i32>} : memref<128xi32, #tpu.memory_space<vmem>>, vector<16xi32>,
      %swap3A_179 = arith.constant 64 : index
      %swap3A_180 = tpu.vector_load %arg14[%swap3A_179] {strides = array<i32>} : memref<128xi32, #tpu.memory_space<vmem>>, vector<16xi32>,
      tpu.vector_store %arg14[%swap3A_179], %get3A_178 {strides = array<i32>} : memref<128xi32, #tpu.memory_space<vmem>>, vector<16xi32>,
      %get3A_181 = arith.constant 0 : i32
      %get3A_182 = tpu.memref_slice %arg12[%scan3A_109, %get3A_181] : memref<2x128xi32, #tpu.memory_space<vmem>> -> memref<1x128xi32, #tpu.memory_space<vmem>>
      %get3A_183 = tpu.memref_squeeze %get3A_182 : memref<1x128xi32, #tpu.memory_space<vmem>> -> memref<128xi32, #tpu.memory_space<vmem>>
      %get3A_184 = arith.constant 80 : index
      %get3A_185 = tpu.vector_load %get3A_183[%get3A_184] {strides = array<i32>} : memref<128xi32, #tpu.memory_space<vmem>>, vector<16xi32>,
      %swap3A_186 = arith.constant 80 : index
      %swap3A_187 = tpu.vector_load %arg14[%swap3A_186] {strides = array<i32>} : memref<128xi32, #tpu.memory_space<vmem>>, vector<16xi32>,
      tpu.vector_store %arg14[%swap3A_186], %get3A_185 {strides = array<i32>} : memref<128xi32, #tpu.memory_space<vmem>>, vector<16xi32>,
      %get3A_188 = arith.constant 0 : i32
      %get3A_189 = tpu.memref_slice %arg12[%scan3A_109, %get3A_188] : memref<2x128xi32, #tpu.memory_space<vmem>> -> memref<1x128xi32, #tpu.memory_space<vmem>>
      %get3A_190 = tpu.memref_squeeze %get3A_189 : memref<1x128xi32, #tpu.memory_space<vmem>> -> memref<128xi32, #tpu.memory_space<vmem>>
      %get3A_191 = arith.constant 96 : index
      %get3A_192 = tpu.vector_load %get3A_190[%get3A_191] {strides = array<i32>} : memref<128xi32, #tpu.memory_space<vmem>>, vector<16xi32>,
      %swap3A_193 = arith.constant 96 : index
      %swap3A_194 = tpu.vector_load %arg14[%swap3A_193] {strides = array<i32>} : memref<128xi32, #tpu.memory_space<vmem>>, vector<16xi32>,
      tpu.vector_store %arg14[%swap3A_193], %get3A_192 {strides = array<i32>} : memref<128xi32, #tpu.memory_space<vmem>>, vector<16xi32>,
      %get3A_195 = arith.constant 0 : i32
      %get3A_196 = tpu.memref_slice %arg12[%scan3A_109, %get3A_195] : memref<2x128xi32, #tpu.memory_space<vmem>> -> memref<1x128xi32, #tpu.memory_space<vmem>>
      %get3A_197 = tpu.memref_squeeze %get3A_196 : memref<1x128xi32, #tpu.memory_space<vmem>> -> memref<128xi32, #tpu.memory_space<vmem>>
      %get3A_198 = arith.constant 112 : index
      %get3A_199 = tpu.vector_load %get3A_197[%get3A_198] {strides = array<i32>} : memref<128xi32, #tpu.memory_space<vmem>>, vector<16xi32>,
      %swap3A_200 = arith.constant 112 : index
      %swap3A_201 = tpu.vector_load %arg14[%swap3A_200] {strides = array<i32>} : memref<128xi32, #tpu.memory_space<vmem>>, vector<16xi32>,
      tpu.vector_store %arg14[%swap3A_200], %get3A_199 {strides = array<i32>} : memref<128xi32, #tpu.memory_space<vmem>>, vector<16xi32>,
      %lt3A_202 = arith.constant 62 : i32
      %lt3A_203 = arith.cmpi slt, %add3A_125, %lt3A_202 : i32
      %convert_element_type3A_204 = arith.extui %lt3A_203 : i1 to i32
      %cond3A_205 = arith.constant 0 : i32
      %cond3A_206 = arith.cmpi ne, %convert_element_type3A_204, %cond3A_205 : i32
      scf.if %cond3A_206 {
        %add3A_311 = arith.constant 2 : i32
        %add3A_312 = arith.addi %add3A_125, %add3A_311 : i32
        %mul3A_313 = arith.constant 128 : i32
        %mul3A_314 = arith.muli %add3A_312, %mul3A_313 : i32
        %dma_start3A_315 = arith.constant 0 : i32
        %dma_start3A_316 = tpu.memref_slice %arg11[%scan3A_100, %dma_start3A_315] : memref<2x128xi32, #tpu.memory_space<vmem>> -> memref<1x128xi32, #tpu.memory_space<vmem>>
        %dma_start3A_317 = tpu.memref_squeeze %dma_start3A_316 : memref<1x128xi32, #tpu.memory_space<vmem>> -> memref<128xi32, #tpu.memory_space<vmem>>
        %dma_start3A_318 = tpu.memref_slice %arg10[%mul3A_314] : memref<8192xi32, #tpu.memory_space<vmem>> -> memref<128xi32, #tpu.memory_space<vmem>>
        %dma_start3A_319 = arith.constant 0 : i32
        %dma_start3A_320 = tpu.memref_slice %arg4[%dma_start3A_319] : memref<1000000xi32, #tpu.memory_space<hbm>> -> memref<1000000xi32, #tpu.memory_space<hbm>>
        tpu.enqueue_indirect_dma source(%dma_start3A_320 : memref<1000000xi32, #tpu.memory_space<hbm>>) target(%dma_start3A_317 : memref<128xi32, #tpu.memory_space<vmem>>) offsets(%dma_start3A_318 : memref<128xi32, #tpu.memory_space<vmem>>) semaphore(%arg20 : memref<!tpu.dma_semaphore, #tpu.memory_space<semaphore_mem>>)
        %dma_start3A_321 = arith.constant 0 : i32
        %dma_start3A_322 = tpu.memref_slice %arg12[%scan3A_109, %dma_start3A_321] : memref<2x128xi32, #tpu.memory_space<vmem>> -> memref<1x128xi32, #tpu.memory_space<vmem>>
        %dma_start3A_323 = tpu.memref_squeeze %dma_start3A_322 : memref<1x128xi32, #tpu.memory_space<vmem>> -> memref<128xi32, #tpu.memory_space<vmem>>
        %dma_start3A_324 = tpu.memref_slice %arg10[%mul3A_314] : memref<8192xi32, #tpu.memory_space<vmem>> -> memref<128xi32, #tpu.memory_space<vmem>>
        %dma_start3A_325 = arith.constant 0 : i32
        %dma_start3A_326 = tpu.memref_slice %arg5[%dma_start3A_325] : memref<1000000xi32, #tpu.memory_space<hbm>> -> memref<1000000xi32, #tpu.memory_space<hbm>>
        tpu.enqueue_indirect_dma source(%dma_start3A_326 : memref<1000000xi32, #tpu.memory_space<hbm>>) target(%dma_start3A_323 : memref<128xi32, #tpu.memory_space<vmem>>) offsets(%dma_start3A_324 : memref<128xi32, #tpu.memory_space<vmem>>) semaphore(%arg20 : memref<!tpu.dma_semaphore, #tpu.memory_space<semaphore_mem>>)
        %dma_start3A_327 = arith.constant 0 : i32
        %dma_start3A_328 = tpu.memref_slice %arg13[%scan3A_102, %dma_start3A_327] : memref<2x128xi32, #tpu.memory_space<vmem>> -> memref<1x128xi32, #tpu.memory_space<vmem>>
        %dma_start3A_329 = tpu.memref_squeeze %dma_start3A_328 : memref<1x128xi32, #tpu.memory_space<vmem>> -> memref<128xi32, #tpu.memory_space<vmem>>
        %dma_start3A_330 = tpu.memref_slice %arg10[%mul3A_314] : memref<8192xi32, #tpu.memory_space<vmem>> -> memref<128xi32, #tpu.memory_space<vmem>>
        %dma_start3A_331 = arith.constant 0 : i32
        %dma_start3A_332 = tpu.memref_slice %arg6[%dma_start3A_331] : memref<1000000xi32, #tpu.memory_space<hbm>> -> memref<1000000xi32, #tpu.memory_space<hbm>>
        tpu.enqueue_indirect_dma source(%dma_start3A_332 : memref<1000000xi32, #tpu.memory_space<hbm>>) target(%dma_start3A_329 : memref<128xi32, #tpu.memory_space<vmem>>) offsets(%dma_start3A_330 : memref<128xi32, #tpu.memory_space<vmem>>) semaphore(%arg20 : memref<!tpu.dma_semaphore, #tpu.memory_space<semaphore_mem>>)
      } else {
      }
      %mul3A_207 = arith.constant 128 : i32
      %mul3A_208 = arith.muli %add3A_125, %mul3A_207 : i32
      %scan3A_209 = arith.constant 0 : i32
      %scan3A_210 = arith.constant 0 : i32
      %scan3A_211 = arith.constant 8 : i32
      %scan3A_212 = arith.addi %scan3A_210, %scan3A_211 : i32
      %scan3A_213 = arith.constant 1 : i32
      scf.for %scan3A_311 = %scan3A_210 to %scan3A_212 step %scan3A_213  : i32 {
        %mul3A_312 = arith.constant 16 : i32
        %mul3A_313 = arith.muli %scan3A_311, %mul3A_312 : i32
        %get3A_314 = arith.index_cast %mul3A_313 : i32 to index
        %get3A_315 = tpu.vector_load %arg14[%get3A_314] {strides = array<i32>} : memref<128xi32, #tpu.memory_space<vmem>>, vector<16xi32>,
        %broadcast_in_dim3A_316 = arith.constant 0.000000e+00 : f32
        %broadcast_in_dim3A_317 = vector.broadcast %broadcast_in_dim3A_316 : f32 to vector<16xf32>
        %mul3A_318 = arith.constant 16 : i32
        %mul3A_319 = arith.muli %scan3A_311, %mul3A_318 : i32
        %add3A_320 = arith.constant 0 : i32
        %add3A_321 = arith.addi %mul3A_319, %add3A_320 : i32
        %slice3A = vector.extract_strided_slice %get3A_315 {offsets = [0], sizes = [1], strides = [1]} : vector<16xi32> to vector<1xi32>
        %squeeze3A = vector.extract %slice3A[0] : i32 from vector<1xi32>
        %broadcast_in_dim3A_322 = arith.constant 0.000000e+00 : f32
        %broadcast_in_dim3A_323 = vector.broadcast %broadcast_in_dim3A_322 : f32 to vector<16xf32>
        %get3A_324 = arith.constant 0 : i32
        %get3A_325 = arith.constant 0 : i32
        %get3A_326 = tpu.memref_slice %arg15[%scan3A_101, %get3A_324, %get3A_325] : memref<2x128x64xf32, #tpu.memory_space<vmem>> -> memref<1x128x64xf32, #tpu.memory_space<vmem>>
        %get3A_327 = tpu.memref_squeeze %get3A_326 : memref<1x128x64xf32, #tpu.memory_space<vmem>> -> memref<128x64xf32, #tpu.memory_space<vmem>>
        %get3A_328 = arith.index_cast %add3A_321 : i32 to index
        %get3A_329 = arith.constant 0 : index
        %get3A_330 = tpu.vector_load %get3A_327[%get3A_328, %get3A_329] {strides = array<i32>} : memref<128x64xf32, #tpu.memory_space<vmem>>, vector<16xf32>,
        %get3A_331 = arith.constant 0 : i32
        %get3A_332 = arith.constant 0 : i32
        %get3A_333 = tpu.memref_slice %arg16[%scan3A_103, %get3A_331, %get3A_332] : memref<2x128x64xf32, #tpu.memory_space<vmem>> -> memref<1x128x64xf32, #tpu.memory_space<vmem>>
        %get3A_334 = tpu.memref_squeeze %get3A_333 : memref<1x128x64xf32, #tpu.memory_space<vmem>> -> memref<128x64xf32, #tpu.memory_space<vmem>>
        %get3A_335 = arith.index_cast %add3A_321 : i32 to index
        %get3A_336 = arith.constant 0 : index
        %get3A_337 = tpu.vector_load %get3A_334[%get3A_335, %get3A_336] {strides = array<i32>} : memref<128x64xf32, #tpu.memory_space<vmem>>, vector<16xf32>,
        %get3A_338 = arith.index_cast %squeeze3A : i32 to index
        %get3A_339 = arith.constant 0 : index
        %get3A_340 = tpu.vector_load %arg17[%get3A_338, %get3A_339] {strides = array<i32>} : memref<1000x64xf32, #tpu.memory_space<vmem>>, vector<16xf32>,
        %mul3A_341 = arith.mulf %get3A_330, %get3A_340 : vector<16xf32>
        %mul3A_342 = arith.mulf %mul3A_341, %get3A_337 : vector<16xf32>
        %add3A_343 = arith.addf %broadcast_in_dim3A_323, %mul3A_342 : vector<16xf32>
        %get3A_344 = arith.constant 0 : i32
        %get3A_345 = arith.constant 0 : i32
        %get3A_346 = tpu.memref_slice %arg15[%scan3A_101, %get3A_344, %get3A_345] : memref<2x128x64xf32, #tpu.memory_space<vmem>> -> memref<1x128x64xf32, #tpu.memory_space<vmem>>
        %get3A_347 = tpu.memref_squeeze %get3A_346 : memref<1x128x64xf32, #tpu.memory_space<vmem>> -> memref<128x64xf32, #tpu.memory_space<vmem>>
        %get3A_348 = arith.index_cast %add3A_321 : i32 to index
        %get3A_349 = arith.constant 16 : index
        %get3A_350 = tpu.vector_load %get3A_347[%get3A_348, %get3A_349] {strides = array<i32>} : memref<128x64xf32, #tpu.memory_space<vmem>>, vector<16xf32>,
        %get3A_351 = arith.constant 0 : i32
        %get3A_352 = arith.constant 0 : i32
        %get3A_353 = tpu.memref_slice %arg16[%scan3A_103, %get3A_351, %get3A_352] : memref<2x128x64xf32, #tpu.memory_space<vmem>> -> memref<1x128x64xf32, #tpu.memory_space<vmem>>
        %get3A_354 = tpu.memref_squeeze %get3A_353 : memref<1x128x64xf32, #tpu.memory_space<vmem>> -> memref<128x64xf32, #tpu.memory_space<vmem>>
        %get3A_355 = arith.index_cast %add3A_321 : i32 to index
        %get3A_356 = arith.constant 16 : index
        %get3A_357 = tpu.vector_load %get3A_354[%get3A_355, %get3A_356] {strides = array<i32>} : memref<128x64xf32, #tpu.memory_space<vmem>>, vector<16xf32>,
        %get3A_358 = arith.index_cast %squeeze3A : i32 to index
        %get3A_359 = arith.constant 16 : index
        %get3A_360 = tpu.vector_load %arg17[%get3A_358, %get3A_359] {strides = array<i32>} : memref<1000x64xf32, #tpu.memory_space<vmem>>, vector<16xf32>,
        %mul3A_361 = arith.mulf %get3A_350, %get3A_360 : vector<16xf32>
        %mul3A_362 = arith.mulf %mul3A_361, %get3A_357 : vector<16xf32>
        %add3A_363 = arith.addf %add3A_343, %mul3A_362 : vector<16xf32>
        %get3A_364 = arith.constant 0 : i32
        %get3A_365 = arith.constant 0 : i32
        %get3A_366 = tpu.memref_slice %arg15[%scan3A_101, %get3A_364, %get3A_365] : memref<2x128x64xf32, #tpu.memory_space<vmem>> -> memref<1x128x64xf32, #tpu.memory_space<vmem>>
        %get3A_367 = tpu.memref_squeeze %get3A_366 : memref<1x128x64xf32, #tpu.memory_space<vmem>> -> memref<128x64xf32, #tpu.memory_space<vmem>>
        %get3A_368 = arith.index_cast %add3A_321 : i32 to index
        %get3A_369 = arith.constant 32 : index
        %get3A_370 = tpu.vector_load %get3A_367[%get3A_368, %get3A_369] {strides = array<i32>} : memref<128x64xf32, #tpu.memory_space<vmem>>, vector<16xf32>,
        %get3A_371 = arith.constant 0 : i32
        %get3A_372 = arith.constant 0 : i32
        %get3A_373 = tpu.memref_slice %arg16[%scan3A_103, %get3A_371, %get3A_372] : memref<2x128x64xf32, #tpu.memory_space<vmem>> -> memref<1x128x64xf32, #tpu.memory_space<vmem>>
        %get3A_374 = tpu.memref_squeeze %get3A_373 : memref<1x128x64xf32, #tpu.memory_space<vmem>> -> memref<128x64xf32, #tpu.memory_space<vmem>>
        %get3A_375 = arith.index_cast %add3A_321 : i32 to index
        %get3A_376 = arith.constant 32 : index
        %get3A_377 = tpu.vector_load %get3A_374[%get3A_375, %get3A_376] {strides = array<i32>} : memref<128x64xf32, #tpu.memory_space<vmem>>, vector<16xf32>,
        %get3A_378 = arith.index_cast %squeeze3A : i32 to index
        %get3A_379 = arith.constant 32 : index
        %get3A_380 = tpu.vector_load %arg17[%get3A_378, %get3A_379] {strides = array<i32>} : memref<1000x64xf32, #tpu.memory_space<vmem>>, vector<16xf32>,
        %mul3A_381 = arith.mulf %get3A_370, %get3A_380 : vector<16xf32>
        %mul3A_382 = arith.mulf %mul3A_381, %get3A_377 : vector<16xf32>
        %add3A_383 = arith.addf %add3A_363, %mul3A_382 : vector<16xf32>
        %get3A_384 = arith.constant 0 : i32
        %get3A_385 = arith.constant 0 : i32
        %get3A_386 = tpu.memref_slice %arg15[%scan3A_101, %get3A_384, %get3A_385] : memref<2x128x64xf32, #tpu.memory_space<vmem>> -> memref<1x128x64xf32, #tpu.memory_space<vmem>>
        %get3A_387 = tpu.memref_squeeze %get3A_386 : memref<1x128x64xf32, #tpu.memory_space<vmem>> -> memref<128x64xf32, #tpu.memory_space<vmem>>
        %get3A_388 = arith.index_cast %add3A_321 : i32 to index
        %get3A_389 = arith.constant 48 : index
        %get3A_390 = tpu.vector_load %get3A_387[%get3A_388, %get3A_389] {strides = array<i32>} : memref<128x64xf32, #tpu.memory_space<vmem>>, vector<16xf32>,
        %get3A_391 = arith.constant 0 : i32
        %get3A_392 = arith.constant 0 : i32
        %get3A_393 = tpu.memref_slice %arg16[%scan3A_103, %get3A_391, %get3A_392] : memref<2x128x64xf32, #tpu.memory_space<vmem>> -> memref<1x128x64xf32, #tpu.memory_space<vmem>>
        %get3A_394 = tpu.memref_squeeze %get3A_393 : memref<1x128x64xf32, #tpu.memory_space<vmem>> -> memref<128x64xf32, #tpu.memory_space<vmem>>
        %get3A_395 = arith.index_cast %add3A_321 : i32 to index
        %get3A_396 = arith.constant 48 : index
        %get3A_397 = tpu.vector_load %get3A_394[%get3A_395, %get3A_396] {strides = array<i32>} : memref<128x64xf32, #tpu.memory_space<vmem>>, vector<16xf32>,
        %get3A_398 = arith.index_cast %squeeze3A : i32 to index
        %get3A_399 = arith.constant 48 : index
        %get3A_400 = tpu.vector_load %arg17[%get3A_398, %get3A_399] {strides = array<i32>} : memref<1000x64xf32, #tpu.memory_space<vmem>>, vector<16xf32>,
        %mul3A_401 = arith.mulf %get3A_390, %get3A_400 : vector<16xf32>
        %mul3A_402 = arith.mulf %mul3A_401, %get3A_397 : vector<16xf32>
        %add3A_403 = arith.addf %add3A_383, %mul3A_402 : vector<16xf32>
        %reduce_sum3A = arith.constant true
        %reduce_sum3A_404 = vector.broadcast %reduce_sum3A : i1 to vector<16xi1>
        %reduce_sum3A_405 = tpu.scan <sum>, %add3A_403 masked %reduce_sum3A_404 : vector<16xf32>, vector<16xi1> -> vector<16xf32>
        %reduce_sum3A_406 = vector.extract %reduce_sum3A_405[15] : f32 from vector<16xf32>
        %eq3A = arith.constant 0 : i32
        %eq3A_407 = vector.broadcast %eq3A : i32 to vector<16xi32>
        %eq3A_408 = arith.cmpi eq, %iota3A, %eq3A_407 : vector<16xi32>
        %broadcast_in_dim3A_409 = vector.broadcast %reduce_sum3A_406 : f32 to vector<16xf32>
        %select_n3A = arith.select %eq3A_408, %broadcast_in_dim3A_409, %broadcast_in_dim3A_317 : vector<16xi1>, vector<16xf32>
        %mul3A_410 = arith.constant 16 : i32
        %mul3A_411 = arith.muli %scan3A_311, %mul3A_410 : i32
        %add3A_412 = arith.constant 1 : i32
        %add3A_413 = arith.addi %mul3A_411, %add3A_412 : i32
        %slice3A_414 = vector.extract_strided_slice %get3A_315 {offsets = [1], sizes = [1], strides = [1]} : vector<16xi32> to vector<1xi32>
        %squeeze3A_415 = vector.extract %slice3A_414[0] : i32 from vector<1xi32>
        %broadcast_in_dim3A_416 = arith.constant 0.000000e+00 : f32
        %broadcast_in_dim3A_417 = vector.broadcast %broadcast_in_dim3A_416 : f32 to vector<16xf32>
        %get3A_418 = arith.constant 0 : i32
        %get3A_419 = arith.constant 0 : i32
        %get3A_420 = tpu.memref_slice %arg15[%scan3A_101, %get3A_418, %get3A_419] : memref<2x128x64xf32, #tpu.memory_space<vmem>> -> memref<1x128x64xf32, #tpu.memory_space<vmem>>
        %get3A_421 = tpu.memref_squeeze %get3A_420 : memref<1x128x64xf32, #tpu.memory_space<vmem>> -> memref<128x64xf32, #tpu.memory_space<vmem>>
        %get3A_422 = arith.index_cast %add3A_413 : i32 to index
        %get3A_423 = arith.constant 0 : index
        %get3A_424 = tpu.vector_load %get3A_421[%get3A_422, %get3A_423] {strides = array<i32>} : memref<128x64xf32, #tpu.memory_space<vmem>>, vector<16xf32>,
        %get3A_425 = arith.constant 0 : i32
        %get3A_426 = arith.constant 0 : i32
        %get3A_427 = tpu.memref_slice %arg16[%scan3A_103, %get3A_425, %get3A_426] : memref<2x128x64xf32, #tpu.memory_space<vmem>> -> memref<1x128x64xf32, #tpu.memory_space<vmem>>
        %get3A_428 = tpu.memref_squeeze %get3A_427 : memref<1x128x64xf32, #tpu.memory_space<vmem>> -> memref<128x64xf32, #tpu.memory_space<vmem>>
        %get3A_429 = arith.index_cast %add3A_413 : i32 to index
        %get3A_430 = arith.constant 0 : index
        %get3A_431 = tpu.vector_load %get3A_428[%get3A_429, %get3A_430] {strides = array<i32>} : memref<128x64xf32, #tpu.memory_space<vmem>>, vector<16xf32>,
        %get3A_432 = arith.index_cast %squeeze3A_415 : i32 to index
        %get3A_433 = arith.constant 0 : index
        %get3A_434 = tpu.vector_load %arg17[%get3A_432, %get3A_433] {strides = array<i32>} : memref<1000x64xf32, #tpu.memory_space<vmem>>, vector<16xf32>,
        %mul3A_435 = arith.mulf %get3A_424, %get3A_434 : vector<16xf32>
        %mul3A_436 = arith.mulf %mul3A_435, %get3A_431 : vector<16xf32>
        %add3A_437 = arith.addf %broadcast_in_dim3A_417, %mul3A_436 : vector<16xf32>
        %get3A_438 = arith.constant 0 : i32
        %get3A_439 = arith.constant 0 : i32
        %get3A_440 = tpu.memref_slice %arg15[%scan3A_101, %get3A_438, %get3A_439] : memref<2x128x64xf32, #tpu.memory_space<vmem>> -> memref<1x128x64xf32, #tpu.memory_space<vmem>>
        %get3A_441 = tpu.memref_squeeze %get3A_440 : memref<1x128x64xf32, #tpu.memory_space<vmem>> -> memref<128x64xf32, #tpu.memory_space<vmem>>
        %get3A_442 = arith.index_cast %add3A_413 : i32 to index
        %get3A_443 = arith.constant 16 : index
        %get3A_444 = tpu.vector_load %get3A_441[%get3A_442, %get3A_443] {strides = array<i32>} : memref<128x64xf32, #tpu.memory_space<vmem>>, vector<16xf32>,
        %get3A_445 = arith.constant 0 : i32
        %get3A_446 = arith.constant 0 : i32
        %get3A_447 = tpu.memref_slice %arg16[%scan3A_103, %get3A_445, %get3A_446] : memref<2x128x64xf32, #tpu.memory_space<vmem>> -> memref<1x128x64xf32, #tpu.memory_space<vmem>>
        %get3A_448 = tpu.memref_squeeze %get3A_447 : memref<1x128x64xf32, #tpu.memory_space<vmem>> -> memref<128x64xf32, #tpu.memory_space<vmem>>
        %get3A_449 = arith.index_cast %add3A_413 : i32 to index
        %get3A_450 = arith.constant 16 : index
        %get3A_451 = tpu.vector_load %get3A_448[%get3A_449, %get3A_450] {strides = array<i32>} : memref<128x64xf32, #tpu.memory_space<vmem>>, vector<16xf32>,
        %get3A_452 = arith.index_cast %squeeze3A_415 : i32 to index
        %get3A_453 = arith.constant 16 : index
        %get3A_454 = tpu.vector_load %arg17[%get3A_452, %get3A_453] {strides = array<i32>} : memref<1000x64xf32, #tpu.memory_space<vmem>>, vector<16xf32>,
        %mul3A_455 = arith.mulf %get3A_444, %get3A_454 : vector<16xf32>
        %mul3A_456 = arith.mulf %mul3A_455, %get3A_451 : vector<16xf32>
        %add3A_457 = arith.addf %add3A_437, %mul3A_456 : vector<16xf32>
        %get3A_458 = arith.constant 0 : i32
        %get3A_459 = arith.constant 0 : i32
        %get3A_460 = tpu.memref_slice %arg15[%scan3A_101, %get3A_458, %get3A_459] : memref<2x128x64xf32, #tpu.memory_space<vmem>> -> memref<1x128x64xf32, #tpu.memory_space<vmem>>
        %get3A_461 = tpu.memref_squeeze %get3A_460 : memref<1x128x64xf32, #tpu.memory_space<vmem>> -> memref<128x64xf32, #tpu.memory_space<vmem>>
        %get3A_462 = arith.index_cast %add3A_413 : i32 to index
        %get3A_463 = arith.constant 32 : index
        %get3A_464 = tpu.vector_load %get3A_461[%get3A_462, %get3A_463] {strides = array<i32>} : memref<128x64xf32, #tpu.memory_space<vmem>>, vector<16xf32>,
        %get3A_465 = arith.constant 0 : i32
        %get3A_466 = arith.constant 0 : i32
        %get3A_467 = tpu.memref_slice %arg16[%scan3A_103, %get3A_465, %get3A_466] : memref<2x128x64xf32, #tpu.memory_space<vmem>> -> memref<1x128x64xf32, #tpu.memory_space<vmem>>
        %get3A_468 = tpu.memref_squeeze %get3A_467 : memref<1x128x64xf32, #tpu.memory_space<vmem>> -> memref<128x64xf32, #tpu.memory_space<vmem>>
        %get3A_469 = arith.index_cast %add3A_413 : i32 to index
        %get3A_470 = arith.constant 32 : index
        %get3A_471 = tpu.vector_load %get3A_468[%get3A_469, %get3A_470] {strides = array<i32>} : memref<128x64xf32, #tpu.memory_space<vmem>>, vector<16xf32>,
        %get3A_472 = arith.index_cast %squeeze3A_415 : i32 to index
        %get3A_473 = arith.constant 32 : index
        %get3A_474 = tpu.vector_load %arg17[%get3A_472, %get3A_473] {strides = array<i32>} : memref<1000x64xf32, #tpu.memory_space<vmem>>, vector<16xf32>,
        %mul3A_475 = arith.mulf %get3A_464, %get3A_474 : vector<16xf32>
        %mul3A_476 = arith.mulf %mul3A_475, %get3A_471 : vector<16xf32>
        %add3A_477 = arith.addf %add3A_457, %mul3A_476 : vector<16xf32>
        %get3A_478 = arith.constant 0 : i32
        %get3A_479 = arith.constant 0 : i32
        %get3A_480 = tpu.memref_slice %arg15[%scan3A_101, %get3A_478, %get3A_479] : memref<2x128x64xf32, #tpu.memory_space<vmem>> -> memref<1x128x64xf32, #tpu.memory_space<vmem>>
        %get3A_481 = tpu.memref_squeeze %get3A_480 : memref<1x128x64xf32, #tpu.memory_space<vmem>> -> memref<128x64xf32, #tpu.memory_space<vmem>>
        %get3A_482 = arith.index_cast %add3A_413 : i32 to index
        %get3A_483 = arith.constant 48 : index
        %get3A_484 = tpu.vector_load %get3A_481[%get3A_482, %get3A_483] {strides = array<i32>} : memref<128x64xf32, #tpu.memory_space<vmem>>, vector<16xf32>,
        %get3A_485 = arith.constant 0 : i32
        %get3A_486 = arith.constant 0 : i32
        %get3A_487 = tpu.memref_slice %arg16[%scan3A_103, %get3A_485, %get3A_486] : memref<2x128x64xf32, #tpu.memory_space<vmem>> -> memref<1x128x64xf32, #tpu.memory_space<vmem>>
        %get3A_488 = tpu.memref_squeeze %get3A_487 : memref<1x128x64xf32, #tpu.memory_space<vmem>> -> memref<128x64xf32, #tpu.memory_space<vmem>>
        %get3A_489 = arith.index_cast %add3A_413 : i32 to index
        %get3A_490 = arith.constant 48 : index
        %get3A_491 = tpu.vector_load %get3A_488[%get3A_489, %get3A_490] {strides = array<i32>} : memref<128x64xf32, #tpu.memory_space<vmem>>, vector<16xf32>,
        %get3A_492 = arith.index_cast %squeeze3A_415 : i32 to index
        %get3A_493 = arith.constant 48 : index
        %get3A_494 = tpu.vector_load %arg17[%get3A_492, %get3A_493] {strides = array<i32>} : memref<1000x64xf32, #tpu.memory_space<vmem>>, vector<16xf32>,
        %mul3A_495 = arith.mulf %get3A_484, %get3A_494 : vector<16xf32>
        %mul3A_496 = arith.mulf %mul3A_495, %get3A_491 : vector<16xf32>
        %add3A_497 = arith.addf %add3A_477, %mul3A_496 : vector<16xf32>
        %reduce_sum3A_498 = arith.constant true
        %reduce_sum3A_499 = vector.broadcast %reduce_sum3A_498 : i1 to vector<16xi1>
        %reduce_sum3A_500 = tpu.scan <sum>, %add3A_497 masked %reduce_sum3A_499 : vector<16xf32>, vector<16xi1> -> vector<16xf32>
        %reduce_sum3A_501 = vector.extract %reduce_sum3A_500[15] : f32 from vector<16xf32>
        %eq3A_502 = arith.constant 1 : i32
        %eq3A_503 = vector.broadcast %eq3A_502 : i32 to vector<16xi32>
        %eq3A_504 = arith.cmpi eq, %iota3A, %eq3A_503 : vector<16xi32>
        %broadcast_in_dim3A_505 = vector.broadcast %reduce_sum3A_501 : f32 to vector<16xf32>
        %select_n3A_506 = arith.select %eq3A_504, %broadcast_in_dim3A_505, %select_n3A : vector<16xi1>, vector<16xf32>
        %mul3A_507 = arith.constant 16 : i32
        %mul3A_508 = arith.muli %scan3A_311, %mul3A_507 : i32
        %add3A_509 = arith.constant 2 : i32
        %add3A_510 = arith.addi %mul3A_508, %add3A_509 : i32
        %slice3A_511 = vector.extract_strided_slice %get3A_315 {offsets = [2], sizes = [1], strides = [1]} : vector<16xi32> to vector<1xi32>
        %squeeze3A_512 = vector.extract %slice3A_511[0] : i32 from vector<1xi32>
        %broadcast_in_dim3A_513 = arith.constant 0.000000e+00 : f32
        %broadcast_in_dim3A_514 = vector.broadcast %broadcast_in_dim3A_513 : f32 to vector<16xf32>
        %get3A_515 = arith.constant 0 : i32
        %get3A_516 = arith.constant 0 : i32
        %get3A_517 = tpu.memref_slice %arg15[%scan3A_101, %get3A_515, %get3A_516] : memref<2x128x64xf32, #tpu.memory_space<vmem>> -> memref<1x128x64xf32, #tpu.memory_space<vmem>>
        %get3A_518 = tpu.memref_squeeze %get3A_517 : memref<1x128x64xf32, #tpu.memory_space<vmem>> -> memref<128x64xf32, #tpu.memory_space<vmem>>
        %get3A_519 = arith.index_cast %add3A_510 : i32 to index
        %get3A_520 = arith.constant 0 : index
        %get3A_521 = tpu.vector_load %get3A_518[%get3A_519, %get3A_520] {strides = array<i32>} : memref<128x64xf32, #tpu.memory_space<vmem>>, vector<16xf32>,
        %get3A_522 = arith.constant 0 : i32
        %get3A_523 = arith.constant 0 : i32
        %get3A_524 = tpu.memref_slice %arg16[%scan3A_103, %get3A_522, %get3A_523] : memref<2x128x64xf32, #tpu.memory_space<vmem>> -> memref<1x128x64xf32, #tpu.memory_space<vmem>>
        %get3A_525 = tpu.memref_squeeze %get3A_524 : memref<1x128x64xf32, #tpu.memory_space<vmem>> -> memref<128x64xf32, #tpu.memory_space<vmem>>
        %get3A_526 = arith.index_cast %add3A_510 : i32 to index
        %get3A_527 = arith.constant 0 : index
        %get3A_528 = tpu.vector_load %get3A_525[%get3A_526, %get3A_527] {strides = array<i32>} : memref<128x64xf32, #tpu.memory_space<vmem>>, vector<16xf32>,
        %get3A_529 = arith.index_cast %squeeze3A_512 : i32 to index
        %get3A_530 = arith.constant 0 : index
        %get3A_531 = tpu.vector_load %arg17[%get3A_529, %get3A_530] {strides = array<i32>} : memref<1000x64xf32, #tpu.memory_space<vmem>>, vector<16xf32>,
        %mul3A_532 = arith.mulf %get3A_521, %get3A_531 : vector<16xf32>
        %mul3A_533 = arith.mulf %mul3A_532, %get3A_528 : vector<16xf32>
        %add3A_534 = arith.addf %broadcast_in_dim3A_514, %mul3A_533 : vector<16xf32>
        %get3A_535 = arith.constant 0 : i32
        %get3A_536 = arith.constant 0 : i32
        %get3A_537 = tpu.memref_slice %arg15[%scan3A_101, %get3A_535, %get3A_536] : memref<2x128x64xf32, #tpu.memory_space<vmem>> -> memref<1x128x64xf32, #tpu.memory_space<vmem>>
        %get3A_538 = tpu.memref_squeeze %get3A_537 : memref<1x128x64xf32, #tpu.memory_space<vmem>> -> memref<128x64xf32, #tpu.memory_space<vmem>>
        %get3A_539 = arith.index_cast %add3A_510 : i32 to index
        %get3A_540 = arith.constant 16 : index
        %get3A_541 = tpu.vector_load %get3A_538[%get3A_539, %get3A_540] {strides = array<i32>} : memref<128x64xf32, #tpu.memory_space<vmem>>, vector<16xf32>,
        %get3A_542 = arith.constant 0 : i32
        %get3A_543 = arith.constant 0 : i32
        %get3A_544 = tpu.memref_slice %arg16[%scan3A_103, %get3A_542, %get3A_543] : memref<2x128x64xf32, #tpu.memory_space<vmem>> -> memref<1x128x64xf32, #tpu.memory_space<vmem>>
        %get3A_545 = tpu.memref_squeeze %get3A_544 : memref<1x128x64xf32, #tpu.memory_space<vmem>> -> memref<128x64xf32, #tpu.memory_space<vmem>>
        %get3A_546 = arith.index_cast %add3A_510 : i32 to index
        %get3A_547 = arith.constant 16 : index
        %get3A_548 = tpu.vector_load %get3A_545[%get3A_546, %get3A_547] {strides = array<i32>} : memref<128x64xf32, #tpu.memory_space<vmem>>, vector<16xf32>,
        %get3A_549 = arith.index_cast %squeeze3A_512 : i32 to index
        %get3A_550 = arith.constant 16 : index
        %get3A_551 = tpu.vector_load %arg17[%get3A_549, %get3A_550] {strides = array<i32>} : memref<1000x64xf32, #tpu.memory_space<vmem>>, vector<16xf32>,
        %mul3A_552 = arith.mulf %get3A_541, %get3A_551 : vector<16xf32>
        %mul3A_553 = arith.mulf %mul3A_552, %get3A_548 : vector<16xf32>
        %add3A_554 = arith.addf %add3A_534, %mul3A_553 : vector<16xf32>
        %get3A_555 = arith.constant 0 : i32
        %get3A_556 = arith.constant 0 : i32
        %get3A_557 = tpu.memref_slice %arg15[%scan3A_101, %get3A_555, %get3A_556] : memref<2x128x64xf32, #tpu.memory_space<vmem>> -> memref<1x128x64xf32, #tpu.memory_space<vmem>>
        %get3A_558 = tpu.memref_squeeze %get3A_557 : memref<1x128x64xf32, #tpu.memory_space<vmem>> -> memref<128x64xf32, #tpu.memory_space<vmem>>
        %get3A_559 = arith.index_cast %add3A_510 : i32 to index
        %get3A_560 = arith.constant 32 : index
        %get3A_561 = tpu.vector_load %get3A_558[%get3A_559, %get3A_560] {strides = array<i32>} : memref<128x64xf32, #tpu.memory_space<vmem>>, vector<16xf32>,
        %get3A_562 = arith.constant 0 : i32
        %get3A_563 = arith.constant 0 : i32
        %get3A_564 = tpu.memref_slice %arg16[%scan3A_103, %get3A_562, %get3A_563] : memref<2x128x64xf32, #tpu.memory_space<vmem>> -> memref<1x128x64xf32, #tpu.memory_space<vmem>>
        %get3A_565 = tpu.memref_squeeze %get3A_564 : memref<1x128x64xf32, #tpu.memory_space<vmem>> -> memref<128x64xf32, #tpu.memory_space<vmem>>
        %get3A_566 = arith.index_cast %add3A_510 : i32 to index
        %get3A_567 = arith.constant 32 : index
        %get3A_568 = tpu.vector_load %get3A_565[%get3A_566, %get3A_567] {strides = array<i32>} : memref<128x64xf32, #tpu.memory_space<vmem>>, vector<16xf32>,
        %get3A_569 = arith.index_cast %squeeze3A_512 : i32 to index
        %get3A_570 = arith.constant 32 : index
        %get3A_571 = tpu.vector_load %arg17[%get3A_569, %get3A_570] {strides = array<i32>} : memref<1000x64xf32, #tpu.memory_space<vmem>>, vector<16xf32>,
        %mul3A_572 = arith.mulf %get3A_561, %get3A_571 : vector<16xf32>
        %mul3A_573 = arith.mulf %mul3A_572, %get3A_568 : vector<16xf32>
        %add3A_574 = arith.addf %add3A_554, %mul3A_573 : vector<16xf32>
        %get3A_575 = arith.constant 0 : i32
        %get3A_576 = arith.constant 0 : i32
        %get3A_577 = tpu.memref_slice %arg15[%scan3A_101, %get3A_575, %get3A_576] : memref<2x128x64xf32, #tpu.memory_space<vmem>> -> memref<1x128x64xf32, #tpu.memory_space<vmem>>
        %get3A_578 = tpu.memref_squeeze %get3A_577 : memref<1x128x64xf32, #tpu.memory_space<vmem>> -> memref<128x64xf32, #tpu.memory_space<vmem>>
        %get3A_579 = arith.index_cast %add3A_510 : i32 to index
        %get3A_580 = arith.constant 48 : index
        %get3A_581 = tpu.vector_load %get3A_578[%get3A_579, %get3A_580] {strides = array<i32>} : memref<128x64xf32, #tpu.memory_space<vmem>>, vector<16xf32>,
        %get3A_582 = arith.constant 0 : i32
        %get3A_583 = arith.constant 0 : i32
        %get3A_584 = tpu.memref_slice %arg16[%scan3A_103, %get3A_582, %get3A_583] : memref<2x128x64xf32, #tpu.memory_space<vmem>> -> memref<1x128x64xf32, #tpu.memory_space<vmem>>
        %get3A_585 = tpu.memref_squeeze %get3A_584 : memref<1x128x64xf32, #tpu.memory_space<vmem>> -> memref<128x64xf32, #tpu.memory_space<vmem>>
        %get3A_586 = arith.index_cast %add3A_510 : i32 to index
        %get3A_587 = arith.constant 48 : index
        %get3A_588 = tpu.vector_load %get3A_585[%get3A_586, %get3A_587] {strides = array<i32>} : memref<128x64xf32, #tpu.memory_space<vmem>>, vector<16xf32>,
        %get3A_589 = arith.index_cast %squeeze3A_512 : i32 to index
        %get3A_590 = arith.constant 48 : index
        %get3A_591 = tpu.vector_load %arg17[%get3A_589, %get3A_590] {strides = array<i32>} : memref<1000x64xf32, #tpu.memory_space<vmem>>, vector<16xf32>,
        %mul3A_592 = arith.mulf %get3A_581, %get3A_591 : vector<16xf32>
        %mul3A_593 = arith.mulf %mul3A_592, %get3A_588 : vector<16xf32>
        %add3A_594 = arith.addf %add3A_574, %mul3A_593 : vector<16xf32>
        %reduce_sum3A_595 = arith.constant true
        %reduce_sum3A_596 = vector.broadcast %reduce_sum3A_595 : i1 to vector<16xi1>
        %reduce_sum3A_597 = tpu.scan <sum>, %add3A_594 masked %reduce_sum3A_596 : vector<16xf32>, vector<16xi1> -> vector<16xf32>
        %reduce_sum3A_598 = vector.extract %reduce_sum3A_597[15] : f32 from vector<16xf32>
        %eq3A_599 = arith.constant 2 : i32
        %eq3A_600 = vector.broadcast %eq3A_599 : i32 to vector<16xi32>
        %eq3A_601 = arith.cmpi eq, %iota3A, %eq3A_600 : vector<16xi32>
        %broadcast_in_dim3A_602 = vector.broadcast %reduce_sum3A_598 : f32 to vector<16xf32>
        %select_n3A_603 = arith.select %eq3A_601, %broadcast_in_dim3A_602, %select_n3A_506 : vector<16xi1>, vector<16xf32>
        %mul3A_604 = arith.constant 16 : i32
        %mul3A_605 = arith.muli %scan3A_311, %mul3A_604 : i32
        %add3A_606 = arith.constant 3 : i32
        %add3A_607 = arith.addi %mul3A_605, %add3A_606 : i32
        %slice3A_608 = vector.extract_strided_slice %get3A_315 {offsets = [3], sizes = [1], strides = [1]} : vector<16xi32> to vector<1xi32>
        %squeeze3A_609 = vector.extract %slice3A_608[0] : i32 from vector<1xi32>
        %broadcast_in_dim3A_610 = arith.constant 0.000000e+00 : f32
        %broadcast_in_dim3A_611 = vector.broadcast %broadcast_in_dim3A_610 : f32 to vector<16xf32>
        %get3A_612 = arith.constant 0 : i32
        %get3A_613 = arith.constant 0 : i32
        %get3A_614 = tpu.memref_slice %arg15[%scan3A_101, %get3A_612, %get3A_613] : memref<2x128x64xf32, #tpu.memory_space<vmem>> -> memref<1x128x64xf32, #tpu.memory_space<vmem>>
        %get3A_615 = tpu.memref_squeeze %get3A_614 : memref<1x128x64xf32, #tpu.memory_space<vmem>> -> memref<128x64xf32, #tpu.memory_space<vmem>>
        %get3A_616 = arith.index_cast %add3A_607 : i32 to index
        %get3A_617 = arith.constant 0 : index
        %get3A_618 = tpu.vector_load %get3A_615[%get3A_616, %get3A_617] {strides = array<i32>} : memref<128x64xf32, #tpu.memory_space<vmem>>, vector<16xf32>,
        %get3A_619 = arith.constant 0 : i32
        %get3A_620 = arith.constant 0 : i32
        %get3A_621 = tpu.memref_slice %arg16[%scan3A_103, %get3A_619, %get3A_620] : memref<2x128x64xf32, #tpu.memory_space<vmem>> -> memref<1x128x64xf32, #tpu.memory_space<vmem>>
        %get3A_622 = tpu.memref_squeeze %get3A_621 : memref<1x128x64xf32, #tpu.memory_space<vmem>> -> memref<128x64xf32, #tpu.memory_space<vmem>>
        %get3A_623 = arith.index_cast %add3A_607 : i32 to index
        %get3A_624 = arith.constant 0 : index
        %get3A_625 = tpu.vector_load %get3A_622[%get3A_623, %get3A_624] {strides = array<i32>} : memref<128x64xf32, #tpu.memory_space<vmem>>, vector<16xf32>,
        %get3A_626 = arith.index_cast %squeeze3A_609 : i32 to index
        %get3A_627 = arith.constant 0 : index
        %get3A_628 = tpu.vector_load %arg17[%get3A_626, %get3A_627] {strides = array<i32>} : memref<1000x64xf32, #tpu.memory_space<vmem>>, vector<16xf32>,
        %mul3A_629 = arith.mulf %get3A_618, %get3A_628 : vector<16xf32>
        %mul3A_630 = arith.mulf %mul3A_629, %get3A_625 : vector<16xf32>
        %add3A_631 = arith.addf %broadcast_in_dim3A_611, %mul3A_630 : vector<16xf32>
        %get3A_632 = arith.constant 0 : i32
        %get3A_633 = arith.constant 0 : i32
        %get3A_634 = tpu.memref_slice %arg15[%scan3A_101, %get3A_632, %get3A_633] : memref<2x128x64xf32, #tpu.memory_space<vmem>> -> memref<1x128x64xf32, #tpu.memory_space<vmem>>
        %get3A_635 = tpu.memref_squeeze %get3A_634 : memref<1x128x64xf32, #tpu.memory_space<vmem>> -> memref<128x64xf32, #tpu.memory_space<vmem>>
        %get3A_636 = arith.index_cast %add3A_607 : i32 to index
        %get3A_637 = arith.constant 16 : index
        %get3A_638 = tpu.vector_load %get3A_635[%get3A_636, %get3A_637] {strides = array<i32>} : memref<128x64xf32, #tpu.memory_space<vmem>>, vector<16xf32>,
        %get3A_639 = arith.constant 0 : i32
        %get3A_640 = arith.constant 0 : i32
        %get3A_641 = tpu.memref_slice %arg16[%scan3A_103, %get3A_639, %get3A_640] : memref<2x128x64xf32, #tpu.memory_space<vmem>> -> memref<1x128x64xf32, #tpu.memory_space<vmem>>
        %get3A_642 = tpu.memref_squeeze %get3A_641 : memref<1x128x64xf32, #tpu.memory_space<vmem>> -> memref<128x64xf32, #tpu.memory_space<vmem>>
        %get3A_643 = arith.index_cast %add3A_607 : i32 to index
        %get3A_644 = arith.constant 16 : index
        %get3A_645 = tpu.vector_load %get3A_642[%get3A_643, %get3A_644] {strides = array<i32>} : memref<128x64xf32, #tpu.memory_space<vmem>>, vector<16xf32>,
        %get3A_646 = arith.index_cast %squeeze3A_609 : i32 to index
        %get3A_647 = arith.constant 16 : index
        %get3A_648 = tpu.vector_load %arg17[%get3A_646, %get3A_647] {strides = array<i32>} : memref<1000x64xf32, #tpu.memory_space<vmem>>, vector<16xf32>,
        %mul3A_649 = arith.mulf %get3A_638, %get3A_648 : vector<16xf32>
        %mul3A_650 = arith.mulf %mul3A_649, %get3A_645 : vector<16xf32>
        %add3A_651 = arith.addf %add3A_631, %mul3A_650 : vector<16xf32>
        %get3A_652 = arith.constant 0 : i32
        %get3A_653 = arith.constant 0 : i32
        %get3A_654 = tpu.memref_slice %arg15[%scan3A_101, %get3A_652, %get3A_653] : memref<2x128x64xf32, #tpu.memory_space<vmem>> -> memref<1x128x64xf32, #tpu.memory_space<vmem>>
        %get3A_655 = tpu.memref_squeeze %get3A_654 : memref<1x128x64xf32, #tpu.memory_space<vmem>> -> memref<128x64xf32, #tpu.memory_space<vmem>>
        %get3A_656 = arith.index_cast %add3A_607 : i32 to index
        %get3A_657 = arith.constant 32 : index
        %get3A_658 = tpu.vector_load %get3A_655[%get3A_656, %get3A_657] {strides = array<i32>} : memref<128x64xf32, #tpu.memory_space<vmem>>, vector<16xf32>,
        %get3A_659 = arith.constant 0 : i32
        %get3A_660 = arith.constant 0 : i32
        %get3A_661 = tpu.memref_slice %arg16[%scan3A_103, %get3A_659, %get3A_660] : memref<2x128x64xf32, #tpu.memory_space<vmem>> -> memref<1x128x64xf32, #tpu.memory_space<vmem>>
        %get3A_662 = tpu.memref_squeeze %get3A_661 : memref<1x128x64xf32, #tpu.memory_space<vmem>> -> memref<128x64xf32, #tpu.memory_space<vmem>>
        %get3A_663 = arith.index_cast %add3A_607 : i32 to index
        %get3A_664 = arith.constant 32 : index
        %get3A_665 = tpu.vector_load %get3A_662[%get3A_663, %get3A_664] {strides = array<i32>} : memref<128x64xf32, #tpu.memory_space<vmem>>, vector<16xf32>,
        %get3A_666 = arith.index_cast %squeeze3A_609 : i32 to index
        %get3A_667 = arith.constant 32 : index
        %get3A_668 = tpu.vector_load %arg17[%get3A_666, %get3A_667] {strides = array<i32>} : memref<1000x64xf32, #tpu.memory_space<vmem>>, vector<16xf32>,
        %mul3A_669 = arith.mulf %get3A_658, %get3A_668 : vector<16xf32>
        %mul3A_670 = arith.mulf %mul3A_669, %get3A_665 : vector<16xf32>
        %add3A_671 = arith.addf %add3A_651, %mul3A_670 : vector<16xf32>
        %get3A_672 = arith.constant 0 : i32
        %get3A_673 = arith.constant 0 : i32
        %get3A_674 = tpu.memref_slice %arg15[%scan3A_101, %get3A_672, %get3A_673] : memref<2x128x64xf32, #tpu.memory_space<vmem>> -> memref<1x128x64xf32, #tpu.memory_space<vmem>>
        %get3A_675 = tpu.memref_squeeze %get3A_674 : memref<1x128x64xf32, #tpu.memory_space<vmem>> -> memref<128x64xf32, #tpu.memory_space<vmem>>
        %get3A_676 = arith.index_cast %add3A_607 : i32 to index
        %get3A_677 = arith.constant 48 : index
        %get3A_678 = tpu.vector_load %get3A_675[%get3A_676, %get3A_677] {strides = array<i32>} : memref<128x64xf32, #tpu.memory_space<vmem>>, vector<16xf32>,
        %get3A_679 = arith.constant 0 : i32
        %get3A_680 = arith.constant 0 : i32
        %get3A_681 = tpu.memref_slice %arg16[%scan3A_103, %get3A_679, %get3A_680] : memref<2x128x64xf32, #tpu.memory_space<vmem>> -> memref<1x128x64xf32, #tpu.memory_space<vmem>>
        %get3A_682 = tpu.memref_squeeze %get3A_681 : memref<1x128x64xf32, #tpu.memory_space<vmem>> -> memref<128x64xf32, #tpu.memory_space<vmem>>
        %get3A_683 = arith.index_cast %add3A_607 : i32 to index
        %get3A_684 = arith.constant 48 : index
        %get3A_685 = tpu.vector_load %get3A_682[%get3A_683, %get3A_684] {strides = array<i32>} : memref<128x64xf32, #tpu.memory_space<vmem>>, vector<16xf32>,
        %get3A_686 = arith.index_cast %squeeze3A_609 : i32 to index
        %get3A_687 = arith.constant 48 : index
        %get3A_688 = tpu.vector_load %arg17[%get3A_686, %get3A_687] {strides = array<i32>} : memref<1000x64xf32, #tpu.memory_space<vmem>>, vector<16xf32>,
        %mul3A_689 = arith.mulf %get3A_678, %get3A_688 : vector<16xf32>
        %mul3A_690 = arith.mulf %mul3A_689, %get3A_685 : vector<16xf32>
        %add3A_691 = arith.addf %add3A_671, %mul3A_690 : vector<16xf32>
        %reduce_sum3A_692 = arith.constant true
        %reduce_sum3A_693 = vector.broadcast %reduce_sum3A_692 : i1 to vector<16xi1>
        %reduce_sum3A_694 = tpu.scan <sum>, %add3A_691 masked %reduce_sum3A_693 : vector<16xf32>, vector<16xi1> -> vector<16xf32>
        %reduce_sum3A_695 = vector.extract %reduce_sum3A_694[15] : f32 from vector<16xf32>
        %eq3A_696 = arith.constant 3 : i32
        %eq3A_697 = vector.broadcast %eq3A_696 : i32 to vector<16xi32>
        %eq3A_698 = arith.cmpi eq, %iota3A, %eq3A_697 : vector<16xi32>
        %broadcast_in_dim3A_699 = vector.broadcast %reduce_sum3A_695 : f32 to vector<16xf32>
        %select_n3A_700 = arith.select %eq3A_698, %broadcast_in_dim3A_699, %select_n3A_603 : vector<16xi1>, vector<16xf32>
        %mul3A_701 = arith.constant 16 : i32
        %mul3A_702 = arith.muli %scan3A_311, %mul3A_701 : i32
        %add3A_703 = arith.constant 4 : i32
        %add3A_704 = arith.addi %mul3A_702, %add3A_703 : i32
        %slice3A_705 = vector.extract_strided_slice %get3A_315 {offsets = [4], sizes = [1], strides = [1]} : vector<16xi32> to vector<1xi32>
        %squeeze3A_706 = vector.extract %slice3A_705[0] : i32 from vector<1xi32>
        %broadcast_in_dim3A_707 = arith.constant 0.000000e+00 : f32
        %broadcast_in_dim3A_708 = vector.broadcast %broadcast_in_dim3A_707 : f32 to vector<16xf32>
        %get3A_709 = arith.constant 0 : i32
        %get3A_710 = arith.constant 0 : i32
        %get3A_711 = tpu.memref_slice %arg15[%scan3A_101, %get3A_709, %get3A_710] : memref<2x128x64xf32, #tpu.memory_space<vmem>> -> memref<1x128x64xf32, #tpu.memory_space<vmem>>
        %get3A_712 = tpu.memref_squeeze %get3A_711 : memref<1x128x64xf32, #tpu.memory_space<vmem>> -> memref<128x64xf32, #tpu.memory_space<vmem>>
        %get3A_713 = arith.index_cast %add3A_704 : i32 to index
        %get3A_714 = arith.constant 0 : index
        %get3A_715 = tpu.vector_load %get3A_712[%get3A_713, %get3A_714] {strides = array<i32>} : memref<128x64xf32, #tpu.memory_space<vmem>>, vector<16xf32>,
        %get3A_716 = arith.constant 0 : i32
        %get3A_717 = arith.constant 0 : i32
        %get3A_718 = tpu.memref_slice %arg16[%scan3A_103, %get3A_716, %get3A_717] : memref<2x128x64xf32, #tpu.memory_space<vmem>> -> memref<1x128x64xf32, #tpu.memory_space<vmem>>
        %get3A_719 = tpu.memref_squeeze %get3A_718 : memref<1x128x64xf32, #tpu.memory_space<vmem>> -> memref<128x64xf32, #tpu.memory_space<vmem>>
        %get3A_720 = arith.index_cast %add3A_704 : i32 to index
        %get3A_721 = arith.constant 0 : index
        %get3A_722 = tpu.vector_load %get3A_719[%get3A_720, %get3A_721] {strides = array<i32>} : memref<128x64xf32, #tpu.memory_space<vmem>>, vector<16xf32>,
        %get3A_723 = arith.index_cast %squeeze3A_706 : i32 to index
        %get3A_724 = arith.constant 0 : index
        %get3A_725 = tpu.vector_load %arg17[%get3A_723, %get3A_724] {strides = array<i32>} : memref<1000x64xf32, #tpu.memory_space<vmem>>, vector<16xf32>,
        %mul3A_726 = arith.mulf %get3A_715, %get3A_725 : vector<16xf32>
        %mul3A_727 = arith.mulf %mul3A_726, %get3A_722 : vector<16xf32>
        %add3A_728 = arith.addf %broadcast_in_dim3A_708, %mul3A_727 : vector<16xf32>
        %get3A_729 = arith.constant 0 : i32
        %get3A_730 = arith.constant 0 : i32
        %get3A_731 = tpu.memref_slice %arg15[%scan3A_101, %get3A_729, %get3A_730] : memref<2x128x64xf32, #tpu.memory_space<vmem>> -> memref<1x128x64xf32, #tpu.memory_space<vmem>>
        %get3A_732 = tpu.memref_squeeze %get3A_731 : memref<1x128x64xf32, #tpu.memory_space<vmem>> -> memref<128x64xf32, #tpu.memory_space<vmem>>
        %get3A_733 = arith.index_cast %add3A_704 : i32 to index
        %get3A_734 = arith.constant 16 : index
        %get3A_735 = tpu.vector_load %get3A_732[%get3A_733, %get3A_734] {strides = array<i32>} : memref<128x64xf32, #tpu.memory_space<vmem>>, vector<16xf32>,
        %get3A_736 = arith.constant 0 : i32
        %get3A_737 = arith.constant 0 : i32
        %get3A_738 = tpu.memref_slice %arg16[%scan3A_103, %get3A_736, %get3A_737] : memref<2x128x64xf32, #tpu.memory_space<vmem>> -> memref<1x128x64xf32, #tpu.memory_space<vmem>>
        %get3A_739 = tpu.memref_squeeze %get3A_738 : memref<1x128x64xf32, #tpu.memory_space<vmem>> -> memref<128x64xf32, #tpu.memory_space<vmem>>
        %get3A_740 = arith.index_cast %add3A_704 : i32 to index
        %get3A_741 = arith.constant 16 : index
        %get3A_742 = tpu.vector_load %get3A_739[%get3A_740, %get3A_741] {strides = array<i32>} : memref<128x64xf32, #tpu.memory_space<vmem>>, vector<16xf32>,
        %get3A_743 = arith.index_cast %squeeze3A_706 : i32 to index
        %get3A_744 = arith.constant 16 : index
        %get3A_745 = tpu.vector_load %arg17[%get3A_743, %get3A_744] {strides = array<i32>} : memref<1000x64xf32, #tpu.memory_space<vmem>>, vector<16xf32>,
        %mul3A_746 = arith.mulf %get3A_735, %get3A_745 : vector<16xf32>
        %mul3A_747 = arith.mulf %mul3A_746, %get3A_742 : vector<16xf32>
        %add3A_748 = arith.addf %add3A_728, %mul3A_747 : vector<16xf32>
        %get3A_749 = arith.constant 0 : i32
        %get3A_750 = arith.constant 0 : i32
        %get3A_751 = tpu.memref_slice %arg15[%scan3A_101, %get3A_749, %get3A_750] : memref<2x128x64xf32, #tpu.memory_space<vmem>> -> memref<1x128x64xf32, #tpu.memory_space<vmem>>
        %get3A_752 = tpu.memref_squeeze %get3A_751 : memref<1x128x64xf32, #tpu.memory_space<vmem>> -> memref<128x64xf32, #tpu.memory_space<vmem>>
        %get3A_753 = arith.index_cast %add3A_704 : i32 to index
        %get3A_754 = arith.constant 32 : index
        %get3A_755 = tpu.vector_load %get3A_752[%get3A_753, %get3A_754] {strides = array<i32>} : memref<128x64xf32, #tpu.memory_space<vmem>>, vector<16xf32>,
        %get3A_756 = arith.constant 0 : i32
        %get3A_757 = arith.constant 0 : i32
        %get3A_758 = tpu.memref_slice %arg16[%scan3A_103, %get3A_756, %get3A_757] : memref<2x128x64xf32, #tpu.memory_space<vmem>> -> memref<1x128x64xf32, #tpu.memory_space<vmem>>
        %get3A_759 = tpu.memref_squeeze %get3A_758 : memref<1x128x64xf32, #tpu.memory_space<vmem>> -> memref<128x64xf32, #tpu.memory_space<vmem>>
        %get3A_760 = arith.index_cast %add3A_704 : i32 to index
        %get3A_761 = arith.constant 32 : index
        %get3A_762 = tpu.vector_load %get3A_759[%get3A_760, %get3A_761] {strides = array<i32>} : memref<128x64xf32, #tpu.memory_space<vmem>>, vector<16xf32>,
        %get3A_763 = arith.index_cast %squeeze3A_706 : i32 to index
        %get3A_764 = arith.constant 32 : index
        %get3A_765 = tpu.vector_load %arg17[%get3A_763, %get3A_764] {strides = array<i32>} : memref<1000x64xf32, #tpu.memory_space<vmem>>, vector<16xf32>,
        %mul3A_766 = arith.mulf %get3A_755, %get3A_765 : vector<16xf32>
        %mul3A_767 = arith.mulf %mul3A_766, %get3A_762 : vector<16xf32>
        %add3A_768 = arith.addf %add3A_748, %mul3A_767 : vector<16xf32>
        %get3A_769 = arith.constant 0 : i32
        %get3A_770 = arith.constant 0 : i32
        %get3A_771 = tpu.memref_slice %arg15[%scan3A_101, %get3A_769, %get3A_770] : memref<2x128x64xf32, #tpu.memory_space<vmem>> -> memref<1x128x64xf32, #tpu.memory_space<vmem>>
        %get3A_772 = tpu.memref_squeeze %get3A_771 : memref<1x128x64xf32, #tpu.memory_space<vmem>> -> memref<128x64xf32, #tpu.memory_space<vmem>>
        %get3A_773 = arith.index_cast %add3A_704 : i32 to index
        %get3A_774 = arith.constant 48 : index
        %get3A_775 = tpu.vector_load %get3A_772[%get3A_773, %get3A_774] {strides = array<i32>} : memref<128x64xf32, #tpu.memory_space<vmem>>, vector<16xf32>,
        %get3A_776 = arith.constant 0 : i32
        %get3A_777 = arith.constant 0 : i32
        %get3A_778 = tpu.memref_slice %arg16[%scan3A_103, %get3A_776, %get3A_777] : memref<2x128x64xf32, #tpu.memory_space<vmem>> -> memref<1x128x64xf32, #tpu.memory_space<vmem>>
        %get3A_779 = tpu.memref_squeeze %get3A_778 : memref<1x128x64xf32, #tpu.memory_space<vmem>> -> memref<128x64xf32, #tpu.memory_space<vmem>>
        %get3A_780 = arith.index_cast %add3A_704 : i32 to index
        %get3A_781 = arith.constant 48 : index
        %get3A_782 = tpu.vector_load %get3A_779[%get3A_780, %get3A_781] {strides = array<i32>} : memref<128x64xf32, #tpu.memory_space<vmem>>, vector<16xf32>,
        %get3A_783 = arith.index_cast %squeeze3A_706 : i32 to index
        %get3A_784 = arith.constant 48 : index
        %get3A_785 = tpu.vector_load %arg17[%get3A_783, %get3A_784] {strides = array<i32>} : memref<1000x64xf32, #tpu.memory_space<vmem>>, vector<16xf32>,
        %mul3A_786 = arith.mulf %get3A_775, %get3A_785 : vector<16xf32>
        %mul3A_787 = arith.mulf %mul3A_786, %get3A_782 : vector<16xf32>
        %add3A_788 = arith.addf %add3A_768, %mul3A_787 : vector<16xf32>
        %reduce_sum3A_789 = arith.constant true
        %reduce_sum3A_790 = vector.broadcast %reduce_sum3A_789 : i1 to vector<16xi1>
        %reduce_sum3A_791 = tpu.scan <sum>, %add3A_788 masked %reduce_sum3A_790 : vector<16xf32>, vector<16xi1> -> vector<16xf32>
        %reduce_sum3A_792 = vector.extract %reduce_sum3A_791[15] : f32 from vector<16xf32>
        %eq3A_793 = arith.constant 4 : i32
        %eq3A_794 = vector.broadcast %eq3A_793 : i32 to vector<16xi32>
        %eq3A_795 = arith.cmpi eq, %iota3A, %eq3A_794 : vector<16xi32>
        %broadcast_in_dim3A_796 = vector.broadcast %reduce_sum3A_792 : f32 to vector<16xf32>
        %select_n3A_797 = arith.select %eq3A_795, %broadcast_in_dim3A_796, %select_n3A_700 : vector<16xi1>, vector<16xf32>
        %mul3A_798 = arith.constant 16 : i32
        %mul3A_799 = arith.muli %scan3A_311, %mul3A_798 : i32
        %add3A_800 = arith.constant 5 : i32
        %add3A_801 = arith.addi %mul3A_799, %add3A_800 : i32
        %slice3A_802 = vector.extract_strided_slice %get3A_315 {offsets = [5], sizes = [1], strides = [1]} : vector<16xi32> to vector<1xi32>
        %squeeze3A_803 = vector.extract %slice3A_802[0] : i32 from vector<1xi32>
        %broadcast_in_dim3A_804 = arith.constant 0.000000e+00 : f32
        %broadcast_in_dim3A_805 = vector.broadcast %broadcast_in_dim3A_804 : f32 to vector<16xf32>
        %get3A_806 = arith.constant 0 : i32
        %get3A_807 = arith.constant 0 : i32
        %get3A_808 = tpu.memref_slice %arg15[%scan3A_101, %get3A_806, %get3A_807] : memref<2x128x64xf32, #tpu.memory_space<vmem>> -> memref<1x128x64xf32, #tpu.memory_space<vmem>>
        %get3A_809 = tpu.memref_squeeze %get3A_808 : memref<1x128x64xf32, #tpu.memory_space<vmem>> -> memref<128x64xf32, #tpu.memory_space<vmem>>
        %get3A_810 = arith.index_cast %add3A_801 : i32 to index
        %get3A_811 = arith.constant 0 : index
        %get3A_812 = tpu.vector_load %get3A_809[%get3A_810, %get3A_811] {strides = array<i32>} : memref<128x64xf32, #tpu.memory_space<vmem>>, vector<16xf32>,
        %get3A_813 = arith.constant 0 : i32
        %get3A_814 = arith.constant 0 : i32
        %get3A_815 = tpu.memref_slice %arg16[%scan3A_103, %get3A_813, %get3A_814] : memref<2x128x64xf32, #tpu.memory_space<vmem>> -> memref<1x128x64xf32, #tpu.memory_space<vmem>>
        %get3A_816 = tpu.memref_squeeze %get3A_815 : memref<1x128x64xf32, #tpu.memory_space<vmem>> -> memref<128x64xf32, #tpu.memory_space<vmem>>
        %get3A_817 = arith.index_cast %add3A_801 : i32 to index
        %get3A_818 = arith.constant 0 : index
        %get3A_819 = tpu.vector_load %get3A_816[%get3A_817, %get3A_818] {strides = array<i32>} : memref<128x64xf32, #tpu.memory_space<vmem>>, vector<16xf32>,
        %get3A_820 = arith.index_cast %squeeze3A_803 : i32 to index
        %get3A_821 = arith.constant 0 : index
        %get3A_822 = tpu.vector_load %arg17[%get3A_820, %get3A_821] {strides = array<i32>} : memref<1000x64xf32, #tpu.memory_space<vmem>>, vector<16xf32>,
        %mul3A_823 = arith.mulf %get3A_812, %get3A_822 : vector<16xf32>
        %mul3A_824 = arith.mulf %mul3A_823, %get3A_819 : vector<16xf32>
        %add3A_825 = arith.addf %broadcast_in_dim3A_805, %mul3A_824 : vector<16xf32>
        %get3A_826 = arith.constant 0 : i32
        %get3A_827 = arith.constant 0 : i32
        %get3A_828 = tpu.memref_slice %arg15[%scan3A_101, %get3A_826, %get3A_827] : memref<2x128x64xf32, #tpu.memory_space<vmem>> -> memref<1x128x64xf32, #tpu.memory_space<vmem>>
        %get3A_829 = tpu.memref_squeeze %get3A_828 : memref<1x128x64xf32, #tpu.memory_space<vmem>> -> memref<128x64xf32, #tpu.memory_space<vmem>>
        %get3A_830 = arith.index_cast %add3A_801 : i32 to index
        %get3A_831 = arith.constant 16 : index
        %get3A_832 = tpu.vector_load %get3A_829[%get3A_830, %get3A_831] {strides = array<i32>} : memref<128x64xf32, #tpu.memory_space<vmem>>, vector<16xf32>,
        %get3A_833 = arith.constant 0 : i32
        %get3A_834 = arith.constant 0 : i32
        %get3A_835 = tpu.memref_slice %arg16[%scan3A_103, %get3A_833, %get3A_834] : memref<2x128x64xf32, #tpu.memory_space<vmem>> -> memref<1x128x64xf32, #tpu.memory_space<vmem>>
        %get3A_836 = tpu.memref_squeeze %get3A_835 : memref<1x128x64xf32, #tpu.memory_space<vmem>> -> memref<128x64xf32, #tpu.memory_space<vmem>>
        %get3A_837 = arith.index_cast %add3A_801 : i32 to index
        %get3A_838 = arith.constant 16 : index
        %get3A_839 = tpu.vector_load %get3A_836[%get3A_837, %get3A_838] {strides = array<i32>} : memref<128x64xf32, #tpu.memory_space<vmem>>, vector<16xf32>,
        %get3A_840 = arith.index_cast %squeeze3A_803 : i32 to index
        %get3A_841 = arith.constant 16 : index
        %get3A_842 = tpu.vector_load %arg17[%get3A_840, %get3A_841] {strides = array<i32>} : memref<1000x64xf32, #tpu.memory_space<vmem>>, vector<16xf32>,
        %mul3A_843 = arith.mulf %get3A_832, %get3A_842 : vector<16xf32>
        %mul3A_844 = arith.mulf %mul3A_843, %get3A_839 : vector<16xf32>
        %add3A_845 = arith.addf %add3A_825, %mul3A_844 : vector<16xf32>
        %get3A_846 = arith.constant 0 : i32
        %get3A_847 = arith.constant 0 : i32
        %get3A_848 = tpu.memref_slice %arg15[%scan3A_101, %get3A_846, %get3A_847] : memref<2x128x64xf32, #tpu.memory_space<vmem>> -> memref<1x128x64xf32, #tpu.memory_space<vmem>>
        %get3A_849 = tpu.memref_squeeze %get3A_848 : memref<1x128x64xf32, #tpu.memory_space<vmem>> -> memref<128x64xf32, #tpu.memory_space<vmem>>
        %get3A_850 = arith.index_cast %add3A_801 : i32 to index
        %get3A_851 = arith.constant 32 : index
        %get3A_852 = tpu.vector_load %get3A_849[%get3A_850, %get3A_851] {strides = array<i32>} : memref<128x64xf32, #tpu.memory_space<vmem>>, vector<16xf32>,
        %get3A_853 = arith.constant 0 : i32
        %get3A_854 = arith.constant 0 : i32
        %get3A_855 = tpu.memref_slice %arg16[%scan3A_103, %get3A_853, %get3A_854] : memref<2x128x64xf32, #tpu.memory_space<vmem>> -> memref<1x128x64xf32, #tpu.memory_space<vmem>>
        %get3A_856 = tpu.memref_squeeze %get3A_855 : memref<1x128x64xf32, #tpu.memory_space<vmem>> -> memref<128x64xf32, #tpu.memory_space<vmem>>
        %get3A_857 = arith.index_cast %add3A_801 : i32 to index
        %get3A_858 = arith.constant 32 : index
        %get3A_859 = tpu.vector_load %get3A_856[%get3A_857, %get3A_858] {strides = array<i32>} : memref<128x64xf32, #tpu.memory_space<vmem>>, vector<16xf32>,
        %get3A_860 = arith.index_cast %squeeze3A_803 : i32 to index
        %get3A_861 = arith.constant 32 : index
        %get3A_862 = tpu.vector_load %arg17[%get3A_860, %get3A_861] {strides = array<i32>} : memref<1000x64xf32, #tpu.memory_space<vmem>>, vector<16xf32>,
        %mul3A_863 = arith.mulf %get3A_852, %get3A_862 : vector<16xf32>
        %mul3A_864 = arith.mulf %mul3A_863, %get3A_859 : vector<16xf32>
        %add3A_865 = arith.addf %add3A_845, %mul3A_864 : vector<16xf32>
        %get3A_866 = arith.constant 0 : i32
        %get3A_867 = arith.constant 0 : i32
        %get3A_868 = tpu.memref_slice %arg15[%scan3A_101, %get3A_866, %get3A_867] : memref<2x128x64xf32, #tpu.memory_space<vmem>> -> memref<1x128x64xf32, #tpu.memory_space<vmem>>
        %get3A_869 = tpu.memref_squeeze %get3A_868 : memref<1x128x64xf32, #tpu.memory_space<vmem>> -> memref<128x64xf32, #tpu.memory_space<vmem>>
        %get3A_870 = arith.index_cast %add3A_801 : i32 to index
        %get3A_871 = arith.constant 48 : index
        %get3A_872 = tpu.vector_load %get3A_869[%get3A_870, %get3A_871] {strides = array<i32>} : memref<128x64xf32, #tpu.memory_space<vmem>>, vector<16xf32>,
        %get3A_873 = arith.constant 0 : i32
        %get3A_874 = arith.constant 0 : i32
        %get3A_875 = tpu.memref_slice %arg16[%scan3A_103, %get3A_873, %get3A_874] : memref<2x128x64xf32, #tpu.memory_space<vmem>> -> memref<1x128x64xf32, #tpu.memory_space<vmem>>
        %get3A_876 = tpu.memref_squeeze %get3A_875 : memref<1x128x64xf32, #tpu.memory_space<vmem>> -> memref<128x64xf32, #tpu.memory_space<vmem>>
        %get3A_877 = arith.index_cast %add3A_801 : i32 to index
        %get3A_878 = arith.constant 48 : index
        %get3A_879 = tpu.vector_load %get3A_876[%get3A_877, %get3A_878] {strides = array<i32>} : memref<128x64xf32, #tpu.memory_space<vmem>>, vector<16xf32>,
        %get3A_880 = arith.index_cast %squeeze3A_803 : i32 to index
        %get3A_881 = arith.constant 48 : index
        %get3A_882 = tpu.vector_load %arg17[%get3A_880, %get3A_881] {strides = array<i32>} : memref<1000x64xf32, #tpu.memory_space<vmem>>, vector<16xf32>,
        %mul3A_883 = arith.mulf %get3A_872, %get3A_882 : vector<16xf32>
        %mul3A_884 = arith.mulf %mul3A_883, %get3A_879 : vector<16xf32>
        %add3A_885 = arith.addf %add3A_865, %mul3A_884 : vector<16xf32>
        %reduce_sum3A_886 = arith.constant true
        %reduce_sum3A_887 = vector.broadcast %reduce_sum3A_886 : i1 to vector<16xi1>
        %reduce_sum3A_888 = tpu.scan <sum>, %add3A_885 masked %reduce_sum3A_887 : vector<16xf32>, vector<16xi1> -> vector<16xf32>
        %reduce_sum3A_889 = vector.extract %reduce_sum3A_888[15] : f32 from vector<16xf32>
        %eq3A_890 = arith.constant 5 : i32
        %eq3A_891 = vector.broadcast %eq3A_890 : i32 to vector<16xi32>
        %eq3A_892 = arith.cmpi eq, %iota3A, %eq3A_891 : vector<16xi32>
        %broadcast_in_dim3A_893 = vector.broadcast %reduce_sum3A_889 : f32 to vector<16xf32>
        %select_n3A_894 = arith.select %eq3A_892, %broadcast_in_dim3A_893, %select_n3A_797 : vector<16xi1>, vector<16xf32>
        %mul3A_895 = arith.constant 16 : i32
        %mul3A_896 = arith.muli %scan3A_311, %mul3A_895 : i32
        %add3A_897 = arith.constant 6 : i32
        %add3A_898 = arith.addi %mul3A_896, %add3A_897 : i32
        %slice3A_899 = vector.extract_strided_slice %get3A_315 {offsets = [6], sizes = [1], strides = [1]} : vector<16xi32> to vector<1xi32>
        %squeeze3A_900 = vector.extract %slice3A_899[0] : i32 from vector<1xi32>
        %broadcast_in_dim3A_901 = arith.constant 0.000000e+00 : f32
        %broadcast_in_dim3A_902 = vector.broadcast %broadcast_in_dim3A_901 : f32 to vector<16xf32>
        %get3A_903 = arith.constant 0 : i32
        %get3A_904 = arith.constant 0 : i32
        %get3A_905 = tpu.memref_slice %arg15[%scan3A_101, %get3A_903, %get3A_904] : memref<2x128x64xf32, #tpu.memory_space<vmem>> -> memref<1x128x64xf32, #tpu.memory_space<vmem>>
        %get3A_906 = tpu.memref_squeeze %get3A_905 : memref<1x128x64xf32, #tpu.memory_space<vmem>> -> memref<128x64xf32, #tpu.memory_space<vmem>>
        %get3A_907 = arith.index_cast %add3A_898 : i32 to index
        %get3A_908 = arith.constant 0 : index
        %get3A_909 = tpu.vector_load %get3A_906[%get3A_907, %get3A_908] {strides = array<i32>} : memref<128x64xf32, #tpu.memory_space<vmem>>, vector<16xf32>,
        %get3A_910 = arith.constant 0 : i32
        %get3A_911 = arith.constant 0 : i32
        %get3A_912 = tpu.memref_slice %arg16[%scan3A_103, %get3A_910, %get3A_911] : memref<2x128x64xf32, #tpu.memory_space<vmem>> -> memref<1x128x64xf32, #tpu.memory_space<vmem>>
        %get3A_913 = tpu.memref_squeeze %get3A_912 : memref<1x128x64xf32, #tpu.memory_space<vmem>> -> memref<128x64xf32, #tpu.memory_space<vmem>>
        %get3A_914 = arith.index_cast %add3A_898 : i32 to index
        %get3A_915 = arith.constant 0 : index
        %get3A_916 = tpu.vector_load %get3A_913[%get3A_914, %get3A_915] {strides = array<i32>} : memref<128x64xf32, #tpu.memory_space<vmem>>, vector<16xf32>,
        %get3A_917 = arith.index_cast %squeeze3A_900 : i32 to index
        %get3A_918 = arith.constant 0 : index
        %get3A_919 = tpu.vector_load %arg17[%get3A_917, %get3A_918] {strides = array<i32>} : memref<1000x64xf32, #tpu.memory_space<vmem>>, vector<16xf32>,
        %mul3A_920 = arith.mulf %get3A_909, %get3A_919 : vector<16xf32>
        %mul3A_921 = arith.mulf %mul3A_920, %get3A_916 : vector<16xf32>
        %add3A_922 = arith.addf %broadcast_in_dim3A_902, %mul3A_921 : vector<16xf32>
        %get3A_923 = arith.constant 0 : i32
        %get3A_924 = arith.constant 0 : i32
        %get3A_925 = tpu.memref_slice %arg15[%scan3A_101, %get3A_923, %get3A_924] : memref<2x128x64xf32, #tpu.memory_space<vmem>> -> memref<1x128x64xf32, #tpu.memory_space<vmem>>
        %get3A_926 = tpu.memref_squeeze %get3A_925 : memref<1x128x64xf32, #tpu.memory_space<vmem>> -> memref<128x64xf32, #tpu.memory_space<vmem>>
        %get3A_927 = arith.index_cast %add3A_898 : i32 to index
        %get3A_928 = arith.constant 16 : index
        %get3A_929 = tpu.vector_load %get3A_926[%get3A_927, %get3A_928] {strides = array<i32>} : memref<128x64xf32, #tpu.memory_space<vmem>>, vector<16xf32>,
        %get3A_930 = arith.constant 0 : i32
        %get3A_931 = arith.constant 0 : i32
        %get3A_932 = tpu.memref_slice %arg16[%scan3A_103, %get3A_930, %get3A_931] : memref<2x128x64xf32, #tpu.memory_space<vmem>> -> memref<1x128x64xf32, #tpu.memory_space<vmem>>
        %get3A_933 = tpu.memref_squeeze %get3A_932 : memref<1x128x64xf32, #tpu.memory_space<vmem>> -> memref<128x64xf32, #tpu.memory_space<vmem>>
        %get3A_934 = arith.index_cast %add3A_898 : i32 to index
        %get3A_935 = arith.constant 16 : index
        %get3A_936 = tpu.vector_load %get3A_933[%get3A_934, %get3A_935] {strides = array<i32>} : memref<128x64xf32, #tpu.memory_space<vmem>>, vector<16xf32>,
        %get3A_937 = arith.index_cast %squeeze3A_900 : i32 to index
        %get3A_938 = arith.constant 16 : index
        %get3A_939 = tpu.vector_load %arg17[%get3A_937, %get3A_938] {strides = array<i32>} : memref<1000x64xf32, #tpu.memory_space<vmem>>, vector<16xf32>,
        %mul3A_940 = arith.mulf %get3A_929, %get3A_939 : vector<16xf32>
        %mul3A_941 = arith.mulf %mul3A_940, %get3A_936 : vector<16xf32>
        %add3A_942 = arith.addf %add3A_922, %mul3A_941 : vector<16xf32>
        %get3A_943 = arith.constant 0 : i32
        %get3A_944 = arith.constant 0 : i32
        %get3A_945 = tpu.memref_slice %arg15[%scan3A_101, %get3A_943, %get3A_944] : memref<2x128x64xf32, #tpu.memory_space<vmem>> -> memref<1x128x64xf32, #tpu.memory_space<vmem>>
        %get3A_946 = tpu.memref_squeeze %get3A_945 : memref<1x128x64xf32, #tpu.memory_space<vmem>> -> memref<128x64xf32, #tpu.memory_space<vmem>>
        %get3A_947 = arith.index_cast %add3A_898 : i32 to index
        %get3A_948 = arith.constant 32 : index
        %get3A_949 = tpu.vector_load %get3A_946[%get3A_947, %get3A_948] {strides = array<i32>} : memref<128x64xf32, #tpu.memory_space<vmem>>, vector<16xf32>,
        %get3A_950 = arith.constant 0 : i32
        %get3A_951 = arith.constant 0 : i32
        %get3A_952 = tpu.memref_slice %arg16[%scan3A_103, %get3A_950, %get3A_951] : memref<2x128x64xf32, #tpu.memory_space<vmem>> -> memref<1x128x64xf32, #tpu.memory_space<vmem>>
        %get3A_953 = tpu.memref_squeeze %get3A_952 : memref<1x128x64xf32, #tpu.memory_space<vmem>> -> memref<128x64xf32, #tpu.memory_space<vmem>>
        %get3A_954 = arith.index_cast %add3A_898 : i32 to index
        %get3A_955 = arith.constant 32 : index
        %get3A_956 = tpu.vector_load %get3A_953[%get3A_954, %get3A_955] {strides = array<i32>} : memref<128x64xf32, #tpu.memory_space<vmem>>, vector<16xf32>,
        %get3A_957 = arith.index_cast %squeeze3A_900 : i32 to index
        %get3A_958 = arith.constant 32 : index
        %get3A_959 = tpu.vector_load %arg17[%get3A_957, %get3A_958] {strides = array<i32>} : memref<1000x64xf32, #tpu.memory_space<vmem>>, vector<16xf32>,
        %mul3A_960 = arith.mulf %get3A_949, %get3A_959 : vector<16xf32>
        %mul3A_961 = arith.mulf %mul3A_960, %get3A_956 : vector<16xf32>
        %add3A_962 = arith.addf %add3A_942, %mul3A_961 : vector<16xf32>
        %get3A_963 = arith.constant 0 : i32
        %get3A_964 = arith.constant 0 : i32
        %get3A_965 = tpu.memref_slice %arg15[%scan3A_101, %get3A_963, %get3A_964] : memref<2x128x64xf32, #tpu.memory_space<vmem>> -> memref<1x128x64xf32, #tpu.memory_space<vmem>>
        %get3A_966 = tpu.memref_squeeze %get3A_965 : memref<1x128x64xf32, #tpu.memory_space<vmem>> -> memref<128x64xf32, #tpu.memory_space<vmem>>
        %get3A_967 = arith.index_cast %add3A_898 : i32 to index
        %get3A_968 = arith.constant 48 : index
        %get3A_969 = tpu.vector_load %get3A_966[%get3A_967, %get3A_968] {strides = array<i32>} : memref<128x64xf32, #tpu.memory_space<vmem>>, vector<16xf32>,
        %get3A_970 = arith.constant 0 : i32
        %get3A_971 = arith.constant 0 : i32
        %get3A_972 = tpu.memref_slice %arg16[%scan3A_103, %get3A_970, %get3A_971] : memref<2x128x64xf32, #tpu.memory_space<vmem>> -> memref<1x128x64xf32, #tpu.memory_space<vmem>>
        %get3A_973 = tpu.memref_squeeze %get3A_972 : memref<1x128x64xf32, #tpu.memory_space<vmem>> -> memref<128x64xf32, #tpu.memory_space<vmem>>
        %get3A_974 = arith.index_cast %add3A_898 : i32 to index
        %get3A_975 = arith.constant 48 : index
        %get3A_976 = tpu.vector_load %get3A_973[%get3A_974, %get3A_975] {strides = array<i32>} : memref<128x64xf32, #tpu.memory_space<vmem>>, vector<16xf32>,
        %get3A_977 = arith.index_cast %squeeze3A_900 : i32 to index
        %get3A_978 = arith.constant 48 : index
        %get3A_979 = tpu.vector_load %arg17[%get3A_977, %get3A_978] {strides = array<i32>} : memref<1000x64xf32, #tpu.memory_space<vmem>>, vector<16xf32>,
        %mul3A_980 = arith.mulf %get3A_969, %get3A_979 : vector<16xf32>
        %mul3A_981 = arith.mulf %mul3A_980, %get3A_976 : vector<16xf32>
        %add3A_982 = arith.addf %add3A_962, %mul3A_981 : vector<16xf32>
        %reduce_sum3A_983 = arith.constant true
        %reduce_sum3A_984 = vector.broadcast %reduce_sum3A_983 : i1 to vector<16xi1>
        %reduce_sum3A_985 = tpu.scan <sum>, %add3A_982 masked %reduce_sum3A_984 : vector<16xf32>, vector<16xi1> -> vector<16xf32>
        %reduce_sum3A_986 = vector.extract %reduce_sum3A_985[15] : f32 from vector<16xf32>
        %eq3A_987 = arith.constant 6 : i32
        %eq3A_988 = vector.broadcast %eq3A_987 : i32 to vector<16xi32>
        %eq3A_989 = arith.cmpi eq, %iota3A, %eq3A_988 : vector<16xi32>
        %broadcast_in_dim3A_990 = vector.broadcast %reduce_sum3A_986 : f32 to vector<16xf32>
        %select_n3A_991 = arith.select %eq3A_989, %broadcast_in_dim3A_990, %select_n3A_894 : vector<16xi1>, vector<16xf32>
        %mul3A_992 = arith.constant 16 : i32
        %mul3A_993 = arith.muli %scan3A_311, %mul3A_992 : i32
        %add3A_994 = arith.constant 7 : i32
        %add3A_995 = arith.addi %mul3A_993, %add3A_994 : i32
        %slice3A_996 = vector.extract_strided_slice %get3A_315 {offsets = [7], sizes = [1], strides = [1]} : vector<16xi32> to vector<1xi32>
        %squeeze3A_997 = vector.extract %slice3A_996[0] : i32 from vector<1xi32>
        %broadcast_in_dim3A_998 = arith.constant 0.000000e+00 : f32
        %broadcast_in_dim3A_999 = vector.broadcast %broadcast_in_dim3A_998 : f32 to vector<16xf32>
        %get3A_1000 = arith.constant 0 : i32
        %get3A_1001 = arith.constant 0 : i32
        %get3A_1002 = tpu.memref_slice %arg15[%scan3A_101, %get3A_1000, %get3A_1001] : memref<2x128x64xf32, #tpu.memory_space<vmem>> -> memref<1x128x64xf32, #tpu.memory_space<vmem>>
        %get3A_1003 = tpu.memref_squeeze %get3A_1002 : memref<1x128x64xf32, #tpu.memory_space<vmem>> -> memref<128x64xf32, #tpu.memory_space<vmem>>
        %get3A_1004 = arith.index_cast %add3A_995 : i32 to index
        %get3A_1005 = arith.constant 0 : index
        %get3A_1006 = tpu.vector_load %get3A_1003[%get3A_1004, %get3A_1005] {strides = array<i32>} : memref<128x64xf32, #tpu.memory_space<vmem>>, vector<16xf32>,
        %get3A_1007 = arith.constant 0 : i32
        %get3A_1008 = arith.constant 0 : i32
        %get3A_1009 = tpu.memref_slice %arg16[%scan3A_103, %get3A_1007, %get3A_1008] : memref<2x128x64xf32, #tpu.memory_space<vmem>> -> memref<1x128x64xf32, #tpu.memory_space<vmem>>
        %get3A_1010 = tpu.memref_squeeze %get3A_1009 : memref<1x128x64xf32, #tpu.memory_space<vmem>> -> memref<128x64xf32, #tpu.memory_space<vmem>>
        %get3A_1011 = arith.index_cast %add3A_995 : i32 to index
        %get3A_1012 = arith.constant 0 : index
        %get3A_1013 = tpu.vector_load %get3A_1010[%get3A_1011, %get3A_1012] {strides = array<i32>} : memref<128x64xf32, #tpu.memory_space<vmem>>, vector<16xf32>,
        %get3A_1014 = arith.index_cast %squeeze3A_997 : i32 to index
        %get3A_1015 = arith.constant 0 : index
        %get3A_1016 = tpu.vector_load %arg17[%get3A_1014, %get3A_1015] {strides = array<i32>} : memref<1000x64xf32, #tpu.memory_space<vmem>>, vector<16xf32>,
        %mul3A_1017 = arith.mulf %get3A_1006, %get3A_1016 : vector<16xf32>
        %mul3A_1018 = arith.mulf %mul3A_1017, %get3A_1013 : vector<16xf32>
        %add3A_1019 = arith.addf %broadcast_in_dim3A_999, %mul3A_1018 : vector<16xf32>
        %get3A_1020 = arith.constant 0 : i32
        %get3A_1021 = arith.constant 0 : i32
        %get3A_1022 = tpu.memref_slice %arg15[%scan3A_101, %get3A_1020, %get3A_1021] : memref<2x128x64xf32, #tpu.memory_space<vmem>> -> memref<1x128x64xf32, #tpu.memory_space<vmem>>
        %get3A_1023 = tpu.memref_squeeze %get3A_1022 : memref<1x128x64xf32, #tpu.memory_space<vmem>> -> memref<128x64xf32, #tpu.memory_space<vmem>>
        %get3A_1024 = arith.index_cast %add3A_995 : i32 to index
        %get3A_1025 = arith.constant 16 : index
        %get3A_1026 = tpu.vector_load %get3A_1023[%get3A_1024, %get3A_1025] {strides = array<i32>} : memref<128x64xf32, #tpu.memory_space<vmem>>, vector<16xf32>,
        %get3A_1027 = arith.constant 0 : i32
        %get3A_1028 = arith.constant 0 : i32
        %get3A_1029 = tpu.memref_slice %arg16[%scan3A_103, %get3A_1027, %get3A_1028] : memref<2x128x64xf32, #tpu.memory_space<vmem>> -> memref<1x128x64xf32, #tpu.memory_space<vmem>>
        %get3A_1030 = tpu.memref_squeeze %get3A_1029 : memref<1x128x64xf32, #tpu.memory_space<vmem>> -> memref<128x64xf32, #tpu.memory_space<vmem>>
        %get3A_1031 = arith.index_cast %add3A_995 : i32 to index
        %get3A_1032 = arith.constant 16 : index
        %get3A_1033 = tpu.vector_load %get3A_1030[%get3A_1031, %get3A_1032] {strides = array<i32>} : memref<128x64xf32, #tpu.memory_space<vmem>>, vector<16xf32>,
        %get3A_1034 = arith.index_cast %squeeze3A_997 : i32 to index
        %get3A_1035 = arith.constant 16 : index
        %get3A_1036 = tpu.vector_load %arg17[%get3A_1034, %get3A_1035] {strides = array<i32>} : memref<1000x64xf32, #tpu.memory_space<vmem>>, vector<16xf32>,
        %mul3A_1037 = arith.mulf %get3A_1026, %get3A_1036 : vector<16xf32>
        %mul3A_1038 = arith.mulf %mul3A_1037, %get3A_1033 : vector<16xf32>
        %add3A_1039 = arith.addf %add3A_1019, %mul3A_1038 : vector<16xf32>
        %get3A_1040 = arith.constant 0 : i32
        %get3A_1041 = arith.constant 0 : i32
        %get3A_1042 = tpu.memref_slice %arg15[%scan3A_101, %get3A_1040, %get3A_1041] : memref<2x128x64xf32, #tpu.memory_space<vmem>> -> memref<1x128x64xf32, #tpu.memory_space<vmem>>
        %get3A_1043 = tpu.memref_squeeze %get3A_1042 : memref<1x128x64xf32, #tpu.memory_space<vmem>> -> memref<128x64xf32, #tpu.memory_space<vmem>>
        %get3A_1044 = arith.index_cast %add3A_995 : i32 to index
        %get3A_1045 = arith.constant 32 : index
        %get3A_1046 = tpu.vector_load %get3A_1043[%get3A_1044, %get3A_1045] {strides = array<i32>} : memref<128x64xf32, #tpu.memory_space<vmem>>, vector<16xf32>,
        %get3A_1047 = arith.constant 0 : i32
        %get3A_1048 = arith.constant 0 : i32
        %get3A_1049 = tpu.memref_slice %arg16[%scan3A_103, %get3A_1047, %get3A_1048] : memref<2x128x64xf32, #tpu.memory_space<vmem>> -> memref<1x128x64xf32, #tpu.memory_space<vmem>>
        %get3A_1050 = tpu.memref_squeeze %get3A_1049 : memref<1x128x64xf32, #tpu.memory_space<vmem>> -> memref<128x64xf32, #tpu.memory_space<vmem>>
        %get3A_1051 = arith.index_cast %add3A_995 : i32 to index
        %get3A_1052 = arith.constant 32 : index
        %get3A_1053 = tpu.vector_load %get3A_1050[%get3A_1051, %get3A_1052] {strides = array<i32>} : memref<128x64xf32, #tpu.memory_space<vmem>>, vector<16xf32>,
        %get3A_1054 = arith.index_cast %squeeze3A_997 : i32 to index
        %get3A_1055 = arith.constant 32 : index
        %get3A_1056 = tpu.vector_load %arg17[%get3A_1054, %get3A_1055] {strides = array<i32>} : memref<1000x64xf32, #tpu.memory_space<vmem>>, vector<16xf32>,
        %mul3A_1057 = arith.mulf %get3A_1046, %get3A_1056 : vector<16xf32>
        %mul3A_1058 = arith.mulf %mul3A_1057, %get3A_1053 : vector<16xf32>
        %add3A_1059 = arith.addf %add3A_1039, %mul3A_1058 : vector<16xf32>
        %get3A_1060 = arith.constant 0 : i32
        %get3A_1061 = arith.constant 0 : i32
        %get3A_1062 = tpu.memref_slice %arg15[%scan3A_101, %get3A_1060, %get3A_1061] : memref<2x128x64xf32, #tpu.memory_space<vmem>> -> memref<1x128x64xf32, #tpu.memory_space<vmem>>
        %get3A_1063 = tpu.memref_squeeze %get3A_1062 : memref<1x128x64xf32, #tpu.memory_space<vmem>> -> memref<128x64xf32, #tpu.memory_space<vmem>>
        %get3A_1064 = arith.index_cast %add3A_995 : i32 to index
        %get3A_1065 = arith.constant 48 : index
        %get3A_1066 = tpu.vector_load %get3A_1063[%get3A_1064, %get3A_1065] {strides = array<i32>} : memref<128x64xf32, #tpu.memory_space<vmem>>, vector<16xf32>,
        %get3A_1067 = arith.constant 0 : i32
        %get3A_1068 = arith.constant 0 : i32
        %get3A_1069 = tpu.memref_slice %arg16[%scan3A_103, %get3A_1067, %get3A_1068] : memref<2x128x64xf32, #tpu.memory_space<vmem>> -> memref<1x128x64xf32, #tpu.memory_space<vmem>>
        %get3A_1070 = tpu.memref_squeeze %get3A_1069 : memref<1x128x64xf32, #tpu.memory_space<vmem>> -> memref<128x64xf32, #tpu.memory_space<vmem>>
        %get3A_1071 = arith.index_cast %add3A_995 : i32 to index
        %get3A_1072 = arith.constant 48 : index
        %get3A_1073 = tpu.vector_load %get3A_1070[%get3A_1071, %get3A_1072] {strides = array<i32>} : memref<128x64xf32, #tpu.memory_space<vmem>>, vector<16xf32>,
        %get3A_1074 = arith.index_cast %squeeze3A_997 : i32 to index
        %get3A_1075 = arith.constant 48 : index
        %get3A_1076 = tpu.vector_load %arg17[%get3A_1074, %get3A_1075] {strides = array<i32>} : memref<1000x64xf32, #tpu.memory_space<vmem>>, vector<16xf32>,
        %mul3A_1077 = arith.mulf %get3A_1066, %get3A_1076 : vector<16xf32>
        %mul3A_1078 = arith.mulf %mul3A_1077, %get3A_1073 : vector<16xf32>
        %add3A_1079 = arith.addf %add3A_1059, %mul3A_1078 : vector<16xf32>
        %reduce_sum3A_1080 = arith.constant true
        %reduce_sum3A_1081 = vector.broadcast %reduce_sum3A_1080 : i1 to vector<16xi1>
        %reduce_sum3A_1082 = tpu.scan <sum>, %add3A_1079 masked %reduce_sum3A_1081 : vector<16xf32>, vector<16xi1> -> vector<16xf32>
        %reduce_sum3A_1083 = vector.extract %reduce_sum3A_1082[15] : f32 from vector<16xf32>
        %eq3A_1084 = arith.constant 7 : i32
        %eq3A_1085 = vector.broadcast %eq3A_1084 : i32 to vector<16xi32>
        %eq3A_1086 = arith.cmpi eq, %iota3A, %eq3A_1085 : vector<16xi32>
        %broadcast_in_dim3A_1087 = vector.broadcast %reduce_sum3A_1083 : f32 to vector<16xf32>
        %select_n3A_1088 = arith.select %eq3A_1086, %broadcast_in_dim3A_1087, %select_n3A_991 : vector<16xi1>, vector<16xf32>
        %mul3A_1089 = arith.constant 16 : i32
        %mul3A_1090 = arith.muli %scan3A_311, %mul3A_1089 : i32
        %add3A_1091 = arith.constant 8 : i32
        %add3A_1092 = arith.addi %mul3A_1090, %add3A_1091 : i32
        %slice3A_1093 = vector.extract_strided_slice %get3A_315 {offsets = [8], sizes = [1], strides = [1]} : vector<16xi32> to vector<1xi32>
        %squeeze3A_1094 = vector.extract %slice3A_1093[0] : i32 from vector<1xi32>
        %broadcast_in_dim3A_1095 = arith.constant 0.000000e+00 : f32
        %broadcast_in_dim3A_1096 = vector.broadcast %broadcast_in_dim3A_1095 : f32 to vector<16xf32>
        %get3A_1097 = arith.constant 0 : i32
        %get3A_1098 = arith.constant 0 : i32
        %get3A_1099 = tpu.memref_slice %arg15[%scan3A_101, %get3A_1097, %get3A_1098] : memref<2x128x64xf32, #tpu.memory_space<vmem>> -> memref<1x128x64xf32, #tpu.memory_space<vmem>>
        %get3A_1100 = tpu.memref_squeeze %get3A_1099 : memref<1x128x64xf32, #tpu.memory_space<vmem>> -> memref<128x64xf32, #tpu.memory_space<vmem>>
        %get3A_1101 = arith.index_cast %add3A_1092 : i32 to index
        %get3A_1102 = arith.constant 0 : index
        %get3A_1103 = tpu.vector_load %get3A_1100[%get3A_1101, %get3A_1102] {strides = array<i32>} : memref<128x64xf32, #tpu.memory_space<vmem>>, vector<16xf32>,
        %get3A_1104 = arith.constant 0 : i32
        %get3A_1105 = arith.constant 0 : i32
        %get3A_1106 = tpu.memref_slice %arg16[%scan3A_103, %get3A_1104, %get3A_1105] : memref<2x128x64xf32, #tpu.memory_space<vmem>> -> memref<1x128x64xf32, #tpu.memory_space<vmem>>
        %get3A_1107 = tpu.memref_squeeze %get3A_1106 : memref<1x128x64xf32, #tpu.memory_space<vmem>> -> memref<128x64xf32, #tpu.memory_space<vmem>>
        %get3A_1108 = arith.index_cast %add3A_1092 : i32 to index
        %get3A_1109 = arith.constant 0 : index
        %get3A_1110 = tpu.vector_load %get3A_1107[%get3A_1108, %get3A_1109] {strides = array<i32>} : memref<128x64xf32, #tpu.memory_space<vmem>>, vector<16xf32>,
        %get3A_1111 = arith.index_cast %squeeze3A_1094 : i32 to index
        %get3A_1112 = arith.constant 0 : index
        %get3A_1113 = tpu.vector_load %arg17[%get3A_1111, %get3A_1112] {strides = array<i32>} : memref<1000x64xf32, #tpu.memory_space<vmem>>, vector<16xf32>,
        %mul3A_1114 = arith.mulf %get3A_1103, %get3A_1113 : vector<16xf32>
        %mul3A_1115 = arith.mulf %mul3A_1114, %get3A_1110 : vector<16xf32>
        %add3A_1116 = arith.addf %broadcast_in_dim3A_1096, %mul3A_1115 : vector<16xf32>
        %get3A_1117 = arith.constant 0 : i32
        %get3A_1118 = arith.constant 0 : i32
        %get3A_1119 = tpu.memref_slice %arg15[%scan3A_101, %get3A_1117, %get3A_1118] : memref<2x128x64xf32, #tpu.memory_space<vmem>> -> memref<1x128x64xf32, #tpu.memory_space<vmem>>
        %get3A_1120 = tpu.memref_squeeze %get3A_1119 : memref<1x128x64xf32, #tpu.memory_space<vmem>> -> memref<128x64xf32, #tpu.memory_space<vmem>>
        %get3A_1121 = arith.index_cast %add3A_1092 : i32 to index
        %get3A_1122 = arith.constant 16 : index
        %get3A_1123 = tpu.vector_load %get3A_1120[%get3A_1121, %get3A_1122] {strides = array<i32>} : memref<128x64xf32, #tpu.memory_space<vmem>>, vector<16xf32>,
        %get3A_1124 = arith.constant 0 : i32
        %get3A_1125 = arith.constant 0 : i32
        %get3A_1126 = tpu.memref_slice %arg16[%scan3A_103, %get3A_1124, %get3A_1125] : memref<2x128x64xf32, #tpu.memory_space<vmem>> -> memref<1x128x64xf32, #tpu.memory_space<vmem>>
        %get3A_1127 = tpu.memref_squeeze %get3A_1126 : memref<1x128x64xf32, #tpu.memory_space<vmem>> -> memref<128x64xf32, #tpu.memory_space<vmem>>
        %get3A_1128 = arith.index_cast %add3A_1092 : i32 to index
        %get3A_1129 = arith.constant 16 : index
        %get3A_1130 = tpu.vector_load %get3A_1127[%get3A_1128, %get3A_1129] {strides = array<i32>} : memref<128x64xf32, #tpu.memory_space<vmem>>, vector<16xf32>,
        %get3A_1131 = arith.index_cast %squeeze3A_1094 : i32 to index
        %get3A_1132 = arith.constant 16 : index
        %get3A_1133 = tpu.vector_load %arg17[%get3A_1131, %get3A_1132] {strides = array<i32>} : memref<1000x64xf32, #tpu.memory_space<vmem>>, vector<16xf32>,
        %mul3A_1134 = arith.mulf %get3A_1123, %get3A_1133 : vector<16xf32>
        %mul3A_1135 = arith.mulf %mul3A_1134, %get3A_1130 : vector<16xf32>
        %add3A_1136 = arith.addf %add3A_1116, %mul3A_1135 : vector<16xf32>
        %get3A_1137 = arith.constant 0 : i32
        %get3A_1138 = arith.constant 0 : i32
        %get3A_1139 = tpu.memref_slice %arg15[%scan3A_101, %get3A_1137, %get3A_1138] : memref<2x128x64xf32, #tpu.memory_space<vmem>> -> memref<1x128x64xf32, #tpu.memory_space<vmem>>
        %get3A_1140 = tpu.memref_squeeze %get3A_1139 : memref<1x128x64xf32, #tpu.memory_space<vmem>> -> memref<128x64xf32, #tpu.memory_space<vmem>>
        %get3A_1141 = arith.index_cast %add3A_1092 : i32 to index
        %get3A_1142 = arith.constant 32 : index
        %get3A_1143 = tpu.vector_load %get3A_1140[%get3A_1141, %get3A_1142] {strides = array<i32>} : memref<128x64xf32, #tpu.memory_space<vmem>>, vector<16xf32>,
        %get3A_1144 = arith.constant 0 : i32
        %get3A_1145 = arith.constant 0 : i32
        %get3A_1146 = tpu.memref_slice %arg16[%scan3A_103, %get3A_1144, %get3A_1145] : memref<2x128x64xf32, #tpu.memory_space<vmem>> -> memref<1x128x64xf32, #tpu.memory_space<vmem>>
        %get3A_1147 = tpu.memref_squeeze %get3A_1146 : memref<1x128x64xf32, #tpu.memory_space<vmem>> -> memref<128x64xf32, #tpu.memory_space<vmem>>
        %get3A_1148 = arith.index_cast %add3A_1092 : i32 to index
        %get3A_1149 = arith.constant 32 : index
        %get3A_1150 = tpu.vector_load %get3A_1147[%get3A_1148, %get3A_1149] {strides = array<i32>} : memref<128x64xf32, #tpu.memory_space<vmem>>, vector<16xf32>,
        %get3A_1151 = arith.index_cast %squeeze3A_1094 : i32 to index
        %get3A_1152 = arith.constant 32 : index
        %get3A_1153 = tpu.vector_load %arg17[%get3A_1151, %get3A_1152] {strides = array<i32>} : memref<1000x64xf32, #tpu.memory_space<vmem>>, vector<16xf32>,
        %mul3A_1154 = arith.mulf %get3A_1143, %get3A_1153 : vector<16xf32>
        %mul3A_1155 = arith.mulf %mul3A_1154, %get3A_1150 : vector<16xf32>
        %add3A_1156 = arith.addf %add3A_1136, %mul3A_1155 : vector<16xf32>
        %get3A_1157 = arith.constant 0 : i32
        %get3A_1158 = arith.constant 0 : i32
        %get3A_1159 = tpu.memref_slice %arg15[%scan3A_101, %get3A_1157, %get3A_1158] : memref<2x128x64xf32, #tpu.memory_space<vmem>> -> memref<1x128x64xf32, #tpu.memory_space<vmem>>
        %get3A_1160 = tpu.memref_squeeze %get3A_1159 : memref<1x128x64xf32, #tpu.memory_space<vmem>> -> memref<128x64xf32, #tpu.memory_space<vmem>>
        %get3A_1161 = arith.index_cast %add3A_1092 : i32 to index
        %get3A_1162 = arith.constant 48 : index
        %get3A_1163 = tpu.vector_load %get3A_1160[%get3A_1161, %get3A_1162] {strides = array<i32>} : memref<128x64xf32, #tpu.memory_space<vmem>>, vector<16xf32>,
        %get3A_1164 = arith.constant 0 : i32
        %get3A_1165 = arith.constant 0 : i32
        %get3A_1166 = tpu.memref_slice %arg16[%scan3A_103, %get3A_1164, %get3A_1165] : memref<2x128x64xf32, #tpu.memory_space<vmem>> -> memref<1x128x64xf32, #tpu.memory_space<vmem>>
        %get3A_1167 = tpu.memref_squeeze %get3A_1166 : memref<1x128x64xf32, #tpu.memory_space<vmem>> -> memref<128x64xf32, #tpu.memory_space<vmem>>
        %get3A_1168 = arith.index_cast %add3A_1092 : i32 to index
        %get3A_1169 = arith.constant 48 : index
        %get3A_1170 = tpu.vector_load %get3A_1167[%get3A_1168, %get3A_1169] {strides = array<i32>} : memref<128x64xf32, #tpu.memory_space<vmem>>, vector<16xf32>,
        %get3A_1171 = arith.index_cast %squeeze3A_1094 : i32 to index
        %get3A_1172 = arith.constant 48 : index
        %get3A_1173 = tpu.vector_load %arg17[%get3A_1171, %get3A_1172] {strides = array<i32>} : memref<1000x64xf32, #tpu.memory_space<vmem>>, vector<16xf32>,
        %mul3A_1174 = arith.mulf %get3A_1163, %get3A_1173 : vector<16xf32>
        %mul3A_1175 = arith.mulf %mul3A_1174, %get3A_1170 : vector<16xf32>
        %add3A_1176 = arith.addf %add3A_1156, %mul3A_1175 : vector<16xf32>
        %reduce_sum3A_1177 = arith.constant true
        %reduce_sum3A_1178 = vector.broadcast %reduce_sum3A_1177 : i1 to vector<16xi1>
        %reduce_sum3A_1179 = tpu.scan <sum>, %add3A_1176 masked %reduce_sum3A_1178 : vector<16xf32>, vector<16xi1> -> vector<16xf32>
        %reduce_sum3A_1180 = vector.extract %reduce_sum3A_1179[15] : f32 from vector<16xf32>
        %eq3A_1181 = arith.constant 8 : i32
        %eq3A_1182 = vector.broadcast %eq3A_1181 : i32 to vector<16xi32>
        %eq3A_1183 = arith.cmpi eq, %iota3A, %eq3A_1182 : vector<16xi32>
        %broadcast_in_dim3A_1184 = vector.broadcast %reduce_sum3A_1180 : f32 to vector<16xf32>
        %select_n3A_1185 = arith.select %eq3A_1183, %broadcast_in_dim3A_1184, %select_n3A_1088 : vector<16xi1>, vector<16xf32>
        %mul3A_1186 = arith.constant 16 : i32
        %mul3A_1187 = arith.muli %scan3A_311, %mul3A_1186 : i32
        %add3A_1188 = arith.constant 9 : i32
        %add3A_1189 = arith.addi %mul3A_1187, %add3A_1188 : i32
        %slice3A_1190 = vector.extract_strided_slice %get3A_315 {offsets = [9], sizes = [1], strides = [1]} : vector<16xi32> to vector<1xi32>
        %squeeze3A_1191 = vector.extract %slice3A_1190[0] : i32 from vector<1xi32>
        %broadcast_in_dim3A_1192 = arith.constant 0.000000e+00 : f32
        %broadcast_in_dim3A_1193 = vector.broadcast %broadcast_in_dim3A_1192 : f32 to vector<16xf32>
        %get3A_1194 = arith.constant 0 : i32
        %get3A_1195 = arith.constant 0 : i32
        %get3A_1196 = tpu.memref_slice %arg15[%scan3A_101, %get3A_1194, %get3A_1195] : memref<2x128x64xf32, #tpu.memory_space<vmem>> -> memref<1x128x64xf32, #tpu.memory_space<vmem>>
        %get3A_1197 = tpu.memref_squeeze %get3A_1196 : memref<1x128x64xf32, #tpu.memory_space<vmem>> -> memref<128x64xf32, #tpu.memory_space<vmem>>
        %get3A_1198 = arith.index_cast %add3A_1189 : i32 to index
        %get3A_1199 = arith.constant 0 : index
        %get3A_1200 = tpu.vector_load %get3A_1197[%get3A_1198, %get3A_1199] {strides = array<i32>} : memref<128x64xf32, #tpu.memory_space<vmem>>, vector<16xf32>,
        %get3A_1201 = arith.constant 0 : i32
        %get3A_1202 = arith.constant 0 : i32
        %get3A_1203 = tpu.memref_slice %arg16[%scan3A_103, %get3A_1201, %get3A_1202] : memref<2x128x64xf32, #tpu.memory_space<vmem>> -> memref<1x128x64xf32, #tpu.memory_space<vmem>>
        %get3A_1204 = tpu.memref_squeeze %get3A_1203 : memref<1x128x64xf32, #tpu.memory_space<vmem>> -> memref<128x64xf32, #tpu.memory_space<vmem>>
        %get3A_1205 = arith.index_cast %add3A_1189 : i32 to index
        %get3A_1206 = arith.constant 0 : index
        %get3A_1207 = tpu.vector_load %get3A_1204[%get3A_1205, %get3A_1206] {strides = array<i32>} : memref<128x64xf32, #tpu.memory_space<vmem>>, vector<16xf32>,
        %get3A_1208 = arith.index_cast %squeeze3A_1191 : i32 to index
        %get3A_1209 = arith.constant 0 : index
        %get3A_1210 = tpu.vector_load %arg17[%get3A_1208, %get3A_1209] {strides = array<i32>} : memref<1000x64xf32, #tpu.memory_space<vmem>>, vector<16xf32>,
        %mul3A_1211 = arith.mulf %get3A_1200, %get3A_1210 : vector<16xf32>
        %mul3A_1212 = arith.mulf %mul3A_1211, %get3A_1207 : vector<16xf32>
        %add3A_1213 = arith.addf %broadcast_in_dim3A_1193, %mul3A_1212 : vector<16xf32>
        %get3A_1214 = arith.constant 0 : i32
        %get3A_1215 = arith.constant 0 : i32
        %get3A_1216 = tpu.memref_slice %arg15[%scan3A_101, %get3A_1214, %get3A_1215] : memref<2x128x64xf32, #tpu.memory_space<vmem>> -> memref<1x128x64xf32, #tpu.memory_space<vmem>>
        %get3A_1217 = tpu.memref_squeeze %get3A_1216 : memref<1x128x64xf32, #tpu.memory_space<vmem>> -> memref<128x64xf32, #tpu.memory_space<vmem>>
        %get3A_1218 = arith.index_cast %add3A_1189 : i32 to index
        %get3A_1219 = arith.constant 16 : index
        %get3A_1220 = tpu.vector_load %get3A_1217[%get3A_1218, %get3A_1219] {strides = array<i32>} : memref<128x64xf32, #tpu.memory_space<vmem>>, vector<16xf32>,
        %get3A_1221 = arith.constant 0 : i32
        %get3A_1222 = arith.constant 0 : i32
        %get3A_1223 = tpu.memref_slice %arg16[%scan3A_103, %get3A_1221, %get3A_1222] : memref<2x128x64xf32, #tpu.memory_space<vmem>> -> memref<1x128x64xf32, #tpu.memory_space<vmem>>
        %get3A_1224 = tpu.memref_squeeze %get3A_1223 : memref<1x128x64xf32, #tpu.memory_space<vmem>> -> memref<128x64xf32, #tpu.memory_space<vmem>>
        %get3A_1225 = arith.index_cast %add3A_1189 : i32 to index
        %get3A_1226 = arith.constant 16 : index
        %get3A_1227 = tpu.vector_load %get3A_1224[%get3A_1225, %get3A_1226] {strides = array<i32>} : memref<128x64xf32, #tpu.memory_space<vmem>>, vector<16xf32>,
        %get3A_1228 = arith.index_cast %squeeze3A_1191 : i32 to index
        %get3A_1229 = arith.constant 16 : index
        %get3A_1230 = tpu.vector_load %arg17[%get3A_1228, %get3A_1229] {strides = array<i32>} : memref<1000x64xf32, #tpu.memory_space<vmem>>, vector<16xf32>,
        %mul3A_1231 = arith.mulf %get3A_1220, %get3A_1230 : vector<16xf32>
        %mul3A_1232 = arith.mulf %mul3A_1231, %get3A_1227 : vector<16xf32>
        %add3A_1233 = arith.addf %add3A_1213, %mul3A_1232 : vector<16xf32>
        %get3A_1234 = arith.constant 0 : i32
        %get3A_1235 = arith.constant 0 : i32
        %get3A_1236 = tpu.memref_slice %arg15[%scan3A_101, %get3A_1234, %get3A_1235] : memref<2x128x64xf32, #tpu.memory_space<vmem>> -> memref<1x128x64xf32, #tpu.memory_space<vmem>>
        %get3A_1237 = tpu.memref_squeeze %get3A_1236 : memref<1x128x64xf32, #tpu.memory_space<vmem>> -> memref<128x64xf32, #tpu.memory_space<vmem>>
        %get3A_1238 = arith.index_cast %add3A_1189 : i32 to index
        %get3A_1239 = arith.constant 32 : index
        %get3A_1240 = tpu.vector_load %get3A_1237[%get3A_1238, %get3A_1239] {strides = array<i32>} : memref<128x64xf32, #tpu.memory_space<vmem>>, vector<16xf32>,
        %get3A_1241 = arith.constant 0 : i32
        %get3A_1242 = arith.constant 0 : i32
        %get3A_1243 = tpu.memref_slice %arg16[%scan3A_103, %get3A_1241, %get3A_1242] : memref<2x128x64xf32, #tpu.memory_space<vmem>> -> memref<1x128x64xf32, #tpu.memory_space<vmem>>
        %get3A_1244 = tpu.memref_squeeze %get3A_1243 : memref<1x128x64xf32, #tpu.memory_space<vmem>> -> memref<128x64xf32, #tpu.memory_space<vmem>>
        %get3A_1245 = arith.index_cast %add3A_1189 : i32 to index
        %get3A_1246 = arith.constant 32 : index
        %get3A_1247 = tpu.vector_load %get3A_1244[%get3A_1245, %get3A_1246] {strides = array<i32>} : memref<128x64xf32, #tpu.memory_space<vmem>>, vector<16xf32>,
        %get3A_1248 = arith.index_cast %squeeze3A_1191 : i32 to index
        %get3A_1249 = arith.constant 32 : index
        %get3A_1250 = tpu.vector_load %arg17[%get3A_1248, %get3A_1249] {strides = array<i32>} : memref<1000x64xf32, #tpu.memory_space<vmem>>, vector<16xf32>,
        %mul3A_1251 = arith.mulf %get3A_1240, %get3A_1250 : vector<16xf32>
        %mul3A_1252 = arith.mulf %mul3A_1251, %get3A_1247 : vector<16xf32>
        %add3A_1253 = arith.addf %add3A_1233, %mul3A_1252 : vector<16xf32>
        %get3A_1254 = arith.constant 0 : i32
        %get3A_1255 = arith.constant 0 : i32
        %get3A_1256 = tpu.memref_slice %arg15[%scan3A_101, %get3A_1254, %get3A_1255] : memref<2x128x64xf32, #tpu.memory_space<vmem>> -> memref<1x128x64xf32, #tpu.memory_space<vmem>>
        %get3A_1257 = tpu.memref_squeeze %get3A_1256 : memref<1x128x64xf32, #tpu.memory_space<vmem>> -> memref<128x64xf32, #tpu.memory_space<vmem>>
        %get3A_1258 = arith.index_cast %add3A_1189 : i32 to index
        %get3A_1259 = arith.constant 48 : index
        %get3A_1260 = tpu.vector_load %get3A_1257[%get3A_1258, %get3A_1259] {strides = array<i32>} : memref<128x64xf32, #tpu.memory_space<vmem>>, vector<16xf32>,
        %get3A_1261 = arith.constant 0 : i32
        %get3A_1262 = arith.constant 0 : i32
        %get3A_1263 = tpu.memref_slice %arg16[%scan3A_103, %get3A_1261, %get3A_1262] : memref<2x128x64xf32, #tpu.memory_space<vmem>> -> memref<1x128x64xf32, #tpu.memory_space<vmem>>
        %get3A_1264 = tpu.memref_squeeze %get3A_1263 : memref<1x128x64xf32, #tpu.memory_space<vmem>> -> memref<128x64xf32, #tpu.memory_space<vmem>>
        %get3A_1265 = arith.index_cast %add3A_1189 : i32 to index
        %get3A_1266 = arith.constant 48 : index
        %get3A_1267 = tpu.vector_load %get3A_1264[%get3A_1265, %get3A_1266] {strides = array<i32>} : memref<128x64xf32, #tpu.memory_space<vmem>>, vector<16xf32>,
        %get3A_1268 = arith.index_cast %squeeze3A_1191 : i32 to index
        %get3A_1269 = arith.constant 48 : index
        %get3A_1270 = tpu.vector_load %arg17[%get3A_1268, %get3A_1269] {strides = array<i32>} : memref<1000x64xf32, #tpu.memory_space<vmem>>, vector<16xf32>,
        %mul3A_1271 = arith.mulf %get3A_1260, %get3A_1270 : vector<16xf32>
        %mul3A_1272 = arith.mulf %mul3A_1271, %get3A_1267 : vector<16xf32>
        %add3A_1273 = arith.addf %add3A_1253, %mul3A_1272 : vector<16xf32>
        %reduce_sum3A_1274 = arith.constant true
        %reduce_sum3A_1275 = vector.broadcast %reduce_sum3A_1274 : i1 to vector<16xi1>
        %reduce_sum3A_1276 = tpu.scan <sum>, %add3A_1273 masked %reduce_sum3A_1275 : vector<16xf32>, vector<16xi1> -> vector<16xf32>
        %reduce_sum3A_1277 = vector.extract %reduce_sum3A_1276[15] : f32 from vector<16xf32>
        %eq3A_1278 = arith.constant 9 : i32
        %eq3A_1279 = vector.broadcast %eq3A_1278 : i32 to vector<16xi32>
        %eq3A_1280 = arith.cmpi eq, %iota3A, %eq3A_1279 : vector<16xi32>
        %broadcast_in_dim3A_1281 = vector.broadcast %reduce_sum3A_1277 : f32 to vector<16xf32>
        %select_n3A_1282 = arith.select %eq3A_1280, %broadcast_in_dim3A_1281, %select_n3A_1185 : vector<16xi1>, vector<16xf32>
        %mul3A_1283 = arith.constant 16 : i32
        %mul3A_1284 = arith.muli %scan3A_311, %mul3A_1283 : i32
        %add3A_1285 = arith.constant 10 : i32
        %add3A_1286 = arith.addi %mul3A_1284, %add3A_1285 : i32
        %slice3A_1287 = vector.extract_strided_slice %get3A_315 {offsets = [10], sizes = [1], strides = [1]} : vector<16xi32> to vector<1xi32>
        %squeeze3A_1288 = vector.extract %slice3A_1287[0] : i32 from vector<1xi32>
        %broadcast_in_dim3A_1289 = arith.constant 0.000000e+00 : f32
        %broadcast_in_dim3A_1290 = vector.broadcast %broadcast_in_dim3A_1289 : f32 to vector<16xf32>
        %get3A_1291 = arith.constant 0 : i32
        %get3A_1292 = arith.constant 0 : i32
        %get3A_1293 = tpu.memref_slice %arg15[%scan3A_101, %get3A_1291, %get3A_1292] : memref<2x128x64xf32, #tpu.memory_space<vmem>> -> memref<1x128x64xf32, #tpu.memory_space<vmem>>
        %get3A_1294 = tpu.memref_squeeze %get3A_1293 : memref<1x128x64xf32, #tpu.memory_space<vmem>> -> memref<128x64xf32, #tpu.memory_space<vmem>>
        %get3A_1295 = arith.index_cast %add3A_1286 : i32 to index
        %get3A_1296 = arith.constant 0 : index
        %get3A_1297 = tpu.vector_load %get3A_1294[%get3A_1295, %get3A_1296] {strides = array<i32>} : memref<128x64xf32, #tpu.memory_space<vmem>>, vector<16xf32>,
        %get3A_1298 = arith.constant 0 : i32
        %get3A_1299 = arith.constant 0 : i32
        %get3A_1300 = tpu.memref_slice %arg16[%scan3A_103, %get3A_1298, %get3A_1299] : memref<2x128x64xf32, #tpu.memory_space<vmem>> -> memref<1x128x64xf32, #tpu.memory_space<vmem>>
        %get3A_1301 = tpu.memref_squeeze %get3A_1300 : memref<1x128x64xf32, #tpu.memory_space<vmem>> -> memref<128x64xf32, #tpu.memory_space<vmem>>
        %get3A_1302 = arith.index_cast %add3A_1286 : i32 to index
        %get3A_1303 = arith.constant 0 : index
        %get3A_1304 = tpu.vector_load %get3A_1301[%get3A_1302, %get3A_1303] {strides = array<i32>} : memref<128x64xf32, #tpu.memory_space<vmem>>, vector<16xf32>,
        %get3A_1305 = arith.index_cast %squeeze3A_1288 : i32 to index
        %get3A_1306 = arith.constant 0 : index
        %get3A_1307 = tpu.vector_load %arg17[%get3A_1305, %get3A_1306] {strides = array<i32>} : memref<1000x64xf32, #tpu.memory_space<vmem>>, vector<16xf32>,
        %mul3A_1308 = arith.mulf %get3A_1297, %get3A_1307 : vector<16xf32>
        %mul3A_1309 = arith.mulf %mul3A_1308, %get3A_1304 : vector<16xf32>
        %add3A_1310 = arith.addf %broadcast_in_dim3A_1290, %mul3A_1309 : vector<16xf32>
        %get3A_1311 = arith.constant 0 : i32
        %get3A_1312 = arith.constant 0 : i32
        %get3A_1313 = tpu.memref_slice %arg15[%scan3A_101, %get3A_1311, %get3A_1312] : memref<2x128x64xf32, #tpu.memory_space<vmem>> -> memref<1x128x64xf32, #tpu.memory_space<vmem>>
        %get3A_1314 = tpu.memref_squeeze %get3A_1313 : memref<1x128x64xf32, #tpu.memory_space<vmem>> -> memref<128x64xf32, #tpu.memory_space<vmem>>
        %get3A_1315 = arith.index_cast %add3A_1286 : i32 to index
        %get3A_1316 = arith.constant 16 : index
        %get3A_1317 = tpu.vector_load %get3A_1314[%get3A_1315, %get3A_1316] {strides = array<i32>} : memref<128x64xf32, #tpu.memory_space<vmem>>, vector<16xf32>,
        %get3A_1318 = arith.constant 0 : i32
        %get3A_1319 = arith.constant 0 : i32
        %get3A_1320 = tpu.memref_slice %arg16[%scan3A_103, %get3A_1318, %get3A_1319] : memref<2x128x64xf32, #tpu.memory_space<vmem>> -> memref<1x128x64xf32, #tpu.memory_space<vmem>>
        %get3A_1321 = tpu.memref_squeeze %get3A_1320 : memref<1x128x64xf32, #tpu.memory_space<vmem>> -> memref<128x64xf32, #tpu.memory_space<vmem>>
        %get3A_1322 = arith.index_cast %add3A_1286 : i32 to index
        %get3A_1323 = arith.constant 16 : index
        %get3A_1324 = tpu.vector_load %get3A_1321[%get3A_1322, %get3A_1323] {strides = array<i32>} : memref<128x64xf32, #tpu.memory_space<vmem>>, vector<16xf32>,
        %get3A_1325 = arith.index_cast %squeeze3A_1288 : i32 to index
        %get3A_1326 = arith.constant 16 : index
        %get3A_1327 = tpu.vector_load %arg17[%get3A_1325, %get3A_1326] {strides = array<i32>} : memref<1000x64xf32, #tpu.memory_space<vmem>>, vector<16xf32>,
        %mul3A_1328 = arith.mulf %get3A_1317, %get3A_1327 : vector<16xf32>
        %mul3A_1329 = arith.mulf %mul3A_1328, %get3A_1324 : vector<16xf32>
        %add3A_1330 = arith.addf %add3A_1310, %mul3A_1329 : vector<16xf32>
        %get3A_1331 = arith.constant 0 : i32
        %get3A_1332 = arith.constant 0 : i32
        %get3A_1333 = tpu.memref_slice %arg15[%scan3A_101, %get3A_1331, %get3A_1332] : memref<2x128x64xf32, #tpu.memory_space<vmem>> -> memref<1x128x64xf32, #tpu.memory_space<vmem>>
        %get3A_1334 = tpu.memref_squeeze %get3A_1333 : memref<1x128x64xf32, #tpu.memory_space<vmem>> -> memref<128x64xf32, #tpu.memory_space<vmem>>
        %get3A_1335 = arith.index_cast %add3A_1286 : i32 to index
        %get3A_1336 = arith.constant 32 : index
        %get3A_1337 = tpu.vector_load %get3A_1334[%get3A_1335, %get3A_1336] {strides = array<i32>} : memref<128x64xf32, #tpu.memory_space<vmem>>, vector<16xf32>,
        %get3A_1338 = arith.constant 0 : i32
        %get3A_1339 = arith.constant 0 : i32
        %get3A_1340 = tpu.memref_slice %arg16[%scan3A_103, %get3A_1338, %get3A_1339] : memref<2x128x64xf32, #tpu.memory_space<vmem>> -> memref<1x128x64xf32, #tpu.memory_space<vmem>>
        %get3A_1341 = tpu.memref_squeeze %get3A_1340 : memref<1x128x64xf32, #tpu.memory_space<vmem>> -> memref<128x64xf32, #tpu.memory_space<vmem>>
        %get3A_1342 = arith.index_cast %add3A_1286 : i32 to index
        %get3A_1343 = arith.constant 32 : index
        %get3A_1344 = tpu.vector_load %get3A_1341[%get3A_1342, %get3A_1343] {strides = array<i32>} : memref<128x64xf32, #tpu.memory_space<vmem>>, vector<16xf32>,
        %get3A_1345 = arith.index_cast %squeeze3A_1288 : i32 to index
        %get3A_1346 = arith.constant 32 : index
        %get3A_1347 = tpu.vector_load %arg17[%get3A_1345, %get3A_1346] {strides = array<i32>} : memref<1000x64xf32, #tpu.memory_space<vmem>>, vector<16xf32>,
        %mul3A_1348 = arith.mulf %get3A_1337, %get3A_1347 : vector<16xf32>
        %mul3A_1349 = arith.mulf %mul3A_1348, %get3A_1344 : vector<16xf32>
        %add3A_1350 = arith.addf %add3A_1330, %mul3A_1349 : vector<16xf32>
        %get3A_1351 = arith.constant 0 : i32
        %get3A_1352 = arith.constant 0 : i32
        %get3A_1353 = tpu.memref_slice %arg15[%scan3A_101, %get3A_1351, %get3A_1352] : memref<2x128x64xf32, #tpu.memory_space<vmem>> -> memref<1x128x64xf32, #tpu.memory_space<vmem>>
        %get3A_1354 = tpu.memref_squeeze %get3A_1353 : memref<1x128x64xf32, #tpu.memory_space<vmem>> -> memref<128x64xf32, #tpu.memory_space<vmem>>
        %get3A_1355 = arith.index_cast %add3A_1286 : i32 to index
        %get3A_1356 = arith.constant 48 : index
        %get3A_1357 = tpu.vector_load %get3A_1354[%get3A_1355, %get3A_1356] {strides = array<i32>} : memref<128x64xf32, #tpu.memory_space<vmem>>, vector<16xf32>,
        %get3A_1358 = arith.constant 0 : i32
        %get3A_1359 = arith.constant 0 : i32
        %get3A_1360 = tpu.memref_slice %arg16[%scan3A_103, %get3A_1358, %get3A_1359] : memref<2x128x64xf32, #tpu.memory_space<vmem>> -> memref<1x128x64xf32, #tpu.memory_space<vmem>>
        %get3A_1361 = tpu.memref_squeeze %get3A_1360 : memref<1x128x64xf32, #tpu.memory_space<vmem>> -> memref<128x64xf32, #tpu.memory_space<vmem>>
        %get3A_1362 = arith.index_cast %add3A_1286 : i32 to index
        %get3A_1363 = arith.constant 48 : index
        %get3A_1364 = tpu.vector_load %get3A_1361[%get3A_1362, %get3A_1363] {strides = array<i32>} : memref<128x64xf32, #tpu.memory_space<vmem>>, vector<16xf32>,
        %get3A_1365 = arith.index_cast %squeeze3A_1288 : i32 to index
        %get3A_1366 = arith.constant 48 : index
        %get3A_1367 = tpu.vector_load %arg17[%get3A_1365, %get3A_1366] {strides = array<i32>} : memref<1000x64xf32, #tpu.memory_space<vmem>>, vector<16xf32>,
        %mul3A_1368 = arith.mulf %get3A_1357, %get3A_1367 : vector<16xf32>
        %mul3A_1369 = arith.mulf %mul3A_1368, %get3A_1364 : vector<16xf32>
        %add3A_1370 = arith.addf %add3A_1350, %mul3A_1369 : vector<16xf32>
        %reduce_sum3A_1371 = arith.constant true
        %reduce_sum3A_1372 = vector.broadcast %reduce_sum3A_1371 : i1 to vector<16xi1>
        %reduce_sum3A_1373 = tpu.scan <sum>, %add3A_1370 masked %reduce_sum3A_1372 : vector<16xf32>, vector<16xi1> -> vector<16xf32>
        %reduce_sum3A_1374 = vector.extract %reduce_sum3A_1373[15] : f32 from vector<16xf32>
        %eq3A_1375 = arith.constant 10 : i32
        %eq3A_1376 = vector.broadcast %eq3A_1375 : i32 to vector<16xi32>
        %eq3A_1377 = arith.cmpi eq, %iota3A, %eq3A_1376 : vector<16xi32>
        %broadcast_in_dim3A_1378 = vector.broadcast %reduce_sum3A_1374 : f32 to vector<16xf32>
        %select_n3A_1379 = arith.select %eq3A_1377, %broadcast_in_dim3A_1378, %select_n3A_1282 : vector<16xi1>, vector<16xf32>
        %mul3A_1380 = arith.constant 16 : i32
        %mul3A_1381 = arith.muli %scan3A_311, %mul3A_1380 : i32
        %add3A_1382 = arith.constant 11 : i32
        %add3A_1383 = arith.addi %mul3A_1381, %add3A_1382 : i32
        %slice3A_1384 = vector.extract_strided_slice %get3A_315 {offsets = [11], sizes = [1], strides = [1]} : vector<16xi32> to vector<1xi32>
        %squeeze3A_1385 = vector.extract %slice3A_1384[0] : i32 from vector<1xi32>
        %broadcast_in_dim3A_1386 = arith.constant 0.000000e+00 : f32
        %broadcast_in_dim3A_1387 = vector.broadcast %broadcast_in_dim3A_1386 : f32 to vector<16xf32>
        %get3A_1388 = arith.constant 0 : i32
        %get3A_1389 = arith.constant 0 : i32
        %get3A_1390 = tpu.memref_slice %arg15[%scan3A_101, %get3A_1388, %get3A_1389] : memref<2x128x64xf32, #tpu.memory_space<vmem>> -> memref<1x128x64xf32, #tpu.memory_space<vmem>>
        %get3A_1391 = tpu.memref_squeeze %get3A_1390 : memref<1x128x64xf32, #tpu.memory_space<vmem>> -> memref<128x64xf32, #tpu.memory_space<vmem>>
        %get3A_1392 = arith.index_cast %add3A_1383 : i32 to index
        %get3A_1393 = arith.constant 0 : index
        %get3A_1394 = tpu.vector_load %get3A_1391[%get3A_1392, %get3A_1393] {strides = array<i32>} : memref<128x64xf32, #tpu.memory_space<vmem>>, vector<16xf32>,
        %get3A_1395 = arith.constant 0 : i32
        %get3A_1396 = arith.constant 0 : i32
        %get3A_1397 = tpu.memref_slice %arg16[%scan3A_103, %get3A_1395, %get3A_1396] : memref<2x128x64xf32, #tpu.memory_space<vmem>> -> memref<1x128x64xf32, #tpu.memory_space<vmem>>
        %get3A_1398 = tpu.memref_squeeze %get3A_1397 : memref<1x128x64xf32, #tpu.memory_space<vmem>> -> memref<128x64xf32, #tpu.memory_space<vmem>>
        %get3A_1399 = arith.index_cast %add3A_1383 : i32 to index
        %get3A_1400 = arith.constant 0 : index
        %get3A_1401 = tpu.vector_load %get3A_1398[%get3A_1399, %get3A_1400] {strides = array<i32>} : memref<128x64xf32, #tpu.memory_space<vmem>>, vector<16xf32>,
        %get3A_1402 = arith.index_cast %squeeze3A_1385 : i32 to index
        %get3A_1403 = arith.constant 0 : index
        %get3A_1404 = tpu.vector_load %arg17[%get3A_1402, %get3A_1403] {strides = array<i32>} : memref<1000x64xf32, #tpu.memory_space<vmem>>, vector<16xf32>,
        %mul3A_1405 = arith.mulf %get3A_1394, %get3A_1404 : vector<16xf32>
        %mul3A_1406 = arith.mulf %mul3A_1405, %get3A_1401 : vector<16xf32>
        %add3A_1407 = arith.addf %broadcast_in_dim3A_1387, %mul3A_1406 : vector<16xf32>
        %get3A_1408 = arith.constant 0 : i32
        %get3A_1409 = arith.constant 0 : i32
        %get3A_1410 = tpu.memref_slice %arg15[%scan3A_101, %get3A_1408, %get3A_1409] : memref<2x128x64xf32, #tpu.memory_space<vmem>> -> memref<1x128x64xf32, #tpu.memory_space<vmem>>
        %get3A_1411 = tpu.memref_squeeze %get3A_1410 : memref<1x128x64xf32, #tpu.memory_space<vmem>> -> memref<128x64xf32, #tpu.memory_space<vmem>>
        %get3A_1412 = arith.index_cast %add3A_1383 : i32 to index
        %get3A_1413 = arith.constant 16 : index
        %get3A_1414 = tpu.vector_load %get3A_1411[%get3A_1412, %get3A_1413] {strides = array<i32>} : memref<128x64xf32, #tpu.memory_space<vmem>>, vector<16xf32>,
        %get3A_1415 = arith.constant 0 : i32
        %get3A_1416 = arith.constant 0 : i32
        %get3A_1417 = tpu.memref_slice %arg16[%scan3A_103, %get3A_1415, %get3A_1416] : memref<2x128x64xf32, #tpu.memory_space<vmem>> -> memref<1x128x64xf32, #tpu.memory_space<vmem>>
        %get3A_1418 = tpu.memref_squeeze %get3A_1417 : memref<1x128x64xf32, #tpu.memory_space<vmem>> -> memref<128x64xf32, #tpu.memory_space<vmem>>
        %get3A_1419 = arith.index_cast %add3A_1383 : i32 to index
        %get3A_1420 = arith.constant 16 : index
        %get3A_1421 = tpu.vector_load %get3A_1418[%get3A_1419, %get3A_1420] {strides = array<i32>} : memref<128x64xf32, #tpu.memory_space<vmem>>, vector<16xf32>,
        %get3A_1422 = arith.index_cast %squeeze3A_1385 : i32 to index
        %get3A_1423 = arith.constant 16 : index
        %get3A_1424 = tpu.vector_load %arg17[%get3A_1422, %get3A_1423] {strides = array<i32>} : memref<1000x64xf32, #tpu.memory_space<vmem>>, vector<16xf32>,
        %mul3A_1425 = arith.mulf %get3A_1414, %get3A_1424 : vector<16xf32>
        %mul3A_1426 = arith.mulf %mul3A_1425, %get3A_1421 : vector<16xf32>
        %add3A_1427 = arith.addf %add3A_1407, %mul3A_1426 : vector<16xf32>
        %get3A_1428 = arith.constant 0 : i32
        %get3A_1429 = arith.constant 0 : i32
        %get3A_1430 = tpu.memref_slice %arg15[%scan3A_101, %get3A_1428, %get3A_1429] : memref<2x128x64xf32, #tpu.memory_space<vmem>> -> memref<1x128x64xf32, #tpu.memory_space<vmem>>
        %get3A_1431 = tpu.memref_squeeze %get3A_1430 : memref<1x128x64xf32, #tpu.memory_space<vmem>> -> memref<128x64xf32, #tpu.memory_space<vmem>>
        %get3A_1432 = arith.index_cast %add3A_1383 : i32 to index
        %get3A_1433 = arith.constant 32 : index
        %get3A_1434 = tpu.vector_load %get3A_1431[%get3A_1432, %get3A_1433] {strides = array<i32>} : memref<128x64xf32, #tpu.memory_space<vmem>>, vector<16xf32>,
        %get3A_1435 = arith.constant 0 : i32
        %get3A_1436 = arith.constant 0 : i32
        %get3A_1437 = tpu.memref_slice %arg16[%scan3A_103, %get3A_1435, %get3A_1436] : memref<2x128x64xf32, #tpu.memory_space<vmem>> -> memref<1x128x64xf32, #tpu.memory_space<vmem>>
        %get3A_1438 = tpu.memref_squeeze %get3A_1437 : memref<1x128x64xf32, #tpu.memory_space<vmem>> -> memref<128x64xf32, #tpu.memory_space<vmem>>
        %get3A_1439 = arith.index_cast %add3A_1383 : i32 to index
        %get3A_1440 = arith.constant 32 : index
        %get3A_1441 = tpu.vector_load %get3A_1438[%get3A_1439, %get3A_1440] {strides = array<i32>} : memref<128x64xf32, #tpu.memory_space<vmem>>, vector<16xf32>,
        %get3A_1442 = arith.index_cast %squeeze3A_1385 : i32 to index
        %get3A_1443 = arith.constant 32 : index
        %get3A_1444 = tpu.vector_load %arg17[%get3A_1442, %get3A_1443] {strides = array<i32>} : memref<1000x64xf32, #tpu.memory_space<vmem>>, vector<16xf32>,
        %mul3A_1445 = arith.mulf %get3A_1434, %get3A_1444 : vector<16xf32>
        %mul3A_1446 = arith.mulf %mul3A_1445, %get3A_1441 : vector<16xf32>
        %add3A_1447 = arith.addf %add3A_1427, %mul3A_1446 : vector<16xf32>
        %get3A_1448 = arith.constant 0 : i32
        %get3A_1449 = arith.constant 0 : i32
        %get3A_1450 = tpu.memref_slice %arg15[%scan3A_101, %get3A_1448, %get3A_1449] : memref<2x128x64xf32, #tpu.memory_space<vmem>> -> memref<1x128x64xf32, #tpu.memory_space<vmem>>
        %get3A_1451 = tpu.memref_squeeze %get3A_1450 : memref<1x128x64xf32, #tpu.memory_space<vmem>> -> memref<128x64xf32, #tpu.memory_space<vmem>>
        %get3A_1452 = arith.index_cast %add3A_1383 : i32 to index
        %get3A_1453 = arith.constant 48 : index
        %get3A_1454 = tpu.vector_load %get3A_1451[%get3A_1452, %get3A_1453] {strides = array<i32>} : memref<128x64xf32, #tpu.memory_space<vmem>>, vector<16xf32>,
        %get3A_1455 = arith.constant 0 : i32
        %get3A_1456 = arith.constant 0 : i32
        %get3A_1457 = tpu.memref_slice %arg16[%scan3A_103, %get3A_1455, %get3A_1456] : memref<2x128x64xf32, #tpu.memory_space<vmem>> -> memref<1x128x64xf32, #tpu.memory_space<vmem>>
        %get3A_1458 = tpu.memref_squeeze %get3A_1457 : memref<1x128x64xf32, #tpu.memory_space<vmem>> -> memref<128x64xf32, #tpu.memory_space<vmem>>
        %get3A_1459 = arith.index_cast %add3A_1383 : i32 to index
        %get3A_1460 = arith.constant 48 : index
        %get3A_1461 = tpu.vector_load %get3A_1458[%get3A_1459, %get3A_1460] {strides = array<i32>} : memref<128x64xf32, #tpu.memory_space<vmem>>, vector<16xf32>,
        %get3A_1462 = arith.index_cast %squeeze3A_1385 : i32 to index
        %get3A_1463 = arith.constant 48 : index
        %get3A_1464 = tpu.vector_load %arg17[%get3A_1462, %get3A_1463] {strides = array<i32>} : memref<1000x64xf32, #tpu.memory_space<vmem>>, vector<16xf32>,
        %mul3A_1465 = arith.mulf %get3A_1454, %get3A_1464 : vector<16xf32>
        %mul3A_1466 = arith.mulf %mul3A_1465, %get3A_1461 : vector<16xf32>
        %add3A_1467 = arith.addf %add3A_1447, %mul3A_1466 : vector<16xf32>
        %reduce_sum3A_1468 = arith.constant true
        %reduce_sum3A_1469 = vector.broadcast %reduce_sum3A_1468 : i1 to vector<16xi1>
        %reduce_sum3A_1470 = tpu.scan <sum>, %add3A_1467 masked %reduce_sum3A_1469 : vector<16xf32>, vector<16xi1> -> vector<16xf32>
        %reduce_sum3A_1471 = vector.extract %reduce_sum3A_1470[15] : f32 from vector<16xf32>
        %eq3A_1472 = arith.constant 11 : i32
        %eq3A_1473 = vector.broadcast %eq3A_1472 : i32 to vector<16xi32>
        %eq3A_1474 = arith.cmpi eq, %iota3A, %eq3A_1473 : vector<16xi32>
        %broadcast_in_dim3A_1475 = vector.broadcast %reduce_sum3A_1471 : f32 to vector<16xf32>
        %select_n3A_1476 = arith.select %eq3A_1474, %broadcast_in_dim3A_1475, %select_n3A_1379 : vector<16xi1>, vector<16xf32>
        %mul3A_1477 = arith.constant 16 : i32
        %mul3A_1478 = arith.muli %scan3A_311, %mul3A_1477 : i32
        %add3A_1479 = arith.constant 12 : i32
        %add3A_1480 = arith.addi %mul3A_1478, %add3A_1479 : i32
        %slice3A_1481 = vector.extract_strided_slice %get3A_315 {offsets = [12], sizes = [1], strides = [1]} : vector<16xi32> to vector<1xi32>
        %squeeze3A_1482 = vector.extract %slice3A_1481[0] : i32 from vector<1xi32>
        %broadcast_in_dim3A_1483 = arith.constant 0.000000e+00 : f32
        %broadcast_in_dim3A_1484 = vector.broadcast %broadcast_in_dim3A_1483 : f32 to vector<16xf32>
        %get3A_1485 = arith.constant 0 : i32
        %get3A_1486 = arith.constant 0 : i32
        %get3A_1487 = tpu.memref_slice %arg15[%scan3A_101, %get3A_1485, %get3A_1486] : memref<2x128x64xf32, #tpu.memory_space<vmem>> -> memref<1x128x64xf32, #tpu.memory_space<vmem>>
        %get3A_1488 = tpu.memref_squeeze %get3A_1487 : memref<1x128x64xf32, #tpu.memory_space<vmem>> -> memref<128x64xf32, #tpu.memory_space<vmem>>
        %get3A_1489 = arith.index_cast %add3A_1480 : i32 to index
        %get3A_1490 = arith.constant 0 : index
        %get3A_1491 = tpu.vector_load %get3A_1488[%get3A_1489, %get3A_1490] {strides = array<i32>} : memref<128x64xf32, #tpu.memory_space<vmem>>, vector<16xf32>,
        %get3A_1492 = arith.constant 0 : i32
        %get3A_1493 = arith.constant 0 : i32
        %get3A_1494 = tpu.memref_slice %arg16[%scan3A_103, %get3A_1492, %get3A_1493] : memref<2x128x64xf32, #tpu.memory_space<vmem>> -> memref<1x128x64xf32, #tpu.memory_space<vmem>>
        %get3A_1495 = tpu.memref_squeeze %get3A_1494 : memref<1x128x64xf32, #tpu.memory_space<vmem>> -> memref<128x64xf32, #tpu.memory_space<vmem>>
        %get3A_1496 = arith.index_cast %add3A_1480 : i32 to index
        %get3A_1497 = arith.constant 0 : index
        %get3A_1498 = tpu.vector_load %get3A_1495[%get3A_1496, %get3A_1497] {strides = array<i32>} : memref<128x64xf32, #tpu.memory_space<vmem>>, vector<16xf32>,
        %get3A_1499 = arith.index_cast %squeeze3A_1482 : i32 to index
        %get3A_1500 = arith.constant 0 : index
        %get3A_1501 = tpu.vector_load %arg17[%get3A_1499, %get3A_1500] {strides = array<i32>} : memref<1000x64xf32, #tpu.memory_space<vmem>>, vector<16xf32>,
        %mul3A_1502 = arith.mulf %get3A_1491, %get3A_1501 : vector<16xf32>
        %mul3A_1503 = arith.mulf %mul3A_1502, %get3A_1498 : vector<16xf32>
        %add3A_1504 = arith.addf %broadcast_in_dim3A_1484, %mul3A_1503 : vector<16xf32>
        %get3A_1505 = arith.constant 0 : i32
        %get3A_1506 = arith.constant 0 : i32
        %get3A_1507 = tpu.memref_slice %arg15[%scan3A_101, %get3A_1505, %get3A_1506] : memref<2x128x64xf32, #tpu.memory_space<vmem>> -> memref<1x128x64xf32, #tpu.memory_space<vmem>>
        %get3A_1508 = tpu.memref_squeeze %get3A_1507 : memref<1x128x64xf32, #tpu.memory_space<vmem>> -> memref<128x64xf32, #tpu.memory_space<vmem>>
        %get3A_1509 = arith.index_cast %add3A_1480 : i32 to index
        %get3A_1510 = arith.constant 16 : index
        %get3A_1511 = tpu.vector_load %get3A_1508[%get3A_1509, %get3A_1510] {strides = array<i32>} : memref<128x64xf32, #tpu.memory_space<vmem>>, vector<16xf32>,
        %get3A_1512 = arith.constant 0 : i32
        %get3A_1513 = arith.constant 0 : i32
        %get3A_1514 = tpu.memref_slice %arg16[%scan3A_103, %get3A_1512, %get3A_1513] : memref<2x128x64xf32, #tpu.memory_space<vmem>> -> memref<1x128x64xf32, #tpu.memory_space<vmem>>
        %get3A_1515 = tpu.memref_squeeze %get3A_1514 : memref<1x128x64xf32, #tpu.memory_space<vmem>> -> memref<128x64xf32, #tpu.memory_space<vmem>>
        %get3A_1516 = arith.index_cast %add3A_1480 : i32 to index
        %get3A_1517 = arith.constant 16 : index
        %get3A_1518 = tpu.vector_load %get3A_1515[%get3A_1516, %get3A_1517] {strides = array<i32>} : memref<128x64xf32, #tpu.memory_space<vmem>>, vector<16xf32>,
        %get3A_1519 = arith.index_cast %squeeze3A_1482 : i32 to index
        %get3A_1520 = arith.constant 16 : index
        %get3A_1521 = tpu.vector_load %arg17[%get3A_1519, %get3A_1520] {strides = array<i32>} : memref<1000x64xf32, #tpu.memory_space<vmem>>, vector<16xf32>,
        %mul3A_1522 = arith.mulf %get3A_1511, %get3A_1521 : vector<16xf32>
        %mul3A_1523 = arith.mulf %mul3A_1522, %get3A_1518 : vector<16xf32>
        %add3A_1524 = arith.addf %add3A_1504, %mul3A_1523 : vector<16xf32>
        %get3A_1525 = arith.constant 0 : i32
        %get3A_1526 = arith.constant 0 : i32
        %get3A_1527 = tpu.memref_slice %arg15[%scan3A_101, %get3A_1525, %get3A_1526] : memref<2x128x64xf32, #tpu.memory_space<vmem>> -> memref<1x128x64xf32, #tpu.memory_space<vmem>>
        %get3A_1528 = tpu.memref_squeeze %get3A_1527 : memref<1x128x64xf32, #tpu.memory_space<vmem>> -> memref<128x64xf32, #tpu.memory_space<vmem>>
        %get3A_1529 = arith.index_cast %add3A_1480 : i32 to index
        %get3A_1530 = arith.constant 32 : index
        %get3A_1531 = tpu.vector_load %get3A_1528[%get3A_1529, %get3A_1530] {strides = array<i32>} : memref<128x64xf32, #tpu.memory_space<vmem>>, vector<16xf32>,
        %get3A_1532 = arith.constant 0 : i32
        %get3A_1533 = arith.constant 0 : i32
        %get3A_1534 = tpu.memref_slice %arg16[%scan3A_103, %get3A_1532, %get3A_1533] : memref<2x128x64xf32, #tpu.memory_space<vmem>> -> memref<1x128x64xf32, #tpu.memory_space<vmem>>
        %get3A_1535 = tpu.memref_squeeze %get3A_1534 : memref<1x128x64xf32, #tpu.memory_space<vmem>> -> memref<128x64xf32, #tpu.memory_space<vmem>>
        %get3A_1536 = arith.index_cast %add3A_1480 : i32 to index
        %get3A_1537 = arith.constant 32 : index
        %get3A_1538 = tpu.vector_load %get3A_1535[%get3A_1536, %get3A_1537] {strides = array<i32>} : memref<128x64xf32, #tpu.memory_space<vmem>>, vector<16xf32>,
        %get3A_1539 = arith.index_cast %squeeze3A_1482 : i32 to index
        %get3A_1540 = arith.constant 32 : index
        %get3A_1541 = tpu.vector_load %arg17[%get3A_1539, %get3A_1540] {strides = array<i32>} : memref<1000x64xf32, #tpu.memory_space<vmem>>, vector<16xf32>,
        %mul3A_1542 = arith.mulf %get3A_1531, %get3A_1541 : vector<16xf32>
        %mul3A_1543 = arith.mulf %mul3A_1542, %get3A_1538 : vector<16xf32>
        %add3A_1544 = arith.addf %add3A_1524, %mul3A_1543 : vector<16xf32>
        %get3A_1545 = arith.constant 0 : i32
        %get3A_1546 = arith.constant 0 : i32
        %get3A_1547 = tpu.memref_slice %arg15[%scan3A_101, %get3A_1545, %get3A_1546] : memref<2x128x64xf32, #tpu.memory_space<vmem>> -> memref<1x128x64xf32, #tpu.memory_space<vmem>>
        %get3A_1548 = tpu.memref_squeeze %get3A_1547 : memref<1x128x64xf32, #tpu.memory_space<vmem>> -> memref<128x64xf32, #tpu.memory_space<vmem>>
        %get3A_1549 = arith.index_cast %add3A_1480 : i32 to index
        %get3A_1550 = arith.constant 48 : index
        %get3A_1551 = tpu.vector_load %get3A_1548[%get3A_1549, %get3A_1550] {strides = array<i32>} : memref<128x64xf32, #tpu.memory_space<vmem>>, vector<16xf32>,
        %get3A_1552 = arith.constant 0 : i32
        %get3A_1553 = arith.constant 0 : i32
        %get3A_1554 = tpu.memref_slice %arg16[%scan3A_103, %get3A_1552, %get3A_1553] : memref<2x128x64xf32, #tpu.memory_space<vmem>> -> memref<1x128x64xf32, #tpu.memory_space<vmem>>
        %get3A_1555 = tpu.memref_squeeze %get3A_1554 : memref<1x128x64xf32, #tpu.memory_space<vmem>> -> memref<128x64xf32, #tpu.memory_space<vmem>>
        %get3A_1556 = arith.index_cast %add3A_1480 : i32 to index
        %get3A_1557 = arith.constant 48 : index
        %get3A_1558 = tpu.vector_load %get3A_1555[%get3A_1556, %get3A_1557] {strides = array<i32>} : memref<128x64xf32, #tpu.memory_space<vmem>>, vector<16xf32>,
        %get3A_1559 = arith.index_cast %squeeze3A_1482 : i32 to index
        %get3A_1560 = arith.constant 48 : index
        %get3A_1561 = tpu.vector_load %arg17[%get3A_1559, %get3A_1560] {strides = array<i32>} : memref<1000x64xf32, #tpu.memory_space<vmem>>, vector<16xf32>,
        %mul3A_1562 = arith.mulf %get3A_1551, %get3A_1561 : vector<16xf32>
        %mul3A_1563 = arith.mulf %mul3A_1562, %get3A_1558 : vector<16xf32>
        %add3A_1564 = arith.addf %add3A_1544, %mul3A_1563 : vector<16xf32>
        %reduce_sum3A_1565 = arith.constant true
        %reduce_sum3A_1566 = vector.broadcast %reduce_sum3A_1565 : i1 to vector<16xi1>
        %reduce_sum3A_1567 = tpu.scan <sum>, %add3A_1564 masked %reduce_sum3A_1566 : vector<16xf32>, vector<16xi1> -> vector<16xf32>
        %reduce_sum3A_1568 = vector.extract %reduce_sum3A_1567[15] : f32 from vector<16xf32>
        %eq3A_1569 = arith.constant 12 : i32
        %eq3A_1570 = vector.broadcast %eq3A_1569 : i32 to vector<16xi32>
        %eq3A_1571 = arith.cmpi eq, %iota3A, %eq3A_1570 : vector<16xi32>
        %broadcast_in_dim3A_1572 = vector.broadcast %reduce_sum3A_1568 : f32 to vector<16xf32>
        %select_n3A_1573 = arith.select %eq3A_1571, %broadcast_in_dim3A_1572, %select_n3A_1476 : vector<16xi1>, vector<16xf32>
        %mul3A_1574 = arith.constant 16 : i32
        %mul3A_1575 = arith.muli %scan3A_311, %mul3A_1574 : i32
        %add3A_1576 = arith.constant 13 : i32
        %add3A_1577 = arith.addi %mul3A_1575, %add3A_1576 : i32
        %slice3A_1578 = vector.extract_strided_slice %get3A_315 {offsets = [13], sizes = [1], strides = [1]} : vector<16xi32> to vector<1xi32>
        %squeeze3A_1579 = vector.extract %slice3A_1578[0] : i32 from vector<1xi32>
        %broadcast_in_dim3A_1580 = arith.constant 0.000000e+00 : f32
        %broadcast_in_dim3A_1581 = vector.broadcast %broadcast_in_dim3A_1580 : f32 to vector<16xf32>
        %get3A_1582 = arith.constant 0 : i32
        %get3A_1583 = arith.constant 0 : i32
        %get3A_1584 = tpu.memref_slice %arg15[%scan3A_101, %get3A_1582, %get3A_1583] : memref<2x128x64xf32, #tpu.memory_space<vmem>> -> memref<1x128x64xf32, #tpu.memory_space<vmem>>
        %get3A_1585 = tpu.memref_squeeze %get3A_1584 : memref<1x128x64xf32, #tpu.memory_space<vmem>> -> memref<128x64xf32, #tpu.memory_space<vmem>>
        %get3A_1586 = arith.index_cast %add3A_1577 : i32 to index
        %get3A_1587 = arith.constant 0 : index
        %get3A_1588 = tpu.vector_load %get3A_1585[%get3A_1586, %get3A_1587] {strides = array<i32>} : memref<128x64xf32, #tpu.memory_space<vmem>>, vector<16xf32>,
        %get3A_1589 = arith.constant 0 : i32
        %get3A_1590 = arith.constant 0 : i32
        %get3A_1591 = tpu.memref_slice %arg16[%scan3A_103, %get3A_1589, %get3A_1590] : memref<2x128x64xf32, #tpu.memory_space<vmem>> -> memref<1x128x64xf32, #tpu.memory_space<vmem>>
        %get3A_1592 = tpu.memref_squeeze %get3A_1591 : memref<1x128x64xf32, #tpu.memory_space<vmem>> -> memref<128x64xf32, #tpu.memory_space<vmem>>
        %get3A_1593 = arith.index_cast %add3A_1577 : i32 to index
        %get3A_1594 = arith.constant 0 : index
        %get3A_1595 = tpu.vector_load %get3A_1592[%get3A_1593, %get3A_1594] {strides = array<i32>} : memref<128x64xf32, #tpu.memory_space<vmem>>, vector<16xf32>,
        %get3A_1596 = arith.index_cast %squeeze3A_1579 : i32 to index
        %get3A_1597 = arith.constant 0 : index
        %get3A_1598 = tpu.vector_load %arg17[%get3A_1596, %get3A_1597] {strides = array<i32>} : memref<1000x64xf32, #tpu.memory_space<vmem>>, vector<16xf32>,
        %mul3A_1599 = arith.mulf %get3A_1588, %get3A_1598 : vector<16xf32>
        %mul3A_1600 = arith.mulf %mul3A_1599, %get3A_1595 : vector<16xf32>
        %add3A_1601 = arith.addf %broadcast_in_dim3A_1581, %mul3A_1600 : vector<16xf32>
        %get3A_1602 = arith.constant 0 : i32
        %get3A_1603 = arith.constant 0 : i32
        %get3A_1604 = tpu.memref_slice %arg15[%scan3A_101, %get3A_1602, %get3A_1603] : memref<2x128x64xf32, #tpu.memory_space<vmem>> -> memref<1x128x64xf32, #tpu.memory_space<vmem>>
        %get3A_1605 = tpu.memref_squeeze %get3A_1604 : memref<1x128x64xf32, #tpu.memory_space<vmem>> -> memref<128x64xf32, #tpu.memory_space<vmem>>
        %get3A_1606 = arith.index_cast %add3A_1577 : i32 to index
        %get3A_1607 = arith.constant 16 : index
        %get3A_1608 = tpu.vector_load %get3A_1605[%get3A_1606, %get3A_1607] {strides = array<i32>} : memref<128x64xf32, #tpu.memory_space<vmem>>, vector<16xf32>,
        %get3A_1609 = arith.constant 0 : i32
        %get3A_1610 = arith.constant 0 : i32
        %get3A_1611 = tpu.memref_slice %arg16[%scan3A_103, %get3A_1609, %get3A_1610] : memref<2x128x64xf32, #tpu.memory_space<vmem>> -> memref<1x128x64xf32, #tpu.memory_space<vmem>>
        %get3A_1612 = tpu.memref_squeeze %get3A_1611 : memref<1x128x64xf32, #tpu.memory_space<vmem>> -> memref<128x64xf32, #tpu.memory_space<vmem>>
        %get3A_1613 = arith.index_cast %add3A_1577 : i32 to index
        %get3A_1614 = arith.constant 16 : index
        %get3A_1615 = tpu.vector_load %get3A_1612[%get3A_1613, %get3A_1614] {strides = array<i32>} : memref<128x64xf32, #tpu.memory_space<vmem>>, vector<16xf32>,
        %get3A_1616 = arith.index_cast %squeeze3A_1579 : i32 to index
        %get3A_1617 = arith.constant 16 : index
        %get3A_1618 = tpu.vector_load %arg17[%get3A_1616, %get3A_1617] {strides = array<i32>} : memref<1000x64xf32, #tpu.memory_space<vmem>>, vector<16xf32>,
        %mul3A_1619 = arith.mulf %get3A_1608, %get3A_1618 : vector<16xf32>
        %mul3A_1620 = arith.mulf %mul3A_1619, %get3A_1615 : vector<16xf32>
        %add3A_1621 = arith.addf %add3A_1601, %mul3A_1620 : vector<16xf32>
        %get3A_1622 = arith.constant 0 : i32
        %get3A_1623 = arith.constant 0 : i32
        %get3A_1624 = tpu.memref_slice %arg15[%scan3A_101, %get3A_1622, %get3A_1623] : memref<2x128x64xf32, #tpu.memory_space<vmem>> -> memref<1x128x64xf32, #tpu.memory_space<vmem>>
        %get3A_1625 = tpu.memref_squeeze %get3A_1624 : memref<1x128x64xf32, #tpu.memory_space<vmem>> -> memref<128x64xf32, #tpu.memory_space<vmem>>
        %get3A_1626 = arith.index_cast %add3A_1577 : i32 to index
        %get3A_1627 = arith.constant 32 : index
        %get3A_1628 = tpu.vector_load %get3A_1625[%get3A_1626, %get3A_1627] {strides = array<i32>} : memref<128x64xf32, #tpu.memory_space<vmem>>, vector<16xf32>,
        %get3A_1629 = arith.constant 0 : i32
        %get3A_1630 = arith.constant 0 : i32
        %get3A_1631 = tpu.memref_slice %arg16[%scan3A_103, %get3A_1629, %get3A_1630] : memref<2x128x64xf32, #tpu.memory_space<vmem>> -> memref<1x128x64xf32, #tpu.memory_space<vmem>>
        %get3A_1632 = tpu.memref_squeeze %get3A_1631 : memref<1x128x64xf32, #tpu.memory_space<vmem>> -> memref<128x64xf32, #tpu.memory_space<vmem>>
        %get3A_1633 = arith.index_cast %add3A_1577 : i32 to index
        %get3A_1634 = arith.constant 32 : index
        %get3A_1635 = tpu.vector_load %get3A_1632[%get3A_1633, %get3A_1634] {strides = array<i32>} : memref<128x64xf32, #tpu.memory_space<vmem>>, vector<16xf32>,
        %get3A_1636 = arith.index_cast %squeeze3A_1579 : i32 to index
        %get3A_1637 = arith.constant 32 : index
        %get3A_1638 = tpu.vector_load %arg17[%get3A_1636, %get3A_1637] {strides = array<i32>} : memref<1000x64xf32, #tpu.memory_space<vmem>>, vector<16xf32>,
        %mul3A_1639 = arith.mulf %get3A_1628, %get3A_1638 : vector<16xf32>
        %mul3A_1640 = arith.mulf %mul3A_1639, %get3A_1635 : vector<16xf32>
        %add3A_1641 = arith.addf %add3A_1621, %mul3A_1640 : vector<16xf32>
        %get3A_1642 = arith.constant 0 : i32
        %get3A_1643 = arith.constant 0 : i32
        %get3A_1644 = tpu.memref_slice %arg15[%scan3A_101, %get3A_1642, %get3A_1643] : memref<2x128x64xf32, #tpu.memory_space<vmem>> -> memref<1x128x64xf32, #tpu.memory_space<vmem>>
        %get3A_1645 = tpu.memref_squeeze %get3A_1644 : memref<1x128x64xf32, #tpu.memory_space<vmem>> -> memref<128x64xf32, #tpu.memory_space<vmem>>
        %get3A_1646 = arith.index_cast %add3A_1577 : i32 to index
        %get3A_1647 = arith.constant 48 : index
        %get3A_1648 = tpu.vector_load %get3A_1645[%get3A_1646, %get3A_1647] {strides = array<i32>} : memref<128x64xf32, #tpu.memory_space<vmem>>, vector<16xf32>,
        %get3A_1649 = arith.constant 0 : i32
        %get3A_1650 = arith.constant 0 : i32
        %get3A_1651 = tpu.memref_slice %arg16[%scan3A_103, %get3A_1649, %get3A_1650] : memref<2x128x64xf32, #tpu.memory_space<vmem>> -> memref<1x128x64xf32, #tpu.memory_space<vmem>>
        %get3A_1652 = tpu.memref_squeeze %get3A_1651 : memref<1x128x64xf32, #tpu.memory_space<vmem>> -> memref<128x64xf32, #tpu.memory_space<vmem>>
        %get3A_1653 = arith.index_cast %add3A_1577 : i32 to index
        %get3A_1654 = arith.constant 48 : index
        %get3A_1655 = tpu.vector_load %get3A_1652[%get3A_1653, %get3A_1654] {strides = array<i32>} : memref<128x64xf32, #tpu.memory_space<vmem>>, vector<16xf32>,
        %get3A_1656 = arith.index_cast %squeeze3A_1579 : i32 to index
        %get3A_1657 = arith.constant 48 : index
        %get3A_1658 = tpu.vector_load %arg17[%get3A_1656, %get3A_1657] {strides = array<i32>} : memref<1000x64xf32, #tpu.memory_space<vmem>>, vector<16xf32>,
        %mul3A_1659 = arith.mulf %get3A_1648, %get3A_1658 : vector<16xf32>
        %mul3A_1660 = arith.mulf %mul3A_1659, %get3A_1655 : vector<16xf32>
        %add3A_1661 = arith.addf %add3A_1641, %mul3A_1660 : vector<16xf32>
        %reduce_sum3A_1662 = arith.constant true
        %reduce_sum3A_1663 = vector.broadcast %reduce_sum3A_1662 : i1 to vector<16xi1>
        %reduce_sum3A_1664 = tpu.scan <sum>, %add3A_1661 masked %reduce_sum3A_1663 : vector<16xf32>, vector<16xi1> -> vector<16xf32>
        %reduce_sum3A_1665 = vector.extract %reduce_sum3A_1664[15] : f32 from vector<16xf32>
        %eq3A_1666 = arith.constant 13 : i32
        %eq3A_1667 = vector.broadcast %eq3A_1666 : i32 to vector<16xi32>
        %eq3A_1668 = arith.cmpi eq, %iota3A, %eq3A_1667 : vector<16xi32>
        %broadcast_in_dim3A_1669 = vector.broadcast %reduce_sum3A_1665 : f32 to vector<16xf32>
        %select_n3A_1670 = arith.select %eq3A_1668, %broadcast_in_dim3A_1669, %select_n3A_1573 : vector<16xi1>, vector<16xf32>
        %mul3A_1671 = arith.constant 16 : i32
        %mul3A_1672 = arith.muli %scan3A_311, %mul3A_1671 : i32
        %add3A_1673 = arith.constant 14 : i32
        %add3A_1674 = arith.addi %mul3A_1672, %add3A_1673 : i32
        %slice3A_1675 = vector.extract_strided_slice %get3A_315 {offsets = [14], sizes = [1], strides = [1]} : vector<16xi32> to vector<1xi32>
        %squeeze3A_1676 = vector.extract %slice3A_1675[0] : i32 from vector<1xi32>
        %broadcast_in_dim3A_1677 = arith.constant 0.000000e+00 : f32
        %broadcast_in_dim3A_1678 = vector.broadcast %broadcast_in_dim3A_1677 : f32 to vector<16xf32>
        %get3A_1679 = arith.constant 0 : i32
        %get3A_1680 = arith.constant 0 : i32
        %get3A_1681 = tpu.memref_slice %arg15[%scan3A_101, %get3A_1679, %get3A_1680] : memref<2x128x64xf32, #tpu.memory_space<vmem>> -> memref<1x128x64xf32, #tpu.memory_space<vmem>>
        %get3A_1682 = tpu.memref_squeeze %get3A_1681 : memref<1x128x64xf32, #tpu.memory_space<vmem>> -> memref<128x64xf32, #tpu.memory_space<vmem>>
        %get3A_1683 = arith.index_cast %add3A_1674 : i32 to index
        %get3A_1684 = arith.constant 0 : index
        %get3A_1685 = tpu.vector_load %get3A_1682[%get3A_1683, %get3A_1684] {strides = array<i32>} : memref<128x64xf32, #tpu.memory_space<vmem>>, vector<16xf32>,
        %get3A_1686 = arith.constant 0 : i32
        %get3A_1687 = arith.constant 0 : i32
        %get3A_1688 = tpu.memref_slice %arg16[%scan3A_103, %get3A_1686, %get3A_1687] : memref<2x128x64xf32, #tpu.memory_space<vmem>> -> memref<1x128x64xf32, #tpu.memory_space<vmem>>
        %get3A_1689 = tpu.memref_squeeze %get3A_1688 : memref<1x128x64xf32, #tpu.memory_space<vmem>> -> memref<128x64xf32, #tpu.memory_space<vmem>>
        %get3A_1690 = arith.index_cast %add3A_1674 : i32 to index
        %get3A_1691 = arith.constant 0 : index
        %get3A_1692 = tpu.vector_load %get3A_1689[%get3A_1690, %get3A_1691] {strides = array<i32>} : memref<128x64xf32, #tpu.memory_space<vmem>>, vector<16xf32>,
        %get3A_1693 = arith.index_cast %squeeze3A_1676 : i32 to index
        %get3A_1694 = arith.constant 0 : index
        %get3A_1695 = tpu.vector_load %arg17[%get3A_1693, %get3A_1694] {strides = array<i32>} : memref<1000x64xf32, #tpu.memory_space<vmem>>, vector<16xf32>,
        %mul3A_1696 = arith.mulf %get3A_1685, %get3A_1695 : vector<16xf32>
        %mul3A_1697 = arith.mulf %mul3A_1696, %get3A_1692 : vector<16xf32>
        %add3A_1698 = arith.addf %broadcast_in_dim3A_1678, %mul3A_1697 : vector<16xf32>
        %get3A_1699 = arith.constant 0 : i32
        %get3A_1700 = arith.constant 0 : i32
        %get3A_1701 = tpu.memref_slice %arg15[%scan3A_101, %get3A_1699, %get3A_1700] : memref<2x128x64xf32, #tpu.memory_space<vmem>> -> memref<1x128x64xf32, #tpu.memory_space<vmem>>
        %get3A_1702 = tpu.memref_squeeze %get3A_1701 : memref<1x128x64xf32, #tpu.memory_space<vmem>> -> memref<128x64xf32, #tpu.memory_space<vmem>>
        %get3A_1703 = arith.index_cast %add3A_1674 : i32 to index
        %get3A_1704 = arith.constant 16 : index
        %get3A_1705 = tpu.vector_load %get3A_1702[%get3A_1703, %get3A_1704] {strides = array<i32>} : memref<128x64xf32, #tpu.memory_space<vmem>>, vector<16xf32>,
        %get3A_1706 = arith.constant 0 : i32
        %get3A_1707 = arith.constant 0 : i32
        %get3A_1708 = tpu.memref_slice %arg16[%scan3A_103, %get3A_1706, %get3A_1707] : memref<2x128x64xf32, #tpu.memory_space<vmem>> -> memref<1x128x64xf32, #tpu.memory_space<vmem>>
        %get3A_1709 = tpu.memref_squeeze %get3A_1708 : memref<1x128x64xf32, #tpu.memory_space<vmem>> -> memref<128x64xf32, #tpu.memory_space<vmem>>
        %get3A_1710 = arith.index_cast %add3A_1674 : i32 to index
        %get3A_1711 = arith.constant 16 : index
        %get3A_1712 = tpu.vector_load %get3A_1709[%get3A_1710, %get3A_1711] {strides = array<i32>} : memref<128x64xf32, #tpu.memory_space<vmem>>, vector<16xf32>,
        %get3A_1713 = arith.index_cast %squeeze3A_1676 : i32 to index
        %get3A_1714 = arith.constant 16 : index
        %get3A_1715 = tpu.vector_load %arg17[%get3A_1713, %get3A_1714] {strides = array<i32>} : memref<1000x64xf32, #tpu.memory_space<vmem>>, vector<16xf32>,
        %mul3A_1716 = arith.mulf %get3A_1705, %get3A_1715 : vector<16xf32>
        %mul3A_1717 = arith.mulf %mul3A_1716, %get3A_1712 : vector<16xf32>
        %add3A_1718 = arith.addf %add3A_1698, %mul3A_1717 : vector<16xf32>
        %get3A_1719 = arith.constant 0 : i32
        %get3A_1720 = arith.constant 0 : i32
        %get3A_1721 = tpu.memref_slice %arg15[%scan3A_101, %get3A_1719, %get3A_1720] : memref<2x128x64xf32, #tpu.memory_space<vmem>> -> memref<1x128x64xf32, #tpu.memory_space<vmem>>
        %get3A_1722 = tpu.memref_squeeze %get3A_1721 : memref<1x128x64xf32, #tpu.memory_space<vmem>> -> memref<128x64xf32, #tpu.memory_space<vmem>>
        %get3A_1723 = arith.index_cast %add3A_1674 : i32 to index
        %get3A_1724 = arith.constant 32 : index
        %get3A_1725 = tpu.vector_load %get3A_1722[%get3A_1723, %get3A_1724] {strides = array<i32>} : memref<128x64xf32, #tpu.memory_space<vmem>>, vector<16xf32>,
        %get3A_1726 = arith.constant 0 : i32
        %get3A_1727 = arith.constant 0 : i32
        %get3A_1728 = tpu.memref_slice %arg16[%scan3A_103, %get3A_1726, %get3A_1727] : memref<2x128x64xf32, #tpu.memory_space<vmem>> -> memref<1x128x64xf32, #tpu.memory_space<vmem>>
        %get3A_1729 = tpu.memref_squeeze %get3A_1728 : memref<1x128x64xf32, #tpu.memory_space<vmem>> -> memref<128x64xf32, #tpu.memory_space<vmem>>
        %get3A_1730 = arith.index_cast %add3A_1674 : i32 to index
        %get3A_1731 = arith.constant 32 : index
        %get3A_1732 = tpu.vector_load %get3A_1729[%get3A_1730, %get3A_1731] {strides = array<i32>} : memref<128x64xf32, #tpu.memory_space<vmem>>, vector<16xf32>,
        %get3A_1733 = arith.index_cast %squeeze3A_1676 : i32 to index
        %get3A_1734 = arith.constant 32 : index
        %get3A_1735 = tpu.vector_load %arg17[%get3A_1733, %get3A_1734] {strides = array<i32>} : memref<1000x64xf32, #tpu.memory_space<vmem>>, vector<16xf32>,
        %mul3A_1736 = arith.mulf %get3A_1725, %get3A_1735 : vector<16xf32>
        %mul3A_1737 = arith.mulf %mul3A_1736, %get3A_1732 : vector<16xf32>
        %add3A_1738 = arith.addf %add3A_1718, %mul3A_1737 : vector<16xf32>
        %get3A_1739 = arith.constant 0 : i32
        %get3A_1740 = arith.constant 0 : i32
        %get3A_1741 = tpu.memref_slice %arg15[%scan3A_101, %get3A_1739, %get3A_1740] : memref<2x128x64xf32, #tpu.memory_space<vmem>> -> memref<1x128x64xf32, #tpu.memory_space<vmem>>
        %get3A_1742 = tpu.memref_squeeze %get3A_1741 : memref<1x128x64xf32, #tpu.memory_space<vmem>> -> memref<128x64xf32, #tpu.memory_space<vmem>>
        %get3A_1743 = arith.index_cast %add3A_1674 : i32 to index
        %get3A_1744 = arith.constant 48 : index
        %get3A_1745 = tpu.vector_load %get3A_1742[%get3A_1743, %get3A_1744] {strides = array<i32>} : memref<128x64xf32, #tpu.memory_space<vmem>>, vector<16xf32>,
        %get3A_1746 = arith.constant 0 : i32
        %get3A_1747 = arith.constant 0 : i32
        %get3A_1748 = tpu.memref_slice %arg16[%scan3A_103, %get3A_1746, %get3A_1747] : memref<2x128x64xf32, #tpu.memory_space<vmem>> -> memref<1x128x64xf32, #tpu.memory_space<vmem>>
        %get3A_1749 = tpu.memref_squeeze %get3A_1748 : memref<1x128x64xf32, #tpu.memory_space<vmem>> -> memref<128x64xf32, #tpu.memory_space<vmem>>
        %get3A_1750 = arith.index_cast %add3A_1674 : i32 to index
        %get3A_1751 = arith.constant 48 : index
        %get3A_1752 = tpu.vector_load %get3A_1749[%get3A_1750, %get3A_1751] {strides = array<i32>} : memref<128x64xf32, #tpu.memory_space<vmem>>, vector<16xf32>,
        %get3A_1753 = arith.index_cast %squeeze3A_1676 : i32 to index
        %get3A_1754 = arith.constant 48 : index
        %get3A_1755 = tpu.vector_load %arg17[%get3A_1753, %get3A_1754] {strides = array<i32>} : memref<1000x64xf32, #tpu.memory_space<vmem>>, vector<16xf32>,
        %mul3A_1756 = arith.mulf %get3A_1745, %get3A_1755 : vector<16xf32>
        %mul3A_1757 = arith.mulf %mul3A_1756, %get3A_1752 : vector<16xf32>
        %add3A_1758 = arith.addf %add3A_1738, %mul3A_1757 : vector<16xf32>
        %reduce_sum3A_1759 = arith.constant true
        %reduce_sum3A_1760 = vector.broadcast %reduce_sum3A_1759 : i1 to vector<16xi1>
        %reduce_sum3A_1761 = tpu.scan <sum>, %add3A_1758 masked %reduce_sum3A_1760 : vector<16xf32>, vector<16xi1> -> vector<16xf32>
        %reduce_sum3A_1762 = vector.extract %reduce_sum3A_1761[15] : f32 from vector<16xf32>
        %eq3A_1763 = arith.constant 14 : i32
        %eq3A_1764 = vector.broadcast %eq3A_1763 : i32 to vector<16xi32>
        %eq3A_1765 = arith.cmpi eq, %iota3A, %eq3A_1764 : vector<16xi32>
        %broadcast_in_dim3A_1766 = vector.broadcast %reduce_sum3A_1762 : f32 to vector<16xf32>
        %select_n3A_1767 = arith.select %eq3A_1765, %broadcast_in_dim3A_1766, %select_n3A_1670 : vector<16xi1>, vector<16xf32>
        %mul3A_1768 = arith.constant 16 : i32
        %mul3A_1769 = arith.muli %scan3A_311, %mul3A_1768 : i32
        %add3A_1770 = arith.constant 15 : i32
        %add3A_1771 = arith.addi %mul3A_1769, %add3A_1770 : i32
        %slice3A_1772 = vector.extract_strided_slice %get3A_315 {offsets = [15], sizes = [1], strides = [1]} : vector<16xi32> to vector<1xi32>
        %squeeze3A_1773 = vector.extract %slice3A_1772[0] : i32 from vector<1xi32>
        %broadcast_in_dim3A_1774 = arith.constant 0.000000e+00 : f32
        %broadcast_in_dim3A_1775 = vector.broadcast %broadcast_in_dim3A_1774 : f32 to vector<16xf32>
        %get3A_1776 = arith.constant 0 : i32
        %get3A_1777 = arith.constant 0 : i32
        %get3A_1778 = tpu.memref_slice %arg15[%scan3A_101, %get3A_1776, %get3A_1777] : memref<2x128x64xf32, #tpu.memory_space<vmem>> -> memref<1x128x64xf32, #tpu.memory_space<vmem>>
        %get3A_1779 = tpu.memref_squeeze %get3A_1778 : memref<1x128x64xf32, #tpu.memory_space<vmem>> -> memref<128x64xf32, #tpu.memory_space<vmem>>
        %get3A_1780 = arith.index_cast %add3A_1771 : i32 to index
        %get3A_1781 = arith.constant 0 : index
        %get3A_1782 = tpu.vector_load %get3A_1779[%get3A_1780, %get3A_1781] {strides = array<i32>} : memref<128x64xf32, #tpu.memory_space<vmem>>, vector<16xf32>,
        %get3A_1783 = arith.constant 0 : i32
        %get3A_1784 = arith.constant 0 : i32
        %get3A_1785 = tpu.memref_slice %arg16[%scan3A_103, %get3A_1783, %get3A_1784] : memref<2x128x64xf32, #tpu.memory_space<vmem>> -> memref<1x128x64xf32, #tpu.memory_space<vmem>>
        %get3A_1786 = tpu.memref_squeeze %get3A_1785 : memref<1x128x64xf32, #tpu.memory_space<vmem>> -> memref<128x64xf32, #tpu.memory_space<vmem>>
        %get3A_1787 = arith.index_cast %add3A_1771 : i32 to index
        %get3A_1788 = arith.constant 0 : index
        %get3A_1789 = tpu.vector_load %get3A_1786[%get3A_1787, %get3A_1788] {strides = array<i32>} : memref<128x64xf32, #tpu.memory_space<vmem>>, vector<16xf32>,
        %get3A_1790 = arith.index_cast %squeeze3A_1773 : i32 to index
        %get3A_1791 = arith.constant 0 : index
        %get3A_1792 = tpu.vector_load %arg17[%get3A_1790, %get3A_1791] {strides = array<i32>} : memref<1000x64xf32, #tpu.memory_space<vmem>>, vector<16xf32>,
        %mul3A_1793 = arith.mulf %get3A_1782, %get3A_1792 : vector<16xf32>
        %mul3A_1794 = arith.mulf %mul3A_1793, %get3A_1789 : vector<16xf32>
        %add3A_1795 = arith.addf %broadcast_in_dim3A_1775, %mul3A_1794 : vector<16xf32>
        %get3A_1796 = arith.constant 0 : i32
        %get3A_1797 = arith.constant 0 : i32
        %get3A_1798 = tpu.memref_slice %arg15[%scan3A_101, %get3A_1796, %get3A_1797] : memref<2x128x64xf32, #tpu.memory_space<vmem>> -> memref<1x128x64xf32, #tpu.memory_space<vmem>>
        %get3A_1799 = tpu.memref_squeeze %get3A_1798 : memref<1x128x64xf32, #tpu.memory_space<vmem>> -> memref<128x64xf32, #tpu.memory_space<vmem>>
        %get3A_1800 = arith.index_cast %add3A_1771 : i32 to index
        %get3A_1801 = arith.constant 16 : index
        %get3A_1802 = tpu.vector_load %get3A_1799[%get3A_1800, %get3A_1801] {strides = array<i32>} : memref<128x64xf32, #tpu.memory_space<vmem>>, vector<16xf32>,
        %get3A_1803 = arith.constant 0 : i32
        %get3A_1804 = arith.constant 0 : i32
        %get3A_1805 = tpu.memref_slice %arg16[%scan3A_103, %get3A_1803, %get3A_1804] : memref<2x128x64xf32, #tpu.memory_space<vmem>> -> memref<1x128x64xf32, #tpu.memory_space<vmem>>
        %get3A_1806 = tpu.memref_squeeze %get3A_1805 : memref<1x128x64xf32, #tpu.memory_space<vmem>> -> memref<128x64xf32, #tpu.memory_space<vmem>>
        %get3A_1807 = arith.index_cast %add3A_1771 : i32 to index
        %get3A_1808 = arith.constant 16 : index
        %get3A_1809 = tpu.vector_load %get3A_1806[%get3A_1807, %get3A_1808] {strides = array<i32>} : memref<128x64xf32, #tpu.memory_space<vmem>>, vector<16xf32>,
        %get3A_1810 = arith.index_cast %squeeze3A_1773 : i32 to index
        %get3A_1811 = arith.constant 16 : index
        %get3A_1812 = tpu.vector_load %arg17[%get3A_1810, %get3A_1811] {strides = array<i32>} : memref<1000x64xf32, #tpu.memory_space<vmem>>, vector<16xf32>,
        %mul3A_1813 = arith.mulf %get3A_1802, %get3A_1812 : vector<16xf32>
        %mul3A_1814 = arith.mulf %mul3A_1813, %get3A_1809 : vector<16xf32>
        %add3A_1815 = arith.addf %add3A_1795, %mul3A_1814 : vector<16xf32>
        %get3A_1816 = arith.constant 0 : i32
        %get3A_1817 = arith.constant 0 : i32
        %get3A_1818 = tpu.memref_slice %arg15[%scan3A_101, %get3A_1816, %get3A_1817] : memref<2x128x64xf32, #tpu.memory_space<vmem>> -> memref<1x128x64xf32, #tpu.memory_space<vmem>>
        %get3A_1819 = tpu.memref_squeeze %get3A_1818 : memref<1x128x64xf32, #tpu.memory_space<vmem>> -> memref<128x64xf32, #tpu.memory_space<vmem>>
        %get3A_1820 = arith.index_cast %add3A_1771 : i32 to index
        %get3A_1821 = arith.constant 32 : index
        %get3A_1822 = tpu.vector_load %get3A_1819[%get3A_1820, %get3A_1821] {strides = array<i32>} : memref<128x64xf32, #tpu.memory_space<vmem>>, vector<16xf32>,
        %get3A_1823 = arith.constant 0 : i32
        %get3A_1824 = arith.constant 0 : i32
        %get3A_1825 = tpu.memref_slice %arg16[%scan3A_103, %get3A_1823, %get3A_1824] : memref<2x128x64xf32, #tpu.memory_space<vmem>> -> memref<1x128x64xf32, #tpu.memory_space<vmem>>
        %get3A_1826 = tpu.memref_squeeze %get3A_1825 : memref<1x128x64xf32, #tpu.memory_space<vmem>> -> memref<128x64xf32, #tpu.memory_space<vmem>>
        %get3A_1827 = arith.index_cast %add3A_1771 : i32 to index
        %get3A_1828 = arith.constant 32 : index
        %get3A_1829 = tpu.vector_load %get3A_1826[%get3A_1827, %get3A_1828] {strides = array<i32>} : memref<128x64xf32, #tpu.memory_space<vmem>>, vector<16xf32>,
        %get3A_1830 = arith.index_cast %squeeze3A_1773 : i32 to index
        %get3A_1831 = arith.constant 32 : index
        %get3A_1832 = tpu.vector_load %arg17[%get3A_1830, %get3A_1831] {strides = array<i32>} : memref<1000x64xf32, #tpu.memory_space<vmem>>, vector<16xf32>,
        %mul3A_1833 = arith.mulf %get3A_1822, %get3A_1832 : vector<16xf32>
        %mul3A_1834 = arith.mulf %mul3A_1833, %get3A_1829 : vector<16xf32>
        %add3A_1835 = arith.addf %add3A_1815, %mul3A_1834 : vector<16xf32>
        %get3A_1836 = arith.constant 0 : i32
        %get3A_1837 = arith.constant 0 : i32
        %get3A_1838 = tpu.memref_slice %arg15[%scan3A_101, %get3A_1836, %get3A_1837] : memref<2x128x64xf32, #tpu.memory_space<vmem>> -> memref<1x128x64xf32, #tpu.memory_space<vmem>>
        %get3A_1839 = tpu.memref_squeeze %get3A_1838 : memref<1x128x64xf32, #tpu.memory_space<vmem>> -> memref<128x64xf32, #tpu.memory_space<vmem>>
        %get3A_1840 = arith.index_cast %add3A_1771 : i32 to index
        %get3A_1841 = arith.constant 48 : index
        %get3A_1842 = tpu.vector_load %get3A_1839[%get3A_1840, %get3A_1841] {strides = array<i32>} : memref<128x64xf32, #tpu.memory_space<vmem>>, vector<16xf32>,
        %get3A_1843 = arith.constant 0 : i32
        %get3A_1844 = arith.constant 0 : i32
        %get3A_1845 = tpu.memref_slice %arg16[%scan3A_103, %get3A_1843, %get3A_1844] : memref<2x128x64xf32, #tpu.memory_space<vmem>> -> memref<1x128x64xf32, #tpu.memory_space<vmem>>
        %get3A_1846 = tpu.memref_squeeze %get3A_1845 : memref<1x128x64xf32, #tpu.memory_space<vmem>> -> memref<128x64xf32, #tpu.memory_space<vmem>>
        %get3A_1847 = arith.index_cast %add3A_1771 : i32 to index
        %get3A_1848 = arith.constant 48 : index
        %get3A_1849 = tpu.vector_load %get3A_1846[%get3A_1847, %get3A_1848] {strides = array<i32>} : memref<128x64xf32, #tpu.memory_space<vmem>>, vector<16xf32>,
        %get3A_1850 = arith.index_cast %squeeze3A_1773 : i32 to index
        %get3A_1851 = arith.constant 48 : index
        %get3A_1852 = tpu.vector_load %arg17[%get3A_1850, %get3A_1851] {strides = array<i32>} : memref<1000x64xf32, #tpu.memory_space<vmem>>, vector<16xf32>,
        %mul3A_1853 = arith.mulf %get3A_1842, %get3A_1852 : vector<16xf32>
        %mul3A_1854 = arith.mulf %mul3A_1853, %get3A_1849 : vector<16xf32>
        %add3A_1855 = arith.addf %add3A_1835, %mul3A_1854 : vector<16xf32>
        %reduce_sum3A_1856 = arith.constant true
        %reduce_sum3A_1857 = vector.broadcast %reduce_sum3A_1856 : i1 to vector<16xi1>
        %reduce_sum3A_1858 = tpu.scan <sum>, %add3A_1855 masked %reduce_sum3A_1857 : vector<16xf32>, vector<16xi1> -> vector<16xf32>
        %reduce_sum3A_1859 = vector.extract %reduce_sum3A_1858[15] : f32 from vector<16xf32>
        %eq3A_1860 = arith.constant 15 : i32
        %eq3A_1861 = vector.broadcast %eq3A_1860 : i32 to vector<16xi32>
        %eq3A_1862 = arith.cmpi eq, %iota3A, %eq3A_1861 : vector<16xi32>
        %broadcast_in_dim3A_1863 = vector.broadcast %reduce_sum3A_1859 : f32 to vector<16xf32>
        %select_n3A_1864 = arith.select %eq3A_1862, %broadcast_in_dim3A_1863, %select_n3A_1767 : vector<16xi1>, vector<16xf32>
        %bitcast_convert_type3A = tpu.bitcast %select_n3A_1864 : vector<16xf32> -> vector<16xi32>
        %ge3A = arith.constant 0.000000e+00 : f32
        %ge3A_1865 = vector.broadcast %ge3A : f32 to vector<16xf32>
        %ge3A_1866 = arith.cmpf oge, %select_n3A_1864, %ge3A_1865 : vector<16xf32>
        %or3A = arith.constant -2147483648 : i32
        %or3A_1867 = vector.broadcast %or3A : i32 to vector<16xi32>
        %or3A_1868 = arith.ori %bitcast_convert_type3A, %or3A_1867 : vector<16xi32>
        %not3A = arith.constant dense<-1> : vector<16xi32>
        %not3A_1869 = arith.xori %bitcast_convert_type3A, %not3A : vector<16xi32>
        %select_n3A_1870 = arith.select %ge3A_1866, %or3A_1868, %not3A_1869 : vector<16xi1>, vector<16xi32>
        %mul3A_1871 = arith.constant 16 : i32
        %mul3A_1872 = arith.muli %scan3A_311, %mul3A_1871 : i32
        %add3A_1873 = arith.addi %mul3A_208, %mul3A_1872 : i32
        %get3A_1874 = arith.index_cast %add3A_1873 : i32 to index
        %get3A_1875 = tpu.vector_load %arg18[%get3A_1874] {strides = array<i32>} : memref<8192xi32, #tpu.memory_space<vmem>>, vector<16xi32>,
        %ne3A = arith.constant 0 : i32
        %ne3A_1876 = vector.broadcast %ne3A : i32 to vector<16xi32>
        %ne3A_1877 = arith.cmpi ne, %get3A_1875, %ne3A_1876 : vector<16xi32>
        %broadcast_in_dim3A_1878 = arith.constant 0 : i32
        %broadcast_in_dim3A_1879 = vector.broadcast %broadcast_in_dim3A_1878 : i32 to vector<16xi32>
        %select_n3A_1880 = arith.select %ne3A_1877, %select_n3A_1870, %broadcast_in_dim3A_1879 : vector<16xi1>, vector<16xi32>
        %mul3A_1881 = arith.constant 16 : i32
        %mul3A_1882 = arith.muli %scan3A_311, %mul3A_1881 : i32
        %add3A_1883 = arith.addi %mul3A_208, %mul3A_1882 : i32
        %swap3A_1884 = arith.index_cast %add3A_1883 : i32 to index
        %swap3A_1885 = tpu.vector_load %arg19[%swap3A_1884] {strides = array<i32>} : memref<8192xi32, #tpu.memory_space<vmem>>, vector<16xi32>,
        tpu.vector_store %arg19[%swap3A_1884], %select_n3A_1880 {strides = array<i32>} : memref<8192xi32, #tpu.memory_space<vmem>>, vector<16xi32>,
      }
      %scan3A_214 = arith.constant 8 : i32
      %add3A_215 = arith.constant 1 : i32
      %add3A_216 = arith.addi %mul3A_123, %add3A_215 : i32
      %dma_wait3A_217 = arith.constant 0 : i32
      %dma_wait3A_218 = arith.constant 0 : i32
      %dma_wait3A_219 = tpu.memref_slice %arg15[%scan3A_107, %dma_wait3A_217, %dma_wait3A_218] : memref<2x128x64xf32, #tpu.memory_space<vmem>> -> memref<1x128x64xf32, #tpu.memory_space<vmem>>
      %dma_wait3A_220 = tpu.memref_squeeze %dma_wait3A_219 : memref<1x128x64xf32, #tpu.memory_space<vmem>> -> memref<128x64xf32, #tpu.memory_space<vmem>>
      %dma_wait3A_221 = arith.constant 0 : i32
      %dma_wait3A_222 = tpu.memref_slice %arg11[%scan3A_104, %dma_wait3A_221] : memref<2x128xi32, #tpu.memory_space<vmem>> -> memref<1x128xi32, #tpu.memory_space<vmem>>
      %dma_wait3A_223 = tpu.memref_squeeze %dma_wait3A_222 : memref<1x128xi32, #tpu.memory_space<vmem>> -> memref<128xi32, #tpu.memory_space<vmem>>
      %dma_wait3A_224 = arith.constant 0 : i32
      %dma_wait3A_225 = arith.constant 0 : i32
      %dma_wait3A_226 = tpu.memref_slice %arg7[%dma_wait3A_224, %dma_wait3A_225] : memref<100000x64xf32, #tpu.memory_space<hbm>> -> memref<100000x64xf32, #tpu.memory_space<hbm>>
      tpu.wait_indirect_dma semaphore(%arg23 : memref<!tpu.dma_semaphore, #tpu.memory_space<semaphore_mem>>) src(%dma_wait3A_226 : memref<100000x64xf32, #tpu.memory_space<hbm>>) dst(%dma_wait3A_220 : memref<128x64xf32, #tpu.memory_space<vmem>>)
      %dma_wait3A_227 = arith.constant 0 : i32
      %dma_wait3A_228 = arith.constant 0 : i32
      %dma_wait3A_229 = tpu.memref_slice %arg16[%scan3A_108, %dma_wait3A_227, %dma_wait3A_228] : memref<2x128x64xf32, #tpu.memory_space<vmem>> -> memref<1x128x64xf32, #tpu.memory_space<vmem>>
      %dma_wait3A_230 = tpu.memref_squeeze %dma_wait3A_229 : memref<1x128x64xf32, #tpu.memory_space<vmem>> -> memref<128x64xf32, #tpu.memory_space<vmem>>
      %dma_wait3A_231 = arith.constant 0 : i32
      %dma_wait3A_232 = tpu.memref_slice %arg13[%scan3A_106, %dma_wait3A_231] : memref<2x128xi32, #tpu.memory_space<vmem>> -> memref<1x128xi32, #tpu.memory_space<vmem>>
      %dma_wait3A_233 = tpu.memref_squeeze %dma_wait3A_232 : memref<1x128xi32, #tpu.memory_space<vmem>> -> memref<128xi32, #tpu.memory_space<vmem>>
      %dma_wait3A_234 = arith.constant 0 : i32
      %dma_wait3A_235 = arith.constant 0 : i32
      %dma_wait3A_236 = tpu.memref_slice %arg7[%dma_wait3A_234, %dma_wait3A_235] : memref<100000x64xf32, #tpu.memory_space<hbm>> -> memref<100000x64xf32, #tpu.memory_space<hbm>>
      tpu.wait_indirect_dma semaphore(%arg23 : memref<!tpu.dma_semaphore, #tpu.memory_space<semaphore_mem>>) src(%dma_wait3A_236 : memref<100000x64xf32, #tpu.memory_space<hbm>>) dst(%dma_wait3A_230 : memref<128x64xf32, #tpu.memory_space<vmem>>)
      %lt3A_237 = arith.constant 63 : i32
      %lt3A_238 = arith.cmpi slt, %add3A_216, %lt3A_237 : i32
      %convert_element_type3A_239 = arith.extui %lt3A_238 : i1 to i32
      %cond3A_240 = arith.constant 0 : i32
      %cond3A_241 = arith.cmpi ne, %convert_element_type3A_239, %cond3A_240 : i32
      scf.if %cond3A_241 {
        %add3A_311 = arith.constant 1 : i32
        %add3A_312 = arith.addi %add3A_216, %add3A_311 : i32
        %mul3A_313 = arith.constant 128 : i32
        %mul3A_314 = arith.muli %add3A_312, %mul3A_313 : i32
        %dma_wait3A_315 = arith.constant 0 : i32
        %dma_wait3A_316 = tpu.memref_slice %arg11[%scan3A_100, %dma_wait3A_315] : memref<2x128xi32, #tpu.memory_space<vmem>> -> memref<1x128xi32, #tpu.memory_space<vmem>>
        %dma_wait3A_317 = tpu.memref_squeeze %dma_wait3A_316 : memref<1x128xi32, #tpu.memory_space<vmem>> -> memref<128xi32, #tpu.memory_space<vmem>>
        %dma_wait3A_318 = tpu.memref_slice %arg10[%mul3A_314] : memref<8192xi32, #tpu.memory_space<vmem>> -> memref<128xi32, #tpu.memory_space<vmem>>
        %dma_wait3A_319 = arith.constant 0 : i32
        %dma_wait3A_320 = tpu.memref_slice %arg4[%dma_wait3A_319] : memref<1000000xi32, #tpu.memory_space<hbm>> -> memref<1000000xi32, #tpu.memory_space<hbm>>
        tpu.wait_indirect_dma semaphore(%arg20 : memref<!tpu.dma_semaphore, #tpu.memory_space<semaphore_mem>>) src(%dma_wait3A_320 : memref<1000000xi32, #tpu.memory_space<hbm>>) dst(%dma_wait3A_317 : memref<128xi32, #tpu.memory_space<vmem>>)
        %dma_wait3A_321 = arith.constant 0 : i32
        %dma_wait3A_322 = tpu.memref_slice %arg12[%scan3A_109, %dma_wait3A_321] : memref<2x128xi32, #tpu.memory_space<vmem>> -> memref<1x128xi32, #tpu.memory_space<vmem>>
        %dma_wait3A_323 = tpu.memref_squeeze %dma_wait3A_322 : memref<1x128xi32, #tpu.memory_space<vmem>> -> memref<128xi32, #tpu.memory_space<vmem>>
        %dma_wait3A_324 = tpu.memref_slice %arg10[%mul3A_314] : memref<8192xi32, #tpu.memory_space<vmem>> -> memref<128xi32, #tpu.memory_space<vmem>>
        %dma_wait3A_325 = arith.constant 0 : i32
        %dma_wait3A_326 = tpu.memref_slice %arg5[%dma_wait3A_325] : memref<1000000xi32, #tpu.memory_space<hbm>> -> memref<1000000xi32, #tpu.memory_space<hbm>>
        tpu.wait_indirect_dma semaphore(%arg20 : memref<!tpu.dma_semaphore, #tpu.memory_space<semaphore_mem>>) src(%dma_wait3A_326 : memref<1000000xi32, #tpu.memory_space<hbm>>) dst(%dma_wait3A_323 : memref<128xi32, #tpu.memory_space<vmem>>)
        %dma_wait3A_327 = arith.constant 0 : i32
        %dma_wait3A_328 = tpu.memref_slice %arg13[%scan3A_102, %dma_wait3A_327] : memref<2x128xi32, #tpu.memory_space<vmem>> -> memref<1x128xi32, #tpu.memory_space<vmem>>
        %dma_wait3A_329 = tpu.memref_squeeze %dma_wait3A_328 : memref<1x128xi32, #tpu.memory_space<vmem>> -> memref<128xi32, #tpu.memory_space<vmem>>
        %dma_wait3A_330 = tpu.memref_slice %arg10[%mul3A_314] : memref<8192xi32, #tpu.memory_space<vmem>> -> memref<128xi32, #tpu.memory_space<vmem>>
        %dma_wait3A_331 = arith.constant 0 : i32
        %dma_wait3A_332 = tpu.memref_slice %arg6[%dma_wait3A_331] : memref<1000000xi32, #tpu.memory_space<hbm>> -> memref<1000000xi32, #tpu.memory_space<hbm>>
        tpu.wait_indirect_dma semaphore(%arg20 : memref<!tpu.dma_semaphore, #tpu.memory_space<semaphore_mem>>) src(%dma_wait3A_332 : memref<1000000xi32, #tpu.memory_space<hbm>>) dst(%dma_wait3A_329 : memref<128xi32, #tpu.memory_space<vmem>>)
        %dma_start3A_333 = arith.constant 0 : i32
        %dma_start3A_334 = arith.constant 0 : i32
        %dma_start3A_335 = tpu.memref_slice %arg15[%scan3A_101, %dma_start3A_333, %dma_start3A_334] : memref<2x128x64xf32, #tpu.memory_space<vmem>> -> memref<1x128x64xf32, #tpu.memory_space<vmem>>
        %dma_start3A_336 = tpu.memref_squeeze %dma_start3A_335 : memref<1x128x64xf32, #tpu.memory_space<vmem>> -> memref<128x64xf32, #tpu.memory_space<vmem>>
        %dma_start3A_337 = arith.constant 0 : i32
        %dma_start3A_338 = tpu.memref_slice %arg11[%scan3A_100, %dma_start3A_337] : memref<2x128xi32, #tpu.memory_space<vmem>> -> memref<1x128xi32, #tpu.memory_space<vmem>>
        %dma_start3A_339 = tpu.memref_squeeze %dma_start3A_338 : memref<1x128xi32, #tpu.memory_space<vmem>> -> memref<128xi32, #tpu.memory_space<vmem>>
        %dma_start3A_340 = arith.constant 0 : i32
        %dma_start3A_341 = arith.constant 0 : i32
        %dma_start3A_342 = tpu.memref_slice %arg7[%dma_start3A_340, %dma_start3A_341] : memref<100000x64xf32, #tpu.memory_space<hbm>> -> memref<100000x64xf32, #tpu.memory_space<hbm>>
        tpu.enqueue_indirect_dma source(%dma_start3A_342 : memref<100000x64xf32, #tpu.memory_space<hbm>>) target(%dma_start3A_336 : memref<128x64xf32, #tpu.memory_space<vmem>>) offsets(%dma_start3A_339 : memref<128xi32, #tpu.memory_space<vmem>>) semaphore(%arg22 : memref<!tpu.dma_semaphore, #tpu.memory_space<semaphore_mem>>)
        %dma_start3A_343 = arith.constant 0 : i32
        %dma_start3A_344 = arith.constant 0 : i32
        %dma_start3A_345 = tpu.memref_slice %arg16[%scan3A_103, %dma_start3A_343, %dma_start3A_344] : memref<2x128x64xf32, #tpu.memory_space<vmem>> -> memref<1x128x64xf32, #tpu.memory_space<vmem>>
        %dma_start3A_346 = tpu.memref_squeeze %dma_start3A_345 : memref<1x128x64xf32, #tpu.memory_space<vmem>> -> memref<128x64xf32, #tpu.memory_space<vmem>>
        %dma_start3A_347 = arith.constant 0 : i32
        %dma_start3A_348 = tpu.memref_slice %arg13[%scan3A_102, %dma_start3A_347] : memref<2x128xi32, #tpu.memory_space<vmem>> -> memref<1x128xi32, #tpu.memory_space<vmem>>
        %dma_start3A_349 = tpu.memref_squeeze %dma_start3A_348 : memref<1x128xi32, #tpu.memory_space<vmem>> -> memref<128xi32, #tpu.memory_space<vmem>>
        %dma_start3A_350 = arith.constant 0 : i32
        %dma_start3A_351 = arith.constant 0 : i32
        %dma_start3A_352 = tpu.memref_slice %arg7[%dma_start3A_350, %dma_start3A_351] : memref<100000x64xf32, #tpu.memory_space<hbm>> -> memref<100000x64xf32, #tpu.memory_space<hbm>>
        tpu.enqueue_indirect_dma source(%dma_start3A_352 : memref<100000x64xf32, #tpu.memory_space<hbm>>) target(%dma_start3A_346 : memref<128x64xf32, #tpu.memory_space<vmem>>) offsets(%dma_start3A_349 : memref<128xi32, #tpu.memory_space<vmem>>) semaphore(%arg22 : memref<!tpu.dma_semaphore, #tpu.memory_space<semaphore_mem>>)
      } else {
      }
      %get3A_242 = arith.constant 0 : i32
      %get3A_243 = tpu.memref_slice %arg12[%scan3A_105, %get3A_242] : memref<2x128xi32, #tpu.memory_space<vmem>> -> memref<1x128xi32, #tpu.memory_space<vmem>>
      %get3A_244 = tpu.memref_squeeze %get3A_243 : memref<1x128xi32, #tpu.memory_space<vmem>> -> memref<128xi32, #tpu.memory_space<vmem>>
      %get3A_245 = arith.constant 0 : index
      %get3A_246 = tpu.vector_load %get3A_244[%get3A_245] {strides = array<i32>} : memref<128xi32, #tpu.memory_space<vmem>>, vector<16xi32>,
      %swap3A_247 = arith.constant 0 : index
      %swap3A_248 = tpu.vector_load %arg14[%swap3A_247] {strides = array<i32>} : memref<128xi32, #tpu.memory_space<vmem>>, vector<16xi32>,
      tpu.vector_store %arg14[%swap3A_247], %get3A_246 {strides = array<i32>} : memref<128xi32, #tpu.memory_space<vmem>>, vector<16xi32>,
      %get3A_249 = arith.constant 0 : i32
      %get3A_250 = tpu.memref_slice %arg12[%scan3A_105, %get3A_249] : memref<2x128xi32, #tpu.memory_space<vmem>> -> memref<1x128xi32, #tpu.memory_space<vmem>>
      %get3A_251 = tpu.memref_squeeze %get3A_250 : memref<1x128xi32, #tpu.memory_space<vmem>> -> memref<128xi32, #tpu.memory_space<vmem>>
      %get3A_252 = arith.constant 16 : index
      %get3A_253 = tpu.vector_load %get3A_251[%get3A_252] {strides = array<i32>} : memref<128xi32, #tpu.memory_space<vmem>>, vector<16xi32>,
      %swap3A_254 = arith.constant 16 : index
      %swap3A_255 = tpu.vector_load %arg14[%swap3A_254] {strides = array<i32>} : memref<128xi32, #tpu.memory_space<vmem>>, vector<16xi32>,
      tpu.vector_store %arg14[%swap3A_254], %get3A_253 {strides = array<i32>} : memref<128xi32, #tpu.memory_space<vmem>>, vector<16xi32>,
      %get3A_256 = arith.constant 0 : i32
      %get3A_257 = tpu.memref_slice %arg12[%scan3A_105, %get3A_256] : memref<2x128xi32, #tpu.memory_space<vmem>> -> memref<1x128xi32, #tpu.memory_space<vmem>>
      %get3A_258 = tpu.memref_squeeze %get3A_257 : memref<1x128xi32, #tpu.memory_space<vmem>> -> memref<128xi32, #tpu.memory_space<vmem>>
      %get3A_259 = arith.constant 32 : index
      %get3A_260 = tpu.vector_load %get3A_258[%get3A_259] {strides = array<i32>} : memref<128xi32, #tpu.memory_space<vmem>>, vector<16xi32>,
      %swap3A_261 = arith.constant 32 : index
      %swap3A_262 = tpu.vector_load %arg14[%swap3A_261] {strides = array<i32>} : memref<128xi32, #tpu.memory_space<vmem>>, vector<16xi32>,
      tpu.vector_store %arg14[%swap3A_261], %get3A_260 {strides = array<i32>} : memref<128xi32, #tpu.memory_space<vmem>>, vector<16xi32>,
      %get3A_263 = arith.constant 0 : i32
      %get3A_264 = tpu.memref_slice %arg12[%scan3A_105, %get3A_263] : memref<2x128xi32, #tpu.memory_space<vmem>> -> memref<1x128xi32, #tpu.memory_space<vmem>>
      %get3A_265 = tpu.memref_squeeze %get3A_264 : memref<1x128xi32, #tpu.memory_space<vmem>> -> memref<128xi32, #tpu.memory_space<vmem>>
      %get3A_266 = arith.constant 48 : index
      %get3A_267 = tpu.vector_load %get3A_265[%get3A_266] {strides = array<i32>} : memref<128xi32, #tpu.memory_space<vmem>>, vector<16xi32>,
      %swap3A_268 = arith.constant 48 : index
      %swap3A_269 = tpu.vector_load %arg14[%swap3A_268] {strides = array<i32>} : memref<128xi32, #tpu.memory_space<vmem>>, vector<16xi32>,
      tpu.vector_store %arg14[%swap3A_268], %get3A_267 {strides = array<i32>} : memref<128xi32, #tpu.memory_space<vmem>>, vector<16xi32>,
      %get3A_270 = arith.constant 0 : i32
      %get3A_271 = tpu.memref_slice %arg12[%scan3A_105, %get3A_270] : memref<2x128xi32, #tpu.memory_space<vmem>> -> memref<1x128xi32, #tpu.memory_space<vmem>>
      %get3A_272 = tpu.memref_squeeze %get3A_271 : memref<1x128xi32, #tpu.memory_space<vmem>> -> memref<128xi32, #tpu.memory_space<vmem>>
      %get3A_273 = arith.constant 64 : index
      %get3A_274 = tpu.vector_load %get3A_272[%get3A_273] {strides = array<i32>} : memref<128xi32, #tpu.memory_space<vmem>>, vector<16xi32>,
      %swap3A_275 = arith.constant 64 : index
      %swap3A_276 = tpu.vector_load %arg14[%swap3A_275] {strides = array<i32>} : memref<128xi32, #tpu.memory_space<vmem>>, vector<16xi32>,
      tpu.vector_store %arg14[%swap3A_275], %get3A_274 {strides = array<i32>} : memref<128xi32, #tpu.memory_space<vmem>>, vector<16xi32>,
      %get3A_277 = arith.constant 0 : i32
      %get3A_278 = tpu.memref_slice %arg12[%scan3A_105, %get3A_277] : memref<2x128xi32, #tpu.memory_space<vmem>> -> memref<1x128xi32, #tpu.memory_space<vmem>>
      %get3A_279 = tpu.memref_squeeze %get3A_278 : memref<1x128xi32, #tpu.memory_space<vmem>> -> memref<128xi32, #tpu.memory_space<vmem>>
      %get3A_280 = arith.constant 80 : index
      %get3A_281 = tpu.vector_load %get3A_279[%get3A_280] {strides = array<i32>} : memref<128xi32, #tpu.memory_space<vmem>>, vector<16xi32>,
      %swap3A_282 = arith.constant 80 : index
      %swap3A_283 = tpu.vector_load %arg14[%swap3A_282] {strides = array<i32>} : memref<128xi32, #tpu.memory_space<vmem>>, vector<16xi32>,
      tpu.vector_store %arg14[%swap3A_282], %get3A_281 {strides = array<i32>} : memref<128xi32, #tpu.memory_space<vmem>>, vector<16xi32>,
      %get3A_284 = arith.constant 0 : i32
      %get3A_285 = tpu.memref_slice %arg12[%scan3A_105, %get3A_284] : memref<2x128xi32, #tpu.memory_space<vmem>> -> memref<1x128xi32, #tpu.memory_space<vmem>>
      %get3A_286 = tpu.memref_squeeze %get3A_285 : memref<1x128xi32, #tpu.memory_space<vmem>> -> memref<128xi32, #tpu.memory_space<vmem>>
      %get3A_287 = arith.constant 96 : index
      %get3A_288 = tpu.vector_load %get3A_286[%get3A_287] {strides = array<i32>} : memref<128xi32, #tpu.memory_space<vmem>>, vector<16xi32>,
      %swap3A_289 = arith.constant 96 : index
      %swap3A_290 = tpu.vector_load %arg14[%swap3A_289] {strides = array<i32>} : memref<128xi32, #tpu.memory_space<vmem>>, vector<16xi32>,
      tpu.vector_store %arg14[%swap3A_289], %get3A_288 {strides = array<i32>} : memref<128xi32, #tpu.memory_space<vmem>>, vector<16xi32>,
      %get3A_291 = arith.constant 0 : i32
      %get3A_292 = tpu.memref_slice %arg12[%scan3A_105, %get3A_291] : memref<2x128xi32, #tpu.memory_space<vmem>> -> memref<1x128xi32, #tpu.memory_space<vmem>>
      %get3A_293 = tpu.memref_squeeze %get3A_292 : memref<1x128xi32, #tpu.memory_space<vmem>> -> memref<128xi32, #tpu.memory_space<vmem>>
      %get3A_294 = arith.constant 112 : index
      %get3A_295 = tpu.vector_load %get3A_293[%get3A_294] {strides = array<i32>} : memref<128xi32, #tpu.memory_space<vmem>>, vector<16xi32>,
      %swap3A_296 = arith.constant 112 : index
      %swap3A_297 = tpu.vector_load %arg14[%swap3A_296] {strides = array<i32>} : memref<128xi32, #tpu.memory_space<vmem>>, vector<16xi32>,
      tpu.vector_store %arg14[%swap3A_296], %get3A_295 {strides = array<i32>} : memref<128xi32, #tpu.memory_space<vmem>>, vector<16xi32>,
      %lt3A_298 = arith.constant 62 : i32
      %lt3A_299 = arith.cmpi slt, %add3A_216, %lt3A_298 : i32
      %convert_element_type3A_300 = arith.extui %lt3A_299 : i1 to i32
      %cond3A_301 = arith.constant 0 : i32
      %cond3A_302 = arith.cmpi ne, %convert_element_type3A_300, %cond3A_301 : i32
      scf.if %cond3A_302 {
        %add3A_311 = arith.constant 2 : i32
        %add3A_312 = arith.addi %add3A_216, %add3A_311 : i32
        %mul3A_313 = arith.constant 128 : i32
        %mul3A_314 = arith.muli %add3A_312, %mul3A_313 : i32
        %dma_start3A_315 = arith.constant 0 : i32
        %dma_start3A_316 = tpu.memref_slice %arg11[%scan3A_104, %dma_start3A_315] : memref<2x128xi32, #tpu.memory_space<vmem>> -> memref<1x128xi32, #tpu.memory_space<vmem>>
        %dma_start3A_317 = tpu.memref_squeeze %dma_start3A_316 : memref<1x128xi32, #tpu.memory_space<vmem>> -> memref<128xi32, #tpu.memory_space<vmem>>
        %dma_start3A_318 = tpu.memref_slice %arg10[%mul3A_314] : memref<8192xi32, #tpu.memory_space<vmem>> -> memref<128xi32, #tpu.memory_space<vmem>>
        %dma_start3A_319 = arith.constant 0 : i32
        %dma_start3A_320 = tpu.memref_slice %arg4[%dma_start3A_319] : memref<1000000xi32, #tpu.memory_space<hbm>> -> memref<1000000xi32, #tpu.memory_space<hbm>>
        tpu.enqueue_indirect_dma source(%dma_start3A_320 : memref<1000000xi32, #tpu.memory_space<hbm>>) target(%dma_start3A_317 : memref<128xi32, #tpu.memory_space<vmem>>) offsets(%dma_start3A_318 : memref<128xi32, #tpu.memory_space<vmem>>) semaphore(%arg21 : memref<!tpu.dma_semaphore, #tpu.memory_space<semaphore_mem>>)
        %dma_start3A_321 = arith.constant 0 : i32
        %dma_start3A_322 = tpu.memref_slice %arg12[%scan3A_105, %dma_start3A_321] : memref<2x128xi32, #tpu.memory_space<vmem>> -> memref<1x128xi32, #tpu.memory_space<vmem>>
        %dma_start3A_323 = tpu.memref_squeeze %dma_start3A_322 : memref<1x128xi32, #tpu.memory_space<vmem>> -> memref<128xi32, #tpu.memory_space<vmem>>
        %dma_start3A_324 = tpu.memref_slice %arg10[%mul3A_314] : memref<8192xi32, #tpu.memory_space<vmem>> -> memref<128xi32, #tpu.memory_space<vmem>>
        %dma_start3A_325 = arith.constant 0 : i32
        %dma_start3A_326 = tpu.memref_slice %arg5[%dma_start3A_325] : memref<1000000xi32, #tpu.memory_space<hbm>> -> memref<1000000xi32, #tpu.memory_space<hbm>>
        tpu.enqueue_indirect_dma source(%dma_start3A_326 : memref<1000000xi32, #tpu.memory_space<hbm>>) target(%dma_start3A_323 : memref<128xi32, #tpu.memory_space<vmem>>) offsets(%dma_start3A_324 : memref<128xi32, #tpu.memory_space<vmem>>) semaphore(%arg21 : memref<!tpu.dma_semaphore, #tpu.memory_space<semaphore_mem>>)
        %dma_start3A_327 = arith.constant 0 : i32
        %dma_start3A_328 = tpu.memref_slice %arg13[%scan3A_106, %dma_start3A_327] : memref<2x128xi32, #tpu.memory_space<vmem>> -> memref<1x128xi32, #tpu.memory_space<vmem>>
        %dma_start3A_329 = tpu.memref_squeeze %dma_start3A_328 : memref<1x128xi32, #tpu.memory_space<vmem>> -> memref<128xi32, #tpu.memory_space<vmem>>
        %dma_start3A_330 = tpu.memref_slice %arg10[%mul3A_314] : memref<8192xi32, #tpu.memory_space<vmem>> -> memref<128xi32, #tpu.memory_space<vmem>>
        %dma_start3A_331 = arith.constant 0 : i32
        %dma_start3A_332 = tpu.memref_slice %arg6[%dma_start3A_331] : memref<1000000xi32, #tpu.memory_space<hbm>> -> memref<1000000xi32, #tpu.memory_space<hbm>>
        tpu.enqueue_indirect_dma source(%dma_start3A_332 : memref<1000000xi32, #tpu.memory_space<hbm>>) target(%dma_start3A_329 : memref<128xi32, #tpu.memory_space<vmem>>) offsets(%dma_start3A_330 : memref<128xi32, #tpu.memory_space<vmem>>) semaphore(%arg21 : memref<!tpu.dma_semaphore, #tpu.memory_space<semaphore_mem>>)
      } else {
      }
      %mul3A_303 = arith.constant 128 : i32
      %mul3A_304 = arith.muli %add3A_216, %mul3A_303 : i32
      %scan3A_305 = arith.constant 0 : i32
      %scan3A_306 = arith.constant 0 : i32
      %scan3A_307 = arith.constant 8 : i32
      %scan3A_308 = arith.addi %scan3A_306, %scan3A_307 : i32
      %scan3A_309 = arith.constant 1 : i32
      scf.for %scan3A_311 = %scan3A_306 to %scan3A_308 step %scan3A_309  : i32 {
        %mul3A_312 = arith.constant 16 : i32
        %mul3A_313 = arith.muli %scan3A_311, %mul3A_312 : i32
        %get3A_314 = arith.index_cast %mul3A_313 : i32 to index
        %get3A_315 = tpu.vector_load %arg14[%get3A_314] {strides = array<i32>} : memref<128xi32, #tpu.memory_space<vmem>>, vector<16xi32>,
        %broadcast_in_dim3A_316 = arith.constant 0.000000e+00 : f32
        %broadcast_in_dim3A_317 = vector.broadcast %broadcast_in_dim3A_316 : f32 to vector<16xf32>
        %mul3A_318 = arith.constant 16 : i32
        %mul3A_319 = arith.muli %scan3A_311, %mul3A_318 : i32
        %add3A_320 = arith.constant 0 : i32
        %add3A_321 = arith.addi %mul3A_319, %add3A_320 : i32
        %slice3A = vector.extract_strided_slice %get3A_315 {offsets = [0], sizes = [1], strides = [1]} : vector<16xi32> to vector<1xi32>
        %squeeze3A = vector.extract %slice3A[0] : i32 from vector<1xi32>
        %broadcast_in_dim3A_322 = arith.constant 0.000000e+00 : f32
        %broadcast_in_dim3A_323 = vector.broadcast %broadcast_in_dim3A_322 : f32 to vector<16xf32>
        %get3A_324 = arith.constant 0 : i32
        %get3A_325 = arith.constant 0 : i32
        %get3A_326 = tpu.memref_slice %arg15[%scan3A_107, %get3A_324, %get3A_325] : memref<2x128x64xf32, #tpu.memory_space<vmem>> -> memref<1x128x64xf32, #tpu.memory_space<vmem>>
        %get3A_327 = tpu.memref_squeeze %get3A_326 : memref<1x128x64xf32, #tpu.memory_space<vmem>> -> memref<128x64xf32, #tpu.memory_space<vmem>>
        %get3A_328 = arith.index_cast %add3A_321 : i32 to index
        %get3A_329 = arith.constant 0 : index
        %get3A_330 = tpu.vector_load %get3A_327[%get3A_328, %get3A_329] {strides = array<i32>} : memref<128x64xf32, #tpu.memory_space<vmem>>, vector<16xf32>,
        %get3A_331 = arith.constant 0 : i32
        %get3A_332 = arith.constant 0 : i32
        %get3A_333 = tpu.memref_slice %arg16[%scan3A_108, %get3A_331, %get3A_332] : memref<2x128x64xf32, #tpu.memory_space<vmem>> -> memref<1x128x64xf32, #tpu.memory_space<vmem>>
        %get3A_334 = tpu.memref_squeeze %get3A_333 : memref<1x128x64xf32, #tpu.memory_space<vmem>> -> memref<128x64xf32, #tpu.memory_space<vmem>>
        %get3A_335 = arith.index_cast %add3A_321 : i32 to index
        %get3A_336 = arith.constant 0 : index
        %get3A_337 = tpu.vector_load %get3A_334[%get3A_335, %get3A_336] {strides = array<i32>} : memref<128x64xf32, #tpu.memory_space<vmem>>, vector<16xf32>,
        %get3A_338 = arith.index_cast %squeeze3A : i32 to index
        %get3A_339 = arith.constant 0 : index
        %get3A_340 = tpu.vector_load %arg17[%get3A_338, %get3A_339] {strides = array<i32>} : memref<1000x64xf32, #tpu.memory_space<vmem>>, vector<16xf32>,
        %mul3A_341 = arith.mulf %get3A_330, %get3A_340 : vector<16xf32>
        %mul3A_342 = arith.mulf %mul3A_341, %get3A_337 : vector<16xf32>
        %add3A_343 = arith.addf %broadcast_in_dim3A_323, %mul3A_342 : vector<16xf32>
        %get3A_344 = arith.constant 0 : i32
        %get3A_345 = arith.constant 0 : i32
        %get3A_346 = tpu.memref_slice %arg15[%scan3A_107, %get3A_344, %get3A_345] : memref<2x128x64xf32, #tpu.memory_space<vmem>> -> memref<1x128x64xf32, #tpu.memory_space<vmem>>
        %get3A_347 = tpu.memref_squeeze %get3A_346 : memref<1x128x64xf32, #tpu.memory_space<vmem>> -> memref<128x64xf32, #tpu.memory_space<vmem>>
        %get3A_348 = arith.index_cast %add3A_321 : i32 to index
        %get3A_349 = arith.constant 16 : index
        %get3A_350 = tpu.vector_load %get3A_347[%get3A_348, %get3A_349] {strides = array<i32>} : memref<128x64xf32, #tpu.memory_space<vmem>>, vector<16xf32>,
        %get3A_351 = arith.constant 0 : i32
        %get3A_352 = arith.constant 0 : i32
        %get3A_353 = tpu.memref_slice %arg16[%scan3A_108, %get3A_351, %get3A_352] : memref<2x128x64xf32, #tpu.memory_space<vmem>> -> memref<1x128x64xf32, #tpu.memory_space<vmem>>
        %get3A_354 = tpu.memref_squeeze %get3A_353 : memref<1x128x64xf32, #tpu.memory_space<vmem>> -> memref<128x64xf32, #tpu.memory_space<vmem>>
        %get3A_355 = arith.index_cast %add3A_321 : i32 to index
        %get3A_356 = arith.constant 16 : index
        %get3A_357 = tpu.vector_load %get3A_354[%get3A_355, %get3A_356] {strides = array<i32>} : memref<128x64xf32, #tpu.memory_space<vmem>>, vector<16xf32>,
        %get3A_358 = arith.index_cast %squeeze3A : i32 to index
        %get3A_359 = arith.constant 16 : index
        %get3A_360 = tpu.vector_load %arg17[%get3A_358, %get3A_359] {strides = array<i32>} : memref<1000x64xf32, #tpu.memory_space<vmem>>, vector<16xf32>,
        %mul3A_361 = arith.mulf %get3A_350, %get3A_360 : vector<16xf32>
        %mul3A_362 = arith.mulf %mul3A_361, %get3A_357 : vector<16xf32>
        %add3A_363 = arith.addf %add3A_343, %mul3A_362 : vector<16xf32>
        %get3A_364 = arith.constant 0 : i32
        %get3A_365 = arith.constant 0 : i32
        %get3A_366 = tpu.memref_slice %arg15[%scan3A_107, %get3A_364, %get3A_365] : memref<2x128x64xf32, #tpu.memory_space<vmem>> -> memref<1x128x64xf32, #tpu.memory_space<vmem>>
        %get3A_367 = tpu.memref_squeeze %get3A_366 : memref<1x128x64xf32, #tpu.memory_space<vmem>> -> memref<128x64xf32, #tpu.memory_space<vmem>>
        %get3A_368 = arith.index_cast %add3A_321 : i32 to index
        %get3A_369 = arith.constant 32 : index
        %get3A_370 = tpu.vector_load %get3A_367[%get3A_368, %get3A_369] {strides = array<i32>} : memref<128x64xf32, #tpu.memory_space<vmem>>, vector<16xf32>,
        %get3A_371 = arith.constant 0 : i32
        %get3A_372 = arith.constant 0 : i32
        %get3A_373 = tpu.memref_slice %arg16[%scan3A_108, %get3A_371, %get3A_372] : memref<2x128x64xf32, #tpu.memory_space<vmem>> -> memref<1x128x64xf32, #tpu.memory_space<vmem>>
        %get3A_374 = tpu.memref_squeeze %get3A_373 : memref<1x128x64xf32, #tpu.memory_space<vmem>> -> memref<128x64xf32, #tpu.memory_space<vmem>>
        %get3A_375 = arith.index_cast %add3A_321 : i32 to index
        %get3A_376 = arith.constant 32 : index
        %get3A_377 = tpu.vector_load %get3A_374[%get3A_375, %get3A_376] {strides = array<i32>} : memref<128x64xf32, #tpu.memory_space<vmem>>, vector<16xf32>,
        %get3A_378 = arith.index_cast %squeeze3A : i32 to index
        %get3A_379 = arith.constant 32 : index
        %get3A_380 = tpu.vector_load %arg17[%get3A_378, %get3A_379] {strides = array<i32>} : memref<1000x64xf32, #tpu.memory_space<vmem>>, vector<16xf32>,
        %mul3A_381 = arith.mulf %get3A_370, %get3A_380 : vector<16xf32>
        %mul3A_382 = arith.mulf %mul3A_381, %get3A_377 : vector<16xf32>
        %add3A_383 = arith.addf %add3A_363, %mul3A_382 : vector<16xf32>
        %get3A_384 = arith.constant 0 : i32
        %get3A_385 = arith.constant 0 : i32
        %get3A_386 = tpu.memref_slice %arg15[%scan3A_107, %get3A_384, %get3A_385] : memref<2x128x64xf32, #tpu.memory_space<vmem>> -> memref<1x128x64xf32, #tpu.memory_space<vmem>>
        %get3A_387 = tpu.memref_squeeze %get3A_386 : memref<1x128x64xf32, #tpu.memory_space<vmem>> -> memref<128x64xf32, #tpu.memory_space<vmem>>
        %get3A_388 = arith.index_cast %add3A_321 : i32 to index
        %get3A_389 = arith.constant 48 : index
        %get3A_390 = tpu.vector_load %get3A_387[%get3A_388, %get3A_389] {strides = array<i32>} : memref<128x64xf32, #tpu.memory_space<vmem>>, vector<16xf32>,
        %get3A_391 = arith.constant 0 : i32
        %get3A_392 = arith.constant 0 : i32
        %get3A_393 = tpu.memref_slice %arg16[%scan3A_108, %get3A_391, %get3A_392] : memref<2x128x64xf32, #tpu.memory_space<vmem>> -> memref<1x128x64xf32, #tpu.memory_space<vmem>>
        %get3A_394 = tpu.memref_squeeze %get3A_393 : memref<1x128x64xf32, #tpu.memory_space<vmem>> -> memref<128x64xf32, #tpu.memory_space<vmem>>
        %get3A_395 = arith.index_cast %add3A_321 : i32 to index
        %get3A_396 = arith.constant 48 : index
        %get3A_397 = tpu.vector_load %get3A_394[%get3A_395, %get3A_396] {strides = array<i32>} : memref<128x64xf32, #tpu.memory_space<vmem>>, vector<16xf32>,
        %get3A_398 = arith.index_cast %squeeze3A : i32 to index
        %get3A_399 = arith.constant 48 : index
        %get3A_400 = tpu.vector_load %arg17[%get3A_398, %get3A_399] {strides = array<i32>} : memref<1000x64xf32, #tpu.memory_space<vmem>>, vector<16xf32>,
        %mul3A_401 = arith.mulf %get3A_390, %get3A_400 : vector<16xf32>
        %mul3A_402 = arith.mulf %mul3A_401, %get3A_397 : vector<16xf32>
        %add3A_403 = arith.addf %add3A_383, %mul3A_402 : vector<16xf32>
        %reduce_sum3A = arith.constant true
        %reduce_sum3A_404 = vector.broadcast %reduce_sum3A : i1 to vector<16xi1>
        %reduce_sum3A_405 = tpu.scan <sum>, %add3A_403 masked %reduce_sum3A_404 : vector<16xf32>, vector<16xi1> -> vector<16xf32>
        %reduce_sum3A_406 = vector.extract %reduce_sum3A_405[15] : f32 from vector<16xf32>
        %eq3A = arith.constant 0 : i32
        %eq3A_407 = vector.broadcast %eq3A : i32 to vector<16xi32>
        %eq3A_408 = arith.cmpi eq, %iota3A, %eq3A_407 : vector<16xi32>
        %broadcast_in_dim3A_409 = vector.broadcast %reduce_sum3A_406 : f32 to vector<16xf32>
        %select_n3A = arith.select %eq3A_408, %broadcast_in_dim3A_409, %broadcast_in_dim3A_317 : vector<16xi1>, vector<16xf32>
        %mul3A_410 = arith.constant 16 : i32
        %mul3A_411 = arith.muli %scan3A_311, %mul3A_410 : i32
        %add3A_412 = arith.constant 1 : i32
        %add3A_413 = arith.addi %mul3A_411, %add3A_412 : i32
        %slice3A_414 = vector.extract_strided_slice %get3A_315 {offsets = [1], sizes = [1], strides = [1]} : vector<16xi32> to vector<1xi32>
        %squeeze3A_415 = vector.extract %slice3A_414[0] : i32 from vector<1xi32>
        %broadcast_in_dim3A_416 = arith.constant 0.000000e+00 : f32
        %broadcast_in_dim3A_417 = vector.broadcast %broadcast_in_dim3A_416 : f32 to vector<16xf32>
        %get3A_418 = arith.constant 0 : i32
        %get3A_419 = arith.constant 0 : i32
        %get3A_420 = tpu.memref_slice %arg15[%scan3A_107, %get3A_418, %get3A_419] : memref<2x128x64xf32, #tpu.memory_space<vmem>> -> memref<1x128x64xf32, #tpu.memory_space<vmem>>
        %get3A_421 = tpu.memref_squeeze %get3A_420 : memref<1x128x64xf32, #tpu.memory_space<vmem>> -> memref<128x64xf32, #tpu.memory_space<vmem>>
        %get3A_422 = arith.index_cast %add3A_413 : i32 to index
        %get3A_423 = arith.constant 0 : index
        %get3A_424 = tpu.vector_load %get3A_421[%get3A_422, %get3A_423] {strides = array<i32>} : memref<128x64xf32, #tpu.memory_space<vmem>>, vector<16xf32>,
        %get3A_425 = arith.constant 0 : i32
        %get3A_426 = arith.constant 0 : i32
        %get3A_427 = tpu.memref_slice %arg16[%scan3A_108, %get3A_425, %get3A_426] : memref<2x128x64xf32, #tpu.memory_space<vmem>> -> memref<1x128x64xf32, #tpu.memory_space<vmem>>
        %get3A_428 = tpu.memref_squeeze %get3A_427 : memref<1x128x64xf32, #tpu.memory_space<vmem>> -> memref<128x64xf32, #tpu.memory_space<vmem>>
        %get3A_429 = arith.index_cast %add3A_413 : i32 to index
        %get3A_430 = arith.constant 0 : index
        %get3A_431 = tpu.vector_load %get3A_428[%get3A_429, %get3A_430] {strides = array<i32>} : memref<128x64xf32, #tpu.memory_space<vmem>>, vector<16xf32>,
        %get3A_432 = arith.index_cast %squeeze3A_415 : i32 to index
        %get3A_433 = arith.constant 0 : index
        %get3A_434 = tpu.vector_load %arg17[%get3A_432, %get3A_433] {strides = array<i32>} : memref<1000x64xf32, #tpu.memory_space<vmem>>, vector<16xf32>,
        %mul3A_435 = arith.mulf %get3A_424, %get3A_434 : vector<16xf32>
        %mul3A_436 = arith.mulf %mul3A_435, %get3A_431 : vector<16xf32>
        %add3A_437 = arith.addf %broadcast_in_dim3A_417, %mul3A_436 : vector<16xf32>
        %get3A_438 = arith.constant 0 : i32
        %get3A_439 = arith.constant 0 : i32
        %get3A_440 = tpu.memref_slice %arg15[%scan3A_107, %get3A_438, %get3A_439] : memref<2x128x64xf32, #tpu.memory_space<vmem>> -> memref<1x128x64xf32, #tpu.memory_space<vmem>>
        %get3A_441 = tpu.memref_squeeze %get3A_440 : memref<1x128x64xf32, #tpu.memory_space<vmem>> -> memref<128x64xf32, #tpu.memory_space<vmem>>
        %get3A_442 = arith.index_cast %add3A_413 : i32 to index
        %get3A_443 = arith.constant 16 : index
        %get3A_444 = tpu.vector_load %get3A_441[%get3A_442, %get3A_443] {strides = array<i32>} : memref<128x64xf32, #tpu.memory_space<vmem>>, vector<16xf32>,
        %get3A_445 = arith.constant 0 : i32
        %get3A_446 = arith.constant 0 : i32
        %get3A_447 = tpu.memref_slice %arg16[%scan3A_108, %get3A_445, %get3A_446] : memref<2x128x64xf32, #tpu.memory_space<vmem>> -> memref<1x128x64xf32, #tpu.memory_space<vmem>>
        %get3A_448 = tpu.memref_squeeze %get3A_447 : memref<1x128x64xf32, #tpu.memory_space<vmem>> -> memref<128x64xf32, #tpu.memory_space<vmem>>
        %get3A_449 = arith.index_cast %add3A_413 : i32 to index
        %get3A_450 = arith.constant 16 : index
        %get3A_451 = tpu.vector_load %get3A_448[%get3A_449, %get3A_450] {strides = array<i32>} : memref<128x64xf32, #tpu.memory_space<vmem>>, vector<16xf32>,
        %get3A_452 = arith.index_cast %squeeze3A_415 : i32 to index
        %get3A_453 = arith.constant 16 : index
        %get3A_454 = tpu.vector_load %arg17[%get3A_452, %get3A_453] {strides = array<i32>} : memref<1000x64xf32, #tpu.memory_space<vmem>>, vector<16xf32>,
        %mul3A_455 = arith.mulf %get3A_444, %get3A_454 : vector<16xf32>
        %mul3A_456 = arith.mulf %mul3A_455, %get3A_451 : vector<16xf32>
        %add3A_457 = arith.addf %add3A_437, %mul3A_456 : vector<16xf32>
        %get3A_458 = arith.constant 0 : i32
        %get3A_459 = arith.constant 0 : i32
        %get3A_460 = tpu.memref_slice %arg15[%scan3A_107, %get3A_458, %get3A_459] : memref<2x128x64xf32, #tpu.memory_space<vmem>> -> memref<1x128x64xf32, #tpu.memory_space<vmem>>
        %get3A_461 = tpu.memref_squeeze %get3A_460 : memref<1x128x64xf32, #tpu.memory_space<vmem>> -> memref<128x64xf32, #tpu.memory_space<vmem>>
        %get3A_462 = arith.index_cast %add3A_413 : i32 to index
        %get3A_463 = arith.constant 32 : index
        %get3A_464 = tpu.vector_load %get3A_461[%get3A_462, %get3A_463] {strides = array<i32>} : memref<128x64xf32, #tpu.memory_space<vmem>>, vector<16xf32>,
        %get3A_465 = arith.constant 0 : i32
        %get3A_466 = arith.constant 0 : i32
        %get3A_467 = tpu.memref_slice %arg16[%scan3A_108, %get3A_465, %get3A_466] : memref<2x128x64xf32, #tpu.memory_space<vmem>> -> memref<1x128x64xf32, #tpu.memory_space<vmem>>
        %get3A_468 = tpu.memref_squeeze %get3A_467 : memref<1x128x64xf32, #tpu.memory_space<vmem>> -> memref<128x64xf32, #tpu.memory_space<vmem>>
        %get3A_469 = arith.index_cast %add3A_413 : i32 to index
        %get3A_470 = arith.constant 32 : index
        %get3A_471 = tpu.vector_load %get3A_468[%get3A_469, %get3A_470] {strides = array<i32>} : memref<128x64xf32, #tpu.memory_space<vmem>>, vector<16xf32>,
        %get3A_472 = arith.index_cast %squeeze3A_415 : i32 to index
        %get3A_473 = arith.constant 32 : index
        %get3A_474 = tpu.vector_load %arg17[%get3A_472, %get3A_473] {strides = array<i32>} : memref<1000x64xf32, #tpu.memory_space<vmem>>, vector<16xf32>,
        %mul3A_475 = arith.mulf %get3A_464, %get3A_474 : vector<16xf32>
        %mul3A_476 = arith.mulf %mul3A_475, %get3A_471 : vector<16xf32>
        %add3A_477 = arith.addf %add3A_457, %mul3A_476 : vector<16xf32>
        %get3A_478 = arith.constant 0 : i32
        %get3A_479 = arith.constant 0 : i32
        %get3A_480 = tpu.memref_slice %arg15[%scan3A_107, %get3A_478, %get3A_479] : memref<2x128x64xf32, #tpu.memory_space<vmem>> -> memref<1x128x64xf32, #tpu.memory_space<vmem>>
        %get3A_481 = tpu.memref_squeeze %get3A_480 : memref<1x128x64xf32, #tpu.memory_space<vmem>> -> memref<128x64xf32, #tpu.memory_space<vmem>>
        %get3A_482 = arith.index_cast %add3A_413 : i32 to index
        %get3A_483 = arith.constant 48 : index
        %get3A_484 = tpu.vector_load %get3A_481[%get3A_482, %get3A_483] {strides = array<i32>} : memref<128x64xf32, #tpu.memory_space<vmem>>, vector<16xf32>,
        %get3A_485 = arith.constant 0 : i32
        %get3A_486 = arith.constant 0 : i32
        %get3A_487 = tpu.memref_slice %arg16[%scan3A_108, %get3A_485, %get3A_486] : memref<2x128x64xf32, #tpu.memory_space<vmem>> -> memref<1x128x64xf32, #tpu.memory_space<vmem>>
        %get3A_488 = tpu.memref_squeeze %get3A_487 : memref<1x128x64xf32, #tpu.memory_space<vmem>> -> memref<128x64xf32, #tpu.memory_space<vmem>>
        %get3A_489 = arith.index_cast %add3A_413 : i32 to index
        %get3A_490 = arith.constant 48 : index
        %get3A_491 = tpu.vector_load %get3A_488[%get3A_489, %get3A_490] {strides = array<i32>} : memref<128x64xf32, #tpu.memory_space<vmem>>, vector<16xf32>,
        %get3A_492 = arith.index_cast %squeeze3A_415 : i32 to index
        %get3A_493 = arith.constant 48 : index
        %get3A_494 = tpu.vector_load %arg17[%get3A_492, %get3A_493] {strides = array<i32>} : memref<1000x64xf32, #tpu.memory_space<vmem>>, vector<16xf32>,
        %mul3A_495 = arith.mulf %get3A_484, %get3A_494 : vector<16xf32>
        %mul3A_496 = arith.mulf %mul3A_495, %get3A_491 : vector<16xf32>
        %add3A_497 = arith.addf %add3A_477, %mul3A_496 : vector<16xf32>
        %reduce_sum3A_498 = arith.constant true
        %reduce_sum3A_499 = vector.broadcast %reduce_sum3A_498 : i1 to vector<16xi1>
        %reduce_sum3A_500 = tpu.scan <sum>, %add3A_497 masked %reduce_sum3A_499 : vector<16xf32>, vector<16xi1> -> vector<16xf32>
        %reduce_sum3A_501 = vector.extract %reduce_sum3A_500[15] : f32 from vector<16xf32>
        %eq3A_502 = arith.constant 1 : i32
        %eq3A_503 = vector.broadcast %eq3A_502 : i32 to vector<16xi32>
        %eq3A_504 = arith.cmpi eq, %iota3A, %eq3A_503 : vector<16xi32>
        %broadcast_in_dim3A_505 = vector.broadcast %reduce_sum3A_501 : f32 to vector<16xf32>
        %select_n3A_506 = arith.select %eq3A_504, %broadcast_in_dim3A_505, %select_n3A : vector<16xi1>, vector<16xf32>
        %mul3A_507 = arith.constant 16 : i32
        %mul3A_508 = arith.muli %scan3A_311, %mul3A_507 : i32
        %add3A_509 = arith.constant 2 : i32
        %add3A_510 = arith.addi %mul3A_508, %add3A_509 : i32
        %slice3A_511 = vector.extract_strided_slice %get3A_315 {offsets = [2], sizes = [1], strides = [1]} : vector<16xi32> to vector<1xi32>
        %squeeze3A_512 = vector.extract %slice3A_511[0] : i32 from vector<1xi32>
        %broadcast_in_dim3A_513 = arith.constant 0.000000e+00 : f32
        %broadcast_in_dim3A_514 = vector.broadcast %broadcast_in_dim3A_513 : f32 to vector<16xf32>
        %get3A_515 = arith.constant 0 : i32
        %get3A_516 = arith.constant 0 : i32
        %get3A_517 = tpu.memref_slice %arg15[%scan3A_107, %get3A_515, %get3A_516] : memref<2x128x64xf32, #tpu.memory_space<vmem>> -> memref<1x128x64xf32, #tpu.memory_space<vmem>>
        %get3A_518 = tpu.memref_squeeze %get3A_517 : memref<1x128x64xf32, #tpu.memory_space<vmem>> -> memref<128x64xf32, #tpu.memory_space<vmem>>
        %get3A_519 = arith.index_cast %add3A_510 : i32 to index
        %get3A_520 = arith.constant 0 : index
        %get3A_521 = tpu.vector_load %get3A_518[%get3A_519, %get3A_520] {strides = array<i32>} : memref<128x64xf32, #tpu.memory_space<vmem>>, vector<16xf32>,
        %get3A_522 = arith.constant 0 : i32
        %get3A_523 = arith.constant 0 : i32
        %get3A_524 = tpu.memref_slice %arg16[%scan3A_108, %get3A_522, %get3A_523] : memref<2x128x64xf32, #tpu.memory_space<vmem>> -> memref<1x128x64xf32, #tpu.memory_space<vmem>>
        %get3A_525 = tpu.memref_squeeze %get3A_524 : memref<1x128x64xf32, #tpu.memory_space<vmem>> -> memref<128x64xf32, #tpu.memory_space<vmem>>
        %get3A_526 = arith.index_cast %add3A_510 : i32 to index
        %get3A_527 = arith.constant 0 : index
        %get3A_528 = tpu.vector_load %get3A_525[%get3A_526, %get3A_527] {strides = array<i32>} : memref<128x64xf32, #tpu.memory_space<vmem>>, vector<16xf32>,
        %get3A_529 = arith.index_cast %squeeze3A_512 : i32 to index
        %get3A_530 = arith.constant 0 : index
        %get3A_531 = tpu.vector_load %arg17[%get3A_529, %get3A_530] {strides = array<i32>} : memref<1000x64xf32, #tpu.memory_space<vmem>>, vector<16xf32>,
        %mul3A_532 = arith.mulf %get3A_521, %get3A_531 : vector<16xf32>
        %mul3A_533 = arith.mulf %mul3A_532, %get3A_528 : vector<16xf32>
        %add3A_534 = arith.addf %broadcast_in_dim3A_514, %mul3A_533 : vector<16xf32>
        %get3A_535 = arith.constant 0 : i32
        %get3A_536 = arith.constant 0 : i32
        %get3A_537 = tpu.memref_slice %arg15[%scan3A_107, %get3A_535, %get3A_536] : memref<2x128x64xf32, #tpu.memory_space<vmem>> -> memref<1x128x64xf32, #tpu.memory_space<vmem>>
        %get3A_538 = tpu.memref_squeeze %get3A_537 : memref<1x128x64xf32, #tpu.memory_space<vmem>> -> memref<128x64xf32, #tpu.memory_space<vmem>>
        %get3A_539 = arith.index_cast %add3A_510 : i32 to index
        %get3A_540 = arith.constant 16 : index
        %get3A_541 = tpu.vector_load %get3A_538[%get3A_539, %get3A_540] {strides = array<i32>} : memref<128x64xf32, #tpu.memory_space<vmem>>, vector<16xf32>,
        %get3A_542 = arith.constant 0 : i32
        %get3A_543 = arith.constant 0 : i32
        %get3A_544 = tpu.memref_slice %arg16[%scan3A_108, %get3A_542, %get3A_543] : memref<2x128x64xf32, #tpu.memory_space<vmem>> -> memref<1x128x64xf32, #tpu.memory_space<vmem>>
        %get3A_545 = tpu.memref_squeeze %get3A_544 : memref<1x128x64xf32, #tpu.memory_space<vmem>> -> memref<128x64xf32, #tpu.memory_space<vmem>>
        %get3A_546 = arith.index_cast %add3A_510 : i32 to index
        %get3A_547 = arith.constant 16 : index
        %get3A_548 = tpu.vector_load %get3A_545[%get3A_546, %get3A_547] {strides = array<i32>} : memref<128x64xf32, #tpu.memory_space<vmem>>, vector<16xf32>,
        %get3A_549 = arith.index_cast %squeeze3A_512 : i32 to index
        %get3A_550 = arith.constant 16 : index
        %get3A_551 = tpu.vector_load %arg17[%get3A_549, %get3A_550] {strides = array<i32>} : memref<1000x64xf32, #tpu.memory_space<vmem>>, vector<16xf32>,
        %mul3A_552 = arith.mulf %get3A_541, %get3A_551 : vector<16xf32>
        %mul3A_553 = arith.mulf %mul3A_552, %get3A_548 : vector<16xf32>
        %add3A_554 = arith.addf %add3A_534, %mul3A_553 : vector<16xf32>
        %get3A_555 = arith.constant 0 : i32
        %get3A_556 = arith.constant 0 : i32
        %get3A_557 = tpu.memref_slice %arg15[%scan3A_107, %get3A_555, %get3A_556] : memref<2x128x64xf32, #tpu.memory_space<vmem>> -> memref<1x128x64xf32, #tpu.memory_space<vmem>>
        %get3A_558 = tpu.memref_squeeze %get3A_557 : memref<1x128x64xf32, #tpu.memory_space<vmem>> -> memref<128x64xf32, #tpu.memory_space<vmem>>
        %get3A_559 = arith.index_cast %add3A_510 : i32 to index
        %get3A_560 = arith.constant 32 : index
        %get3A_561 = tpu.vector_load %get3A_558[%get3A_559, %get3A_560] {strides = array<i32>} : memref<128x64xf32, #tpu.memory_space<vmem>>, vector<16xf32>,
        %get3A_562 = arith.constant 0 : i32
        %get3A_563 = arith.constant 0 : i32
        %get3A_564 = tpu.memref_slice %arg16[%scan3A_108, %get3A_562, %get3A_563] : memref<2x128x64xf32, #tpu.memory_space<vmem>> -> memref<1x128x64xf32, #tpu.memory_space<vmem>>
        %get3A_565 = tpu.memref_squeeze %get3A_564 : memref<1x128x64xf32, #tpu.memory_space<vmem>> -> memref<128x64xf32, #tpu.memory_space<vmem>>
        %get3A_566 = arith.index_cast %add3A_510 : i32 to index
        %get3A_567 = arith.constant 32 : index
        %get3A_568 = tpu.vector_load %get3A_565[%get3A_566, %get3A_567] {strides = array<i32>} : memref<128x64xf32, #tpu.memory_space<vmem>>, vector<16xf32>,
        %get3A_569 = arith.index_cast %squeeze3A_512 : i32 to index
        %get3A_570 = arith.constant 32 : index
        %get3A_571 = tpu.vector_load %arg17[%get3A_569, %get3A_570] {strides = array<i32>} : memref<1000x64xf32, #tpu.memory_space<vmem>>, vector<16xf32>,
        %mul3A_572 = arith.mulf %get3A_561, %get3A_571 : vector<16xf32>
        %mul3A_573 = arith.mulf %mul3A_572, %get3A_568 : vector<16xf32>
        %add3A_574 = arith.addf %add3A_554, %mul3A_573 : vector<16xf32>
        %get3A_575 = arith.constant 0 : i32
        %get3A_576 = arith.constant 0 : i32
        %get3A_577 = tpu.memref_slice %arg15[%scan3A_107, %get3A_575, %get3A_576] : memref<2x128x64xf32, #tpu.memory_space<vmem>> -> memref<1x128x64xf32, #tpu.memory_space<vmem>>
        %get3A_578 = tpu.memref_squeeze %get3A_577 : memref<1x128x64xf32, #tpu.memory_space<vmem>> -> memref<128x64xf32, #tpu.memory_space<vmem>>
        %get3A_579 = arith.index_cast %add3A_510 : i32 to index
        %get3A_580 = arith.constant 48 : index
        %get3A_581 = tpu.vector_load %get3A_578[%get3A_579, %get3A_580] {strides = array<i32>} : memref<128x64xf32, #tpu.memory_space<vmem>>, vector<16xf32>,
        %get3A_582 = arith.constant 0 : i32
        %get3A_583 = arith.constant 0 : i32
        %get3A_584 = tpu.memref_slice %arg16[%scan3A_108, %get3A_582, %get3A_583] : memref<2x128x64xf32, #tpu.memory_space<vmem>> -> memref<1x128x64xf32, #tpu.memory_space<vmem>>
        %get3A_585 = tpu.memref_squeeze %get3A_584 : memref<1x128x64xf32, #tpu.memory_space<vmem>> -> memref<128x64xf32, #tpu.memory_space<vmem>>
        %get3A_586 = arith.index_cast %add3A_510 : i32 to index
        %get3A_587 = arith.constant 48 : index
        %get3A_588 = tpu.vector_load %get3A_585[%get3A_586, %get3A_587] {strides = array<i32>} : memref<128x64xf32, #tpu.memory_space<vmem>>, vector<16xf32>,
        %get3A_589 = arith.index_cast %squeeze3A_512 : i32 to index
        %get3A_590 = arith.constant 48 : index
        %get3A_591 = tpu.vector_load %arg17[%get3A_589, %get3A_590] {strides = array<i32>} : memref<1000x64xf32, #tpu.memory_space<vmem>>, vector<16xf32>,
        %mul3A_592 = arith.mulf %get3A_581, %get3A_591 : vector<16xf32>
        %mul3A_593 = arith.mulf %mul3A_592, %get3A_588 : vector<16xf32>
        %add3A_594 = arith.addf %add3A_574, %mul3A_593 : vector<16xf32>
        %reduce_sum3A_595 = arith.constant true
        %reduce_sum3A_596 = vector.broadcast %reduce_sum3A_595 : i1 to vector<16xi1>
        %reduce_sum3A_597 = tpu.scan <sum>, %add3A_594 masked %reduce_sum3A_596 : vector<16xf32>, vector<16xi1> -> vector<16xf32>
        %reduce_sum3A_598 = vector.extract %reduce_sum3A_597[15] : f32 from vector<16xf32>
        %eq3A_599 = arith.constant 2 : i32
        %eq3A_600 = vector.broadcast %eq3A_599 : i32 to vector<16xi32>
        %eq3A_601 = arith.cmpi eq, %iota3A, %eq3A_600 : vector<16xi32>
        %broadcast_in_dim3A_602 = vector.broadcast %reduce_sum3A_598 : f32 to vector<16xf32>
        %select_n3A_603 = arith.select %eq3A_601, %broadcast_in_dim3A_602, %select_n3A_506 : vector<16xi1>, vector<16xf32>
        %mul3A_604 = arith.constant 16 : i32
        %mul3A_605 = arith.muli %scan3A_311, %mul3A_604 : i32
        %add3A_606 = arith.constant 3 : i32
        %add3A_607 = arith.addi %mul3A_605, %add3A_606 : i32
        %slice3A_608 = vector.extract_strided_slice %get3A_315 {offsets = [3], sizes = [1], strides = [1]} : vector<16xi32> to vector<1xi32>
        %squeeze3A_609 = vector.extract %slice3A_608[0] : i32 from vector<1xi32>
        %broadcast_in_dim3A_610 = arith.constant 0.000000e+00 : f32
        %broadcast_in_dim3A_611 = vector.broadcast %broadcast_in_dim3A_610 : f32 to vector<16xf32>
        %get3A_612 = arith.constant 0 : i32
        %get3A_613 = arith.constant 0 : i32
        %get3A_614 = tpu.memref_slice %arg15[%scan3A_107, %get3A_612, %get3A_613] : memref<2x128x64xf32, #tpu.memory_space<vmem>> -> memref<1x128x64xf32, #tpu.memory_space<vmem>>
        %get3A_615 = tpu.memref_squeeze %get3A_614 : memref<1x128x64xf32, #tpu.memory_space<vmem>> -> memref<128x64xf32, #tpu.memory_space<vmem>>
        %get3A_616 = arith.index_cast %add3A_607 : i32 to index
        %get3A_617 = arith.constant 0 : index
        %get3A_618 = tpu.vector_load %get3A_615[%get3A_616, %get3A_617] {strides = array<i32>} : memref<128x64xf32, #tpu.memory_space<vmem>>, vector<16xf32>,
        %get3A_619 = arith.constant 0 : i32
        %get3A_620 = arith.constant 0 : i32
        %get3A_621 = tpu.memref_slice %arg16[%scan3A_108, %get3A_619, %get3A_620] : memref<2x128x64xf32, #tpu.memory_space<vmem>> -> memref<1x128x64xf32, #tpu.memory_space<vmem>>
        %get3A_622 = tpu.memref_squeeze %get3A_621 : memref<1x128x64xf32, #tpu.memory_space<vmem>> -> memref<128x64xf32, #tpu.memory_space<vmem>>
        %get3A_623 = arith.index_cast %add3A_607 : i32 to index
        %get3A_624 = arith.constant 0 : index
        %get3A_625 = tpu.vector_load %get3A_622[%get3A_623, %get3A_624] {strides = array<i32>} : memref<128x64xf32, #tpu.memory_space<vmem>>, vector<16xf32>,
        %get3A_626 = arith.index_cast %squeeze3A_609 : i32 to index
        %get3A_627 = arith.constant 0 : index
        %get3A_628 = tpu.vector_load %arg17[%get3A_626, %get3A_627] {strides = array<i32>} : memref<1000x64xf32, #tpu.memory_space<vmem>>, vector<16xf32>,
        %mul3A_629 = arith.mulf %get3A_618, %get3A_628 : vector<16xf32>
        %mul3A_630 = arith.mulf %mul3A_629, %get3A_625 : vector<16xf32>
        %add3A_631 = arith.addf %broadcast_in_dim3A_611, %mul3A_630 : vector<16xf32>
        %get3A_632 = arith.constant 0 : i32
        %get3A_633 = arith.constant 0 : i32
        %get3A_634 = tpu.memref_slice %arg15[%scan3A_107, %get3A_632, %get3A_633] : memref<2x128x64xf32, #tpu.memory_space<vmem>> -> memref<1x128x64xf32, #tpu.memory_space<vmem>>
        %get3A_635 = tpu.memref_squeeze %get3A_634 : memref<1x128x64xf32, #tpu.memory_space<vmem>> -> memref<128x64xf32, #tpu.memory_space<vmem>>
        %get3A_636 = arith.index_cast %add3A_607 : i32 to index
        %get3A_637 = arith.constant 16 : index
        %get3A_638 = tpu.vector_load %get3A_635[%get3A_636, %get3A_637] {strides = array<i32>} : memref<128x64xf32, #tpu.memory_space<vmem>>, vector<16xf32>,
        %get3A_639 = arith.constant 0 : i32
        %get3A_640 = arith.constant 0 : i32
        %get3A_641 = tpu.memref_slice %arg16[%scan3A_108, %get3A_639, %get3A_640] : memref<2x128x64xf32, #tpu.memory_space<vmem>> -> memref<1x128x64xf32, #tpu.memory_space<vmem>>
        %get3A_642 = tpu.memref_squeeze %get3A_641 : memref<1x128x64xf32, #tpu.memory_space<vmem>> -> memref<128x64xf32, #tpu.memory_space<vmem>>
        %get3A_643 = arith.index_cast %add3A_607 : i32 to index
        %get3A_644 = arith.constant 16 : index
        %get3A_645 = tpu.vector_load %get3A_642[%get3A_643, %get3A_644] {strides = array<i32>} : memref<128x64xf32, #tpu.memory_space<vmem>>, vector<16xf32>,
        %get3A_646 = arith.index_cast %squeeze3A_609 : i32 to index
        %get3A_647 = arith.constant 16 : index
        %get3A_648 = tpu.vector_load %arg17[%get3A_646, %get3A_647] {strides = array<i32>} : memref<1000x64xf32, #tpu.memory_space<vmem>>, vector<16xf32>,
        %mul3A_649 = arith.mulf %get3A_638, %get3A_648 : vector<16xf32>
        %mul3A_650 = arith.mulf %mul3A_649, %get3A_645 : vector<16xf32>
        %add3A_651 = arith.addf %add3A_631, %mul3A_650 : vector<16xf32>
        %get3A_652 = arith.constant 0 : i32
        %get3A_653 = arith.constant 0 : i32
        %get3A_654 = tpu.memref_slice %arg15[%scan3A_107, %get3A_652, %get3A_653] : memref<2x128x64xf32, #tpu.memory_space<vmem>> -> memref<1x128x64xf32, #tpu.memory_space<vmem>>
        %get3A_655 = tpu.memref_squeeze %get3A_654 : memref<1x128x64xf32, #tpu.memory_space<vmem>> -> memref<128x64xf32, #tpu.memory_space<vmem>>
        %get3A_656 = arith.index_cast %add3A_607 : i32 to index
        %get3A_657 = arith.constant 32 : index
        %get3A_658 = tpu.vector_load %get3A_655[%get3A_656, %get3A_657] {strides = array<i32>} : memref<128x64xf32, #tpu.memory_space<vmem>>, vector<16xf32>,
        %get3A_659 = arith.constant 0 : i32
        %get3A_660 = arith.constant 0 : i32
        %get3A_661 = tpu.memref_slice %arg16[%scan3A_108, %get3A_659, %get3A_660] : memref<2x128x64xf32, #tpu.memory_space<vmem>> -> memref<1x128x64xf32, #tpu.memory_space<vmem>>
        %get3A_662 = tpu.memref_squeeze %get3A_661 : memref<1x128x64xf32, #tpu.memory_space<vmem>> -> memref<128x64xf32, #tpu.memory_space<vmem>>
        %get3A_663 = arith.index_cast %add3A_607 : i32 to index
        %get3A_664 = arith.constant 32 : index
        %get3A_665 = tpu.vector_load %get3A_662[%get3A_663, %get3A_664] {strides = array<i32>} : memref<128x64xf32, #tpu.memory_space<vmem>>, vector<16xf32>,
        %get3A_666 = arith.index_cast %squeeze3A_609 : i32 to index
        %get3A_667 = arith.constant 32 : index
        %get3A_668 = tpu.vector_load %arg17[%get3A_666, %get3A_667] {strides = array<i32>} : memref<1000x64xf32, #tpu.memory_space<vmem>>, vector<16xf32>,
        %mul3A_669 = arith.mulf %get3A_658, %get3A_668 : vector<16xf32>
        %mul3A_670 = arith.mulf %mul3A_669, %get3A_665 : vector<16xf32>
        %add3A_671 = arith.addf %add3A_651, %mul3A_670 : vector<16xf32>
        %get3A_672 = arith.constant 0 : i32
        %get3A_673 = arith.constant 0 : i32
        %get3A_674 = tpu.memref_slice %arg15[%scan3A_107, %get3A_672, %get3A_673] : memref<2x128x64xf32, #tpu.memory_space<vmem>> -> memref<1x128x64xf32, #tpu.memory_space<vmem>>
        %get3A_675 = tpu.memref_squeeze %get3A_674 : memref<1x128x64xf32, #tpu.memory_space<vmem>> -> memref<128x64xf32, #tpu.memory_space<vmem>>
        %get3A_676 = arith.index_cast %add3A_607 : i32 to index
        %get3A_677 = arith.constant 48 : index
        %get3A_678 = tpu.vector_load %get3A_675[%get3A_676, %get3A_677] {strides = array<i32>} : memref<128x64xf32, #tpu.memory_space<vmem>>, vector<16xf32>,
        %get3A_679 = arith.constant 0 : i32
        %get3A_680 = arith.constant 0 : i32
        %get3A_681 = tpu.memref_slice %arg16[%scan3A_108, %get3A_679, %get3A_680] : memref<2x128x64xf32, #tpu.memory_space<vmem>> -> memref<1x128x64xf32, #tpu.memory_space<vmem>>
        %get3A_682 = tpu.memref_squeeze %get3A_681 : memref<1x128x64xf32, #tpu.memory_space<vmem>> -> memref<128x64xf32, #tpu.memory_space<vmem>>
        %get3A_683 = arith.index_cast %add3A_607 : i32 to index
        %get3A_684 = arith.constant 48 : index
        %get3A_685 = tpu.vector_load %get3A_682[%get3A_683, %get3A_684] {strides = array<i32>} : memref<128x64xf32, #tpu.memory_space<vmem>>, vector<16xf32>,
        %get3A_686 = arith.index_cast %squeeze3A_609 : i32 to index
        %get3A_687 = arith.constant 48 : index
        %get3A_688 = tpu.vector_load %arg17[%get3A_686, %get3A_687] {strides = array<i32>} : memref<1000x64xf32, #tpu.memory_space<vmem>>, vector<16xf32>,
        %mul3A_689 = arith.mulf %get3A_678, %get3A_688 : vector<16xf32>
        %mul3A_690 = arith.mulf %mul3A_689, %get3A_685 : vector<16xf32>
        %add3A_691 = arith.addf %add3A_671, %mul3A_690 : vector<16xf32>
        %reduce_sum3A_692 = arith.constant true
        %reduce_sum3A_693 = vector.broadcast %reduce_sum3A_692 : i1 to vector<16xi1>
        %reduce_sum3A_694 = tpu.scan <sum>, %add3A_691 masked %reduce_sum3A_693 : vector<16xf32>, vector<16xi1> -> vector<16xf32>
        %reduce_sum3A_695 = vector.extract %reduce_sum3A_694[15] : f32 from vector<16xf32>
        %eq3A_696 = arith.constant 3 : i32
        %eq3A_697 = vector.broadcast %eq3A_696 : i32 to vector<16xi32>
        %eq3A_698 = arith.cmpi eq, %iota3A, %eq3A_697 : vector<16xi32>
        %broadcast_in_dim3A_699 = vector.broadcast %reduce_sum3A_695 : f32 to vector<16xf32>
        %select_n3A_700 = arith.select %eq3A_698, %broadcast_in_dim3A_699, %select_n3A_603 : vector<16xi1>, vector<16xf32>
        %mul3A_701 = arith.constant 16 : i32
        %mul3A_702 = arith.muli %scan3A_311, %mul3A_701 : i32
        %add3A_703 = arith.constant 4 : i32
        %add3A_704 = arith.addi %mul3A_702, %add3A_703 : i32
        %slice3A_705 = vector.extract_strided_slice %get3A_315 {offsets = [4], sizes = [1], strides = [1]} : vector<16xi32> to vector<1xi32>
        %squeeze3A_706 = vector.extract %slice3A_705[0] : i32 from vector<1xi32>
        %broadcast_in_dim3A_707 = arith.constant 0.000000e+00 : f32
        %broadcast_in_dim3A_708 = vector.broadcast %broadcast_in_dim3A_707 : f32 to vector<16xf32>
        %get3A_709 = arith.constant 0 : i32
        %get3A_710 = arith.constant 0 : i32
        %get3A_711 = tpu.memref_slice %arg15[%scan3A_107, %get3A_709, %get3A_710] : memref<2x128x64xf32, #tpu.memory_space<vmem>> -> memref<1x128x64xf32, #tpu.memory_space<vmem>>
        %get3A_712 = tpu.memref_squeeze %get3A_711 : memref<1x128x64xf32, #tpu.memory_space<vmem>> -> memref<128x64xf32, #tpu.memory_space<vmem>>
        %get3A_713 = arith.index_cast %add3A_704 : i32 to index
        %get3A_714 = arith.constant 0 : index
        %get3A_715 = tpu.vector_load %get3A_712[%get3A_713, %get3A_714] {strides = array<i32>} : memref<128x64xf32, #tpu.memory_space<vmem>>, vector<16xf32>,
        %get3A_716 = arith.constant 0 : i32
        %get3A_717 = arith.constant 0 : i32
        %get3A_718 = tpu.memref_slice %arg16[%scan3A_108, %get3A_716, %get3A_717] : memref<2x128x64xf32, #tpu.memory_space<vmem>> -> memref<1x128x64xf32, #tpu.memory_space<vmem>>
        %get3A_719 = tpu.memref_squeeze %get3A_718 : memref<1x128x64xf32, #tpu.memory_space<vmem>> -> memref<128x64xf32, #tpu.memory_space<vmem>>
        %get3A_720 = arith.index_cast %add3A_704 : i32 to index
        %get3A_721 = arith.constant 0 : index
        %get3A_722 = tpu.vector_load %get3A_719[%get3A_720, %get3A_721] {strides = array<i32>} : memref<128x64xf32, #tpu.memory_space<vmem>>, vector<16xf32>,
        %get3A_723 = arith.index_cast %squeeze3A_706 : i32 to index
        %get3A_724 = arith.constant 0 : index
        %get3A_725 = tpu.vector_load %arg17[%get3A_723, %get3A_724] {strides = array<i32>} : memref<1000x64xf32, #tpu.memory_space<vmem>>, vector<16xf32>,
        %mul3A_726 = arith.mulf %get3A_715, %get3A_725 : vector<16xf32>
        %mul3A_727 = arith.mulf %mul3A_726, %get3A_722 : vector<16xf32>
        %add3A_728 = arith.addf %broadcast_in_dim3A_708, %mul3A_727 : vector<16xf32>
        %get3A_729 = arith.constant 0 : i32
        %get3A_730 = arith.constant 0 : i32
        %get3A_731 = tpu.memref_slice %arg15[%scan3A_107, %get3A_729, %get3A_730] : memref<2x128x64xf32, #tpu.memory_space<vmem>> -> memref<1x128x64xf32, #tpu.memory_space<vmem>>
        %get3A_732 = tpu.memref_squeeze %get3A_731 : memref<1x128x64xf32, #tpu.memory_space<vmem>> -> memref<128x64xf32, #tpu.memory_space<vmem>>
        %get3A_733 = arith.index_cast %add3A_704 : i32 to index
        %get3A_734 = arith.constant 16 : index
        %get3A_735 = tpu.vector_load %get3A_732[%get3A_733, %get3A_734] {strides = array<i32>} : memref<128x64xf32, #tpu.memory_space<vmem>>, vector<16xf32>,
        %get3A_736 = arith.constant 0 : i32
        %get3A_737 = arith.constant 0 : i32
        %get3A_738 = tpu.memref_slice %arg16[%scan3A_108, %get3A_736, %get3A_737] : memref<2x128x64xf32, #tpu.memory_space<vmem>> -> memref<1x128x64xf32, #tpu.memory_space<vmem>>
        %get3A_739 = tpu.memref_squeeze %get3A_738 : memref<1x128x64xf32, #tpu.memory_space<vmem>> -> memref<128x64xf32, #tpu.memory_space<vmem>>
        %get3A_740 = arith.index_cast %add3A_704 : i32 to index
        %get3A_741 = arith.constant 16 : index
        %get3A_742 = tpu.vector_load %get3A_739[%get3A_740, %get3A_741] {strides = array<i32>} : memref<128x64xf32, #tpu.memory_space<vmem>>, vector<16xf32>,
        %get3A_743 = arith.index_cast %squeeze3A_706 : i32 to index
        %get3A_744 = arith.constant 16 : index
        %get3A_745 = tpu.vector_load %arg17[%get3A_743, %get3A_744] {strides = array<i32>} : memref<1000x64xf32, #tpu.memory_space<vmem>>, vector<16xf32>,
        %mul3A_746 = arith.mulf %get3A_735, %get3A_745 : vector<16xf32>
        %mul3A_747 = arith.mulf %mul3A_746, %get3A_742 : vector<16xf32>
        %add3A_748 = arith.addf %add3A_728, %mul3A_747 : vector<16xf32>
        %get3A_749 = arith.constant 0 : i32
        %get3A_750 = arith.constant 0 : i32
        %get3A_751 = tpu.memref_slice %arg15[%scan3A_107, %get3A_749, %get3A_750] : memref<2x128x64xf32, #tpu.memory_space<vmem>> -> memref<1x128x64xf32, #tpu.memory_space<vmem>>
        %get3A_752 = tpu.memref_squeeze %get3A_751 : memref<1x128x64xf32, #tpu.memory_space<vmem>> -> memref<128x64xf32, #tpu.memory_space<vmem>>
        %get3A_753 = arith.index_cast %add3A_704 : i32 to index
        %get3A_754 = arith.constant 32 : index
        %get3A_755 = tpu.vector_load %get3A_752[%get3A_753, %get3A_754] {strides = array<i32>} : memref<128x64xf32, #tpu.memory_space<vmem>>, vector<16xf32>,
        %get3A_756 = arith.constant 0 : i32
        %get3A_757 = arith.constant 0 : i32
        %get3A_758 = tpu.memref_slice %arg16[%scan3A_108, %get3A_756, %get3A_757] : memref<2x128x64xf32, #tpu.memory_space<vmem>> -> memref<1x128x64xf32, #tpu.memory_space<vmem>>
        %get3A_759 = tpu.memref_squeeze %get3A_758 : memref<1x128x64xf32, #tpu.memory_space<vmem>> -> memref<128x64xf32, #tpu.memory_space<vmem>>
        %get3A_760 = arith.index_cast %add3A_704 : i32 to index
        %get3A_761 = arith.constant 32 : index
        %get3A_762 = tpu.vector_load %get3A_759[%get3A_760, %get3A_761] {strides = array<i32>} : memref<128x64xf32, #tpu.memory_space<vmem>>, vector<16xf32>,
        %get3A_763 = arith.index_cast %squeeze3A_706 : i32 to index
        %get3A_764 = arith.constant 32 : index
        %get3A_765 = tpu.vector_load %arg17[%get3A_763, %get3A_764] {strides = array<i32>} : memref<1000x64xf32, #tpu.memory_space<vmem>>, vector<16xf32>,
        %mul3A_766 = arith.mulf %get3A_755, %get3A_765 : vector<16xf32>
        %mul3A_767 = arith.mulf %mul3A_766, %get3A_762 : vector<16xf32>
        %add3A_768 = arith.addf %add3A_748, %mul3A_767 : vector<16xf32>
        %get3A_769 = arith.constant 0 : i32
        %get3A_770 = arith.constant 0 : i32
        %get3A_771 = tpu.memref_slice %arg15[%scan3A_107, %get3A_769, %get3A_770] : memref<2x128x64xf32, #tpu.memory_space<vmem>> -> memref<1x128x64xf32, #tpu.memory_space<vmem>>
        %get3A_772 = tpu.memref_squeeze %get3A_771 : memref<1x128x64xf32, #tpu.memory_space<vmem>> -> memref<128x64xf32, #tpu.memory_space<vmem>>
        %get3A_773 = arith.index_cast %add3A_704 : i32 to index
        %get3A_774 = arith.constant 48 : index
        %get3A_775 = tpu.vector_load %get3A_772[%get3A_773, %get3A_774] {strides = array<i32>} : memref<128x64xf32, #tpu.memory_space<vmem>>, vector<16xf32>,
        %get3A_776 = arith.constant 0 : i32
        %get3A_777 = arith.constant 0 : i32
        %get3A_778 = tpu.memref_slice %arg16[%scan3A_108, %get3A_776, %get3A_777] : memref<2x128x64xf32, #tpu.memory_space<vmem>> -> memref<1x128x64xf32, #tpu.memory_space<vmem>>
        %get3A_779 = tpu.memref_squeeze %get3A_778 : memref<1x128x64xf32, #tpu.memory_space<vmem>> -> memref<128x64xf32, #tpu.memory_space<vmem>>
        %get3A_780 = arith.index_cast %add3A_704 : i32 to index
        %get3A_781 = arith.constant 48 : index
        %get3A_782 = tpu.vector_load %get3A_779[%get3A_780, %get3A_781] {strides = array<i32>} : memref<128x64xf32, #tpu.memory_space<vmem>>, vector<16xf32>,
        %get3A_783 = arith.index_cast %squeeze3A_706 : i32 to index
        %get3A_784 = arith.constant 48 : index
        %get3A_785 = tpu.vector_load %arg17[%get3A_783, %get3A_784] {strides = array<i32>} : memref<1000x64xf32, #tpu.memory_space<vmem>>, vector<16xf32>,
        %mul3A_786 = arith.mulf %get3A_775, %get3A_785 : vector<16xf32>
        %mul3A_787 = arith.mulf %mul3A_786, %get3A_782 : vector<16xf32>
        %add3A_788 = arith.addf %add3A_768, %mul3A_787 : vector<16xf32>
        %reduce_sum3A_789 = arith.constant true
        %reduce_sum3A_790 = vector.broadcast %reduce_sum3A_789 : i1 to vector<16xi1>
        %reduce_sum3A_791 = tpu.scan <sum>, %add3A_788 masked %reduce_sum3A_790 : vector<16xf32>, vector<16xi1> -> vector<16xf32>
        %reduce_sum3A_792 = vector.extract %reduce_sum3A_791[15] : f32 from vector<16xf32>
        %eq3A_793 = arith.constant 4 : i32
        %eq3A_794 = vector.broadcast %eq3A_793 : i32 to vector<16xi32>
        %eq3A_795 = arith.cmpi eq, %iota3A, %eq3A_794 : vector<16xi32>
        %broadcast_in_dim3A_796 = vector.broadcast %reduce_sum3A_792 : f32 to vector<16xf32>
        %select_n3A_797 = arith.select %eq3A_795, %broadcast_in_dim3A_796, %select_n3A_700 : vector<16xi1>, vector<16xf32>
        %mul3A_798 = arith.constant 16 : i32
        %mul3A_799 = arith.muli %scan3A_311, %mul3A_798 : i32
        %add3A_800 = arith.constant 5 : i32
        %add3A_801 = arith.addi %mul3A_799, %add3A_800 : i32
        %slice3A_802 = vector.extract_strided_slice %get3A_315 {offsets = [5], sizes = [1], strides = [1]} : vector<16xi32> to vector<1xi32>
        %squeeze3A_803 = vector.extract %slice3A_802[0] : i32 from vector<1xi32>
        %broadcast_in_dim3A_804 = arith.constant 0.000000e+00 : f32
        %broadcast_in_dim3A_805 = vector.broadcast %broadcast_in_dim3A_804 : f32 to vector<16xf32>
        %get3A_806 = arith.constant 0 : i32
        %get3A_807 = arith.constant 0 : i32
        %get3A_808 = tpu.memref_slice %arg15[%scan3A_107, %get3A_806, %get3A_807] : memref<2x128x64xf32, #tpu.memory_space<vmem>> -> memref<1x128x64xf32, #tpu.memory_space<vmem>>
        %get3A_809 = tpu.memref_squeeze %get3A_808 : memref<1x128x64xf32, #tpu.memory_space<vmem>> -> memref<128x64xf32, #tpu.memory_space<vmem>>
        %get3A_810 = arith.index_cast %add3A_801 : i32 to index
        %get3A_811 = arith.constant 0 : index
        %get3A_812 = tpu.vector_load %get3A_809[%get3A_810, %get3A_811] {strides = array<i32>} : memref<128x64xf32, #tpu.memory_space<vmem>>, vector<16xf32>,
        %get3A_813 = arith.constant 0 : i32
        %get3A_814 = arith.constant 0 : i32
        %get3A_815 = tpu.memref_slice %arg16[%scan3A_108, %get3A_813, %get3A_814] : memref<2x128x64xf32, #tpu.memory_space<vmem>> -> memref<1x128x64xf32, #tpu.memory_space<vmem>>
        %get3A_816 = tpu.memref_squeeze %get3A_815 : memref<1x128x64xf32, #tpu.memory_space<vmem>> -> memref<128x64xf32, #tpu.memory_space<vmem>>
        %get3A_817 = arith.index_cast %add3A_801 : i32 to index
        %get3A_818 = arith.constant 0 : index
        %get3A_819 = tpu.vector_load %get3A_816[%get3A_817, %get3A_818] {strides = array<i32>} : memref<128x64xf32, #tpu.memory_space<vmem>>, vector<16xf32>,
        %get3A_820 = arith.index_cast %squeeze3A_803 : i32 to index
        %get3A_821 = arith.constant 0 : index
        %get3A_822 = tpu.vector_load %arg17[%get3A_820, %get3A_821] {strides = array<i32>} : memref<1000x64xf32, #tpu.memory_space<vmem>>, vector<16xf32>,
        %mul3A_823 = arith.mulf %get3A_812, %get3A_822 : vector<16xf32>
        %mul3A_824 = arith.mulf %mul3A_823, %get3A_819 : vector<16xf32>
        %add3A_825 = arith.addf %broadcast_in_dim3A_805, %mul3A_824 : vector<16xf32>
        %get3A_826 = arith.constant 0 : i32
        %get3A_827 = arith.constant 0 : i32
        %get3A_828 = tpu.memref_slice %arg15[%scan3A_107, %get3A_826, %get3A_827] : memref<2x128x64xf32, #tpu.memory_space<vmem>> -> memref<1x128x64xf32, #tpu.memory_space<vmem>>
        %get3A_829 = tpu.memref_squeeze %get3A_828 : memref<1x128x64xf32, #tpu.memory_space<vmem>> -> memref<128x64xf32, #tpu.memory_space<vmem>>
        %get3A_830 = arith.index_cast %add3A_801 : i32 to index
        %get3A_831 = arith.constant 16 : index
        %get3A_832 = tpu.vector_load %get3A_829[%get3A_830, %get3A_831] {strides = array<i32>} : memref<128x64xf32, #tpu.memory_space<vmem>>, vector<16xf32>,
        %get3A_833 = arith.constant 0 : i32
        %get3A_834 = arith.constant 0 : i32
        %get3A_835 = tpu.memref_slice %arg16[%scan3A_108, %get3A_833, %get3A_834] : memref<2x128x64xf32, #tpu.memory_space<vmem>> -> memref<1x128x64xf32, #tpu.memory_space<vmem>>
        %get3A_836 = tpu.memref_squeeze %get3A_835 : memref<1x128x64xf32, #tpu.memory_space<vmem>> -> memref<128x64xf32, #tpu.memory_space<vmem>>
        %get3A_837 = arith.index_cast %add3A_801 : i32 to index
        %get3A_838 = arith.constant 16 : index
        %get3A_839 = tpu.vector_load %get3A_836[%get3A_837, %get3A_838] {strides = array<i32>} : memref<128x64xf32, #tpu.memory_space<vmem>>, vector<16xf32>,
        %get3A_840 = arith.index_cast %squeeze3A_803 : i32 to index
        %get3A_841 = arith.constant 16 : index
        %get3A_842 = tpu.vector_load %arg17[%get3A_840, %get3A_841] {strides = array<i32>} : memref<1000x64xf32, #tpu.memory_space<vmem>>, vector<16xf32>,
        %mul3A_843 = arith.mulf %get3A_832, %get3A_842 : vector<16xf32>
        %mul3A_844 = arith.mulf %mul3A_843, %get3A_839 : vector<16xf32>
        %add3A_845 = arith.addf %add3A_825, %mul3A_844 : vector<16xf32>
        %get3A_846 = arith.constant 0 : i32
        %get3A_847 = arith.constant 0 : i32
        %get3A_848 = tpu.memref_slice %arg15[%scan3A_107, %get3A_846, %get3A_847] : memref<2x128x64xf32, #tpu.memory_space<vmem>> -> memref<1x128x64xf32, #tpu.memory_space<vmem>>
        %get3A_849 = tpu.memref_squeeze %get3A_848 : memref<1x128x64xf32, #tpu.memory_space<vmem>> -> memref<128x64xf32, #tpu.memory_space<vmem>>
        %get3A_850 = arith.index_cast %add3A_801 : i32 to index
        %get3A_851 = arith.constant 32 : index
        %get3A_852 = tpu.vector_load %get3A_849[%get3A_850, %get3A_851] {strides = array<i32>} : memref<128x64xf32, #tpu.memory_space<vmem>>, vector<16xf32>,
        %get3A_853 = arith.constant 0 : i32
        %get3A_854 = arith.constant 0 : i32
        %get3A_855 = tpu.memref_slice %arg16[%scan3A_108, %get3A_853, %get3A_854] : memref<2x128x64xf32, #tpu.memory_space<vmem>> -> memref<1x128x64xf32, #tpu.memory_space<vmem>>
        %get3A_856 = tpu.memref_squeeze %get3A_855 : memref<1x128x64xf32, #tpu.memory_space<vmem>> -> memref<128x64xf32, #tpu.memory_space<vmem>>
        %get3A_857 = arith.index_cast %add3A_801 : i32 to index
        %get3A_858 = arith.constant 32 : index
        %get3A_859 = tpu.vector_load %get3A_856[%get3A_857, %get3A_858] {strides = array<i32>} : memref<128x64xf32, #tpu.memory_space<vmem>>, vector<16xf32>,
        %get3A_860 = arith.index_cast %squeeze3A_803 : i32 to index
        %get3A_861 = arith.constant 32 : index
        %get3A_862 = tpu.vector_load %arg17[%get3A_860, %get3A_861] {strides = array<i32>} : memref<1000x64xf32, #tpu.memory_space<vmem>>, vector<16xf32>,
        %mul3A_863 = arith.mulf %get3A_852, %get3A_862 : vector<16xf32>
        %mul3A_864 = arith.mulf %mul3A_863, %get3A_859 : vector<16xf32>
        %add3A_865 = arith.addf %add3A_845, %mul3A_864 : vector<16xf32>
        %get3A_866 = arith.constant 0 : i32
        %get3A_867 = arith.constant 0 : i32
        %get3A_868 = tpu.memref_slice %arg15[%scan3A_107, %get3A_866, %get3A_867] : memref<2x128x64xf32, #tpu.memory_space<vmem>> -> memref<1x128x64xf32, #tpu.memory_space<vmem>>
        %get3A_869 = tpu.memref_squeeze %get3A_868 : memref<1x128x64xf32, #tpu.memory_space<vmem>> -> memref<128x64xf32, #tpu.memory_space<vmem>>
        %get3A_870 = arith.index_cast %add3A_801 : i32 to index
        %get3A_871 = arith.constant 48 : index
        %get3A_872 = tpu.vector_load %get3A_869[%get3A_870, %get3A_871] {strides = array<i32>} : memref<128x64xf32, #tpu.memory_space<vmem>>, vector<16xf32>,
        %get3A_873 = arith.constant 0 : i32
        %get3A_874 = arith.constant 0 : i32
        %get3A_875 = tpu.memref_slice %arg16[%scan3A_108, %get3A_873, %get3A_874] : memref<2x128x64xf32, #tpu.memory_space<vmem>> -> memref<1x128x64xf32, #tpu.memory_space<vmem>>
        %get3A_876 = tpu.memref_squeeze %get3A_875 : memref<1x128x64xf32, #tpu.memory_space<vmem>> -> memref<128x64xf32, #tpu.memory_space<vmem>>
        %get3A_877 = arith.index_cast %add3A_801 : i32 to index
        %get3A_878 = arith.constant 48 : index
        %get3A_879 = tpu.vector_load %get3A_876[%get3A_877, %get3A_878] {strides = array<i32>} : memref<128x64xf32, #tpu.memory_space<vmem>>, vector<16xf32>,
        %get3A_880 = arith.index_cast %squeeze3A_803 : i32 to index
        %get3A_881 = arith.constant 48 : index
        %get3A_882 = tpu.vector_load %arg17[%get3A_880, %get3A_881] {strides = array<i32>} : memref<1000x64xf32, #tpu.memory_space<vmem>>, vector<16xf32>,
        %mul3A_883 = arith.mulf %get3A_872, %get3A_882 : vector<16xf32>
        %mul3A_884 = arith.mulf %mul3A_883, %get3A_879 : vector<16xf32>
        %add3A_885 = arith.addf %add3A_865, %mul3A_884 : vector<16xf32>
        %reduce_sum3A_886 = arith.constant true
        %reduce_sum3A_887 = vector.broadcast %reduce_sum3A_886 : i1 to vector<16xi1>
        %reduce_sum3A_888 = tpu.scan <sum>, %add3A_885 masked %reduce_sum3A_887 : vector<16xf32>, vector<16xi1> -> vector<16xf32>
        %reduce_sum3A_889 = vector.extract %reduce_sum3A_888[15] : f32 from vector<16xf32>
        %eq3A_890 = arith.constant 5 : i32
        %eq3A_891 = vector.broadcast %eq3A_890 : i32 to vector<16xi32>
        %eq3A_892 = arith.cmpi eq, %iota3A, %eq3A_891 : vector<16xi32>
        %broadcast_in_dim3A_893 = vector.broadcast %reduce_sum3A_889 : f32 to vector<16xf32>
        %select_n3A_894 = arith.select %eq3A_892, %broadcast_in_dim3A_893, %select_n3A_797 : vector<16xi1>, vector<16xf32>
        %mul3A_895 = arith.constant 16 : i32
        %mul3A_896 = arith.muli %scan3A_311, %mul3A_895 : i32
        %add3A_897 = arith.constant 6 : i32
        %add3A_898 = arith.addi %mul3A_896, %add3A_897 : i32
        %slice3A_899 = vector.extract_strided_slice %get3A_315 {offsets = [6], sizes = [1], strides = [1]} : vector<16xi32> to vector<1xi32>
        %squeeze3A_900 = vector.extract %slice3A_899[0] : i32 from vector<1xi32>
        %broadcast_in_dim3A_901 = arith.constant 0.000000e+00 : f32
        %broadcast_in_dim3A_902 = vector.broadcast %broadcast_in_dim3A_901 : f32 to vector<16xf32>
        %get3A_903 = arith.constant 0 : i32
        %get3A_904 = arith.constant 0 : i32
        %get3A_905 = tpu.memref_slice %arg15[%scan3A_107, %get3A_903, %get3A_904] : memref<2x128x64xf32, #tpu.memory_space<vmem>> -> memref<1x128x64xf32, #tpu.memory_space<vmem>>
        %get3A_906 = tpu.memref_squeeze %get3A_905 : memref<1x128x64xf32, #tpu.memory_space<vmem>> -> memref<128x64xf32, #tpu.memory_space<vmem>>
        %get3A_907 = arith.index_cast %add3A_898 : i32 to index
        %get3A_908 = arith.constant 0 : index
        %get3A_909 = tpu.vector_load %get3A_906[%get3A_907, %get3A_908] {strides = array<i32>} : memref<128x64xf32, #tpu.memory_space<vmem>>, vector<16xf32>,
        %get3A_910 = arith.constant 0 : i32
        %get3A_911 = arith.constant 0 : i32
        %get3A_912 = tpu.memref_slice %arg16[%scan3A_108, %get3A_910, %get3A_911] : memref<2x128x64xf32, #tpu.memory_space<vmem>> -> memref<1x128x64xf32, #tpu.memory_space<vmem>>
        %get3A_913 = tpu.memref_squeeze %get3A_912 : memref<1x128x64xf32, #tpu.memory_space<vmem>> -> memref<128x64xf32, #tpu.memory_space<vmem>>
        %get3A_914 = arith.index_cast %add3A_898 : i32 to index
        %get3A_915 = arith.constant 0 : index
        %get3A_916 = tpu.vector_load %get3A_913[%get3A_914, %get3A_915] {strides = array<i32>} : memref<128x64xf32, #tpu.memory_space<vmem>>, vector<16xf32>,
        %get3A_917 = arith.index_cast %squeeze3A_900 : i32 to index
        %get3A_918 = arith.constant 0 : index
        %get3A_919 = tpu.vector_load %arg17[%get3A_917, %get3A_918] {strides = array<i32>} : memref<1000x64xf32, #tpu.memory_space<vmem>>, vector<16xf32>,
        %mul3A_920 = arith.mulf %get3A_909, %get3A_919 : vector<16xf32>
        %mul3A_921 = arith.mulf %mul3A_920, %get3A_916 : vector<16xf32>
        %add3A_922 = arith.addf %broadcast_in_dim3A_902, %mul3A_921 : vector<16xf32>
        %get3A_923 = arith.constant 0 : i32
        %get3A_924 = arith.constant 0 : i32
        %get3A_925 = tpu.memref_slice %arg15[%scan3A_107, %get3A_923, %get3A_924] : memref<2x128x64xf32, #tpu.memory_space<vmem>> -> memref<1x128x64xf32, #tpu.memory_space<vmem>>
        %get3A_926 = tpu.memref_squeeze %get3A_925 : memref<1x128x64xf32, #tpu.memory_space<vmem>> -> memref<128x64xf32, #tpu.memory_space<vmem>>
        %get3A_927 = arith.index_cast %add3A_898 : i32 to index
        %get3A_928 = arith.constant 16 : index
        %get3A_929 = tpu.vector_load %get3A_926[%get3A_927, %get3A_928] {strides = array<i32>} : memref<128x64xf32, #tpu.memory_space<vmem>>, vector<16xf32>,
        %get3A_930 = arith.constant 0 : i32
        %get3A_931 = arith.constant 0 : i32
        %get3A_932 = tpu.memref_slice %arg16[%scan3A_108, %get3A_930, %get3A_931] : memref<2x128x64xf32, #tpu.memory_space<vmem>> -> memref<1x128x64xf32, #tpu.memory_space<vmem>>
        %get3A_933 = tpu.memref_squeeze %get3A_932 : memref<1x128x64xf32, #tpu.memory_space<vmem>> -> memref<128x64xf32, #tpu.memory_space<vmem>>
        %get3A_934 = arith.index_cast %add3A_898 : i32 to index
        %get3A_935 = arith.constant 16 : index
        %get3A_936 = tpu.vector_load %get3A_933[%get3A_934, %get3A_935] {strides = array<i32>} : memref<128x64xf32, #tpu.memory_space<vmem>>, vector<16xf32>,
        %get3A_937 = arith.index_cast %squeeze3A_900 : i32 to index
        %get3A_938 = arith.constant 16 : index
        %get3A_939 = tpu.vector_load %arg17[%get3A_937, %get3A_938] {strides = array<i32>} : memref<1000x64xf32, #tpu.memory_space<vmem>>, vector<16xf32>,
        %mul3A_940 = arith.mulf %get3A_929, %get3A_939 : vector<16xf32>
        %mul3A_941 = arith.mulf %mul3A_940, %get3A_936 : vector<16xf32>
        %add3A_942 = arith.addf %add3A_922, %mul3A_941 : vector<16xf32>
        %get3A_943 = arith.constant 0 : i32
        %get3A_944 = arith.constant 0 : i32
        %get3A_945 = tpu.memref_slice %arg15[%scan3A_107, %get3A_943, %get3A_944] : memref<2x128x64xf32, #tpu.memory_space<vmem>> -> memref<1x128x64xf32, #tpu.memory_space<vmem>>
        %get3A_946 = tpu.memref_squeeze %get3A_945 : memref<1x128x64xf32, #tpu.memory_space<vmem>> -> memref<128x64xf32, #tpu.memory_space<vmem>>
        %get3A_947 = arith.index_cast %add3A_898 : i32 to index
        %get3A_948 = arith.constant 32 : index
        %get3A_949 = tpu.vector_load %get3A_946[%get3A_947, %get3A_948] {strides = array<i32>} : memref<128x64xf32, #tpu.memory_space<vmem>>, vector<16xf32>,
        %get3A_950 = arith.constant 0 : i32
        %get3A_951 = arith.constant 0 : i32
        %get3A_952 = tpu.memref_slice %arg16[%scan3A_108, %get3A_950, %get3A_951] : memref<2x128x64xf32, #tpu.memory_space<vmem>> -> memref<1x128x64xf32, #tpu.memory_space<vmem>>
        %get3A_953 = tpu.memref_squeeze %get3A_952 : memref<1x128x64xf32, #tpu.memory_space<vmem>> -> memref<128x64xf32, #tpu.memory_space<vmem>>
        %get3A_954 = arith.index_cast %add3A_898 : i32 to index
        %get3A_955 = arith.constant 32 : index
        %get3A_956 = tpu.vector_load %get3A_953[%get3A_954, %get3A_955] {strides = array<i32>} : memref<128x64xf32, #tpu.memory_space<vmem>>, vector<16xf32>,
        %get3A_957 = arith.index_cast %squeeze3A_900 : i32 to index
        %get3A_958 = arith.constant 32 : index
        %get3A_959 = tpu.vector_load %arg17[%get3A_957, %get3A_958] {strides = array<i32>} : memref<1000x64xf32, #tpu.memory_space<vmem>>, vector<16xf32>,
        %mul3A_960 = arith.mulf %get3A_949, %get3A_959 : vector<16xf32>
        %mul3A_961 = arith.mulf %mul3A_960, %get3A_956 : vector<16xf32>
        %add3A_962 = arith.addf %add3A_942, %mul3A_961 : vector<16xf32>
        %get3A_963 = arith.constant 0 : i32
        %get3A_964 = arith.constant 0 : i32
        %get3A_965 = tpu.memref_slice %arg15[%scan3A_107, %get3A_963, %get3A_964] : memref<2x128x64xf32, #tpu.memory_space<vmem>> -> memref<1x128x64xf32, #tpu.memory_space<vmem>>
        %get3A_966 = tpu.memref_squeeze %get3A_965 : memref<1x128x64xf32, #tpu.memory_space<vmem>> -> memref<128x64xf32, #tpu.memory_space<vmem>>
        %get3A_967 = arith.index_cast %add3A_898 : i32 to index
        %get3A_968 = arith.constant 48 : index
        %get3A_969 = tpu.vector_load %get3A_966[%get3A_967, %get3A_968] {strides = array<i32>} : memref<128x64xf32, #tpu.memory_space<vmem>>, vector<16xf32>,
        %get3A_970 = arith.constant 0 : i32
        %get3A_971 = arith.constant 0 : i32
        %get3A_972 = tpu.memref_slice %arg16[%scan3A_108, %get3A_970, %get3A_971] : memref<2x128x64xf32, #tpu.memory_space<vmem>> -> memref<1x128x64xf32, #tpu.memory_space<vmem>>
        %get3A_973 = tpu.memref_squeeze %get3A_972 : memref<1x128x64xf32, #tpu.memory_space<vmem>> -> memref<128x64xf32, #tpu.memory_space<vmem>>
        %get3A_974 = arith.index_cast %add3A_898 : i32 to index
        %get3A_975 = arith.constant 48 : index
        %get3A_976 = tpu.vector_load %get3A_973[%get3A_974, %get3A_975] {strides = array<i32>} : memref<128x64xf32, #tpu.memory_space<vmem>>, vector<16xf32>,
        %get3A_977 = arith.index_cast %squeeze3A_900 : i32 to index
        %get3A_978 = arith.constant 48 : index
        %get3A_979 = tpu.vector_load %arg17[%get3A_977, %get3A_978] {strides = array<i32>} : memref<1000x64xf32, #tpu.memory_space<vmem>>, vector<16xf32>,
        %mul3A_980 = arith.mulf %get3A_969, %get3A_979 : vector<16xf32>
        %mul3A_981 = arith.mulf %mul3A_980, %get3A_976 : vector<16xf32>
        %add3A_982 = arith.addf %add3A_962, %mul3A_981 : vector<16xf32>
        %reduce_sum3A_983 = arith.constant true
        %reduce_sum3A_984 = vector.broadcast %reduce_sum3A_983 : i1 to vector<16xi1>
        %reduce_sum3A_985 = tpu.scan <sum>, %add3A_982 masked %reduce_sum3A_984 : vector<16xf32>, vector<16xi1> -> vector<16xf32>
        %reduce_sum3A_986 = vector.extract %reduce_sum3A_985[15] : f32 from vector<16xf32>
        %eq3A_987 = arith.constant 6 : i32
        %eq3A_988 = vector.broadcast %eq3A_987 : i32 to vector<16xi32>
        %eq3A_989 = arith.cmpi eq, %iota3A, %eq3A_988 : vector<16xi32>
        %broadcast_in_dim3A_990 = vector.broadcast %reduce_sum3A_986 : f32 to vector<16xf32>
        %select_n3A_991 = arith.select %eq3A_989, %broadcast_in_dim3A_990, %select_n3A_894 : vector<16xi1>, vector<16xf32>
        %mul3A_992 = arith.constant 16 : i32
        %mul3A_993 = arith.muli %scan3A_311, %mul3A_992 : i32
        %add3A_994 = arith.constant 7 : i32
        %add3A_995 = arith.addi %mul3A_993, %add3A_994 : i32
        %slice3A_996 = vector.extract_strided_slice %get3A_315 {offsets = [7], sizes = [1], strides = [1]} : vector<16xi32> to vector<1xi32>
        %squeeze3A_997 = vector.extract %slice3A_996[0] : i32 from vector<1xi32>
        %broadcast_in_dim3A_998 = arith.constant 0.000000e+00 : f32
        %broadcast_in_dim3A_999 = vector.broadcast %broadcast_in_dim3A_998 : f32 to vector<16xf32>
        %get3A_1000 = arith.constant 0 : i32
        %get3A_1001 = arith.constant 0 : i32
        %get3A_1002 = tpu.memref_slice %arg15[%scan3A_107, %get3A_1000, %get3A_1001] : memref<2x128x64xf32, #tpu.memory_space<vmem>> -> memref<1x128x64xf32, #tpu.memory_space<vmem>>
        %get3A_1003 = tpu.memref_squeeze %get3A_1002 : memref<1x128x64xf32, #tpu.memory_space<vmem>> -> memref<128x64xf32, #tpu.memory_space<vmem>>
        %get3A_1004 = arith.index_cast %add3A_995 : i32 to index
        %get3A_1005 = arith.constant 0 : index
        %get3A_1006 = tpu.vector_load %get3A_1003[%get3A_1004, %get3A_1005] {strides = array<i32>} : memref<128x64xf32, #tpu.memory_space<vmem>>, vector<16xf32>,
        %get3A_1007 = arith.constant 0 : i32
        %get3A_1008 = arith.constant 0 : i32
        %get3A_1009 = tpu.memref_slice %arg16[%scan3A_108, %get3A_1007, %get3A_1008] : memref<2x128x64xf32, #tpu.memory_space<vmem>> -> memref<1x128x64xf32, #tpu.memory_space<vmem>>
        %get3A_1010 = tpu.memref_squeeze %get3A_1009 : memref<1x128x64xf32, #tpu.memory_space<vmem>> -> memref<128x64xf32, #tpu.memory_space<vmem>>
        %get3A_1011 = arith.index_cast %add3A_995 : i32 to index
        %get3A_1012 = arith.constant 0 : index
        %get3A_1013 = tpu.vector_load %get3A_1010[%get3A_1011, %get3A_1012] {strides = array<i32>} : memref<128x64xf32, #tpu.memory_space<vmem>>, vector<16xf32>,
        %get3A_1014 = arith.index_cast %squeeze3A_997 : i32 to index
        %get3A_1015 = arith.constant 0 : index
        %get3A_1016 = tpu.vector_load %arg17[%get3A_1014, %get3A_1015] {strides = array<i32>} : memref<1000x64xf32, #tpu.memory_space<vmem>>, vector<16xf32>,
        %mul3A_1017 = arith.mulf %get3A_1006, %get3A_1016 : vector<16xf32>
        %mul3A_1018 = arith.mulf %mul3A_1017, %get3A_1013 : vector<16xf32>
        %add3A_1019 = arith.addf %broadcast_in_dim3A_999, %mul3A_1018 : vector<16xf32>
        %get3A_1020 = arith.constant 0 : i32
        %get3A_1021 = arith.constant 0 : i32
        %get3A_1022 = tpu.memref_slice %arg15[%scan3A_107, %get3A_1020, %get3A_1021] : memref<2x128x64xf32, #tpu.memory_space<vmem>> -> memref<1x128x64xf32, #tpu.memory_space<vmem>>
        %get3A_1023 = tpu.memref_squeeze %get3A_1022 : memref<1x128x64xf32, #tpu.memory_space<vmem>> -> memref<128x64xf32, #tpu.memory_space<vmem>>
        %get3A_1024 = arith.index_cast %add3A_995 : i32 to index
        %get3A_1025 = arith.constant 16 : index
        %get3A_1026 = tpu.vector_load %get3A_1023[%get3A_1024, %get3A_1025] {strides = array<i32>} : memref<128x64xf32, #tpu.memory_space<vmem>>, vector<16xf32>,
        %get3A_1027 = arith.constant 0 : i32
        %get3A_1028 = arith.constant 0 : i32
        %get3A_1029 = tpu.memref_slice %arg16[%scan3A_108, %get3A_1027, %get3A_1028] : memref<2x128x64xf32, #tpu.memory_space<vmem>> -> memref<1x128x64xf32, #tpu.memory_space<vmem>>
        %get3A_1030 = tpu.memref_squeeze %get3A_1029 : memref<1x128x64xf32, #tpu.memory_space<vmem>> -> memref<128x64xf32, #tpu.memory_space<vmem>>
        %get3A_1031 = arith.index_cast %add3A_995 : i32 to index
        %get3A_1032 = arith.constant 16 : index
        %get3A_1033 = tpu.vector_load %get3A_1030[%get3A_1031, %get3A_1032] {strides = array<i32>} : memref<128x64xf32, #tpu.memory_space<vmem>>, vector<16xf32>,
        %get3A_1034 = arith.index_cast %squeeze3A_997 : i32 to index
        %get3A_1035 = arith.constant 16 : index
        %get3A_1036 = tpu.vector_load %arg17[%get3A_1034, %get3A_1035] {strides = array<i32>} : memref<1000x64xf32, #tpu.memory_space<vmem>>, vector<16xf32>,
        %mul3A_1037 = arith.mulf %get3A_1026, %get3A_1036 : vector<16xf32>
        %mul3A_1038 = arith.mulf %mul3A_1037, %get3A_1033 : vector<16xf32>
        %add3A_1039 = arith.addf %add3A_1019, %mul3A_1038 : vector<16xf32>
        %get3A_1040 = arith.constant 0 : i32
        %get3A_1041 = arith.constant 0 : i32
        %get3A_1042 = tpu.memref_slice %arg15[%scan3A_107, %get3A_1040, %get3A_1041] : memref<2x128x64xf32, #tpu.memory_space<vmem>> -> memref<1x128x64xf32, #tpu.memory_space<vmem>>
        %get3A_1043 = tpu.memref_squeeze %get3A_1042 : memref<1x128x64xf32, #tpu.memory_space<vmem>> -> memref<128x64xf32, #tpu.memory_space<vmem>>
        %get3A_1044 = arith.index_cast %add3A_995 : i32 to index
        %get3A_1045 = arith.constant 32 : index
        %get3A_1046 = tpu.vector_load %get3A_1043[%get3A_1044, %get3A_1045] {strides = array<i32>} : memref<128x64xf32, #tpu.memory_space<vmem>>, vector<16xf32>,
        %get3A_1047 = arith.constant 0 : i32
        %get3A_1048 = arith.constant 0 : i32
        %get3A_1049 = tpu.memref_slice %arg16[%scan3A_108, %get3A_1047, %get3A_1048] : memref<2x128x64xf32, #tpu.memory_space<vmem>> -> memref<1x128x64xf32, #tpu.memory_space<vmem>>
        %get3A_1050 = tpu.memref_squeeze %get3A_1049 : memref<1x128x64xf32, #tpu.memory_space<vmem>> -> memref<128x64xf32, #tpu.memory_space<vmem>>
        %get3A_1051 = arith.index_cast %add3A_995 : i32 to index
        %get3A_1052 = arith.constant 32 : index
        %get3A_1053 = tpu.vector_load %get3A_1050[%get3A_1051, %get3A_1052] {strides = array<i32>} : memref<128x64xf32, #tpu.memory_space<vmem>>, vector<16xf32>,
        %get3A_1054 = arith.index_cast %squeeze3A_997 : i32 to index
        %get3A_1055 = arith.constant 32 : index
        %get3A_1056 = tpu.vector_load %arg17[%get3A_1054, %get3A_1055] {strides = array<i32>} : memref<1000x64xf32, #tpu.memory_space<vmem>>, vector<16xf32>,
        %mul3A_1057 = arith.mulf %get3A_1046, %get3A_1056 : vector<16xf32>
        %mul3A_1058 = arith.mulf %mul3A_1057, %get3A_1053 : vector<16xf32>
        %add3A_1059 = arith.addf %add3A_1039, %mul3A_1058 : vector<16xf32>
        %get3A_1060 = arith.constant 0 : i32
        %get3A_1061 = arith.constant 0 : i32
        %get3A_1062 = tpu.memref_slice %arg15[%scan3A_107, %get3A_1060, %get3A_1061] : memref<2x128x64xf32, #tpu.memory_space<vmem>> -> memref<1x128x64xf32, #tpu.memory_space<vmem>>
        %get3A_1063 = tpu.memref_squeeze %get3A_1062 : memref<1x128x64xf32, #tpu.memory_space<vmem>> -> memref<128x64xf32, #tpu.memory_space<vmem>>
        %get3A_1064 = arith.index_cast %add3A_995 : i32 to index
        %get3A_1065 = arith.constant 48 : index
        %get3A_1066 = tpu.vector_load %get3A_1063[%get3A_1064, %get3A_1065] {strides = array<i32>} : memref<128x64xf32, #tpu.memory_space<vmem>>, vector<16xf32>,
        %get3A_1067 = arith.constant 0 : i32
        %get3A_1068 = arith.constant 0 : i32
        %get3A_1069 = tpu.memref_slice %arg16[%scan3A_108, %get3A_1067, %get3A_1068] : memref<2x128x64xf32, #tpu.memory_space<vmem>> -> memref<1x128x64xf32, #tpu.memory_space<vmem>>
        %get3A_1070 = tpu.memref_squeeze %get3A_1069 : memref<1x128x64xf32, #tpu.memory_space<vmem>> -> memref<128x64xf32, #tpu.memory_space<vmem>>
        %get3A_1071 = arith.index_cast %add3A_995 : i32 to index
        %get3A_1072 = arith.constant 48 : index
        %get3A_1073 = tpu.vector_load %get3A_1070[%get3A_1071, %get3A_1072] {strides = array<i32>} : memref<128x64xf32, #tpu.memory_space<vmem>>, vector<16xf32>,
        %get3A_1074 = arith.index_cast %squeeze3A_997 : i32 to index
        %get3A_1075 = arith.constant 48 : index
        %get3A_1076 = tpu.vector_load %arg17[%get3A_1074, %get3A_1075] {strides = array<i32>} : memref<1000x64xf32, #tpu.memory_space<vmem>>, vector<16xf32>,
        %mul3A_1077 = arith.mulf %get3A_1066, %get3A_1076 : vector<16xf32>
        %mul3A_1078 = arith.mulf %mul3A_1077, %get3A_1073 : vector<16xf32>
        %add3A_1079 = arith.addf %add3A_1059, %mul3A_1078 : vector<16xf32>
        %reduce_sum3A_1080 = arith.constant true
        %reduce_sum3A_1081 = vector.broadcast %reduce_sum3A_1080 : i1 to vector<16xi1>
        %reduce_sum3A_1082 = tpu.scan <sum>, %add3A_1079 masked %reduce_sum3A_1081 : vector<16xf32>, vector<16xi1> -> vector<16xf32>
        %reduce_sum3A_1083 = vector.extract %reduce_sum3A_1082[15] : f32 from vector<16xf32>
        %eq3A_1084 = arith.constant 7 : i32
        %eq3A_1085 = vector.broadcast %eq3A_1084 : i32 to vector<16xi32>
        %eq3A_1086 = arith.cmpi eq, %iota3A, %eq3A_1085 : vector<16xi32>
        %broadcast_in_dim3A_1087 = vector.broadcast %reduce_sum3A_1083 : f32 to vector<16xf32>
        %select_n3A_1088 = arith.select %eq3A_1086, %broadcast_in_dim3A_1087, %select_n3A_991 : vector<16xi1>, vector<16xf32>
        %mul3A_1089 = arith.constant 16 : i32
        %mul3A_1090 = arith.muli %scan3A_311, %mul3A_1089 : i32
        %add3A_1091 = arith.constant 8 : i32
        %add3A_1092 = arith.addi %mul3A_1090, %add3A_1091 : i32
        %slice3A_1093 = vector.extract_strided_slice %get3A_315 {offsets = [8], sizes = [1], strides = [1]} : vector<16xi32> to vector<1xi32>
        %squeeze3A_1094 = vector.extract %slice3A_1093[0] : i32 from vector<1xi32>
        %broadcast_in_dim3A_1095 = arith.constant 0.000000e+00 : f32
        %broadcast_in_dim3A_1096 = vector.broadcast %broadcast_in_dim3A_1095 : f32 to vector<16xf32>
        %get3A_1097 = arith.constant 0 : i32
        %get3A_1098 = arith.constant 0 : i32
        %get3A_1099 = tpu.memref_slice %arg15[%scan3A_107, %get3A_1097, %get3A_1098] : memref<2x128x64xf32, #tpu.memory_space<vmem>> -> memref<1x128x64xf32, #tpu.memory_space<vmem>>
        %get3A_1100 = tpu.memref_squeeze %get3A_1099 : memref<1x128x64xf32, #tpu.memory_space<vmem>> -> memref<128x64xf32, #tpu.memory_space<vmem>>
        %get3A_1101 = arith.index_cast %add3A_1092 : i32 to index
        %get3A_1102 = arith.constant 0 : index
        %get3A_1103 = tpu.vector_load %get3A_1100[%get3A_1101, %get3A_1102] {strides = array<i32>} : memref<128x64xf32, #tpu.memory_space<vmem>>, vector<16xf32>,
        %get3A_1104 = arith.constant 0 : i32
        %get3A_1105 = arith.constant 0 : i32
        %get3A_1106 = tpu.memref_slice %arg16[%scan3A_108, %get3A_1104, %get3A_1105] : memref<2x128x64xf32, #tpu.memory_space<vmem>> -> memref<1x128x64xf32, #tpu.memory_space<vmem>>
        %get3A_1107 = tpu.memref_squeeze %get3A_1106 : memref<1x128x64xf32, #tpu.memory_space<vmem>> -> memref<128x64xf32, #tpu.memory_space<vmem>>
        %get3A_1108 = arith.index_cast %add3A_1092 : i32 to index
        %get3A_1109 = arith.constant 0 : index
        %get3A_1110 = tpu.vector_load %get3A_1107[%get3A_1108, %get3A_1109] {strides = array<i32>} : memref<128x64xf32, #tpu.memory_space<vmem>>, vector<16xf32>,
        %get3A_1111 = arith.index_cast %squeeze3A_1094 : i32 to index
        %get3A_1112 = arith.constant 0 : index
        %get3A_1113 = tpu.vector_load %arg17[%get3A_1111, %get3A_1112] {strides = array<i32>} : memref<1000x64xf32, #tpu.memory_space<vmem>>, vector<16xf32>,
        %mul3A_1114 = arith.mulf %get3A_1103, %get3A_1113 : vector<16xf32>
        %mul3A_1115 = arith.mulf %mul3A_1114, %get3A_1110 : vector<16xf32>
        %add3A_1116 = arith.addf %broadcast_in_dim3A_1096, %mul3A_1115 : vector<16xf32>
        %get3A_1117 = arith.constant 0 : i32
        %get3A_1118 = arith.constant 0 : i32
        %get3A_1119 = tpu.memref_slice %arg15[%scan3A_107, %get3A_1117, %get3A_1118] : memref<2x128x64xf32, #tpu.memory_space<vmem>> -> memref<1x128x64xf32, #tpu.memory_space<vmem>>
        %get3A_1120 = tpu.memref_squeeze %get3A_1119 : memref<1x128x64xf32, #tpu.memory_space<vmem>> -> memref<128x64xf32, #tpu.memory_space<vmem>>
        %get3A_1121 = arith.index_cast %add3A_1092 : i32 to index
        %get3A_1122 = arith.constant 16 : index
        %get3A_1123 = tpu.vector_load %get3A_1120[%get3A_1121, %get3A_1122] {strides = array<i32>} : memref<128x64xf32, #tpu.memory_space<vmem>>, vector<16xf32>,
        %get3A_1124 = arith.constant 0 : i32
        %get3A_1125 = arith.constant 0 : i32
        %get3A_1126 = tpu.memref_slice %arg16[%scan3A_108, %get3A_1124, %get3A_1125] : memref<2x128x64xf32, #tpu.memory_space<vmem>> -> memref<1x128x64xf32, #tpu.memory_space<vmem>>
        %get3A_1127 = tpu.memref_squeeze %get3A_1126 : memref<1x128x64xf32, #tpu.memory_space<vmem>> -> memref<128x64xf32, #tpu.memory_space<vmem>>
        %get3A_1128 = arith.index_cast %add3A_1092 : i32 to index
        %get3A_1129 = arith.constant 16 : index
        %get3A_1130 = tpu.vector_load %get3A_1127[%get3A_1128, %get3A_1129] {strides = array<i32>} : memref<128x64xf32, #tpu.memory_space<vmem>>, vector<16xf32>,
        %get3A_1131 = arith.index_cast %squeeze3A_1094 : i32 to index
        %get3A_1132 = arith.constant 16 : index
        %get3A_1133 = tpu.vector_load %arg17[%get3A_1131, %get3A_1132] {strides = array<i32>} : memref<1000x64xf32, #tpu.memory_space<vmem>>, vector<16xf32>,
        %mul3A_1134 = arith.mulf %get3A_1123, %get3A_1133 : vector<16xf32>
        %mul3A_1135 = arith.mulf %mul3A_1134, %get3A_1130 : vector<16xf32>
        %add3A_1136 = arith.addf %add3A_1116, %mul3A_1135 : vector<16xf32>
        %get3A_1137 = arith.constant 0 : i32
        %get3A_1138 = arith.constant 0 : i32
        %get3A_1139 = tpu.memref_slice %arg15[%scan3A_107, %get3A_1137, %get3A_1138] : memref<2x128x64xf32, #tpu.memory_space<vmem>> -> memref<1x128x64xf32, #tpu.memory_space<vmem>>
        %get3A_1140 = tpu.memref_squeeze %get3A_1139 : memref<1x128x64xf32, #tpu.memory_space<vmem>> -> memref<128x64xf32, #tpu.memory_space<vmem>>
        %get3A_1141 = arith.index_cast %add3A_1092 : i32 to index
        %get3A_1142 = arith.constant 32 : index
        %get3A_1143 = tpu.vector_load %get3A_1140[%get3A_1141, %get3A_1142] {strides = array<i32>} : memref<128x64xf32, #tpu.memory_space<vmem>>, vector<16xf32>,
        %get3A_1144 = arith.constant 0 : i32
        %get3A_1145 = arith.constant 0 : i32
        %get3A_1146 = tpu.memref_slice %arg16[%scan3A_108, %get3A_1144, %get3A_1145] : memref<2x128x64xf32, #tpu.memory_space<vmem>> -> memref<1x128x64xf32, #tpu.memory_space<vmem>>
        %get3A_1147 = tpu.memref_squeeze %get3A_1146 : memref<1x128x64xf32, #tpu.memory_space<vmem>> -> memref<128x64xf32, #tpu.memory_space<vmem>>
        %get3A_1148 = arith.index_cast %add3A_1092 : i32 to index
        %get3A_1149 = arith.constant 32 : index
        %get3A_1150 = tpu.vector_load %get3A_1147[%get3A_1148, %get3A_1149] {strides = array<i32>} : memref<128x64xf32, #tpu.memory_space<vmem>>, vector<16xf32>,
        %get3A_1151 = arith.index_cast %squeeze3A_1094 : i32 to index
        %get3A_1152 = arith.constant 32 : index
        %get3A_1153 = tpu.vector_load %arg17[%get3A_1151, %get3A_1152] {strides = array<i32>} : memref<1000x64xf32, #tpu.memory_space<vmem>>, vector<16xf32>,
        %mul3A_1154 = arith.mulf %get3A_1143, %get3A_1153 : vector<16xf32>
        %mul3A_1155 = arith.mulf %mul3A_1154, %get3A_1150 : vector<16xf32>
        %add3A_1156 = arith.addf %add3A_1136, %mul3A_1155 : vector<16xf32>
        %get3A_1157 = arith.constant 0 : i32
        %get3A_1158 = arith.constant 0 : i32
        %get3A_1159 = tpu.memref_slice %arg15[%scan3A_107, %get3A_1157, %get3A_1158] : memref<2x128x64xf32, #tpu.memory_space<vmem>> -> memref<1x128x64xf32, #tpu.memory_space<vmem>>
        %get3A_1160 = tpu.memref_squeeze %get3A_1159 : memref<1x128x64xf32, #tpu.memory_space<vmem>> -> memref<128x64xf32, #tpu.memory_space<vmem>>
        %get3A_1161 = arith.index_cast %add3A_1092 : i32 to index
        %get3A_1162 = arith.constant 48 : index
        %get3A_1163 = tpu.vector_load %get3A_1160[%get3A_1161, %get3A_1162] {strides = array<i32>} : memref<128x64xf32, #tpu.memory_space<vmem>>, vector<16xf32>,
        %get3A_1164 = arith.constant 0 : i32
        %get3A_1165 = arith.constant 0 : i32
        %get3A_1166 = tpu.memref_slice %arg16[%scan3A_108, %get3A_1164, %get3A_1165] : memref<2x128x64xf32, #tpu.memory_space<vmem>> -> memref<1x128x64xf32, #tpu.memory_space<vmem>>
        %get3A_1167 = tpu.memref_squeeze %get3A_1166 : memref<1x128x64xf32, #tpu.memory_space<vmem>> -> memref<128x64xf32, #tpu.memory_space<vmem>>
        %get3A_1168 = arith.index_cast %add3A_1092 : i32 to index
        %get3A_1169 = arith.constant 48 : index
        %get3A_1170 = tpu.vector_load %get3A_1167[%get3A_1168, %get3A_1169] {strides = array<i32>} : memref<128x64xf32, #tpu.memory_space<vmem>>, vector<16xf32>,
        %get3A_1171 = arith.index_cast %squeeze3A_1094 : i32 to index
        %get3A_1172 = arith.constant 48 : index
        %get3A_1173 = tpu.vector_load %arg17[%get3A_1171, %get3A_1172] {strides = array<i32>} : memref<1000x64xf32, #tpu.memory_space<vmem>>, vector<16xf32>,
        %mul3A_1174 = arith.mulf %get3A_1163, %get3A_1173 : vector<16xf32>
        %mul3A_1175 = arith.mulf %mul3A_1174, %get3A_1170 : vector<16xf32>
        %add3A_1176 = arith.addf %add3A_1156, %mul3A_1175 : vector<16xf32>
        %reduce_sum3A_1177 = arith.constant true
        %reduce_sum3A_1178 = vector.broadcast %reduce_sum3A_1177 : i1 to vector<16xi1>
        %reduce_sum3A_1179 = tpu.scan <sum>, %add3A_1176 masked %reduce_sum3A_1178 : vector<16xf32>, vector<16xi1> -> vector<16xf32>
        %reduce_sum3A_1180 = vector.extract %reduce_sum3A_1179[15] : f32 from vector<16xf32>
        %eq3A_1181 = arith.constant 8 : i32
        %eq3A_1182 = vector.broadcast %eq3A_1181 : i32 to vector<16xi32>
        %eq3A_1183 = arith.cmpi eq, %iota3A, %eq3A_1182 : vector<16xi32>
        %broadcast_in_dim3A_1184 = vector.broadcast %reduce_sum3A_1180 : f32 to vector<16xf32>
        %select_n3A_1185 = arith.select %eq3A_1183, %broadcast_in_dim3A_1184, %select_n3A_1088 : vector<16xi1>, vector<16xf32>
        %mul3A_1186 = arith.constant 16 : i32
        %mul3A_1187 = arith.muli %scan3A_311, %mul3A_1186 : i32
        %add3A_1188 = arith.constant 9 : i32
        %add3A_1189 = arith.addi %mul3A_1187, %add3A_1188 : i32
        %slice3A_1190 = vector.extract_strided_slice %get3A_315 {offsets = [9], sizes = [1], strides = [1]} : vector<16xi32> to vector<1xi32>
        %squeeze3A_1191 = vector.extract %slice3A_1190[0] : i32 from vector<1xi32>
        %broadcast_in_dim3A_1192 = arith.constant 0.000000e+00 : f32
        %broadcast_in_dim3A_1193 = vector.broadcast %broadcast_in_dim3A_1192 : f32 to vector<16xf32>
        %get3A_1194 = arith.constant 0 : i32
        %get3A_1195 = arith.constant 0 : i32
        %get3A_1196 = tpu.memref_slice %arg15[%scan3A_107, %get3A_1194, %get3A_1195] : memref<2x128x64xf32, #tpu.memory_space<vmem>> -> memref<1x128x64xf32, #tpu.memory_space<vmem>>
        %get3A_1197 = tpu.memref_squeeze %get3A_1196 : memref<1x128x64xf32, #tpu.memory_space<vmem>> -> memref<128x64xf32, #tpu.memory_space<vmem>>
        %get3A_1198 = arith.index_cast %add3A_1189 : i32 to index
        %get3A_1199 = arith.constant 0 : index
        %get3A_1200 = tpu.vector_load %get3A_1197[%get3A_1198, %get3A_1199] {strides = array<i32>} : memref<128x64xf32, #tpu.memory_space<vmem>>, vector<16xf32>,
        %get3A_1201 = arith.constant 0 : i32
        %get3A_1202 = arith.constant 0 : i32
        %get3A_1203 = tpu.memref_slice %arg16[%scan3A_108, %get3A_1201, %get3A_1202] : memref<2x128x64xf32, #tpu.memory_space<vmem>> -> memref<1x128x64xf32, #tpu.memory_space<vmem>>
        %get3A_1204 = tpu.memref_squeeze %get3A_1203 : memref<1x128x64xf32, #tpu.memory_space<vmem>> -> memref<128x64xf32, #tpu.memory_space<vmem>>
        %get3A_1205 = arith.index_cast %add3A_1189 : i32 to index
        %get3A_1206 = arith.constant 0 : index
        %get3A_1207 = tpu.vector_load %get3A_1204[%get3A_1205, %get3A_1206] {strides = array<i32>} : memref<128x64xf32, #tpu.memory_space<vmem>>, vector<16xf32>,
        %get3A_1208 = arith.index_cast %squeeze3A_1191 : i32 to index
        %get3A_1209 = arith.constant 0 : index
        %get3A_1210 = tpu.vector_load %arg17[%get3A_1208, %get3A_1209] {strides = array<i32>} : memref<1000x64xf32, #tpu.memory_space<vmem>>, vector<16xf32>,
        %mul3A_1211 = arith.mulf %get3A_1200, %get3A_1210 : vector<16xf32>
        %mul3A_1212 = arith.mulf %mul3A_1211, %get3A_1207 : vector<16xf32>
        %add3A_1213 = arith.addf %broadcast_in_dim3A_1193, %mul3A_1212 : vector<16xf32>
        %get3A_1214 = arith.constant 0 : i32
        %get3A_1215 = arith.constant 0 : i32
        %get3A_1216 = tpu.memref_slice %arg15[%scan3A_107, %get3A_1214, %get3A_1215] : memref<2x128x64xf32, #tpu.memory_space<vmem>> -> memref<1x128x64xf32, #tpu.memory_space<vmem>>
        %get3A_1217 = tpu.memref_squeeze %get3A_1216 : memref<1x128x64xf32, #tpu.memory_space<vmem>> -> memref<128x64xf32, #tpu.memory_space<vmem>>
        %get3A_1218 = arith.index_cast %add3A_1189 : i32 to index
        %get3A_1219 = arith.constant 16 : index
        %get3A_1220 = tpu.vector_load %get3A_1217[%get3A_1218, %get3A_1219] {strides = array<i32>} : memref<128x64xf32, #tpu.memory_space<vmem>>, vector<16xf32>,
        %get3A_1221 = arith.constant 0 : i32
        %get3A_1222 = arith.constant 0 : i32
        %get3A_1223 = tpu.memref_slice %arg16[%scan3A_108, %get3A_1221, %get3A_1222] : memref<2x128x64xf32, #tpu.memory_space<vmem>> -> memref<1x128x64xf32, #tpu.memory_space<vmem>>
        %get3A_1224 = tpu.memref_squeeze %get3A_1223 : memref<1x128x64xf32, #tpu.memory_space<vmem>> -> memref<128x64xf32, #tpu.memory_space<vmem>>
        %get3A_1225 = arith.index_cast %add3A_1189 : i32 to index
        %get3A_1226 = arith.constant 16 : index
        %get3A_1227 = tpu.vector_load %get3A_1224[%get3A_1225, %get3A_1226] {strides = array<i32>} : memref<128x64xf32, #tpu.memory_space<vmem>>, vector<16xf32>,
        %get3A_1228 = arith.index_cast %squeeze3A_1191 : i32 to index
        %get3A_1229 = arith.constant 16 : index
        %get3A_1230 = tpu.vector_load %arg17[%get3A_1228, %get3A_1229] {strides = array<i32>} : memref<1000x64xf32, #tpu.memory_space<vmem>>, vector<16xf32>,
        %mul3A_1231 = arith.mulf %get3A_1220, %get3A_1230 : vector<16xf32>
        %mul3A_1232 = arith.mulf %mul3A_1231, %get3A_1227 : vector<16xf32>
        %add3A_1233 = arith.addf %add3A_1213, %mul3A_1232 : vector<16xf32>
        %get3A_1234 = arith.constant 0 : i32
        %get3A_1235 = arith.constant 0 : i32
        %get3A_1236 = tpu.memref_slice %arg15[%scan3A_107, %get3A_1234, %get3A_1235] : memref<2x128x64xf32, #tpu.memory_space<vmem>> -> memref<1x128x64xf32, #tpu.memory_space<vmem>>
        %get3A_1237 = tpu.memref_squeeze %get3A_1236 : memref<1x128x64xf32, #tpu.memory_space<vmem>> -> memref<128x64xf32, #tpu.memory_space<vmem>>
        %get3A_1238 = arith.index_cast %add3A_1189 : i32 to index
        %get3A_1239 = arith.constant 32 : index
        %get3A_1240 = tpu.vector_load %get3A_1237[%get3A_1238, %get3A_1239] {strides = array<i32>} : memref<128x64xf32, #tpu.memory_space<vmem>>, vector<16xf32>,
        %get3A_1241 = arith.constant 0 : i32
        %get3A_1242 = arith.constant 0 : i32
        %get3A_1243 = tpu.memref_slice %arg16[%scan3A_108, %get3A_1241, %get3A_1242] : memref<2x128x64xf32, #tpu.memory_space<vmem>> -> memref<1x128x64xf32, #tpu.memory_space<vmem>>
        %get3A_1244 = tpu.memref_squeeze %get3A_1243 : memref<1x128x64xf32, #tpu.memory_space<vmem>> -> memref<128x64xf32, #tpu.memory_space<vmem>>
        %get3A_1245 = arith.index_cast %add3A_1189 : i32 to index
        %get3A_1246 = arith.constant 32 : index
        %get3A_1247 = tpu.vector_load %get3A_1244[%get3A_1245, %get3A_1246] {strides = array<i32>} : memref<128x64xf32, #tpu.memory_space<vmem>>, vector<16xf32>,
        %get3A_1248 = arith.index_cast %squeeze3A_1191 : i32 to index
        %get3A_1249 = arith.constant 32 : index
        %get3A_1250 = tpu.vector_load %arg17[%get3A_1248, %get3A_1249] {strides = array<i32>} : memref<1000x64xf32, #tpu.memory_space<vmem>>, vector<16xf32>,
        %mul3A_1251 = arith.mulf %get3A_1240, %get3A_1250 : vector<16xf32>
        %mul3A_1252 = arith.mulf %mul3A_1251, %get3A_1247 : vector<16xf32>
        %add3A_1253 = arith.addf %add3A_1233, %mul3A_1252 : vector<16xf32>
        %get3A_1254 = arith.constant 0 : i32
        %get3A_1255 = arith.constant 0 : i32
        %get3A_1256 = tpu.memref_slice %arg15[%scan3A_107, %get3A_1254, %get3A_1255] : memref<2x128x64xf32, #tpu.memory_space<vmem>> -> memref<1x128x64xf32, #tpu.memory_space<vmem>>
        %get3A_1257 = tpu.memref_squeeze %get3A_1256 : memref<1x128x64xf32, #tpu.memory_space<vmem>> -> memref<128x64xf32, #tpu.memory_space<vmem>>
        %get3A_1258 = arith.index_cast %add3A_1189 : i32 to index
        %get3A_1259 = arith.constant 48 : index
        %get3A_1260 = tpu.vector_load %get3A_1257[%get3A_1258, %get3A_1259] {strides = array<i32>} : memref<128x64xf32, #tpu.memory_space<vmem>>, vector<16xf32>,
        %get3A_1261 = arith.constant 0 : i32
        %get3A_1262 = arith.constant 0 : i32
        %get3A_1263 = tpu.memref_slice %arg16[%scan3A_108, %get3A_1261, %get3A_1262] : memref<2x128x64xf32, #tpu.memory_space<vmem>> -> memref<1x128x64xf32, #tpu.memory_space<vmem>>
        %get3A_1264 = tpu.memref_squeeze %get3A_1263 : memref<1x128x64xf32, #tpu.memory_space<vmem>> -> memref<128x64xf32, #tpu.memory_space<vmem>>
        %get3A_1265 = arith.index_cast %add3A_1189 : i32 to index
        %get3A_1266 = arith.constant 48 : index
        %get3A_1267 = tpu.vector_load %get3A_1264[%get3A_1265, %get3A_1266] {strides = array<i32>} : memref<128x64xf32, #tpu.memory_space<vmem>>, vector<16xf32>,
        %get3A_1268 = arith.index_cast %squeeze3A_1191 : i32 to index
        %get3A_1269 = arith.constant 48 : index
        %get3A_1270 = tpu.vector_load %arg17[%get3A_1268, %get3A_1269] {strides = array<i32>} : memref<1000x64xf32, #tpu.memory_space<vmem>>, vector<16xf32>,
        %mul3A_1271 = arith.mulf %get3A_1260, %get3A_1270 : vector<16xf32>
        %mul3A_1272 = arith.mulf %mul3A_1271, %get3A_1267 : vector<16xf32>
        %add3A_1273 = arith.addf %add3A_1253, %mul3A_1272 : vector<16xf32>
        %reduce_sum3A_1274 = arith.constant true
        %reduce_sum3A_1275 = vector.broadcast %reduce_sum3A_1274 : i1 to vector<16xi1>
        %reduce_sum3A_1276 = tpu.scan <sum>, %add3A_1273 masked %reduce_sum3A_1275 : vector<16xf32>, vector<16xi1> -> vector<16xf32>
        %reduce_sum3A_1277 = vector.extract %reduce_sum3A_1276[15] : f32 from vector<16xf32>
        %eq3A_1278 = arith.constant 9 : i32
        %eq3A_1279 = vector.broadcast %eq3A_1278 : i32 to vector<16xi32>
        %eq3A_1280 = arith.cmpi eq, %iota3A, %eq3A_1279 : vector<16xi32>
        %broadcast_in_dim3A_1281 = vector.broadcast %reduce_sum3A_1277 : f32 to vector<16xf32>
        %select_n3A_1282 = arith.select %eq3A_1280, %broadcast_in_dim3A_1281, %select_n3A_1185 : vector<16xi1>, vector<16xf32>
        %mul3A_1283 = arith.constant 16 : i32
        %mul3A_1284 = arith.muli %scan3A_311, %mul3A_1283 : i32
        %add3A_1285 = arith.constant 10 : i32
        %add3A_1286 = arith.addi %mul3A_1284, %add3A_1285 : i32
        %slice3A_1287 = vector.extract_strided_slice %get3A_315 {offsets = [10], sizes = [1], strides = [1]} : vector<16xi32> to vector<1xi32>
        %squeeze3A_1288 = vector.extract %slice3A_1287[0] : i32 from vector<1xi32>
        %broadcast_in_dim3A_1289 = arith.constant 0.000000e+00 : f32
        %broadcast_in_dim3A_1290 = vector.broadcast %broadcast_in_dim3A_1289 : f32 to vector<16xf32>
        %get3A_1291 = arith.constant 0 : i32
        %get3A_1292 = arith.constant 0 : i32
        %get3A_1293 = tpu.memref_slice %arg15[%scan3A_107, %get3A_1291, %get3A_1292] : memref<2x128x64xf32, #tpu.memory_space<vmem>> -> memref<1x128x64xf32, #tpu.memory_space<vmem>>
        %get3A_1294 = tpu.memref_squeeze %get3A_1293 : memref<1x128x64xf32, #tpu.memory_space<vmem>> -> memref<128x64xf32, #tpu.memory_space<vmem>>
        %get3A_1295 = arith.index_cast %add3A_1286 : i32 to index
        %get3A_1296 = arith.constant 0 : index
        %get3A_1297 = tpu.vector_load %get3A_1294[%get3A_1295, %get3A_1296] {strides = array<i32>} : memref<128x64xf32, #tpu.memory_space<vmem>>, vector<16xf32>,
        %get3A_1298 = arith.constant 0 : i32
        %get3A_1299 = arith.constant 0 : i32
        %get3A_1300 = tpu.memref_slice %arg16[%scan3A_108, %get3A_1298, %get3A_1299] : memref<2x128x64xf32, #tpu.memory_space<vmem>> -> memref<1x128x64xf32, #tpu.memory_space<vmem>>
        %get3A_1301 = tpu.memref_squeeze %get3A_1300 : memref<1x128x64xf32, #tpu.memory_space<vmem>> -> memref<128x64xf32, #tpu.memory_space<vmem>>
        %get3A_1302 = arith.index_cast %add3A_1286 : i32 to index
        %get3A_1303 = arith.constant 0 : index
        %get3A_1304 = tpu.vector_load %get3A_1301[%get3A_1302, %get3A_1303] {strides = array<i32>} : memref<128x64xf32, #tpu.memory_space<vmem>>, vector<16xf32>,
        %get3A_1305 = arith.index_cast %squeeze3A_1288 : i32 to index
        %get3A_1306 = arith.constant 0 : index
        %get3A_1307 = tpu.vector_load %arg17[%get3A_1305, %get3A_1306] {strides = array<i32>} : memref<1000x64xf32, #tpu.memory_space<vmem>>, vector<16xf32>,
        %mul3A_1308 = arith.mulf %get3A_1297, %get3A_1307 : vector<16xf32>
        %mul3A_1309 = arith.mulf %mul3A_1308, %get3A_1304 : vector<16xf32>
        %add3A_1310 = arith.addf %broadcast_in_dim3A_1290, %mul3A_1309 : vector<16xf32>
        %get3A_1311 = arith.constant 0 : i32
        %get3A_1312 = arith.constant 0 : i32
        %get3A_1313 = tpu.memref_slice %arg15[%scan3A_107, %get3A_1311, %get3A_1312] : memref<2x128x64xf32, #tpu.memory_space<vmem>> -> memref<1x128x64xf32, #tpu.memory_space<vmem>>
        %get3A_1314 = tpu.memref_squeeze %get3A_1313 : memref<1x128x64xf32, #tpu.memory_space<vmem>> -> memref<128x64xf32, #tpu.memory_space<vmem>>
        %get3A_1315 = arith.index_cast %add3A_1286 : i32 to index
        %get3A_1316 = arith.constant 16 : index
        %get3A_1317 = tpu.vector_load %get3A_1314[%get3A_1315, %get3A_1316] {strides = array<i32>} : memref<128x64xf32, #tpu.memory_space<vmem>>, vector<16xf32>,
        %get3A_1318 = arith.constant 0 : i32
        %get3A_1319 = arith.constant 0 : i32
        %get3A_1320 = tpu.memref_slice %arg16[%scan3A_108, %get3A_1318, %get3A_1319] : memref<2x128x64xf32, #tpu.memory_space<vmem>> -> memref<1x128x64xf32, #tpu.memory_space<vmem>>
        %get3A_1321 = tpu.memref_squeeze %get3A_1320 : memref<1x128x64xf32, #tpu.memory_space<vmem>> -> memref<128x64xf32, #tpu.memory_space<vmem>>
        %get3A_1322 = arith.index_cast %add3A_1286 : i32 to index
        %get3A_1323 = arith.constant 16 : index
        %get3A_1324 = tpu.vector_load %get3A_1321[%get3A_1322, %get3A_1323] {strides = array<i32>} : memref<128x64xf32, #tpu.memory_space<vmem>>, vector<16xf32>,
        %get3A_1325 = arith.index_cast %squeeze3A_1288 : i32 to index
        %get3A_1326 = arith.constant 16 : index
        %get3A_1327 = tpu.vector_load %arg17[%get3A_1325, %get3A_1326] {strides = array<i32>} : memref<1000x64xf32, #tpu.memory_space<vmem>>, vector<16xf32>,
        %mul3A_1328 = arith.mulf %get3A_1317, %get3A_1327 : vector<16xf32>
        %mul3A_1329 = arith.mulf %mul3A_1328, %get3A_1324 : vector<16xf32>
        %add3A_1330 = arith.addf %add3A_1310, %mul3A_1329 : vector<16xf32>
        %get3A_1331 = arith.constant 0 : i32
        %get3A_1332 = arith.constant 0 : i32
        %get3A_1333 = tpu.memref_slice %arg15[%scan3A_107, %get3A_1331, %get3A_1332] : memref<2x128x64xf32, #tpu.memory_space<vmem>> -> memref<1x128x64xf32, #tpu.memory_space<vmem>>
        %get3A_1334 = tpu.memref_squeeze %get3A_1333 : memref<1x128x64xf32, #tpu.memory_space<vmem>> -> memref<128x64xf32, #tpu.memory_space<vmem>>
        %get3A_1335 = arith.index_cast %add3A_1286 : i32 to index
        %get3A_1336 = arith.constant 32 : index
        %get3A_1337 = tpu.vector_load %get3A_1334[%get3A_1335, %get3A_1336] {strides = array<i32>} : memref<128x64xf32, #tpu.memory_space<vmem>>, vector<16xf32>,
        %get3A_1338 = arith.constant 0 : i32
        %get3A_1339 = arith.constant 0 : i32
        %get3A_1340 = tpu.memref_slice %arg16[%scan3A_108, %get3A_1338, %get3A_1339] : memref<2x128x64xf32, #tpu.memory_space<vmem>> -> memref<1x128x64xf32, #tpu.memory_space<vmem>>
        %get3A_1341 = tpu.memref_squeeze %get3A_1340 : memref<1x128x64xf32, #tpu.memory_space<vmem>> -> memref<128x64xf32, #tpu.memory_space<vmem>>
        %get3A_1342 = arith.index_cast %add3A_1286 : i32 to index
        %get3A_1343 = arith.constant 32 : index
        %get3A_1344 = tpu.vector_load %get3A_1341[%get3A_1342, %get3A_1343] {strides = array<i32>} : memref<128x64xf32, #tpu.memory_space<vmem>>, vector<16xf32>,
        %get3A_1345 = arith.index_cast %squeeze3A_1288 : i32 to index
        %get3A_1346 = arith.constant 32 : index
        %get3A_1347 = tpu.vector_load %arg17[%get3A_1345, %get3A_1346] {strides = array<i32>} : memref<1000x64xf32, #tpu.memory_space<vmem>>, vector<16xf32>,
        %mul3A_1348 = arith.mulf %get3A_1337, %get3A_1347 : vector<16xf32>
        %mul3A_1349 = arith.mulf %mul3A_1348, %get3A_1344 : vector<16xf32>
        %add3A_1350 = arith.addf %add3A_1330, %mul3A_1349 : vector<16xf32>
        %get3A_1351 = arith.constant 0 : i32
        %get3A_1352 = arith.constant 0 : i32
        %get3A_1353 = tpu.memref_slice %arg15[%scan3A_107, %get3A_1351, %get3A_1352] : memref<2x128x64xf32, #tpu.memory_space<vmem>> -> memref<1x128x64xf32, #tpu.memory_space<vmem>>
        %get3A_1354 = tpu.memref_squeeze %get3A_1353 : memref<1x128x64xf32, #tpu.memory_space<vmem>> -> memref<128x64xf32, #tpu.memory_space<vmem>>
        %get3A_1355 = arith.index_cast %add3A_1286 : i32 to index
        %get3A_1356 = arith.constant 48 : index
        %get3A_1357 = tpu.vector_load %get3A_1354[%get3A_1355, %get3A_1356] {strides = array<i32>} : memref<128x64xf32, #tpu.memory_space<vmem>>, vector<16xf32>,
        %get3A_1358 = arith.constant 0 : i32
        %get3A_1359 = arith.constant 0 : i32
        %get3A_1360 = tpu.memref_slice %arg16[%scan3A_108, %get3A_1358, %get3A_1359] : memref<2x128x64xf32, #tpu.memory_space<vmem>> -> memref<1x128x64xf32, #tpu.memory_space<vmem>>
        %get3A_1361 = tpu.memref_squeeze %get3A_1360 : memref<1x128x64xf32, #tpu.memory_space<vmem>> -> memref<128x64xf32, #tpu.memory_space<vmem>>
        %get3A_1362 = arith.index_cast %add3A_1286 : i32 to index
        %get3A_1363 = arith.constant 48 : index
        %get3A_1364 = tpu.vector_load %get3A_1361[%get3A_1362, %get3A_1363] {strides = array<i32>} : memref<128x64xf32, #tpu.memory_space<vmem>>, vector<16xf32>,
        %get3A_1365 = arith.index_cast %squeeze3A_1288 : i32 to index
        %get3A_1366 = arith.constant 48 : index
        %get3A_1367 = tpu.vector_load %arg17[%get3A_1365, %get3A_1366] {strides = array<i32>} : memref<1000x64xf32, #tpu.memory_space<vmem>>, vector<16xf32>,
        %mul3A_1368 = arith.mulf %get3A_1357, %get3A_1367 : vector<16xf32>
        %mul3A_1369 = arith.mulf %mul3A_1368, %get3A_1364 : vector<16xf32>
        %add3A_1370 = arith.addf %add3A_1350, %mul3A_1369 : vector<16xf32>
        %reduce_sum3A_1371 = arith.constant true
        %reduce_sum3A_1372 = vector.broadcast %reduce_sum3A_1371 : i1 to vector<16xi1>
        %reduce_sum3A_1373 = tpu.scan <sum>, %add3A_1370 masked %reduce_sum3A_1372 : vector<16xf32>, vector<16xi1> -> vector<16xf32>
        %reduce_sum3A_1374 = vector.extract %reduce_sum3A_1373[15] : f32 from vector<16xf32>
        %eq3A_1375 = arith.constant 10 : i32
        %eq3A_1376 = vector.broadcast %eq3A_1375 : i32 to vector<16xi32>
        %eq3A_1377 = arith.cmpi eq, %iota3A, %eq3A_1376 : vector<16xi32>
        %broadcast_in_dim3A_1378 = vector.broadcast %reduce_sum3A_1374 : f32 to vector<16xf32>
        %select_n3A_1379 = arith.select %eq3A_1377, %broadcast_in_dim3A_1378, %select_n3A_1282 : vector<16xi1>, vector<16xf32>
        %mul3A_1380 = arith.constant 16 : i32
        %mul3A_1381 = arith.muli %scan3A_311, %mul3A_1380 : i32
        %add3A_1382 = arith.constant 11 : i32
        %add3A_1383 = arith.addi %mul3A_1381, %add3A_1382 : i32
        %slice3A_1384 = vector.extract_strided_slice %get3A_315 {offsets = [11], sizes = [1], strides = [1]} : vector<16xi32> to vector<1xi32>
        %squeeze3A_1385 = vector.extract %slice3A_1384[0] : i32 from vector<1xi32>
        %broadcast_in_dim3A_1386 = arith.constant 0.000000e+00 : f32
        %broadcast_in_dim3A_1387 = vector.broadcast %broadcast_in_dim3A_1386 : f32 to vector<16xf32>
        %get3A_1388 = arith.constant 0 : i32
        %get3A_1389 = arith.constant 0 : i32
        %get3A_1390 = tpu.memref_slice %arg15[%scan3A_107, %get3A_1388, %get3A_1389] : memref<2x128x64xf32, #tpu.memory_space<vmem>> -> memref<1x128x64xf32, #tpu.memory_space<vmem>>
        %get3A_1391 = tpu.memref_squeeze %get3A_1390 : memref<1x128x64xf32, #tpu.memory_space<vmem>> -> memref<128x64xf32, #tpu.memory_space<vmem>>
        %get3A_1392 = arith.index_cast %add3A_1383 : i32 to index
        %get3A_1393 = arith.constant 0 : index
        %get3A_1394 = tpu.vector_load %get3A_1391[%get3A_1392, %get3A_1393] {strides = array<i32>} : memref<128x64xf32, #tpu.memory_space<vmem>>, vector<16xf32>,
        %get3A_1395 = arith.constant 0 : i32
        %get3A_1396 = arith.constant 0 : i32
        %get3A_1397 = tpu.memref_slice %arg16[%scan3A_108, %get3A_1395, %get3A_1396] : memref<2x128x64xf32, #tpu.memory_space<vmem>> -> memref<1x128x64xf32, #tpu.memory_space<vmem>>
        %get3A_1398 = tpu.memref_squeeze %get3A_1397 : memref<1x128x64xf32, #tpu.memory_space<vmem>> -> memref<128x64xf32, #tpu.memory_space<vmem>>
        %get3A_1399 = arith.index_cast %add3A_1383 : i32 to index
        %get3A_1400 = arith.constant 0 : index
        %get3A_1401 = tpu.vector_load %get3A_1398[%get3A_1399, %get3A_1400] {strides = array<i32>} : memref<128x64xf32, #tpu.memory_space<vmem>>, vector<16xf32>,
        %get3A_1402 = arith.index_cast %squeeze3A_1385 : i32 to index
        %get3A_1403 = arith.constant 0 : index
        %get3A_1404 = tpu.vector_load %arg17[%get3A_1402, %get3A_1403] {strides = array<i32>} : memref<1000x64xf32, #tpu.memory_space<vmem>>, vector<16xf32>,
        %mul3A_1405 = arith.mulf %get3A_1394, %get3A_1404 : vector<16xf32>
        %mul3A_1406 = arith.mulf %mul3A_1405, %get3A_1401 : vector<16xf32>
        %add3A_1407 = arith.addf %broadcast_in_dim3A_1387, %mul3A_1406 : vector<16xf32>
        %get3A_1408 = arith.constant 0 : i32
        %get3A_1409 = arith.constant 0 : i32
        %get3A_1410 = tpu.memref_slice %arg15[%scan3A_107, %get3A_1408, %get3A_1409] : memref<2x128x64xf32, #tpu.memory_space<vmem>> -> memref<1x128x64xf32, #tpu.memory_space<vmem>>
        %get3A_1411 = tpu.memref_squeeze %get3A_1410 : memref<1x128x64xf32, #tpu.memory_space<vmem>> -> memref<128x64xf32, #tpu.memory_space<vmem>>
        %get3A_1412 = arith.index_cast %add3A_1383 : i32 to index
        %get3A_1413 = arith.constant 16 : index
        %get3A_1414 = tpu.vector_load %get3A_1411[%get3A_1412, %get3A_1413] {strides = array<i32>} : memref<128x64xf32, #tpu.memory_space<vmem>>, vector<16xf32>,
        %get3A_1415 = arith.constant 0 : i32
        %get3A_1416 = arith.constant 0 : i32
        %get3A_1417 = tpu.memref_slice %arg16[%scan3A_108, %get3A_1415, %get3A_1416] : memref<2x128x64xf32, #tpu.memory_space<vmem>> -> memref<1x128x64xf32, #tpu.memory_space<vmem>>
        %get3A_1418 = tpu.memref_squeeze %get3A_1417 : memref<1x128x64xf32, #tpu.memory_space<vmem>> -> memref<128x64xf32, #tpu.memory_space<vmem>>
        %get3A_1419 = arith.index_cast %add3A_1383 : i32 to index
        %get3A_1420 = arith.constant 16 : index
        %get3A_1421 = tpu.vector_load %get3A_1418[%get3A_1419, %get3A_1420] {strides = array<i32>} : memref<128x64xf32, #tpu.memory_space<vmem>>, vector<16xf32>,
        %get3A_1422 = arith.index_cast %squeeze3A_1385 : i32 to index
        %get3A_1423 = arith.constant 16 : index
        %get3A_1424 = tpu.vector_load %arg17[%get3A_1422, %get3A_1423] {strides = array<i32>} : memref<1000x64xf32, #tpu.memory_space<vmem>>, vector<16xf32>,
        %mul3A_1425 = arith.mulf %get3A_1414, %get3A_1424 : vector<16xf32>
        %mul3A_1426 = arith.mulf %mul3A_1425, %get3A_1421 : vector<16xf32>
        %add3A_1427 = arith.addf %add3A_1407, %mul3A_1426 : vector<16xf32>
        %get3A_1428 = arith.constant 0 : i32
        %get3A_1429 = arith.constant 0 : i32
        %get3A_1430 = tpu.memref_slice %arg15[%scan3A_107, %get3A_1428, %get3A_1429] : memref<2x128x64xf32, #tpu.memory_space<vmem>> -> memref<1x128x64xf32, #tpu.memory_space<vmem>>
        %get3A_1431 = tpu.memref_squeeze %get3A_1430 : memref<1x128x64xf32, #tpu.memory_space<vmem>> -> memref<128x64xf32, #tpu.memory_space<vmem>>
        %get3A_1432 = arith.index_cast %add3A_1383 : i32 to index
        %get3A_1433 = arith.constant 32 : index
        %get3A_1434 = tpu.vector_load %get3A_1431[%get3A_1432, %get3A_1433] {strides = array<i32>} : memref<128x64xf32, #tpu.memory_space<vmem>>, vector<16xf32>,
        %get3A_1435 = arith.constant 0 : i32
        %get3A_1436 = arith.constant 0 : i32
        %get3A_1437 = tpu.memref_slice %arg16[%scan3A_108, %get3A_1435, %get3A_1436] : memref<2x128x64xf32, #tpu.memory_space<vmem>> -> memref<1x128x64xf32, #tpu.memory_space<vmem>>
        %get3A_1438 = tpu.memref_squeeze %get3A_1437 : memref<1x128x64xf32, #tpu.memory_space<vmem>> -> memref<128x64xf32, #tpu.memory_space<vmem>>
        %get3A_1439 = arith.index_cast %add3A_1383 : i32 to index
        %get3A_1440 = arith.constant 32 : index
        %get3A_1441 = tpu.vector_load %get3A_1438[%get3A_1439, %get3A_1440] {strides = array<i32>} : memref<128x64xf32, #tpu.memory_space<vmem>>, vector<16xf32>,
        %get3A_1442 = arith.index_cast %squeeze3A_1385 : i32 to index
        %get3A_1443 = arith.constant 32 : index
        %get3A_1444 = tpu.vector_load %arg17[%get3A_1442, %get3A_1443] {strides = array<i32>} : memref<1000x64xf32, #tpu.memory_space<vmem>>, vector<16xf32>,
        %mul3A_1445 = arith.mulf %get3A_1434, %get3A_1444 : vector<16xf32>
        %mul3A_1446 = arith.mulf %mul3A_1445, %get3A_1441 : vector<16xf32>
        %add3A_1447 = arith.addf %add3A_1427, %mul3A_1446 : vector<16xf32>
        %get3A_1448 = arith.constant 0 : i32
        %get3A_1449 = arith.constant 0 : i32
        %get3A_1450 = tpu.memref_slice %arg15[%scan3A_107, %get3A_1448, %get3A_1449] : memref<2x128x64xf32, #tpu.memory_space<vmem>> -> memref<1x128x64xf32, #tpu.memory_space<vmem>>
        %get3A_1451 = tpu.memref_squeeze %get3A_1450 : memref<1x128x64xf32, #tpu.memory_space<vmem>> -> memref<128x64xf32, #tpu.memory_space<vmem>>
        %get3A_1452 = arith.index_cast %add3A_1383 : i32 to index
        %get3A_1453 = arith.constant 48 : index
        %get3A_1454 = tpu.vector_load %get3A_1451[%get3A_1452, %get3A_1453] {strides = array<i32>} : memref<128x64xf32, #tpu.memory_space<vmem>>, vector<16xf32>,
        %get3A_1455 = arith.constant 0 : i32
        %get3A_1456 = arith.constant 0 : i32
        %get3A_1457 = tpu.memref_slice %arg16[%scan3A_108, %get3A_1455, %get3A_1456] : memref<2x128x64xf32, #tpu.memory_space<vmem>> -> memref<1x128x64xf32, #tpu.memory_space<vmem>>
        %get3A_1458 = tpu.memref_squeeze %get3A_1457 : memref<1x128x64xf32, #tpu.memory_space<vmem>> -> memref<128x64xf32, #tpu.memory_space<vmem>>
        %get3A_1459 = arith.index_cast %add3A_1383 : i32 to index
        %get3A_1460 = arith.constant 48 : index
        %get3A_1461 = tpu.vector_load %get3A_1458[%get3A_1459, %get3A_1460] {strides = array<i32>} : memref<128x64xf32, #tpu.memory_space<vmem>>, vector<16xf32>,
        %get3A_1462 = arith.index_cast %squeeze3A_1385 : i32 to index
        %get3A_1463 = arith.constant 48 : index
        %get3A_1464 = tpu.vector_load %arg17[%get3A_1462, %get3A_1463] {strides = array<i32>} : memref<1000x64xf32, #tpu.memory_space<vmem>>, vector<16xf32>,
        %mul3A_1465 = arith.mulf %get3A_1454, %get3A_1464 : vector<16xf32>
        %mul3A_1466 = arith.mulf %mul3A_1465, %get3A_1461 : vector<16xf32>
        %add3A_1467 = arith.addf %add3A_1447, %mul3A_1466 : vector<16xf32>
        %reduce_sum3A_1468 = arith.constant true
        %reduce_sum3A_1469 = vector.broadcast %reduce_sum3A_1468 : i1 to vector<16xi1>
        %reduce_sum3A_1470 = tpu.scan <sum>, %add3A_1467 masked %reduce_sum3A_1469 : vector<16xf32>, vector<16xi1> -> vector<16xf32>
        %reduce_sum3A_1471 = vector.extract %reduce_sum3A_1470[15] : f32 from vector<16xf32>
        %eq3A_1472 = arith.constant 11 : i32
        %eq3A_1473 = vector.broadcast %eq3A_1472 : i32 to vector<16xi32>
        %eq3A_1474 = arith.cmpi eq, %iota3A, %eq3A_1473 : vector<16xi32>
        %broadcast_in_dim3A_1475 = vector.broadcast %reduce_sum3A_1471 : f32 to vector<16xf32>
        %select_n3A_1476 = arith.select %eq3A_1474, %broadcast_in_dim3A_1475, %select_n3A_1379 : vector<16xi1>, vector<16xf32>
        %mul3A_1477 = arith.constant 16 : i32
        %mul3A_1478 = arith.muli %scan3A_311, %mul3A_1477 : i32
        %add3A_1479 = arith.constant 12 : i32
        %add3A_1480 = arith.addi %mul3A_1478, %add3A_1479 : i32
        %slice3A_1481 = vector.extract_strided_slice %get3A_315 {offsets = [12], sizes = [1], strides = [1]} : vector<16xi32> to vector<1xi32>
        %squeeze3A_1482 = vector.extract %slice3A_1481[0] : i32 from vector<1xi32>
        %broadcast_in_dim3A_1483 = arith.constant 0.000000e+00 : f32
        %broadcast_in_dim3A_1484 = vector.broadcast %broadcast_in_dim3A_1483 : f32 to vector<16xf32>
        %get3A_1485 = arith.constant 0 : i32
        %get3A_1486 = arith.constant 0 : i32
        %get3A_1487 = tpu.memref_slice %arg15[%scan3A_107, %get3A_1485, %get3A_1486] : memref<2x128x64xf32, #tpu.memory_space<vmem>> -> memref<1x128x64xf32, #tpu.memory_space<vmem>>
        %get3A_1488 = tpu.memref_squeeze %get3A_1487 : memref<1x128x64xf32, #tpu.memory_space<vmem>> -> memref<128x64xf32, #tpu.memory_space<vmem>>
        %get3A_1489 = arith.index_cast %add3A_1480 : i32 to index
        %get3A_1490 = arith.constant 0 : index
        %get3A_1491 = tpu.vector_load %get3A_1488[%get3A_1489, %get3A_1490] {strides = array<i32>} : memref<128x64xf32, #tpu.memory_space<vmem>>, vector<16xf32>,
        %get3A_1492 = arith.constant 0 : i32
        %get3A_1493 = arith.constant 0 : i32
        %get3A_1494 = tpu.memref_slice %arg16[%scan3A_108, %get3A_1492, %get3A_1493] : memref<2x128x64xf32, #tpu.memory_space<vmem>> -> memref<1x128x64xf32, #tpu.memory_space<vmem>>
        %get3A_1495 = tpu.memref_squeeze %get3A_1494 : memref<1x128x64xf32, #tpu.memory_space<vmem>> -> memref<128x64xf32, #tpu.memory_space<vmem>>
        %get3A_1496 = arith.index_cast %add3A_1480 : i32 to index
        %get3A_1497 = arith.constant 0 : index
        %get3A_1498 = tpu.vector_load %get3A_1495[%get3A_1496, %get3A_1497] {strides = array<i32>} : memref<128x64xf32, #tpu.memory_space<vmem>>, vector<16xf32>,
        %get3A_1499 = arith.index_cast %squeeze3A_1482 : i32 to index
        %get3A_1500 = arith.constant 0 : index
        %get3A_1501 = tpu.vector_load %arg17[%get3A_1499, %get3A_1500] {strides = array<i32>} : memref<1000x64xf32, #tpu.memory_space<vmem>>, vector<16xf32>,
        %mul3A_1502 = arith.mulf %get3A_1491, %get3A_1501 : vector<16xf32>
        %mul3A_1503 = arith.mulf %mul3A_1502, %get3A_1498 : vector<16xf32>
        %add3A_1504 = arith.addf %broadcast_in_dim3A_1484, %mul3A_1503 : vector<16xf32>
        %get3A_1505 = arith.constant 0 : i32
        %get3A_1506 = arith.constant 0 : i32
        %get3A_1507 = tpu.memref_slice %arg15[%scan3A_107, %get3A_1505, %get3A_1506] : memref<2x128x64xf32, #tpu.memory_space<vmem>> -> memref<1x128x64xf32, #tpu.memory_space<vmem>>
        %get3A_1508 = tpu.memref_squeeze %get3A_1507 : memref<1x128x64xf32, #tpu.memory_space<vmem>> -> memref<128x64xf32, #tpu.memory_space<vmem>>
        %get3A_1509 = arith.index_cast %add3A_1480 : i32 to index
        %get3A_1510 = arith.constant 16 : index
        %get3A_1511 = tpu.vector_load %get3A_1508[%get3A_1509, %get3A_1510] {strides = array<i32>} : memref<128x64xf32, #tpu.memory_space<vmem>>, vector<16xf32>,
        %get3A_1512 = arith.constant 0 : i32
        %get3A_1513 = arith.constant 0 : i32
        %get3A_1514 = tpu.memref_slice %arg16[%scan3A_108, %get3A_1512, %get3A_1513] : memref<2x128x64xf32, #tpu.memory_space<vmem>> -> memref<1x128x64xf32, #tpu.memory_space<vmem>>
        %get3A_1515 = tpu.memref_squeeze %get3A_1514 : memref<1x128x64xf32, #tpu.memory_space<vmem>> -> memref<128x64xf32, #tpu.memory_space<vmem>>
        %get3A_1516 = arith.index_cast %add3A_1480 : i32 to index
        %get3A_1517 = arith.constant 16 : index
        %get3A_1518 = tpu.vector_load %get3A_1515[%get3A_1516, %get3A_1517] {strides = array<i32>} : memref<128x64xf32, #tpu.memory_space<vmem>>, vector<16xf32>,
        %get3A_1519 = arith.index_cast %squeeze3A_1482 : i32 to index
        %get3A_1520 = arith.constant 16 : index
        %get3A_1521 = tpu.vector_load %arg17[%get3A_1519, %get3A_1520] {strides = array<i32>} : memref<1000x64xf32, #tpu.memory_space<vmem>>, vector<16xf32>,
        %mul3A_1522 = arith.mulf %get3A_1511, %get3A_1521 : vector<16xf32>
        %mul3A_1523 = arith.mulf %mul3A_1522, %get3A_1518 : vector<16xf32>
        %add3A_1524 = arith.addf %add3A_1504, %mul3A_1523 : vector<16xf32>
        %get3A_1525 = arith.constant 0 : i32
        %get3A_1526 = arith.constant 0 : i32
        %get3A_1527 = tpu.memref_slice %arg15[%scan3A_107, %get3A_1525, %get3A_1526] : memref<2x128x64xf32, #tpu.memory_space<vmem>> -> memref<1x128x64xf32, #tpu.memory_space<vmem>>
        %get3A_1528 = tpu.memref_squeeze %get3A_1527 : memref<1x128x64xf32, #tpu.memory_space<vmem>> -> memref<128x64xf32, #tpu.memory_space<vmem>>
        %get3A_1529 = arith.index_cast %add3A_1480 : i32 to index
        %get3A_1530 = arith.constant 32 : index
        %get3A_1531 = tpu.vector_load %get3A_1528[%get3A_1529, %get3A_1530] {strides = array<i32>} : memref<128x64xf32, #tpu.memory_space<vmem>>, vector<16xf32>,
        %get3A_1532 = arith.constant 0 : i32
        %get3A_1533 = arith.constant 0 : i32
        %get3A_1534 = tpu.memref_slice %arg16[%scan3A_108, %get3A_1532, %get3A_1533] : memref<2x128x64xf32, #tpu.memory_space<vmem>> -> memref<1x128x64xf32, #tpu.memory_space<vmem>>
        %get3A_1535 = tpu.memref_squeeze %get3A_1534 : memref<1x128x64xf32, #tpu.memory_space<vmem>> -> memref<128x64xf32, #tpu.memory_space<vmem>>
        %get3A_1536 = arith.index_cast %add3A_1480 : i32 to index
        %get3A_1537 = arith.constant 32 : index
        %get3A_1538 = tpu.vector_load %get3A_1535[%get3A_1536, %get3A_1537] {strides = array<i32>} : memref<128x64xf32, #tpu.memory_space<vmem>>, vector<16xf32>,
        %get3A_1539 = arith.index_cast %squeeze3A_1482 : i32 to index
        %get3A_1540 = arith.constant 32 : index
        %get3A_1541 = tpu.vector_load %arg17[%get3A_1539, %get3A_1540] {strides = array<i32>} : memref<1000x64xf32, #tpu.memory_space<vmem>>, vector<16xf32>,
        %mul3A_1542 = arith.mulf %get3A_1531, %get3A_1541 : vector<16xf32>
        %mul3A_1543 = arith.mulf %mul3A_1542, %get3A_1538 : vector<16xf32>
        %add3A_1544 = arith.addf %add3A_1524, %mul3A_1543 : vector<16xf32>
        %get3A_1545 = arith.constant 0 : i32
        %get3A_1546 = arith.constant 0 : i32
        %get3A_1547 = tpu.memref_slice %arg15[%scan3A_107, %get3A_1545, %get3A_1546] : memref<2x128x64xf32, #tpu.memory_space<vmem>> -> memref<1x128x64xf32, #tpu.memory_space<vmem>>
        %get3A_1548 = tpu.memref_squeeze %get3A_1547 : memref<1x128x64xf32, #tpu.memory_space<vmem>> -> memref<128x64xf32, #tpu.memory_space<vmem>>
        %get3A_1549 = arith.index_cast %add3A_1480 : i32 to index
        %get3A_1550 = arith.constant 48 : index
        %get3A_1551 = tpu.vector_load %get3A_1548[%get3A_1549, %get3A_1550] {strides = array<i32>} : memref<128x64xf32, #tpu.memory_space<vmem>>, vector<16xf32>,
        %get3A_1552 = arith.constant 0 : i32
        %get3A_1553 = arith.constant 0 : i32
        %get3A_1554 = tpu.memref_slice %arg16[%scan3A_108, %get3A_1552, %get3A_1553] : memref<2x128x64xf32, #tpu.memory_space<vmem>> -> memref<1x128x64xf32, #tpu.memory_space<vmem>>
        %get3A_1555 = tpu.memref_squeeze %get3A_1554 : memref<1x128x64xf32, #tpu.memory_space<vmem>> -> memref<128x64xf32, #tpu.memory_space<vmem>>
        %get3A_1556 = arith.index_cast %add3A_1480 : i32 to index
        %get3A_1557 = arith.constant 48 : index
        %get3A_1558 = tpu.vector_load %get3A_1555[%get3A_1556, %get3A_1557] {strides = array<i32>} : memref<128x64xf32, #tpu.memory_space<vmem>>, vector<16xf32>,
        %get3A_1559 = arith.index_cast %squeeze3A_1482 : i32 to index
        %get3A_1560 = arith.constant 48 : index
        %get3A_1561 = tpu.vector_load %arg17[%get3A_1559, %get3A_1560] {strides = array<i32>} : memref<1000x64xf32, #tpu.memory_space<vmem>>, vector<16xf32>,
        %mul3A_1562 = arith.mulf %get3A_1551, %get3A_1561 : vector<16xf32>
        %mul3A_1563 = arith.mulf %mul3A_1562, %get3A_1558 : vector<16xf32>
        %add3A_1564 = arith.addf %add3A_1544, %mul3A_1563 : vector<16xf32>
        %reduce_sum3A_1565 = arith.constant true
        %reduce_sum3A_1566 = vector.broadcast %reduce_sum3A_1565 : i1 to vector<16xi1>
        %reduce_sum3A_1567 = tpu.scan <sum>, %add3A_1564 masked %reduce_sum3A_1566 : vector<16xf32>, vector<16xi1> -> vector<16xf32>
        %reduce_sum3A_1568 = vector.extract %reduce_sum3A_1567[15] : f32 from vector<16xf32>
        %eq3A_1569 = arith.constant 12 : i32
        %eq3A_1570 = vector.broadcast %eq3A_1569 : i32 to vector<16xi32>
        %eq3A_1571 = arith.cmpi eq, %iota3A, %eq3A_1570 : vector<16xi32>
        %broadcast_in_dim3A_1572 = vector.broadcast %reduce_sum3A_1568 : f32 to vector<16xf32>
        %select_n3A_1573 = arith.select %eq3A_1571, %broadcast_in_dim3A_1572, %select_n3A_1476 : vector<16xi1>, vector<16xf32>
        %mul3A_1574 = arith.constant 16 : i32
        %mul3A_1575 = arith.muli %scan3A_311, %mul3A_1574 : i32
        %add3A_1576 = arith.constant 13 : i32
        %add3A_1577 = arith.addi %mul3A_1575, %add3A_1576 : i32
        %slice3A_1578 = vector.extract_strided_slice %get3A_315 {offsets = [13], sizes = [1], strides = [1]} : vector<16xi32> to vector<1xi32>
        %squeeze3A_1579 = vector.extract %slice3A_1578[0] : i32 from vector<1xi32>
        %broadcast_in_dim3A_1580 = arith.constant 0.000000e+00 : f32
        %broadcast_in_dim3A_1581 = vector.broadcast %broadcast_in_dim3A_1580 : f32 to vector<16xf32>
        %get3A_1582 = arith.constant 0 : i32
        %get3A_1583 = arith.constant 0 : i32
        %get3A_1584 = tpu.memref_slice %arg15[%scan3A_107, %get3A_1582, %get3A_1583] : memref<2x128x64xf32, #tpu.memory_space<vmem>> -> memref<1x128x64xf32, #tpu.memory_space<vmem>>
        %get3A_1585 = tpu.memref_squeeze %get3A_1584 : memref<1x128x64xf32, #tpu.memory_space<vmem>> -> memref<128x64xf32, #tpu.memory_space<vmem>>
        %get3A_1586 = arith.index_cast %add3A_1577 : i32 to index
        %get3A_1587 = arith.constant 0 : index
        %get3A_1588 = tpu.vector_load %get3A_1585[%get3A_1586, %get3A_1587] {strides = array<i32>} : memref<128x64xf32, #tpu.memory_space<vmem>>, vector<16xf32>,
        %get3A_1589 = arith.constant 0 : i32
        %get3A_1590 = arith.constant 0 : i32
        %get3A_1591 = tpu.memref_slice %arg16[%scan3A_108, %get3A_1589, %get3A_1590] : memref<2x128x64xf32, #tpu.memory_space<vmem>> -> memref<1x128x64xf32, #tpu.memory_space<vmem>>
        %get3A_1592 = tpu.memref_squeeze %get3A_1591 : memref<1x128x64xf32, #tpu.memory_space<vmem>> -> memref<128x64xf32, #tpu.memory_space<vmem>>
        %get3A_1593 = arith.index_cast %add3A_1577 : i32 to index
        %get3A_1594 = arith.constant 0 : index
        %get3A_1595 = tpu.vector_load %get3A_1592[%get3A_1593, %get3A_1594] {strides = array<i32>} : memref<128x64xf32, #tpu.memory_space<vmem>>, vector<16xf32>,
        %get3A_1596 = arith.index_cast %squeeze3A_1579 : i32 to index
        %get3A_1597 = arith.constant 0 : index
        %get3A_1598 = tpu.vector_load %arg17[%get3A_1596, %get3A_1597] {strides = array<i32>} : memref<1000x64xf32, #tpu.memory_space<vmem>>, vector<16xf32>,
        %mul3A_1599 = arith.mulf %get3A_1588, %get3A_1598 : vector<16xf32>
        %mul3A_1600 = arith.mulf %mul3A_1599, %get3A_1595 : vector<16xf32>
        %add3A_1601 = arith.addf %broadcast_in_dim3A_1581, %mul3A_1600 : vector<16xf32>
        %get3A_1602 = arith.constant 0 : i32
        %get3A_1603 = arith.constant 0 : i32
        %get3A_1604 = tpu.memref_slice %arg15[%scan3A_107, %get3A_1602, %get3A_1603] : memref<2x128x64xf32, #tpu.memory_space<vmem>> -> memref<1x128x64xf32, #tpu.memory_space<vmem>>
        %get3A_1605 = tpu.memref_squeeze %get3A_1604 : memref<1x128x64xf32, #tpu.memory_space<vmem>> -> memref<128x64xf32, #tpu.memory_space<vmem>>
        %get3A_1606 = arith.index_cast %add3A_1577 : i32 to index
        %get3A_1607 = arith.constant 16 : index
        %get3A_1608 = tpu.vector_load %get3A_1605[%get3A_1606, %get3A_1607] {strides = array<i32>} : memref<128x64xf32, #tpu.memory_space<vmem>>, vector<16xf32>,
        %get3A_1609 = arith.constant 0 : i32
        %get3A_1610 = arith.constant 0 : i32
        %get3A_1611 = tpu.memref_slice %arg16[%scan3A_108, %get3A_1609, %get3A_1610] : memref<2x128x64xf32, #tpu.memory_space<vmem>> -> memref<1x128x64xf32, #tpu.memory_space<vmem>>
        %get3A_1612 = tpu.memref_squeeze %get3A_1611 : memref<1x128x64xf32, #tpu.memory_space<vmem>> -> memref<128x64xf32, #tpu.memory_space<vmem>>
        %get3A_1613 = arith.index_cast %add3A_1577 : i32 to index
        %get3A_1614 = arith.constant 16 : index
        %get3A_1615 = tpu.vector_load %get3A_1612[%get3A_1613, %get3A_1614] {strides = array<i32>} : memref<128x64xf32, #tpu.memory_space<vmem>>, vector<16xf32>,
        %get3A_1616 = arith.index_cast %squeeze3A_1579 : i32 to index
        %get3A_1617 = arith.constant 16 : index
        %get3A_1618 = tpu.vector_load %arg17[%get3A_1616, %get3A_1617] {strides = array<i32>} : memref<1000x64xf32, #tpu.memory_space<vmem>>, vector<16xf32>,
        %mul3A_1619 = arith.mulf %get3A_1608, %get3A_1618 : vector<16xf32>
        %mul3A_1620 = arith.mulf %mul3A_1619, %get3A_1615 : vector<16xf32>
        %add3A_1621 = arith.addf %add3A_1601, %mul3A_1620 : vector<16xf32>
        %get3A_1622 = arith.constant 0 : i32
        %get3A_1623 = arith.constant 0 : i32
        %get3A_1624 = tpu.memref_slice %arg15[%scan3A_107, %get3A_1622, %get3A_1623] : memref<2x128x64xf32, #tpu.memory_space<vmem>> -> memref<1x128x64xf32, #tpu.memory_space<vmem>>
        %get3A_1625 = tpu.memref_squeeze %get3A_1624 : memref<1x128x64xf32, #tpu.memory_space<vmem>> -> memref<128x64xf32, #tpu.memory_space<vmem>>
        %get3A_1626 = arith.index_cast %add3A_1577 : i32 to index
        %get3A_1627 = arith.constant 32 : index
        %get3A_1628 = tpu.vector_load %get3A_1625[%get3A_1626, %get3A_1627] {strides = array<i32>} : memref<128x64xf32, #tpu.memory_space<vmem>>, vector<16xf32>,
        %get3A_1629 = arith.constant 0 : i32
        %get3A_1630 = arith.constant 0 : i32
        %get3A_1631 = tpu.memref_slice %arg16[%scan3A_108, %get3A_1629, %get3A_1630] : memref<2x128x64xf32, #tpu.memory_space<vmem>> -> memref<1x128x64xf32, #tpu.memory_space<vmem>>
        %get3A_1632 = tpu.memref_squeeze %get3A_1631 : memref<1x128x64xf32, #tpu.memory_space<vmem>> -> memref<128x64xf32, #tpu.memory_space<vmem>>
        %get3A_1633 = arith.index_cast %add3A_1577 : i32 to index
        %get3A_1634 = arith.constant 32 : index
        %get3A_1635 = tpu.vector_load %get3A_1632[%get3A_1633, %get3A_1634] {strides = array<i32>} : memref<128x64xf32, #tpu.memory_space<vmem>>, vector<16xf32>,
        %get3A_1636 = arith.index_cast %squeeze3A_1579 : i32 to index
        %get3A_1637 = arith.constant 32 : index
        %get3A_1638 = tpu.vector_load %arg17[%get3A_1636, %get3A_1637] {strides = array<i32>} : memref<1000x64xf32, #tpu.memory_space<vmem>>, vector<16xf32>,
        %mul3A_1639 = arith.mulf %get3A_1628, %get3A_1638 : vector<16xf32>
        %mul3A_1640 = arith.mulf %mul3A_1639, %get3A_1635 : vector<16xf32>
        %add3A_1641 = arith.addf %add3A_1621, %mul3A_1640 : vector<16xf32>
        %get3A_1642 = arith.constant 0 : i32
        %get3A_1643 = arith.constant 0 : i32
        %get3A_1644 = tpu.memref_slice %arg15[%scan3A_107, %get3A_1642, %get3A_1643] : memref<2x128x64xf32, #tpu.memory_space<vmem>> -> memref<1x128x64xf32, #tpu.memory_space<vmem>>
        %get3A_1645 = tpu.memref_squeeze %get3A_1644 : memref<1x128x64xf32, #tpu.memory_space<vmem>> -> memref<128x64xf32, #tpu.memory_space<vmem>>
        %get3A_1646 = arith.index_cast %add3A_1577 : i32 to index
        %get3A_1647 = arith.constant 48 : index
        %get3A_1648 = tpu.vector_load %get3A_1645[%get3A_1646, %get3A_1647] {strides = array<i32>} : memref<128x64xf32, #tpu.memory_space<vmem>>, vector<16xf32>,
        %get3A_1649 = arith.constant 0 : i32
        %get3A_1650 = arith.constant 0 : i32
        %get3A_1651 = tpu.memref_slice %arg16[%scan3A_108, %get3A_1649, %get3A_1650] : memref<2x128x64xf32, #tpu.memory_space<vmem>> -> memref<1x128x64xf32, #tpu.memory_space<vmem>>
        %get3A_1652 = tpu.memref_squeeze %get3A_1651 : memref<1x128x64xf32, #tpu.memory_space<vmem>> -> memref<128x64xf32, #tpu.memory_space<vmem>>
        %get3A_1653 = arith.index_cast %add3A_1577 : i32 to index
        %get3A_1654 = arith.constant 48 : index
        %get3A_1655 = tpu.vector_load %get3A_1652[%get3A_1653, %get3A_1654] {strides = array<i32>} : memref<128x64xf32, #tpu.memory_space<vmem>>, vector<16xf32>,
        %get3A_1656 = arith.index_cast %squeeze3A_1579 : i32 to index
        %get3A_1657 = arith.constant 48 : index
        %get3A_1658 = tpu.vector_load %arg17[%get3A_1656, %get3A_1657] {strides = array<i32>} : memref<1000x64xf32, #tpu.memory_space<vmem>>, vector<16xf32>,
        %mul3A_1659 = arith.mulf %get3A_1648, %get3A_1658 : vector<16xf32>
        %mul3A_1660 = arith.mulf %mul3A_1659, %get3A_1655 : vector<16xf32>
        %add3A_1661 = arith.addf %add3A_1641, %mul3A_1660 : vector<16xf32>
        %reduce_sum3A_1662 = arith.constant true
        %reduce_sum3A_1663 = vector.broadcast %reduce_sum3A_1662 : i1 to vector<16xi1>
        %reduce_sum3A_1664 = tpu.scan <sum>, %add3A_1661 masked %reduce_sum3A_1663 : vector<16xf32>, vector<16xi1> -> vector<16xf32>
        %reduce_sum3A_1665 = vector.extract %reduce_sum3A_1664[15] : f32 from vector<16xf32>
        %eq3A_1666 = arith.constant 13 : i32
        %eq3A_1667 = vector.broadcast %eq3A_1666 : i32 to vector<16xi32>
        %eq3A_1668 = arith.cmpi eq, %iota3A, %eq3A_1667 : vector<16xi32>
        %broadcast_in_dim3A_1669 = vector.broadcast %reduce_sum3A_1665 : f32 to vector<16xf32>
        %select_n3A_1670 = arith.select %eq3A_1668, %broadcast_in_dim3A_1669, %select_n3A_1573 : vector<16xi1>, vector<16xf32>
        %mul3A_1671 = arith.constant 16 : i32
        %mul3A_1672 = arith.muli %scan3A_311, %mul3A_1671 : i32
        %add3A_1673 = arith.constant 14 : i32
        %add3A_1674 = arith.addi %mul3A_1672, %add3A_1673 : i32
        %slice3A_1675 = vector.extract_strided_slice %get3A_315 {offsets = [14], sizes = [1], strides = [1]} : vector<16xi32> to vector<1xi32>
        %squeeze3A_1676 = vector.extract %slice3A_1675[0] : i32 from vector<1xi32>
        %broadcast_in_dim3A_1677 = arith.constant 0.000000e+00 : f32
        %broadcast_in_dim3A_1678 = vector.broadcast %broadcast_in_dim3A_1677 : f32 to vector<16xf32>
        %get3A_1679 = arith.constant 0 : i32
        %get3A_1680 = arith.constant 0 : i32
        %get3A_1681 = tpu.memref_slice %arg15[%scan3A_107, %get3A_1679, %get3A_1680] : memref<2x128x64xf32, #tpu.memory_space<vmem>> -> memref<1x128x64xf32, #tpu.memory_space<vmem>>
        %get3A_1682 = tpu.memref_squeeze %get3A_1681 : memref<1x128x64xf32, #tpu.memory_space<vmem>> -> memref<128x64xf32, #tpu.memory_space<vmem>>
        %get3A_1683 = arith.index_cast %add3A_1674 : i32 to index
        %get3A_1684 = arith.constant 0 : index
        %get3A_1685 = tpu.vector_load %get3A_1682[%get3A_1683, %get3A_1684] {strides = array<i32>} : memref<128x64xf32, #tpu.memory_space<vmem>>, vector<16xf32>,
        %get3A_1686 = arith.constant 0 : i32
        %get3A_1687 = arith.constant 0 : i32
        %get3A_1688 = tpu.memref_slice %arg16[%scan3A_108, %get3A_1686, %get3A_1687] : memref<2x128x64xf32, #tpu.memory_space<vmem>> -> memref<1x128x64xf32, #tpu.memory_space<vmem>>
        %get3A_1689 = tpu.memref_squeeze %get3A_1688 : memref<1x128x64xf32, #tpu.memory_space<vmem>> -> memref<128x64xf32, #tpu.memory_space<vmem>>
        %get3A_1690 = arith.index_cast %add3A_1674 : i32 to index
        %get3A_1691 = arith.constant 0 : index
        %get3A_1692 = tpu.vector_load %get3A_1689[%get3A_1690, %get3A_1691] {strides = array<i32>} : memref<128x64xf32, #tpu.memory_space<vmem>>, vector<16xf32>,
        %get3A_1693 = arith.index_cast %squeeze3A_1676 : i32 to index
        %get3A_1694 = arith.constant 0 : index
        %get3A_1695 = tpu.vector_load %arg17[%get3A_1693, %get3A_1694] {strides = array<i32>} : memref<1000x64xf32, #tpu.memory_space<vmem>>, vector<16xf32>,
        %mul3A_1696 = arith.mulf %get3A_1685, %get3A_1695 : vector<16xf32>
        %mul3A_1697 = arith.mulf %mul3A_1696, %get3A_1692 : vector<16xf32>
        %add3A_1698 = arith.addf %broadcast_in_dim3A_1678, %mul3A_1697 : vector<16xf32>
        %get3A_1699 = arith.constant 0 : i32
        %get3A_1700 = arith.constant 0 : i32
        %get3A_1701 = tpu.memref_slice %arg15[%scan3A_107, %get3A_1699, %get3A_1700] : memref<2x128x64xf32, #tpu.memory_space<vmem>> -> memref<1x128x64xf32, #tpu.memory_space<vmem>>
        %get3A_1702 = tpu.memref_squeeze %get3A_1701 : memref<1x128x64xf32, #tpu.memory_space<vmem>> -> memref<128x64xf32, #tpu.memory_space<vmem>>
        %get3A_1703 = arith.index_cast %add3A_1674 : i32 to index
        %get3A_1704 = arith.constant 16 : index
        %get3A_1705 = tpu.vector_load %get3A_1702[%get3A_1703, %get3A_1704] {strides = array<i32>} : memref<128x64xf32, #tpu.memory_space<vmem>>, vector<16xf32>,
        %get3A_1706 = arith.constant 0 : i32
        %get3A_1707 = arith.constant 0 : i32
        %get3A_1708 = tpu.memref_slice %arg16[%scan3A_108, %get3A_1706, %get3A_1707] : memref<2x128x64xf32, #tpu.memory_space<vmem>> -> memref<1x128x64xf32, #tpu.memory_space<vmem>>
        %get3A_1709 = tpu.memref_squeeze %get3A_1708 : memref<1x128x64xf32, #tpu.memory_space<vmem>> -> memref<128x64xf32, #tpu.memory_space<vmem>>
        %get3A_1710 = arith.index_cast %add3A_1674 : i32 to index
        %get3A_1711 = arith.constant 16 : index
        %get3A_1712 = tpu.vector_load %get3A_1709[%get3A_1710, %get3A_1711] {strides = array<i32>} : memref<128x64xf32, #tpu.memory_space<vmem>>, vector<16xf32>,
        %get3A_1713 = arith.index_cast %squeeze3A_1676 : i32 to index
        %get3A_1714 = arith.constant 16 : index
        %get3A_1715 = tpu.vector_load %arg17[%get3A_1713, %get3A_1714] {strides = array<i32>} : memref<1000x64xf32, #tpu.memory_space<vmem>>, vector<16xf32>,
        %mul3A_1716 = arith.mulf %get3A_1705, %get3A_1715 : vector<16xf32>
        %mul3A_1717 = arith.mulf %mul3A_1716, %get3A_1712 : vector<16xf32>
        %add3A_1718 = arith.addf %add3A_1698, %mul3A_1717 : vector<16xf32>
        %get3A_1719 = arith.constant 0 : i32
        %get3A_1720 = arith.constant 0 : i32
        %get3A_1721 = tpu.memref_slice %arg15[%scan3A_107, %get3A_1719, %get3A_1720] : memref<2x128x64xf32, #tpu.memory_space<vmem>> -> memref<1x128x64xf32, #tpu.memory_space<vmem>>
        %get3A_1722 = tpu.memref_squeeze %get3A_1721 : memref<1x128x64xf32, #tpu.memory_space<vmem>> -> memref<128x64xf32, #tpu.memory_space<vmem>>
        %get3A_1723 = arith.index_cast %add3A_1674 : i32 to index
        %get3A_1724 = arith.constant 32 : index
        %get3A_1725 = tpu.vector_load %get3A_1722[%get3A_1723, %get3A_1724] {strides = array<i32>} : memref<128x64xf32, #tpu.memory_space<vmem>>, vector<16xf32>,
        %get3A_1726 = arith.constant 0 : i32
        %get3A_1727 = arith.constant 0 : i32
        %get3A_1728 = tpu.memref_slice %arg16[%scan3A_108, %get3A_1726, %get3A_1727] : memref<2x128x64xf32, #tpu.memory_space<vmem>> -> memref<1x128x64xf32, #tpu.memory_space<vmem>>
        %get3A_1729 = tpu.memref_squeeze %get3A_1728 : memref<1x128x64xf32, #tpu.memory_space<vmem>> -> memref<128x64xf32, #tpu.memory_space<vmem>>
        %get3A_1730 = arith.index_cast %add3A_1674 : i32 to index
        %get3A_1731 = arith.constant 32 : index
        %get3A_1732 = tpu.vector_load %get3A_1729[%get3A_1730, %get3A_1731] {strides = array<i32>} : memref<128x64xf32, #tpu.memory_space<vmem>>, vector<16xf32>,
        %get3A_1733 = arith.index_cast %squeeze3A_1676 : i32 to index
        %get3A_1734 = arith.constant 32 : index
        %get3A_1735 = tpu.vector_load %arg17[%get3A_1733, %get3A_1734] {strides = array<i32>} : memref<1000x64xf32, #tpu.memory_space<vmem>>, vector<16xf32>,
        %mul3A_1736 = arith.mulf %get3A_1725, %get3A_1735 : vector<16xf32>
        %mul3A_1737 = arith.mulf %mul3A_1736, %get3A_1732 : vector<16xf32>
        %add3A_1738 = arith.addf %add3A_1718, %mul3A_1737 : vector<16xf32>
        %get3A_1739 = arith.constant 0 : i32
        %get3A_1740 = arith.constant 0 : i32
        %get3A_1741 = tpu.memref_slice %arg15[%scan3A_107, %get3A_1739, %get3A_1740] : memref<2x128x64xf32, #tpu.memory_space<vmem>> -> memref<1x128x64xf32, #tpu.memory_space<vmem>>
        %get3A_1742 = tpu.memref_squeeze %get3A_1741 : memref<1x128x64xf32, #tpu.memory_space<vmem>> -> memref<128x64xf32, #tpu.memory_space<vmem>>
        %get3A_1743 = arith.index_cast %add3A_1674 : i32 to index
        %get3A_1744 = arith.constant 48 : index
        %get3A_1745 = tpu.vector_load %get3A_1742[%get3A_1743, %get3A_1744] {strides = array<i32>} : memref<128x64xf32, #tpu.memory_space<vmem>>, vector<16xf32>,
        %get3A_1746 = arith.constant 0 : i32
        %get3A_1747 = arith.constant 0 : i32
        %get3A_1748 = tpu.memref_slice %arg16[%scan3A_108, %get3A_1746, %get3A_1747] : memref<2x128x64xf32, #tpu.memory_space<vmem>> -> memref<1x128x64xf32, #tpu.memory_space<vmem>>
        %get3A_1749 = tpu.memref_squeeze %get3A_1748 : memref<1x128x64xf32, #tpu.memory_space<vmem>> -> memref<128x64xf32, #tpu.memory_space<vmem>>
        %get3A_1750 = arith.index_cast %add3A_1674 : i32 to index
        %get3A_1751 = arith.constant 48 : index
        %get3A_1752 = tpu.vector_load %get3A_1749[%get3A_1750, %get3A_1751] {strides = array<i32>} : memref<128x64xf32, #tpu.memory_space<vmem>>, vector<16xf32>,
        %get3A_1753 = arith.index_cast %squeeze3A_1676 : i32 to index
        %get3A_1754 = arith.constant 48 : index
        %get3A_1755 = tpu.vector_load %arg17[%get3A_1753, %get3A_1754] {strides = array<i32>} : memref<1000x64xf32, #tpu.memory_space<vmem>>, vector<16xf32>,
        %mul3A_1756 = arith.mulf %get3A_1745, %get3A_1755 : vector<16xf32>
        %mul3A_1757 = arith.mulf %mul3A_1756, %get3A_1752 : vector<16xf32>
        %add3A_1758 = arith.addf %add3A_1738, %mul3A_1757 : vector<16xf32>
        %reduce_sum3A_1759 = arith.constant true
        %reduce_sum3A_1760 = vector.broadcast %reduce_sum3A_1759 : i1 to vector<16xi1>
        %reduce_sum3A_1761 = tpu.scan <sum>, %add3A_1758 masked %reduce_sum3A_1760 : vector<16xf32>, vector<16xi1> -> vector<16xf32>
        %reduce_sum3A_1762 = vector.extract %reduce_sum3A_1761[15] : f32 from vector<16xf32>
        %eq3A_1763 = arith.constant 14 : i32
        %eq3A_1764 = vector.broadcast %eq3A_1763 : i32 to vector<16xi32>
        %eq3A_1765 = arith.cmpi eq, %iota3A, %eq3A_1764 : vector<16xi32>
        %broadcast_in_dim3A_1766 = vector.broadcast %reduce_sum3A_1762 : f32 to vector<16xf32>
        %select_n3A_1767 = arith.select %eq3A_1765, %broadcast_in_dim3A_1766, %select_n3A_1670 : vector<16xi1>, vector<16xf32>
        %mul3A_1768 = arith.constant 16 : i32
        %mul3A_1769 = arith.muli %scan3A_311, %mul3A_1768 : i32
        %add3A_1770 = arith.constant 15 : i32
        %add3A_1771 = arith.addi %mul3A_1769, %add3A_1770 : i32
        %slice3A_1772 = vector.extract_strided_slice %get3A_315 {offsets = [15], sizes = [1], strides = [1]} : vector<16xi32> to vector<1xi32>
        %squeeze3A_1773 = vector.extract %slice3A_1772[0] : i32 from vector<1xi32>
        %broadcast_in_dim3A_1774 = arith.constant 0.000000e+00 : f32
        %broadcast_in_dim3A_1775 = vector.broadcast %broadcast_in_dim3A_1774 : f32 to vector<16xf32>
        %get3A_1776 = arith.constant 0 : i32
        %get3A_1777 = arith.constant 0 : i32
        %get3A_1778 = tpu.memref_slice %arg15[%scan3A_107, %get3A_1776, %get3A_1777] : memref<2x128x64xf32, #tpu.memory_space<vmem>> -> memref<1x128x64xf32, #tpu.memory_space<vmem>>
        %get3A_1779 = tpu.memref_squeeze %get3A_1778 : memref<1x128x64xf32, #tpu.memory_space<vmem>> -> memref<128x64xf32, #tpu.memory_space<vmem>>
        %get3A_1780 = arith.index_cast %add3A_1771 : i32 to index
        %get3A_1781 = arith.constant 0 : index
        %get3A_1782 = tpu.vector_load %get3A_1779[%get3A_1780, %get3A_1781] {strides = array<i32>} : memref<128x64xf32, #tpu.memory_space<vmem>>, vector<16xf32>,
        %get3A_1783 = arith.constant 0 : i32
        %get3A_1784 = arith.constant 0 : i32
        %get3A_1785 = tpu.memref_slice %arg16[%scan3A_108, %get3A_1783, %get3A_1784] : memref<2x128x64xf32, #tpu.memory_space<vmem>> -> memref<1x128x64xf32, #tpu.memory_space<vmem>>
        %get3A_1786 = tpu.memref_squeeze %get3A_1785 : memref<1x128x64xf32, #tpu.memory_space<vmem>> -> memref<128x64xf32, #tpu.memory_space<vmem>>
        %get3A_1787 = arith.index_cast %add3A_1771 : i32 to index
        %get3A_1788 = arith.constant 0 : index
        %get3A_1789 = tpu.vector_load %get3A_1786[%get3A_1787, %get3A_1788] {strides = array<i32>} : memref<128x64xf32, #tpu.memory_space<vmem>>, vector<16xf32>,
        %get3A_1790 = arith.index_cast %squeeze3A_1773 : i32 to index
        %get3A_1791 = arith.constant 0 : index
        %get3A_1792 = tpu.vector_load %arg17[%get3A_1790, %get3A_1791] {strides = array<i32>} : memref<1000x64xf32, #tpu.memory_space<vmem>>, vector<16xf32>,
        %mul3A_1793 = arith.mulf %get3A_1782, %get3A_1792 : vector<16xf32>
        %mul3A_1794 = arith.mulf %mul3A_1793, %get3A_1789 : vector<16xf32>
        %add3A_1795 = arith.addf %broadcast_in_dim3A_1775, %mul3A_1794 : vector<16xf32>
        %get3A_1796 = arith.constant 0 : i32
        %get3A_1797 = arith.constant 0 : i32
        %get3A_1798 = tpu.memref_slice %arg15[%scan3A_107, %get3A_1796, %get3A_1797] : memref<2x128x64xf32, #tpu.memory_space<vmem>> -> memref<1x128x64xf32, #tpu.memory_space<vmem>>
        %get3A_1799 = tpu.memref_squeeze %get3A_1798 : memref<1x128x64xf32, #tpu.memory_space<vmem>> -> memref<128x64xf32, #tpu.memory_space<vmem>>
        %get3A_1800 = arith.index_cast %add3A_1771 : i32 to index
        %get3A_1801 = arith.constant 16 : index
        %get3A_1802 = tpu.vector_load %get3A_1799[%get3A_1800, %get3A_1801] {strides = array<i32>} : memref<128x64xf32, #tpu.memory_space<vmem>>, vector<16xf32>,
        %get3A_1803 = arith.constant 0 : i32
        %get3A_1804 = arith.constant 0 : i32
        %get3A_1805 = tpu.memref_slice %arg16[%scan3A_108, %get3A_1803, %get3A_1804] : memref<2x128x64xf32, #tpu.memory_space<vmem>> -> memref<1x128x64xf32, #tpu.memory_space<vmem>>
        %get3A_1806 = tpu.memref_squeeze %get3A_1805 : memref<1x128x64xf32, #tpu.memory_space<vmem>> -> memref<128x64xf32, #tpu.memory_space<vmem>>
        %get3A_1807 = arith.index_cast %add3A_1771 : i32 to index
        %get3A_1808 = arith.constant 16 : index
        %get3A_1809 = tpu.vector_load %get3A_1806[%get3A_1807, %get3A_1808] {strides = array<i32>} : memref<128x64xf32, #tpu.memory_space<vmem>>, vector<16xf32>,
        %get3A_1810 = arith.index_cast %squeeze3A_1773 : i32 to index
        %get3A_1811 = arith.constant 16 : index
        %get3A_1812 = tpu.vector_load %arg17[%get3A_1810, %get3A_1811] {strides = array<i32>} : memref<1000x64xf32, #tpu.memory_space<vmem>>, vector<16xf32>,
        %mul3A_1813 = arith.mulf %get3A_1802, %get3A_1812 : vector<16xf32>
        %mul3A_1814 = arith.mulf %mul3A_1813, %get3A_1809 : vector<16xf32>
        %add3A_1815 = arith.addf %add3A_1795, %mul3A_1814 : vector<16xf32>
        %get3A_1816 = arith.constant 0 : i32
        %get3A_1817 = arith.constant 0 : i32
        %get3A_1818 = tpu.memref_slice %arg15[%scan3A_107, %get3A_1816, %get3A_1817] : memref<2x128x64xf32, #tpu.memory_space<vmem>> -> memref<1x128x64xf32, #tpu.memory_space<vmem>>
        %get3A_1819 = tpu.memref_squeeze %get3A_1818 : memref<1x128x64xf32, #tpu.memory_space<vmem>> -> memref<128x64xf32, #tpu.memory_space<vmem>>
        %get3A_1820 = arith.index_cast %add3A_1771 : i32 to index
        %get3A_1821 = arith.constant 32 : index
        %get3A_1822 = tpu.vector_load %get3A_1819[%get3A_1820, %get3A_1821] {strides = array<i32>} : memref<128x64xf32, #tpu.memory_space<vmem>>, vector<16xf32>,
        %get3A_1823 = arith.constant 0 : i32
        %get3A_1824 = arith.constant 0 : i32
        %get3A_1825 = tpu.memref_slice %arg16[%scan3A_108, %get3A_1823, %get3A_1824] : memref<2x128x64xf32, #tpu.memory_space<vmem>> -> memref<1x128x64xf32, #tpu.memory_space<vmem>>
        %get3A_1826 = tpu.memref_squeeze %get3A_1825 : memref<1x128x64xf32, #tpu.memory_space<vmem>> -> memref<128x64xf32, #tpu.memory_space<vmem>>
        %get3A_1827 = arith.index_cast %add3A_1771 : i32 to index
        %get3A_1828 = arith.constant 32 : index
        %get3A_1829 = tpu.vector_load %get3A_1826[%get3A_1827, %get3A_1828] {strides = array<i32>} : memref<128x64xf32, #tpu.memory_space<vmem>>, vector<16xf32>,
        %get3A_1830 = arith.index_cast %squeeze3A_1773 : i32 to index
        %get3A_1831 = arith.constant 32 : index
        %get3A_1832 = tpu.vector_load %arg17[%get3A_1830, %get3A_1831] {strides = array<i32>} : memref<1000x64xf32, #tpu.memory_space<vmem>>, vector<16xf32>,
        %mul3A_1833 = arith.mulf %get3A_1822, %get3A_1832 : vector<16xf32>
        %mul3A_1834 = arith.mulf %mul3A_1833, %get3A_1829 : vector<16xf32>
        %add3A_1835 = arith.addf %add3A_1815, %mul3A_1834 : vector<16xf32>
        %get3A_1836 = arith.constant 0 : i32
        %get3A_1837 = arith.constant 0 : i32
        %get3A_1838 = tpu.memref_slice %arg15[%scan3A_107, %get3A_1836, %get3A_1837] : memref<2x128x64xf32, #tpu.memory_space<vmem>> -> memref<1x128x64xf32, #tpu.memory_space<vmem>>
        %get3A_1839 = tpu.memref_squeeze %get3A_1838 : memref<1x128x64xf32, #tpu.memory_space<vmem>> -> memref<128x64xf32, #tpu.memory_space<vmem>>
        %get3A_1840 = arith.index_cast %add3A_1771 : i32 to index
        %get3A_1841 = arith.constant 48 : index
        %get3A_1842 = tpu.vector_load %get3A_1839[%get3A_1840, %get3A_1841] {strides = array<i32>} : memref<128x64xf32, #tpu.memory_space<vmem>>, vector<16xf32>,
        %get3A_1843 = arith.constant 0 : i32
        %get3A_1844 = arith.constant 0 : i32
        %get3A_1845 = tpu.memref_slice %arg16[%scan3A_108, %get3A_1843, %get3A_1844] : memref<2x128x64xf32, #tpu.memory_space<vmem>> -> memref<1x128x64xf32, #tpu.memory_space<vmem>>
        %get3A_1846 = tpu.memref_squeeze %get3A_1845 : memref<1x128x64xf32, #tpu.memory_space<vmem>> -> memref<128x64xf32, #tpu.memory_space<vmem>>
        %get3A_1847 = arith.index_cast %add3A_1771 : i32 to index
        %get3A_1848 = arith.constant 48 : index
        %get3A_1849 = tpu.vector_load %get3A_1846[%get3A_1847, %get3A_1848] {strides = array<i32>} : memref<128x64xf32, #tpu.memory_space<vmem>>, vector<16xf32>,
        %get3A_1850 = arith.index_cast %squeeze3A_1773 : i32 to index
        %get3A_1851 = arith.constant 48 : index
        %get3A_1852 = tpu.vector_load %arg17[%get3A_1850, %get3A_1851] {strides = array<i32>} : memref<1000x64xf32, #tpu.memory_space<vmem>>, vector<16xf32>,
        %mul3A_1853 = arith.mulf %get3A_1842, %get3A_1852 : vector<16xf32>
        %mul3A_1854 = arith.mulf %mul3A_1853, %get3A_1849 : vector<16xf32>
        %add3A_1855 = arith.addf %add3A_1835, %mul3A_1854 : vector<16xf32>
        %reduce_sum3A_1856 = arith.constant true
        %reduce_sum3A_1857 = vector.broadcast %reduce_sum3A_1856 : i1 to vector<16xi1>
        %reduce_sum3A_1858 = tpu.scan <sum>, %add3A_1855 masked %reduce_sum3A_1857 : vector<16xf32>, vector<16xi1> -> vector<16xf32>
        %reduce_sum3A_1859 = vector.extract %reduce_sum3A_1858[15] : f32 from vector<16xf32>
        %eq3A_1860 = arith.constant 15 : i32
        %eq3A_1861 = vector.broadcast %eq3A_1860 : i32 to vector<16xi32>
        %eq3A_1862 = arith.cmpi eq, %iota3A, %eq3A_1861 : vector<16xi32>
        %broadcast_in_dim3A_1863 = vector.broadcast %reduce_sum3A_1859 : f32 to vector<16xf32>
        %select_n3A_1864 = arith.select %eq3A_1862, %broadcast_in_dim3A_1863, %select_n3A_1767 : vector<16xi1>, vector<16xf32>
        %bitcast_convert_type3A = tpu.bitcast %select_n3A_1864 : vector<16xf32> -> vector<16xi32>
        %ge3A = arith.constant 0.000000e+00 : f32
        %ge3A_1865 = vector.broadcast %ge3A : f32 to vector<16xf32>
        %ge3A_1866 = arith.cmpf oge, %select_n3A_1864, %ge3A_1865 : vector<16xf32>
        %or3A = arith.constant -2147483648 : i32
        %or3A_1867 = vector.broadcast %or3A : i32 to vector<16xi32>
        %or3A_1868 = arith.ori %bitcast_convert_type3A, %or3A_1867 : vector<16xi32>
        %not3A = arith.constant dense<-1> : vector<16xi32>
        %not3A_1869 = arith.xori %bitcast_convert_type3A, %not3A : vector<16xi32>
        %select_n3A_1870 = arith.select %ge3A_1866, %or3A_1868, %not3A_1869 : vector<16xi1>, vector<16xi32>
        %mul3A_1871 = arith.constant 16 : i32
        %mul3A_1872 = arith.muli %scan3A_311, %mul3A_1871 : i32
        %add3A_1873 = arith.addi %mul3A_304, %mul3A_1872 : i32
        %get3A_1874 = arith.index_cast %add3A_1873 : i32 to index
        %get3A_1875 = tpu.vector_load %arg18[%get3A_1874] {strides = array<i32>} : memref<8192xi32, #tpu.memory_space<vmem>>, vector<16xi32>,
        %ne3A = arith.constant 0 : i32
        %ne3A_1876 = vector.broadcast %ne3A : i32 to vector<16xi32>
        %ne3A_1877 = arith.cmpi ne, %get3A_1875, %ne3A_1876 : vector<16xi32>
        %broadcast_in_dim3A_1878 = arith.constant 0 : i32
        %broadcast_in_dim3A_1879 = vector.broadcast %broadcast_in_dim3A_1878 : i32 to vector<16xi32>
        %select_n3A_1880 = arith.select %ne3A_1877, %select_n3A_1870, %broadcast_in_dim3A_1879 : vector<16xi1>, vector<16xi32>
        %mul3A_1881 = arith.constant 16 : i32
        %mul3A_1882 = arith.muli %scan3A_311, %mul3A_1881 : i32
        %add3A_1883 = arith.addi %mul3A_304, %mul3A_1882 : i32
        %swap3A_1884 = arith.index_cast %add3A_1883 : i32 to index
        %swap3A_1885 = tpu.vector_load %arg19[%swap3A_1884] {strides = array<i32>} : memref<8192xi32, #tpu.memory_space<vmem>>, vector<16xi32>,
        tpu.vector_store %arg19[%swap3A_1884], %select_n3A_1880 {strides = array<i32>} : memref<8192xi32, #tpu.memory_space<vmem>>, vector<16xi32>,
      }
      %scan3A_310 = arith.constant 8 : i32
    }
    %scan3A_114 = arith.constant 32 : i32
    %scan3A_115 = arith.constant 0 : i32
    %scan3A_116 = arith.constant 0 : i32
    %scan3A_117 = arith.constant 4 : i32
    %scan3A_118 = arith.addi %scan3A_116, %scan3A_117 : i32
    %scan3A_119 = arith.constant 1 : i32
    scf.for %scan3A_121 = %scan3A_116 to %scan3A_118 step %scan3A_119  : i32 {
      %mul3A_122 = arith.constant 2048 : i32
      %mul3A_123 = arith.muli %scan3A_121, %mul3A_122 : i32
      %scan3A_124 = arith.constant 0 : i32
      %scan3A_125 = arith.constant 0 : i32
      %scan3A_126 = arith.constant 32 : i32
      %scan3A_127 = arith.addi %scan3A_125, %scan3A_126 : i32
      %scan3A_128 = arith.constant 1 : i32
      %scan3A_129 = scf.for %scan3A_154 = %scan3A_125 to %scan3A_127 step %scan3A_128 iter_args(%scan3A_155 = %scan3A_124) -> (i32)  : i32 {
        %sub3A_156 = arith.constant 31 : i32
        %sub3A_157 = arith.subi %sub3A_156, %scan3A_154 : i32
        %shift_left3A = arith.constant 1 : i32
        %shift_left3A_158 = arith.shli %shift_left3A, %sub3A_157 : i32
        %or3A = arith.ori %scan3A_155, %shift_left3A_158 : i32
        %broadcast_in_dim3A_159 = vector.broadcast %or3A : i32 to vector<16xi32>
        %broadcast_in_dim3A_160 = arith.constant 0 : i32
        %broadcast_in_dim3A_161 = vector.broadcast %broadcast_in_dim3A_160 : i32 to vector<16xi32>
        %scan3A_162 = arith.constant 0 : i32
        %scan3A_163 = arith.constant 16 : i32
        %scan3A_164 = arith.addi %scan3A_162, %scan3A_163 : i32
        %scan3A_165 = arith.constant 1 : i32
        %scan3A_166:2 = scf.for %scan3A_174 = %scan3A_162 to %scan3A_164 step %scan3A_165 iter_args(%scan3A_175 = %broadcast_in_dim3A_161, %scan3A_176 = %broadcast_in_dim3A_161) -> (vector<16xi32>, vector<16xi32>)  : i32 {
          %mul3A_177 = arith.constant 8 : i32
          %mul3A_178 = arith.muli %scan3A_174, %mul3A_177 : i32
          %add3A_179 = arith.constant 0 : i32
          %add3A_180 = arith.addi %mul3A_178, %add3A_179 : i32
          %mul3A_181 = arith.constant 16 : i32
          %mul3A_182 = arith.muli %add3A_180, %mul3A_181 : i32
          %add3A_183 = arith.addi %mul3A_123, %mul3A_182 : i32
          %get3A = arith.index_cast %add3A_183 : i32 to index
          %get3A_184 = tpu.vector_load %arg19[%get3A] {strides = array<i32>} : memref<8192xi32, #tpu.memory_space<vmem>>, vector<16xi32>,
          %ge3A_185 = arith.cmpi uge, %get3A_184, %broadcast_in_dim3A_159 : vector<16xi32>
          %select_n3A_186 = arith.select %ge3A_185, %broadcast_in_dim3A_3, %broadcast_in_dim3A_5 : vector<16xi1>, vector<16xi32>
          %add3A_187 = arith.addi %scan3A_175, %select_n3A_186 : vector<16xi32>
          %mul3A_188 = arith.constant 8 : i32
          %mul3A_189 = arith.muli %scan3A_174, %mul3A_188 : i32
          %add3A_190 = arith.constant 1 : i32
          %add3A_191 = arith.addi %mul3A_189, %add3A_190 : i32
          %mul3A_192 = arith.constant 16 : i32
          %mul3A_193 = arith.muli %add3A_191, %mul3A_192 : i32
          %add3A_194 = arith.addi %mul3A_123, %mul3A_193 : i32
          %get3A_195 = arith.index_cast %add3A_194 : i32 to index
          %get3A_196 = tpu.vector_load %arg19[%get3A_195] {strides = array<i32>} : memref<8192xi32, #tpu.memory_space<vmem>>, vector<16xi32>,
          %ge3A_197 = arith.cmpi uge, %get3A_196, %broadcast_in_dim3A_159 : vector<16xi32>
          %select_n3A_198 = arith.select %ge3A_197, %broadcast_in_dim3A_3, %broadcast_in_dim3A_5 : vector<16xi1>, vector<16xi32>
          %add3A_199 = arith.addi %scan3A_176, %select_n3A_198 : vector<16xi32>
          %mul3A_200 = arith.constant 8 : i32
          %mul3A_201 = arith.muli %scan3A_174, %mul3A_200 : i32
          %add3A_202 = arith.constant 2 : i32
          %add3A_203 = arith.addi %mul3A_201, %add3A_202 : i32
          %mul3A_204 = arith.constant 16 : i32
          %mul3A_205 = arith.muli %add3A_203, %mul3A_204 : i32
          %add3A_206 = arith.addi %mul3A_123, %mul3A_205 : i32
          %get3A_207 = arith.index_cast %add3A_206 : i32 to index
          %get3A_208 = tpu.vector_load %arg19[%get3A_207] {strides = array<i32>} : memref<8192xi32, #tpu.memory_space<vmem>>, vector<16xi32>,
          %ge3A_209 = arith.cmpi uge, %get3A_208, %broadcast_in_dim3A_159 : vector<16xi32>
          %select_n3A_210 = arith.select %ge3A_209, %broadcast_in_dim3A_3, %broadcast_in_dim3A_5 : vector<16xi1>, vector<16xi32>
          %add3A_211 = arith.addi %add3A_187, %select_n3A_210 : vector<16xi32>
          %mul3A_212 = arith.constant 8 : i32
          %mul3A_213 = arith.muli %scan3A_174, %mul3A_212 : i32
          %add3A_214 = arith.constant 3 : i32
          %add3A_215 = arith.addi %mul3A_213, %add3A_214 : i32
          %mul3A_216 = arith.constant 16 : i32
          %mul3A_217 = arith.muli %add3A_215, %mul3A_216 : i32
          %add3A_218 = arith.addi %mul3A_123, %mul3A_217 : i32
          %get3A_219 = arith.index_cast %add3A_218 : i32 to index
          %get3A_220 = tpu.vector_load %arg19[%get3A_219] {strides = array<i32>} : memref<8192xi32, #tpu.memory_space<vmem>>, vector<16xi32>,
          %ge3A_221 = arith.cmpi uge, %get3A_220, %broadcast_in_dim3A_159 : vector<16xi32>
          %select_n3A_222 = arith.select %ge3A_221, %broadcast_in_dim3A_3, %broadcast_in_dim3A_5 : vector<16xi1>, vector<16xi32>
          %add3A_223 = arith.addi %add3A_199, %select_n3A_222 : vector<16xi32>
          %mul3A_224 = arith.constant 8 : i32
          %mul3A_225 = arith.muli %scan3A_174, %mul3A_224 : i32
          %add3A_226 = arith.constant 4 : i32
          %add3A_227 = arith.addi %mul3A_225, %add3A_226 : i32
          %mul3A_228 = arith.constant 16 : i32
          %mul3A_229 = arith.muli %add3A_227, %mul3A_228 : i32
          %add3A_230 = arith.addi %mul3A_123, %mul3A_229 : i32
          %get3A_231 = arith.index_cast %add3A_230 : i32 to index
          %get3A_232 = tpu.vector_load %arg19[%get3A_231] {strides = array<i32>} : memref<8192xi32, #tpu.memory_space<vmem>>, vector<16xi32>,
          %ge3A_233 = arith.cmpi uge, %get3A_232, %broadcast_in_dim3A_159 : vector<16xi32>
          %select_n3A_234 = arith.select %ge3A_233, %broadcast_in_dim3A_3, %broadcast_in_dim3A_5 : vector<16xi1>, vector<16xi32>
          %add3A_235 = arith.addi %add3A_211, %select_n3A_234 : vector<16xi32>
          %mul3A_236 = arith.constant 8 : i32
          %mul3A_237 = arith.muli %scan3A_174, %mul3A_236 : i32
          %add3A_238 = arith.constant 5 : i32
          %add3A_239 = arith.addi %mul3A_237, %add3A_238 : i32
          %mul3A_240 = arith.constant 16 : i32
          %mul3A_241 = arith.muli %add3A_239, %mul3A_240 : i32
          %add3A_242 = arith.addi %mul3A_123, %mul3A_241 : i32
          %get3A_243 = arith.index_cast %add3A_242 : i32 to index
          %get3A_244 = tpu.vector_load %arg19[%get3A_243] {strides = array<i32>} : memref<8192xi32, #tpu.memory_space<vmem>>, vector<16xi32>,
          %ge3A_245 = arith.cmpi uge, %get3A_244, %broadcast_in_dim3A_159 : vector<16xi32>
          %select_n3A_246 = arith.select %ge3A_245, %broadcast_in_dim3A_3, %broadcast_in_dim3A_5 : vector<16xi1>, vector<16xi32>
          %add3A_247 = arith.addi %add3A_223, %select_n3A_246 : vector<16xi32>
          %mul3A_248 = arith.constant 8 : i32
          %mul3A_249 = arith.muli %scan3A_174, %mul3A_248 : i32
          %add3A_250 = arith.constant 6 : i32
          %add3A_251 = arith.addi %mul3A_249, %add3A_250 : i32
          %mul3A_252 = arith.constant 16 : i32
          %mul3A_253 = arith.muli %add3A_251, %mul3A_252 : i32
          %add3A_254 = arith.addi %mul3A_123, %mul3A_253 : i32
          %get3A_255 = arith.index_cast %add3A_254 : i32 to index
          %get3A_256 = tpu.vector_load %arg19[%get3A_255] {strides = array<i32>} : memref<8192xi32, #tpu.memory_space<vmem>>, vector<16xi32>,
          %ge3A_257 = arith.cmpi uge, %get3A_256, %broadcast_in_dim3A_159 : vector<16xi32>
          %select_n3A_258 = arith.select %ge3A_257, %broadcast_in_dim3A_3, %broadcast_in_dim3A_5 : vector<16xi1>, vector<16xi32>
          %add3A_259 = arith.addi %add3A_235, %select_n3A_258 : vector<16xi32>
          %mul3A_260 = arith.constant 8 : i32
          %mul3A_261 = arith.muli %scan3A_174, %mul3A_260 : i32
          %add3A_262 = arith.constant 7 : i32
          %add3A_263 = arith.addi %mul3A_261, %add3A_262 : i32
          %mul3A_264 = arith.constant 16 : i32
          %mul3A_265 = arith.muli %add3A_263, %mul3A_264 : i32
          %add3A_266 = arith.addi %mul3A_123, %mul3A_265 : i32
          %get3A_267 = arith.index_cast %add3A_266 : i32 to index
          %get3A_268 = tpu.vector_load %arg19[%get3A_267] {strides = array<i32>} : memref<8192xi32, #tpu.memory_space<vmem>>, vector<16xi32>,
          %ge3A_269 = arith.cmpi uge, %get3A_268, %broadcast_in_dim3A_159 : vector<16xi32>
          %select_n3A_270 = arith.select %ge3A_269, %broadcast_in_dim3A_3, %broadcast_in_dim3A_5 : vector<16xi1>, vector<16xi32>
          %add3A_271 = arith.addi %add3A_247, %select_n3A_270 : vector<16xi32>
          scf.yield %add3A_259, %add3A_271 : vector<16xi32>, vector<16xi32>
        }
        %scan3A_167 = arith.constant 16 : i32
        %add3A_168 = arith.addi %scan3A_166#0, %scan3A_166#1 : vector<16xi32>
        %reduce_sum3A_169 = arith.constant true
        %reduce_sum3A_170 = vector.broadcast %reduce_sum3A_169 : i1 to vector<16xi1>
        %reduce_sum3A_171 = tpu.scan <sum>, %add3A_168 masked %reduce_sum3A_170 : vector<16xi32>, vector<16xi1> -> vector<16xi32>
        %reduce_sum3A_172 = vector.extract %reduce_sum3A_171[15] : i32 from vector<16xi32>
        %ge3A = arith.constant 64 : i32
        %ge3A_173 = arith.cmpi sge, %reduce_sum3A_172, %ge3A : i32
        %select_n3A = arith.select %ge3A_173, %or3A, %scan3A_155 : i32
        scf.yield %select_n3A : i32
      }
      %scan3A_130 = arith.constant 32 : i32
      %broadcast_in_dim3A_131 = vector.broadcast %scan3A_129 : i32 to vector<16xi32>
      %broadcast_in_dim3A_132 = vector.broadcast %scan3A_129 : i32 to vector<16xi32>
      %broadcast_in_dim3A_133 = arith.constant 0 : i32
      %broadcast_in_dim3A_134 = vector.broadcast %broadcast_in_dim3A_133 : i32 to vector<16xi32>
      %scan3A_135 = arith.constant 0 : i32
      %scan3A_136 = arith.constant 16 : i32
      %scan3A_137 = arith.addi %scan3A_135, %scan3A_136 : i32
      %scan3A_138 = arith.constant 1 : i32
      %scan3A_139:2 = scf.for %scan3A_154 = %scan3A_135 to %scan3A_137 step %scan3A_138 iter_args(%scan3A_155 = %broadcast_in_dim3A_134, %scan3A_156 = %broadcast_in_dim3A_134) -> (vector<16xi32>, vector<16xi32>)  : i32 {
        %mul3A_157 = arith.constant 8 : i32
        %mul3A_158 = arith.muli %scan3A_154, %mul3A_157 : i32
        %add3A_159 = arith.constant 0 : i32
        %add3A_160 = arith.addi %mul3A_158, %add3A_159 : i32
        %mul3A_161 = arith.constant 16 : i32
        %mul3A_162 = arith.muli %add3A_160, %mul3A_161 : i32
        %add3A_163 = arith.addi %mul3A_123, %mul3A_162 : i32
        %get3A = arith.index_cast %add3A_163 : i32 to index
        %get3A_164 = tpu.vector_load %arg19[%get3A] {strides = array<i32>} : memref<8192xi32, #tpu.memory_space<vmem>>, vector<16xi32>,
        %gt3A = arith.cmpi ugt, %get3A_164, %broadcast_in_dim3A_132 : vector<16xi32>
        %select_n3A = arith.select %gt3A, %broadcast_in_dim3A_3, %broadcast_in_dim3A_5 : vector<16xi1>, vector<16xi32>
        %add3A_165 = arith.addi %scan3A_155, %select_n3A : vector<16xi32>
        %mul3A_166 = arith.constant 8 : i32
        %mul3A_167 = arith.muli %scan3A_154, %mul3A_166 : i32
        %add3A_168 = arith.constant 1 : i32
        %add3A_169 = arith.addi %mul3A_167, %add3A_168 : i32
        %mul3A_170 = arith.constant 16 : i32
        %mul3A_171 = arith.muli %add3A_169, %mul3A_170 : i32
        %add3A_172 = arith.addi %mul3A_123, %mul3A_171 : i32
        %get3A_173 = arith.index_cast %add3A_172 : i32 to index
        %get3A_174 = tpu.vector_load %arg19[%get3A_173] {strides = array<i32>} : memref<8192xi32, #tpu.memory_space<vmem>>, vector<16xi32>,
        %gt3A_175 = arith.cmpi ugt, %get3A_174, %broadcast_in_dim3A_132 : vector<16xi32>
        %select_n3A_176 = arith.select %gt3A_175, %broadcast_in_dim3A_3, %broadcast_in_dim3A_5 : vector<16xi1>, vector<16xi32>
        %add3A_177 = arith.addi %scan3A_156, %select_n3A_176 : vector<16xi32>
        %mul3A_178 = arith.constant 8 : i32
        %mul3A_179 = arith.muli %scan3A_154, %mul3A_178 : i32
        %add3A_180 = arith.constant 2 : i32
        %add3A_181 = arith.addi %mul3A_179, %add3A_180 : i32
        %mul3A_182 = arith.constant 16 : i32
        %mul3A_183 = arith.muli %add3A_181, %mul3A_182 : i32
        %add3A_184 = arith.addi %mul3A_123, %mul3A_183 : i32
        %get3A_185 = arith.index_cast %add3A_184 : i32 to index
        %get3A_186 = tpu.vector_load %arg19[%get3A_185] {strides = array<i32>} : memref<8192xi32, #tpu.memory_space<vmem>>, vector<16xi32>,
        %gt3A_187 = arith.cmpi ugt, %get3A_186, %broadcast_in_dim3A_132 : vector<16xi32>
        %select_n3A_188 = arith.select %gt3A_187, %broadcast_in_dim3A_3, %broadcast_in_dim3A_5 : vector<16xi1>, vector<16xi32>
        %add3A_189 = arith.addi %add3A_165, %select_n3A_188 : vector<16xi32>
        %mul3A_190 = arith.constant 8 : i32
        %mul3A_191 = arith.muli %scan3A_154, %mul3A_190 : i32
        %add3A_192 = arith.constant 3 : i32
        %add3A_193 = arith.addi %mul3A_191, %add3A_192 : i32
        %mul3A_194 = arith.constant 16 : i32
        %mul3A_195 = arith.muli %add3A_193, %mul3A_194 : i32
        %add3A_196 = arith.addi %mul3A_123, %mul3A_195 : i32
        %get3A_197 = arith.index_cast %add3A_196 : i32 to index
        %get3A_198 = tpu.vector_load %arg19[%get3A_197] {strides = array<i32>} : memref<8192xi32, #tpu.memory_space<vmem>>, vector<16xi32>,
        %gt3A_199 = arith.cmpi ugt, %get3A_198, %broadcast_in_dim3A_132 : vector<16xi32>
        %select_n3A_200 = arith.select %gt3A_199, %broadcast_in_dim3A_3, %broadcast_in_dim3A_5 : vector<16xi1>, vector<16xi32>
        %add3A_201 = arith.addi %add3A_177, %select_n3A_200 : vector<16xi32>
        %mul3A_202 = arith.constant 8 : i32
        %mul3A_203 = arith.muli %scan3A_154, %mul3A_202 : i32
        %add3A_204 = arith.constant 4 : i32
        %add3A_205 = arith.addi %mul3A_203, %add3A_204 : i32
        %mul3A_206 = arith.constant 16 : i32
        %mul3A_207 = arith.muli %add3A_205, %mul3A_206 : i32
        %add3A_208 = arith.addi %mul3A_123, %mul3A_207 : i32
        %get3A_209 = arith.index_cast %add3A_208 : i32 to index
        %get3A_210 = tpu.vector_load %arg19[%get3A_209] {strides = array<i32>} : memref<8192xi32, #tpu.memory_space<vmem>>, vector<16xi32>,
        %gt3A_211 = arith.cmpi ugt, %get3A_210, %broadcast_in_dim3A_132 : vector<16xi32>
        %select_n3A_212 = arith.select %gt3A_211, %broadcast_in_dim3A_3, %broadcast_in_dim3A_5 : vector<16xi1>, vector<16xi32>
        %add3A_213 = arith.addi %add3A_189, %select_n3A_212 : vector<16xi32>
        %mul3A_214 = arith.constant 8 : i32
        %mul3A_215 = arith.muli %scan3A_154, %mul3A_214 : i32
        %add3A_216 = arith.constant 5 : i32
        %add3A_217 = arith.addi %mul3A_215, %add3A_216 : i32
        %mul3A_218 = arith.constant 16 : i32
        %mul3A_219 = arith.muli %add3A_217, %mul3A_218 : i32
        %add3A_220 = arith.addi %mul3A_123, %mul3A_219 : i32
        %get3A_221 = arith.index_cast %add3A_220 : i32 to index
        %get3A_222 = tpu.vector_load %arg19[%get3A_221] {strides = array<i32>} : memref<8192xi32, #tpu.memory_space<vmem>>, vector<16xi32>,
        %gt3A_223 = arith.cmpi ugt, %get3A_222, %broadcast_in_dim3A_132 : vector<16xi32>
        %select_n3A_224 = arith.select %gt3A_223, %broadcast_in_dim3A_3, %broadcast_in_dim3A_5 : vector<16xi1>, vector<16xi32>
        %add3A_225 = arith.addi %add3A_201, %select_n3A_224 : vector<16xi32>
        %mul3A_226 = arith.constant 8 : i32
        %mul3A_227 = arith.muli %scan3A_154, %mul3A_226 : i32
        %add3A_228 = arith.constant 6 : i32
        %add3A_229 = arith.addi %mul3A_227, %add3A_228 : i32
        %mul3A_230 = arith.constant 16 : i32
        %mul3A_231 = arith.muli %add3A_229, %mul3A_230 : i32
        %add3A_232 = arith.addi %mul3A_123, %mul3A_231 : i32
        %get3A_233 = arith.index_cast %add3A_232 : i32 to index
        %get3A_234 = tpu.vector_load %arg19[%get3A_233] {strides = array<i32>} : memref<8192xi32, #tpu.memory_space<vmem>>, vector<16xi32>,
        %gt3A_235 = arith.cmpi ugt, %get3A_234, %broadcast_in_dim3A_132 : vector<16xi32>
        %select_n3A_236 = arith.select %gt3A_235, %broadcast_in_dim3A_3, %broadcast_in_dim3A_5 : vector<16xi1>, vector<16xi32>
        %add3A_237 = arith.addi %add3A_213, %select_n3A_236 : vector<16xi32>
        %mul3A_238 = arith.constant 8 : i32
        %mul3A_239 = arith.muli %scan3A_154, %mul3A_238 : i32
        %add3A_240 = arith.constant 7 : i32
        %add3A_241 = arith.addi %mul3A_239, %add3A_240 : i32
        %mul3A_242 = arith.constant 16 : i32
        %mul3A_243 = arith.muli %add3A_241, %mul3A_242 : i32
        %add3A_244 = arith.addi %mul3A_123, %mul3A_243 : i32
        %get3A_245 = arith.index_cast %add3A_244 : i32 to index
        %get3A_246 = tpu.vector_load %arg19[%get3A_245] {strides = array<i32>} : memref<8192xi32, #tpu.memory_space<vmem>>, vector<16xi32>,
        %gt3A_247 = arith.cmpi ugt, %get3A_246, %broadcast_in_dim3A_132 : vector<16xi32>
        %select_n3A_248 = arith.select %gt3A_247, %broadcast_in_dim3A_3, %broadcast_in_dim3A_5 : vector<16xi1>, vector<16xi32>
        %add3A_249 = arith.addi %add3A_225, %select_n3A_248 : vector<16xi32>
        scf.yield %add3A_237, %add3A_249 : vector<16xi32>, vector<16xi32>
      }
      %scan3A_140 = arith.constant 16 : i32
      %add3A_141 = arith.addi %scan3A_139#0, %scan3A_139#1 : vector<16xi32>
      %reduce_sum3A = arith.constant true
      %reduce_sum3A_142 = vector.broadcast %reduce_sum3A : i1 to vector<16xi1>
      %reduce_sum3A_143 = tpu.scan <sum>, %add3A_141 masked %reduce_sum3A_142 : vector<16xi32>, vector<16xi1> -> vector<16xi32>
      %reduce_sum3A_144 = vector.extract %reduce_sum3A_143[15] : i32 from vector<16xi32>
      %sub3A = arith.constant 64 : i32
      %sub3A_145 = arith.subi %sub3A, %reduce_sum3A_144 : i32
      %broadcast_in_dim3A_146 = vector.broadcast %sub3A_145 : i32 to vector<16xi32>
      %scan3A_147 = arith.constant 0 : i32
      %scan3A_148 = arith.constant 0 : i32
      %scan3A_149 = arith.constant 32 : i32
      %scan3A_150 = arith.addi %scan3A_148, %scan3A_149 : i32
      %scan3A_151 = arith.constant 1 : i32
      %scan3A_152 = scf.for %scan3A_154 = %scan3A_148 to %scan3A_150 step %scan3A_151 iter_args(%scan3A_155 = %scan3A_147) -> (i32)  : i32 {
        %mul3A_156 = arith.constant 4 : i32
        %mul3A_157 = arith.muli %scan3A_154, %mul3A_156 : i32
        %add3A_158 = arith.constant 0 : i32
        %add3A_159 = arith.addi %mul3A_157, %add3A_158 : i32
        %mul3A_160 = arith.constant 16 : i32
        %mul3A_161 = arith.muli %add3A_159, %mul3A_160 : i32
        %add3A_162 = arith.addi %mul3A_123, %mul3A_161 : i32
        %get3A = arith.index_cast %add3A_162 : i32 to index
        %get3A_163 = tpu.vector_load %arg19[%get3A] {strides = array<i32>} : memref<8192xi32, #tpu.memory_space<vmem>>, vector<16xi32>,
        %gt3A = arith.cmpi ugt, %get3A_163, %broadcast_in_dim3A_131 : vector<16xi32>
        %eq3A = arith.cmpi eq, %get3A_163, %broadcast_in_dim3A_131 : vector<16xi32>
        %select_n3A = arith.select %eq3A, %broadcast_in_dim3A_3, %broadcast_in_dim3A_5 : vector<16xi1>, vector<16xi32>
        %broadcast_in_dim3A_164 = arith.constant true
        %broadcast_in_dim3A_165 = vector.broadcast %broadcast_in_dim3A_164 : i1 to vector<16xi1>
        %masked_cumsum3A = tpu.scan <sum>, %select_n3A masked %broadcast_in_dim3A_165 : vector<16xi32>, vector<16xi1> -> vector<16xi32>
        %sub3A_166 = arith.subi %masked_cumsum3A, %select_n3A : vector<16xi32>
        %broadcast_in_dim3A_167 = vector.broadcast %scan3A_155 : i32 to vector<16xi32>
        %add3A_168 = arith.addi %sub3A_166, %broadcast_in_dim3A_167 : vector<16xi32>
        %lt3A = arith.cmpi slt, %add3A_168, %broadcast_in_dim3A_146 : vector<16xi32>
        %and3A = arith.andi %eq3A, %lt3A : vector<16xi1>
        %or3A = arith.ori %gt3A, %and3A : vector<16xi1>
        %broadcast_in_dim3A_169 = arith.constant 0 : i32
        %broadcast_in_dim3A_170 = vector.broadcast %broadcast_in_dim3A_169 : i32 to vector<16xi32>
        %ne3A = arith.cmpi ne, %get3A_163, %broadcast_in_dim3A_170 : vector<16xi32>
        %and3A_171 = arith.andi %or3A, %ne3A : vector<16xi1>
        %select_n3A_172 = arith.select %and3A_171, %broadcast_in_dim3A_3, %broadcast_in_dim3A_5 : vector<16xi1>, vector<16xi32>
        %mul3A_173 = arith.constant 4 : i32
        %mul3A_174 = arith.muli %scan3A_154, %mul3A_173 : i32
        %add3A_175 = arith.constant 0 : i32
        %add3A_176 = arith.addi %mul3A_174, %add3A_175 : i32
        %mul3A_177 = arith.constant 16 : i32
        %mul3A_178 = arith.muli %add3A_176, %mul3A_177 : i32
        %add3A_179 = arith.addi %mul3A_123, %mul3A_178 : i32
        %swap3A = arith.index_cast %add3A_179 : i32 to index
        %swap3A_180 = tpu.vector_load %arg10[%swap3A] {strides = array<i32>} : memref<8192xi32, #tpu.memory_space<vmem>>, vector<16xi32>,
        tpu.vector_store %arg10[%swap3A], %select_n3A_172 {strides = array<i32>} : memref<8192xi32, #tpu.memory_space<vmem>>, vector<16xi32>,
        %reduce_sum3A_181 = arith.constant true
        %reduce_sum3A_182 = vector.broadcast %reduce_sum3A_181 : i1 to vector<16xi1>
        %reduce_sum3A_183 = tpu.scan <sum>, %select_n3A masked %reduce_sum3A_182 : vector<16xi32>, vector<16xi1> -> vector<16xi32>
        %reduce_sum3A_184 = vector.extract %reduce_sum3A_183[15] : i32 from vector<16xi32>
        %add3A_185 = arith.addi %scan3A_155, %reduce_sum3A_184 : i32
        %mul3A_186 = arith.constant 4 : i32
        %mul3A_187 = arith.muli %scan3A_154, %mul3A_186 : i32
        %add3A_188 = arith.constant 1 : i32
        %add3A_189 = arith.addi %mul3A_187, %add3A_188 : i32
        %mul3A_190 = arith.constant 16 : i32
        %mul3A_191 = arith.muli %add3A_189, %mul3A_190 : i32
        %add3A_192 = arith.addi %mul3A_123, %mul3A_191 : i32
        %get3A_193 = arith.index_cast %add3A_192 : i32 to index
        %get3A_194 = tpu.vector_load %arg19[%get3A_193] {strides = array<i32>} : memref<8192xi32, #tpu.memory_space<vmem>>, vector<16xi32>,
        %gt3A_195 = arith.cmpi ugt, %get3A_194, %broadcast_in_dim3A_131 : vector<16xi32>
        %eq3A_196 = arith.cmpi eq, %get3A_194, %broadcast_in_dim3A_131 : vector<16xi32>
        %select_n3A_197 = arith.select %eq3A_196, %broadcast_in_dim3A_3, %broadcast_in_dim3A_5 : vector<16xi1>, vector<16xi32>
        %broadcast_in_dim3A_198 = arith.constant true
        %broadcast_in_dim3A_199 = vector.broadcast %broadcast_in_dim3A_198 : i1 to vector<16xi1>
        %masked_cumsum3A_200 = tpu.scan <sum>, %select_n3A_197 masked %broadcast_in_dim3A_199 : vector<16xi32>, vector<16xi1> -> vector<16xi32>
        %sub3A_201 = arith.subi %masked_cumsum3A_200, %select_n3A_197 : vector<16xi32>
        %broadcast_in_dim3A_202 = vector.broadcast %add3A_185 : i32 to vector<16xi32>
        %add3A_203 = arith.addi %sub3A_201, %broadcast_in_dim3A_202 : vector<16xi32>
        %lt3A_204 = arith.cmpi slt, %add3A_203, %broadcast_in_dim3A_146 : vector<16xi32>
        %and3A_205 = arith.andi %eq3A_196, %lt3A_204 : vector<16xi1>
        %or3A_206 = arith.ori %gt3A_195, %and3A_205 : vector<16xi1>
        %broadcast_in_dim3A_207 = arith.constant 0 : i32
        %broadcast_in_dim3A_208 = vector.broadcast %broadcast_in_dim3A_207 : i32 to vector<16xi32>
        %ne3A_209 = arith.cmpi ne, %get3A_194, %broadcast_in_dim3A_208 : vector<16xi32>
        %and3A_210 = arith.andi %or3A_206, %ne3A_209 : vector<16xi1>
        %select_n3A_211 = arith.select %and3A_210, %broadcast_in_dim3A_3, %broadcast_in_dim3A_5 : vector<16xi1>, vector<16xi32>
        %mul3A_212 = arith.constant 4 : i32
        %mul3A_213 = arith.muli %scan3A_154, %mul3A_212 : i32
        %add3A_214 = arith.constant 1 : i32
        %add3A_215 = arith.addi %mul3A_213, %add3A_214 : i32
        %mul3A_216 = arith.constant 16 : i32
        %mul3A_217 = arith.muli %add3A_215, %mul3A_216 : i32
        %add3A_218 = arith.addi %mul3A_123, %mul3A_217 : i32
        %swap3A_219 = arith.index_cast %add3A_218 : i32 to index
        %swap3A_220 = tpu.vector_load %arg10[%swap3A_219] {strides = array<i32>} : memref<8192xi32, #tpu.memory_space<vmem>>, vector<16xi32>,
        tpu.vector_store %arg10[%swap3A_219], %select_n3A_211 {strides = array<i32>} : memref<8192xi32, #tpu.memory_space<vmem>>, vector<16xi32>,
        %reduce_sum3A_221 = arith.constant true
        %reduce_sum3A_222 = vector.broadcast %reduce_sum3A_221 : i1 to vector<16xi1>
        %reduce_sum3A_223 = tpu.scan <sum>, %select_n3A_197 masked %reduce_sum3A_222 : vector<16xi32>, vector<16xi1> -> vector<16xi32>
        %reduce_sum3A_224 = vector.extract %reduce_sum3A_223[15] : i32 from vector<16xi32>
        %add3A_225 = arith.addi %add3A_185, %reduce_sum3A_224 : i32
        %mul3A_226 = arith.constant 4 : i32
        %mul3A_227 = arith.muli %scan3A_154, %mul3A_226 : i32
        %add3A_228 = arith.constant 2 : i32
        %add3A_229 = arith.addi %mul3A_227, %add3A_228 : i32
        %mul3A_230 = arith.constant 16 : i32
        %mul3A_231 = arith.muli %add3A_229, %mul3A_230 : i32
        %add3A_232 = arith.addi %mul3A_123, %mul3A_231 : i32
        %get3A_233 = arith.index_cast %add3A_232 : i32 to index
        %get3A_234 = tpu.vector_load %arg19[%get3A_233] {strides = array<i32>} : memref<8192xi32, #tpu.memory_space<vmem>>, vector<16xi32>,
        %gt3A_235 = arith.cmpi ugt, %get3A_234, %broadcast_in_dim3A_131 : vector<16xi32>
        %eq3A_236 = arith.cmpi eq, %get3A_234, %broadcast_in_dim3A_131 : vector<16xi32>
        %select_n3A_237 = arith.select %eq3A_236, %broadcast_in_dim3A_3, %broadcast_in_dim3A_5 : vector<16xi1>, vector<16xi32>
        %broadcast_in_dim3A_238 = arith.constant true
        %broadcast_in_dim3A_239 = vector.broadcast %broadcast_in_dim3A_238 : i1 to vector<16xi1>
        %masked_cumsum3A_240 = tpu.scan <sum>, %select_n3A_237 masked %broadcast_in_dim3A_239 : vector<16xi32>, vector<16xi1> -> vector<16xi32>
        %sub3A_241 = arith.subi %masked_cumsum3A_240, %select_n3A_237 : vector<16xi32>
        %broadcast_in_dim3A_242 = vector.broadcast %add3A_225 : i32 to vector<16xi32>
        %add3A_243 = arith.addi %sub3A_241, %broadcast_in_dim3A_242 : vector<16xi32>
        %lt3A_244 = arith.cmpi slt, %add3A_243, %broadcast_in_dim3A_146 : vector<16xi32>
        %and3A_245 = arith.andi %eq3A_236, %lt3A_244 : vector<16xi1>
        %or3A_246 = arith.ori %gt3A_235, %and3A_245 : vector<16xi1>
        %broadcast_in_dim3A_247 = arith.constant 0 : i32
        %broadcast_in_dim3A_248 = vector.broadcast %broadcast_in_dim3A_247 : i32 to vector<16xi32>
        %ne3A_249 = arith.cmpi ne, %get3A_234, %broadcast_in_dim3A_248 : vector<16xi32>
        %and3A_250 = arith.andi %or3A_246, %ne3A_249 : vector<16xi1>
        %select_n3A_251 = arith.select %and3A_250, %broadcast_in_dim3A_3, %broadcast_in_dim3A_5 : vector<16xi1>, vector<16xi32>
        %mul3A_252 = arith.constant 4 : i32
        %mul3A_253 = arith.muli %scan3A_154, %mul3A_252 : i32
        %add3A_254 = arith.constant 2 : i32
        %add3A_255 = arith.addi %mul3A_253, %add3A_254 : i32
        %mul3A_256 = arith.constant 16 : i32
        %mul3A_257 = arith.muli %add3A_255, %mul3A_256 : i32
        %add3A_258 = arith.addi %mul3A_123, %mul3A_257 : i32
        %swap3A_259 = arith.index_cast %add3A_258 : i32 to index
        %swap3A_260 = tpu.vector_load %arg10[%swap3A_259] {strides = array<i32>} : memref<8192xi32, #tpu.memory_space<vmem>>, vector<16xi32>,
        tpu.vector_store %arg10[%swap3A_259], %select_n3A_251 {strides = array<i32>} : memref<8192xi32, #tpu.memory_space<vmem>>, vector<16xi32>,
        %reduce_sum3A_261 = arith.constant true
        %reduce_sum3A_262 = vector.broadcast %reduce_sum3A_261 : i1 to vector<16xi1>
        %reduce_sum3A_263 = tpu.scan <sum>, %select_n3A_237 masked %reduce_sum3A_262 : vector<16xi32>, vector<16xi1> -> vector<16xi32>
        %reduce_sum3A_264 = vector.extract %reduce_sum3A_263[15] : i32 from vector<16xi32>
        %add3A_265 = arith.addi %add3A_225, %reduce_sum3A_264 : i32
        %mul3A_266 = arith.constant 4 : i32
        %mul3A_267 = arith.muli %scan3A_154, %mul3A_266 : i32
        %add3A_268 = arith.constant 3 : i32
        %add3A_269 = arith.addi %mul3A_267, %add3A_268 : i32
        %mul3A_270 = arith.constant 16 : i32
        %mul3A_271 = arith.muli %add3A_269, %mul3A_270 : i32
        %add3A_272 = arith.addi %mul3A_123, %mul3A_271 : i32
        %get3A_273 = arith.index_cast %add3A_272 : i32 to index
        %get3A_274 = tpu.vector_load %arg19[%get3A_273] {strides = array<i32>} : memref<8192xi32, #tpu.memory_space<vmem>>, vector<16xi32>,
        %gt3A_275 = arith.cmpi ugt, %get3A_274, %broadcast_in_dim3A_131 : vector<16xi32>
        %eq3A_276 = arith.cmpi eq, %get3A_274, %broadcast_in_dim3A_131 : vector<16xi32>
        %select_n3A_277 = arith.select %eq3A_276, %broadcast_in_dim3A_3, %broadcast_in_dim3A_5 : vector<16xi1>, vector<16xi32>
        %broadcast_in_dim3A_278 = arith.constant true
        %broadcast_in_dim3A_279 = vector.broadcast %broadcast_in_dim3A_278 : i1 to vector<16xi1>
        %masked_cumsum3A_280 = tpu.scan <sum>, %select_n3A_277 masked %broadcast_in_dim3A_279 : vector<16xi32>, vector<16xi1> -> vector<16xi32>
        %sub3A_281 = arith.subi %masked_cumsum3A_280, %select_n3A_277 : vector<16xi32>
        %broadcast_in_dim3A_282 = vector.broadcast %add3A_265 : i32 to vector<16xi32>
        %add3A_283 = arith.addi %sub3A_281, %broadcast_in_dim3A_282 : vector<16xi32>
        %lt3A_284 = arith.cmpi slt, %add3A_283, %broadcast_in_dim3A_146 : vector<16xi32>
        %and3A_285 = arith.andi %eq3A_276, %lt3A_284 : vector<16xi1>
        %or3A_286 = arith.ori %gt3A_275, %and3A_285 : vector<16xi1>
        %broadcast_in_dim3A_287 = arith.constant 0 : i32
        %broadcast_in_dim3A_288 = vector.broadcast %broadcast_in_dim3A_287 : i32 to vector<16xi32>
        %ne3A_289 = arith.cmpi ne, %get3A_274, %broadcast_in_dim3A_288 : vector<16xi32>
        %and3A_290 = arith.andi %or3A_286, %ne3A_289 : vector<16xi1>
        %select_n3A_291 = arith.select %and3A_290, %broadcast_in_dim3A_3, %broadcast_in_dim3A_5 : vector<16xi1>, vector<16xi32>
        %mul3A_292 = arith.constant 4 : i32
        %mul3A_293 = arith.muli %scan3A_154, %mul3A_292 : i32
        %add3A_294 = arith.constant 3 : i32
        %add3A_295 = arith.addi %mul3A_293, %add3A_294 : i32
        %mul3A_296 = arith.constant 16 : i32
        %mul3A_297 = arith.muli %add3A_295, %mul3A_296 : i32
        %add3A_298 = arith.addi %mul3A_123, %mul3A_297 : i32
        %swap3A_299 = arith.index_cast %add3A_298 : i32 to index
        %swap3A_300 = tpu.vector_load %arg10[%swap3A_299] {strides = array<i32>} : memref<8192xi32, #tpu.memory_space<vmem>>, vector<16xi32>,
        tpu.vector_store %arg10[%swap3A_299], %select_n3A_291 {strides = array<i32>} : memref<8192xi32, #tpu.memory_space<vmem>>, vector<16xi32>,
        %reduce_sum3A_301 = arith.constant true
        %reduce_sum3A_302 = vector.broadcast %reduce_sum3A_301 : i1 to vector<16xi1>
        %reduce_sum3A_303 = tpu.scan <sum>, %select_n3A_277 masked %reduce_sum3A_302 : vector<16xi32>, vector<16xi1> -> vector<16xi32>
        %reduce_sum3A_304 = vector.extract %reduce_sum3A_303[15] : i32 from vector<16xi32>
        %add3A_305 = arith.addi %add3A_265, %reduce_sum3A_304 : i32
        scf.yield %add3A_305 : i32
      }
      %scan3A_153 = arith.constant 32 : i32
    }
    %scan3A_120 = arith.constant 4 : i32
    "tpu.region"() ({
      %run_scoped3A = tpu.sem_alloc : memref<!tpu.dma_semaphore, #tpu.memory_space<semaphore_mem>>
      %dma_start3A_121 = tpu.memref_slice %arg9[%mul3A_2] : memref<262144xi32, #tpu.memory_space<hbm>> -> memref<8192xi32, #tpu.memory_space<hbm>>
      %dma_start3A_122 = tpu.memref_slice %arg9[%mul3A_2] : memref<262144xi32, #tpu.memory_space<hbm>> -> memref<8192xi32, #tpu.memory_space<hbm>>
      tpu.enqueue_dma source(%arg10 : memref<8192xi32, #tpu.memory_space<vmem>>) target(%dma_start3A_122 : memref<8192xi32, #tpu.memory_space<hbm>>) target_semaphore(%run_scoped3A : memref<!tpu.dma_semaphore, #tpu.memory_space<semaphore_mem>>)
      %dma_wait3A_123 = tpu.memref_slice %arg9[%mul3A_2] : memref<262144xi32, #tpu.memory_space<hbm>> -> memref<8192xi32, #tpu.memory_space<hbm>>
      %dma_wait3A_124 = tpu.memref_slice %arg9[%mul3A_2] : memref<262144xi32, #tpu.memory_space<hbm>> -> memref<8192xi32, #tpu.memory_space<hbm>>
      tpu.wait_dma2 semaphore(%run_scoped3A : memref<!tpu.dma_semaphore, #tpu.memory_space<semaphore_mem>>) src(%arg10 : memref<8192xi32, #tpu.memory_space<vmem>>) dst(%dma_wait3A_124 : memref<8192xi32, #tpu.memory_space<hbm>>)
      tpu.yield
    }) : () -> ()
    return
  }
}

</mosaic_0001>

<sc_bundles>
// kernel: kernel.3.cloned.1.call-start
scs
__scs_entry_jumppad:
0x0: {  	(pc) =	sbr.rel $0x88, $3  }
0x1: {  	(tag) =	ssettag $0x0;
	lr =	simm.s32 $0x1  }
0x2: {  	[smem:$0x3F9C] =	sst lr;
	_ =	strace $0xD0000000  }
0x3: {  	_ = 	snop  }
0x4: {  	_ = 	snop  }
0x5: {  	_ = 	snop  }
0x6: {  	_ = 	snop  }
0x7: {  	_ = 	snop  }
__scs_overlays_trampoline_lowered:
0x8: {  	[smem:$0x3FAB] =	sst s0  }
0x9: {  	[smem:$0x3FAC] =	sst s1  }
0xa: {  	[smem:$0x3FAD] =	sst s2  }
0xb: {  	[smem:$0x3FAE] =	sst s3  }
0xc: {  	[smem:$0x3FAF] =	sst s4  }
0xd: {  	[smem:$0x3FB0] =	sst s5  }
0xe: {  	[smem:$0x3FB1] =	sst s6  }
0xf: {  	[smem:$0x3FB2] =	sst s7  }
0x10: {  	[smem:$0x3FB3] =	sst s8  }
0x11: {  	[smem:$0x3FB4] =	sst s9;
	s0 =	simm.s32 @!p0 $0x0  }
0x12: {  	s1 =	sld [smem:$0x3F9A];
	s0 =	simm.s32 @p0 $0x1  }
0x13: {  	[smem:$0x3FB5] =	sst s0;
	s0 =	simm.s32 @!p1 $0x0  }
0x14: {  	s2 =	sld [smem:$0x3F99];
	s0 =	simm.s32 @p1 $0x1  }
0x15: {  	[smem:$0x3FB6] =	sst s0;
	s0 =	simm.s32 @!p2 $0x0  }
0x16: {  	s3 =	sld [smem:$0x3FDB];
	s0 =	simm.s32 @p2 $0x1  }
0x17: {  	s4 =	simm.s32 $0x1BF5;
	[smem:$0x3FB8] =	sst s0  }
0x18: {  	s0 =	sld [smem:$0x3F9B];
	_ =	swait.ge [sflag:s4], $0x0  }
0x19: {  	s7 =	sld [smem:$0x3F9C]  }
0x1a: {  	s8 =	sadd.s32 $0xFFFFE003, lr  }
0x1b: {  	s9 =	sadd.s32 $0xFFFFFEF7, lr;
	s5 =	simm.s32 $0xFFFFFFFF;
	p2 =	slt.u32 s8, $0xFFFFF086  }
0x1c: {  	p1 =	slt.u32 s9, $0xF7A;
	s5 =	simm.s32 @!p2 $0x0  }
0x1d: {  	s5 =	simm.s32 @p1 $0x1;
	p0 =	seq.s32 s7, s2  }
0x1e: {  	s7 =	smul.u32 @!p0 $0xF7A, s2;
	p2 =	seq.s32 @!p0 s5, $0x0  }
0x1f: {  	s9 =	smul.u32 $0xF7A, s1;
	s8 =	simm.s32 @!p0 $0x1BF5;
	p2 =	por !p2, p0  }
0x20: {  	[sflag:s8] =	ssyncset.s32 @!p0 $0xFFFFF086;
	s6 =	sadd.s32 @!p0 s3, s7;
	s7 =	simm.s32 @!p0 $0x108  }
0x21: {  	s3 =	sadd.s32 s3, s9;
	s6 =	sadd.s32 @!p0 $0x88, s6;
	s7 =	simm.s32 @p2 $0x1082  }
0x22: {  	[simem:s7], [sflag:s8] =	dma.local @!p0 [hbm:s6], $0xF7A  }
0x23: {  	s9 =	sor.u32 $0xD0000000, s2;
	s6 =	simm.s32 $0x108;
	_ =	swait.ge @!p0 [sflag:s8], $0x0  }
0x24: {  	s3 =	sadd.s32 $0x88, s3;
	s6 =	simm.s32 @!p1 $0x1082;
	[sflag:s4] =	ssyncset.s32 $0xFFFFF086  }
0x25: {  	[simem:s6], [sflag:s4] =	dma.local [hbm:s3], $0xF7A  }
0x26: {  	[smem:$0x3F9C] =	sst s1;
	(tag) =	ssettag s2;
	_ =	strace s9  }
0x27: {  	s1 =	sld [smem:$0x3FAC]  }
0x28: {  	s2 =	sld [smem:$0x3FAD]  }
0x29: {  	s4 =	sld [smem:$0x3FAF]  }
0x2a: {  	p0 =	seq.s32 s5, $0x0;
	s5 =	sld [smem:$0x3FB0]  }
0x2b: {  	s6 =	sld [smem:$0x3FB1]  }
0x2c: {  	s7 =	sld [smem:$0x3FB2]  }
0x2d: {  	s3 =	simm.s32 $0x108;
	s8 =	sld [smem:$0x3FB3]  }
0x2e: {  	s3 =	simm.s32 @!p0 $0x1082;
	s9 =	sld [smem:$0x3FB4]  }
0x2f: {  	lr =	sadd.s32 s0, s3;
	s0 =	sld [smem:$0x3FAB]  }
0x30: {  	s3 =	sld [smem:$0x3FAE]  }
0x31: {  	[smem:$0x3FB7] =	sst s10  }
0x32: {  	s10 =	sld [smem:$0x3FB5];
	_ =	sdelay $0x3  }
0x33: {  	p0 =	seq.s32 s10, $0x1;
	s10 =	sld [smem:$0x3FB7];
	_ =	sdelay $0x3  }
0x34: {  	[smem:$0x3FB7] =	sst s10  }
0x35: {  	s10 =	sld [smem:$0x3FB6];
	_ =	sdelay $0x3  }
0x36: {  	p1 =	seq.s32 s10, $0x1;
	s10 =	sld [smem:$0x3FB7];
	_ =	sdelay $0x3  }
0x37: {  	[smem:$0x3FB7] =	sst s10  }
0x38: {  	s10 =	sld [smem:$0x3FB8]  }
0x39: {  	_ = 	snop;
	(pc) =	sbr.ind lr, $3  }
0x3a: {  	_ = 	snop  }
0x3b: {  	_ = 	snop  }
0x3c: {  	p2 =	seq.s32 s10, $0x1;
	s10 =	sld [smem:$0x3FB7]  }
0x3d: {  	_ =	shalt  }
0x3e: {  	_ =	shalt  }
0x3f: {  	_ =	shalt  }
0x40: {  	_ =	shalt  }
0x41: {  	_ =	shalt  }
0x42: {  	_ =	shalt  }
0x43: {  	_ =	shalt  }
0x44: {  	_ =	shalt  }
0x45: {  	_ =	shalt  }
0x46: {  	_ =	shalt  }
0x47: {  	_ =	shalt  }
0x48: {  	_ =	shalt  }
0x49: {  	_ =	shalt  }
0x4a: {  	_ =	shalt  }
0x4b: {  	_ =	shalt  }
0x4c: {  	_ =	shalt  }
0x4d: {  	_ =	shalt  }
0x4e: {  	_ =	shalt  }
0x4f: {  	_ =	shalt  }
0x50: {  	_ =	shalt  }
0x51: {  	_ =	shalt  }
0x52: {  	_ =	shalt  }
0x53: {  	_ =	shalt  }
0x54: {  	_ =	shalt  }
0x55: {  	_ =	shalt  }
0x56: {  	_ =	shalt  }
0x57: {  	_ =	shalt  }
0x58: {  	_ =	shalt  }
0x59: {  	_ =	shalt  }
0x5a: {  	_ =	shalt  }
0x5b: {  	_ =	shalt  }
0x5c: {  	_ =	shalt  }
0x5d: {  	_ =	shalt  }
0x5e: {  	_ =	shalt  }
0x5f: {  	_ =	shalt  }
0x60: {  	_ =	shalt  }
0x61: {  	_ =	shalt  }
0x62: {  	_ =	shalt  }
0x63: {  	_ =	shalt  }
0x64: {  	_ =	shalt  }
0x65: {  	_ =	shalt  }
0x66: {  	_ =	shalt  }
0x67: {  	_ =	shalt  }
0x68: {  	_ =	shalt  }
0x69: {  	_ =	shalt  }
0x6a: {  	_ =	shalt  }
0x6b: {  	_ =	shalt  }
0x6c: {  	_ =	shalt  }
0x6d: {  	_ =	shalt  }
0x6e: {  	_ =	shalt  }
0x6f: {  	_ =	shalt  }
0x70: {  	_ =	shalt  }
0x71: {  	_ =	shalt  }
0x72: {  	_ =	shalt  }
0x73: {  	_ =	shalt  }
0x74: {  	_ =	shalt  }
0x75: {  	_ =	shalt  }
0x76: {  	_ =	shalt  }
0x77: {  	_ =	shalt  }
0x78: {  	_ =	shalt  }
0x79: {  	_ =	shalt  }
0x7a: {  	_ =	shalt  }
0x7b: {  	_ =	shalt  }
0x7c: {  	_ =	shalt  }
0x7d: {  	_ =	shalt  }
0x7e: {  	_ =	shalt  }
0x7f: {  	_ =	shalt  }
0x80: {  	_ =	shalt  }
0x81: {  	_ =	shalt  }
0x82: {  	_ =	shalt  }
0x83: {  	_ =	shalt  }
0x84: {  	_ =	shalt  }
0x85: {  	_ =	shalt  }
0x86: {  	_ =	shalt  }
0x87: {  	_ =	shalt  }
.Lfunc_end0:
.L_simem_size_0:
called_computation_lowered:
.L_overlay_start_0:
0x88: {  	s2 =	sld [smem:$0x3FD9]  }
0x89: {  	s3 =	sld [smem:$0x3FFE];
	_ =	sdelay $0x1  }
0x8a: {  	s1 =	srdreg.scid  }
0x8b: {  	s0 =	sand.u32 $0x1, s1  }
0x8c: {  	s17 =	sshll.u32 s0, $0xA;
	s2 =	sadd.s32 s3, s2  }
0x8d: {  	s2 =	sadd.s32 s2, s17  }
0x8e: {  	[smem:$0x3FC3] =	sst s2  }
0x8f: {  	_ = 	snop  }
0x90: {  	s2 =	sld [smem:$0x3FD0];
	(tm) =	ssettm $0x1  }
0x91: {  	s18 =	sld [smem:$0x3FFB];
	_ =	sdelay $0x3  }
0x92: {  	_ =	strace s18  }
0x93: {  	s3 =	sld [smem:$0x3FFC];
	_ =	sdelay $0x3  }
0x94: {  	_ =	strace s3  }
0x95: {  	s3 =	sld [smem:$0x3FFD];
	_ =	sdelay $0x3  }
0x96: {  	_ =	strace s3  }
0x97: {  	_ =	strace $0x8FFFFFFF  }
0x98: {  	s19 =	sld [smem:$0x3FDB];
	_ =	sdelay $0x1  }
0x99: {  	s4 =	simm.s32 $_scs_section_size  }
0x9a: {  	s5 =	simm.s32 $_size__tile_overlayer_lowered;
	s6 =	simm.s32 $_tile_overlayer_lowered  }
0x9b: {  	s22 =	simm.s32 $0x1BFF;
	s21 =	sshll.u32 s6, $0x1;
	s3 =	sadd.s32 s4, s19  }
0x9c: {  	s7 =	simm.s32 $0x0;
	s20 =	sshll.u32 s5, $0x1;
	s5 =	sadd.s32 s21, s3  }
0x9d: {  	[timem:s7], [sflag:s22] =	dma.local [hbm:s5], s20  }
0x9e: {  	_ =	swait.ge [sflag:s22], s20  }
0x9f: {  	s4 =	ssub.s32 $0x0, s20;
	[sflag:s22] =	ssyncset.done $0x0  }
0xa0: {  	[sflag:s22] =	ssyncadd.s32 s4;
	_ =	sdelay $0x1  }
0xa1: {  	s23 =	simm.s32 $0x1B8B  }
0xa2: {  	_ =	swait.ge [sflag:s23], $0x1  }
0xa3: {  	[sflag:s23] =	ssyncset.done $0x0  }
0xa4: {  	s25 =	simm.s32 $0x1B8E;
	s24 =	sld [smem:$0x3FFE];
	[sflag:s23] =	ssyncadd.s32 $0xFFFFFFFF  }
0xa5: {  	s26 =	simm.s32 $execute0_lowered;
	[smem:$0x3FD2] =	sst s25  }
0xa6: {  	s5 =	sshll.u32 s26, $0x1;
	_ =	strace $0x80000046;
	[dreg:$0x1] =	wrdreg $0xFFFFFFFF  }
0xa7: {  	s28 =	simm.s32 $_size_execute0_lowered;
	s3 =	sadd.s32 s3, s5;
	[dreg:$0x0] =	wrdreg $0x0  }
0xa8: {  	s5 =	sshll.u32 s28, $0x1;
	[dreg:$0x2] =	wrdreg s3  }
0xa9: {  	[dreg:$0x3] =	wrdreg s5  }
0xaa: {  	[dreg:$0x4] =	wrdreg $0xC0  }
0xab: {  	_ =	task [dreg:s7], $0x5FFFF  }
0xac: {  	[dreg:$0x1] =	wrdreg $0xFFFFFFFF  }
0xad: {  	[dreg:$0x0] =	wrdreg $0x60  }
0xae: {  	[dreg:$0x2] =	wrdreg s24  }
0xaf: {  	[dreg:$0x3] =	wrdreg s2  }
0xb0: {  	[dreg:$0x4] =	wrdreg $0x9  }
0xb1: {  	_ =	task.clear_ibuf [dreg:s7], $0x5FFFF;
	_ =	strace $0x90000046  }
0xb2: {  	s29 =	simm.s32 $0x9;
	_ =	strace $0x80000048  }
0xb3: {  	_ =	swait.ge [sflag:s29], $0x1  }
0xb4: {  	[sflag:s29] =	ssyncadd.s32 $0xFFFFFFFF  }
0xb5: {  	_ =	strace $0x90000048  }
0xb6: {  	_ =	sfence  }
0xb7: {  	s30 =	sld [smem:$0x0];
	_ =	sdelay $0x2  }
0xb8: {  	s31 =	sshll.u32 s1, $0xD;
	s1 =	sshrl.u32 s1, $0x2  }
0xb9: {  	s3 =	sand.u32 $0x4000, s31;
	s1 =	sadd.s32 s1, s30  }
0xba: {  	s0 =	sor.u32 s3, s0;
	s1 =	sshll.u32 s1, $0x11  }
0xbb: {  	s0 =	sor.u32 s1, s0  }
0xbc: {  	s0 =	sadd.s32 $0x8F2B, s0  }
0xbd: {  	[sflag:s0] =	ssyncadd.remote.s32 $0x1  }
0xbe: {  	_ =	sfence.sel $0xFFFF  }
0xbf: {  	[dreg:$0x0] =	wrdreg $0xFFFFFFFF;
	(pc) =	sbr.abs _section_cstart, $3  }
0xc0: {  	[dreg:$0x1] =	wrdreg $0xFFFFFFFF  }
0xc1: {  	_ =	task.clear_ibuf [dreg:s7], $0x2FFFF;
	_ =	strace $0x9FFFFFFF  }
0xc2: {  	(tm) =	ssettm $0x7FFFFFFF  }
0xc3: {  	_ =	shalt  }
tec
execute0_lowered:
.L_overlay_start_1:
0x0: {  	(tag) =	ssettag $0x1  }
0x1: {  	s4 =	simm.s32 $0x0;
	vm1 =	vmmov $0x1;
	v1 =	vimm.s32 $0x0  }
0x2: {  	[smem:$0x7FF] =	sst s4;
	v1 =	vsel vm1, $0xFFFFFFFF, v1  }
0x3: {  	s1 =	rddreg [dreg:$0x0];
	vm2 =	vmmov $0x3;
	_ =	strace $0x80000047;
	[tilespmem:$0x1FF90] =	vst v1;
	v1 =	vimm.s32 $0x0  }
0x4: {  	v1 =	vsel vm2, $0xFFFFFFFF, v1  }
0x5: {  	s0 =	srdreg.scid;
	vm3 =	vmmov $0x7;
	[tilespmem:$0x1FFA0] =	vst v1;
	v1 =	vimm.s32 $0x0  }
0x6: {  	s2 =	stileid.u32;
	s13 =	simm.s32 $0x5;
	s14 =	simm.s32 $0x80;
	v1 =	vsel vm3, $0xFFFFFFFF, v1  }
0x7: {  	s18 =	simm.s32 $0x1;
	vm4 =	vmmov $0xf;
	s21 =	simm.s32 $0x2080;
	s23 =	simm.s32 $0x2280;
	[tilespmem:$0x1FFB0] =	vst v1;
	v1 =	vimm.s32 $0x0  }
0x8: {  	s28 =	simm.s32 $0x8380;
	s29 =	simm.s32 $0x4;
	s30 =	simm.s32 $0x80000000;
	v1 =	vsel vm4, $0xFFFFFFFF, v1  }
0x9: {  	vm5 =	vmmov $0x1f;
	s31 =	simm.s32 $0x0;
	s0 =	sand.u32 $0x1, s0;
	s5 =	sadd.s32 $0x3D400, s1;
	[tilespmem:$0x1FFC0] =	vst v1;
	v1 =	vimm.s32 $0x0  }
0xa: {  	s2 =	sshll.u32 s2, $0xB;
	s3 =	sshll.u32 s0, $0xA;
	s0 =	ssub.s32 $0x2, s0;
	v1 =	vsel vm5, $0xFFFFFFFF, v1  }
0xb: {  	vm6 =	vmmov $0x3f;
	vm15 =	vmmov $0x7f;
	s6 =	sadd.s32 $0x1EA00, s1;
	s2 =	sor.u32 s3, s2;
	s24 =	sshrl.u32 s0, $0x1;
	[tilespmem:$0x1FFD0] =	vst v1;
	v1 =	vimm.s32 $0x0  }
0xc: {  	vm7 =	vmmov $0xff;
	vm8 =	vmmov $0x1ff;
	s7 =	sadd.s32 $0x1E2800, s1;
	s2 =	sadd.s32 s2, s1;
	s0 =	ssub.s32 s0, s24;
	v1 =	vsel vm6, $0xFFFFFFFF, v1  }
0xd: {  	vm9 =	vmmov $0x3ff;
	vm10 =	vmmov $0x7ff;
	s24 =	simm.s32 $0x3;
	s25 =	sadd.s32 $0x5BE00, s2;
	s26 =	sadd.s32 $0x63E00, s2;
	[tilespmem:$0x1FFE0] =	vst v1;
	v1 =	vimm.s32 $0x0  }
0xe: {  	vm11 =	vmmov $0xfff;
	vm12 =	vmmov $0x1fff;
	s10 =	sadd.s32 $0x6BE00, s2;
	s11 =	smax.u32 s0, $0x1;
	[dreg:$0x3] =	wrdreg s25;
	v1 =	vsel vm15, $0xFFFFFFFF, v1  }
0xf: {  	vm13 =	vmmov $0x3fff;
	vm14 =	vmmov $0x7fff;
	v0 =	vimm.s32 $0x0;
	[dreg:$0x4] =	wrdreg s26;
	s25 =	simm.s32 $0x2;
	s26 =	simm.s32 $0x4380;
	[tilespmem:$0x1FFF0] =	vst v1  }
.LBB2_1:
0x10: {  	s0 =	rddreg [dreg:$0x1];
	s2 =	simm.s32 $0xA380  }
0x11: {  	[tilespmem:s2], [sflag:$0x5] =	stream.linear.gather [hbm4b:s0+s4], $0xFA00, $0x38;
	[tilespmem:$0x1DD80] =	vst v63  }
0x12: {  	_ =	swait.ge [sflag:s13], $0xFA00  }
0x13: {  	[sflag:s13] =	ssyncset.done $0x0  }
0x14: {  	s0 =	simm.s32 $0x19D80;
	s15 =	rddreg [dreg:$0x3];
	[sflag:s13] =	ssyncadd.s32 $0xFFFF0600  }
0x15: {  	[tilespmem:s0], [sflag:$0x5] =	stream.linear.gather [hbm4b:s15+s4], $0x2000, $0x38;
	[tilespmem:$0x1DD80] =	vst v63  }
0x16: {  	_ =	swait.ge [sflag:s13], $0x2000  }
0x17: {  	[sflag:s13] =	ssyncset.done $0x0  }
0x18: {  	s16 =	rddreg [dreg:$0x4];
	[sflag:s13] =	ssyncadd.s32 $0xFFFFE000  }
0x19: {  	[tilespmem:s4], [sflag:$0x5] =	stream.linear.gather [hbm4b:s16+s4], $0x2000, $0x38;
	[tilespmem:$0x1DD80] =	vst v63  }
0x1a: {  	_ =	swait.ge [sflag:s13], $0x2000  }
0x1b: {  	[sflag:s13] =	ssyncset.done $0x0  }
0x1c: {  	s17 =	simm.s32 $0x2000;
	[sflag:s13] =	ssyncadd.s32 $0xFFFFE000  }
0x1d: {  	[tilespmem:s17], [sflag:$0x1] =	stream.indirect.gather [hbm4b:s5+s14], $0x1, s4, s14, $0xb8;
	[tilespmem:$0x1DD80] =	vst v63  }
0x1e: {  	s3 =	simm.s32 $0x2100  }
0x1f: {  	[tilespmem:s3], [sflag:$0x1] =	stream.indirect.gather [hbm4b:s6+s14], $0x1, s4, s14, $0xb8;
	[tilespmem:$0x1DD80] =	vst v63  }
0x20: {  	s19 =	simm.s32 $0x2200  }
0x21: {  	[tilespmem:s19], [sflag:$0x1] =	stream.indirect.gather [hbm4b:s1+s14], $0x1, s4, s14, $0xb8;
	[tilespmem:$0x1DD80] =	vst v63  }
0x22: {  	_ =	swait.ge [sflag:s18], $0x80  }
0x23: {  	[sflag:s18] =	ssyncset.done $0x0  }
0x24: {  	[sflag:s18] =	ssyncadd.s32 $0xFFFFFF80  }
0x25: {  	_ =	swait.ge [sflag:s18], $0x80  }
0x26: {  	[sflag:s18] =	ssyncset.done $0x0  }
0x27: {  	[sflag:s18] =	ssyncadd.s32 $0xFFFFFF80  }
0x28: {  	_ =	swait.ge [sflag:s18], $0x80  }
0x29: {  	[sflag:s18] =	ssyncset.done $0x0  }
0x2a: {  	s8 =	simm.s32 $0x2380;
	[sflag:s18] =	ssyncadd.s32 $0xFFFFFF80  }
0x2b: {  	[tilespmem:s8], [sflag:$0x3] =	stream.indirect.gather [hbm4b:s7+s14], $0x40, s17, s14, $0xb8;
	[tilespmem:$0x1DD80] =	vst v63  }
0x2c: {  	s20 =	simm.s32 $0x6380  }
0x2d: {  	[tilespmem:s20], [sflag:$0x3] =	stream.indirect.gather [hbm4b:s7+s14], $0x40, s19, s14, $0xb8;
	[tilespmem:$0x1DD80] =	vst v63  }
0x2e: {  	_ = 	snop  }
0x2f: {  	[tilespmem:s21], [sflag:$0x2] =	stream.indirect.gather [hbm4b:s5+s14], $0x1, s14, s14, $0xb8;
	[tilespmem:$0x1DD80] =	vst v63  }
0x30: {  	s22 =	simm.s32 $0x2180;
	s12 =	simm.s32 $0x19E00  }
0x31: {  	[tilespmem:s22], [sflag:$0x2] =	stream.indirect.gather [hbm4b:s6+s14], $0x1, s14, s14, $0xb8;
	[tilespmem:$0x1DD80] =	vst v63  }
0x32: {  	s2 =	simm.s32 $0x1BE00;
	s16 =	simm.s32 $0x0;
	s3 =	simm.s32 $0x1BD80  }
0x33: {  	[tilespmem:s23], [sflag:$0x2] =	stream.indirect.gather [hbm4b:s1+s14], $0x1, s14, s14, $0xb8;
	[tilespmem:$0x1DD80] =	vst v63  }
.LBB2_2:
0x34: {  	_ =	swait.ge [sflag:s24], $0x2000  }
0x35: {  	[sflag:s24] =	ssyncset.done $0x0  }
0x36: {  	[sflag:s24] =	ssyncadd.s32 $0xFFFFE000  }
0x37: {  	_ =	swait.ge [sflag:s24], $0x2000  }
0x38: {  	[sflag:s24] =	ssyncset.done $0x0  }
0x39: {  	[sflag:s24] =	ssyncadd.s32 $0xFFFFE000  }
0x3a: {  	_ =	swait.ge [sflag:s25], $0x80  }
0x3b: {  	[sflag:s25] =	ssyncset.done $0x0  }
0x3c: {  	[sflag:s25] =	ssyncadd.s32 $0xFFFFFF80  }
0x3d: {  	_ =	swait.ge [sflag:s25], $0x80  }
0x3e: {  	[sflag:s25] =	ssyncset.done $0x0  }
0x3f: {  	[sflag:s25] =	ssyncadd.s32 $0xFFFFFF80  }
0x40: {  	_ =	swait.ge [sflag:s25], $0x80  }
0x41: {  	[sflag:s25] =	ssyncset.done $0x0  }
0x42: {  	[sflag:s25] =	ssyncadd.s32 $0xFFFFFF80  }
0x43: {  	[tilespmem:s26], [sflag:$0x4] =	stream.indirect.gather [hbm4b:s7+s14], $0x40, s21, s14, $0xb8;
	[tilespmem:$0x1DD80] =	vst v63  }
0x44: {  	_ = 	snop  }
0x45: {  	[tilespmem:s28], [sflag:$0x4] =	stream.indirect.gather [hbm4b:s7+s14], $0x40, s23, s14, $0xb8;
	[tilespmem:$0x1DD80] =	vst v63  }
0x46: {  	v1 =	vld [tilespmem:$0x2100]  }
0x47: {  	v2 =	vld [tilespmem:$0x2110]  }
0x48: {  	v3 =	vld [tilespmem:$0x2120]  }
0x49: {  	v4 =	vld [tilespmem:$0x2130]  }
0x4a: {  	v5 =	vld [tilespmem:$0x2140]  }
0x4b: {  	[tilespmem:$0x2300] =	vst v1;
	v1 =	vld [tilespmem:$0x2150]  }
0x4c: {  	[tilespmem:$0x2310] =	vst v2;
	v2 =	vld [tilespmem:$0x2160]  }
0x4d: {  	[tilespmem:$0x2320] =	vst v3;
	v3 =	vld [tilespmem:$0x2170]  }
0x4e: {  	[tilespmem:$0x2330] =	vst v4  }
0x4f: {  	p0 =	seq.s32 s16, $0x1F;
	[tilespmem:$0x2340] =	vst v5  }
0x50: {  	s8 =	sshll.u32 @!p0 s16, $0x8;
	[tilespmem:$0x2350] =	vst v1  }
0x51: {  	s19 =	sand.u32 @!p0 $0x3FFFFF00, s8;
	[tilespmem:$0x2360] =	vst v2  }
0x52: {  	s15 =	simm.s32 @!p0 $0x80;
	s17 =	simm.s32 @!p0 $0x2000;
	s8 =	sadd.s32 @!p0 $0x100, s19;
	[tilespmem:$0x2370] =	vst v3  }
0x53: {  	[tilespmem:s17], [sflag:$0x1] =	stream.indirect.gather @!p0 [hbm4b:s5+s15], $0x1, s8, s15, $0xb8;
	[tilespmem:$0x1DD80] =	vst v63  }
0x54: {  	s17 =	simm.s32 @!p0 $0x2100  }
0x55: {  	v1 =	vmov s0;
	[tilespmem:s17], [sflag:$0x1] =	stream.indirect.gather @!p0 [hbm4b:s6+s15], $0x1, s8, s15, $0xb8;
	[tilespmem:$0x1DD80] =	vst v63  }
0x56: {  	s20 =	sshll.u32 s16, $0x1;
	[tilespmem:$0x1FF70] =	vst v1;
	s17 =	simm.s32 @!p0 $0x2200  }
0x57: {  	v1 =	vmov s3;
	[tilespmem:s17], [sflag:$0x1] =	stream.indirect.gather @!p0 [hbm4b:s1+s15], $0x1, s8, s15, $0xb8;
	[tilespmem:$0x1DD80] =	vst v63  }
0x58: {  	s22 =	simm.s32 $0x0;
	[tilespmem:$0x1FF80] =	vst v1;
	s15 =	simm.s32 $0x2580;
	s17 =	simm.s32 $0x6580  }
.LBB2_3:
0x59: {  	s8 =	sshra.s32 s22, $0x2  }
0x5a: {  	v1 =	vld [tilespmem:s8+$0x2300];
	_ =	sdelay $0x4  }
0x5b: {  	v1 =	vshll.u32 v1, $0x8  }
0x5c: {  	v3 =	vshra.s32 v1, $0x2  }
0x5d: {  	(v2sf) =	vpush v3, $0x0;
	_ =	sdelay $0xa  }
0x5e: {  	(v2sf) =	vpush v3, $0x1;
	_ =	sdelay $0x3  }
0x5f: {  	s9 =	spop (v2sf);
	(v2sf) =	vpush v3, $0x2;
	_ =	sdelay $0x6  }
0x60: {  	v1 =	vld [tilespmem:s17+$0xFFFFFE30]  }
0x61: {  	v6 =	vld [tilespmem:s9+$0xA380]  }
0x62: {  	v12 =	vld [tilespmem:s9+$0xA390]  }
0x63: {  	v18 =	vld [tilespmem:s9+$0xA3A0]  }
0x64: {  	v52 =	vld [tilespmem:s9+$0xA3B0];
	s9 =	spop (v2sf);
	(v2sf) =	vpush v3, $0x3  }
0x65: {  	[tilespmem:$0x1FAE0] =	vst v1;
	v1 =	vld [tilespmem:s9+$0xA380]  }
0x66: {  	v4 =	vld [tilespmem:s9+$0xA390]  }
0x67: {  	v9 =	vld [tilespmem:s9+$0xA3A0]  }
0x68: {  	v30 =	vld [tilespmem:s9+$0xA3B0];
	s9 =	spop (v2sf);
	(v2sf) =	vpush v3, $0x4;
	_ =	sdelay $0x2  }
0x69: {  	v5 =	vld [tilespmem:s17+$0xFFFFFE70];
	_ =	sdelay $0x3  }
0x6a: {  	v11 =	vld [tilespmem:s17+$0xFFFFFEA0]  }
0x6b: {  	[tilespmem:$0x1FAF0] =	vst v5;
	v5 =	vld [tilespmem:s9+$0xA380]  }
0x6c: {  	v15 =	vld [tilespmem:s9+$0xA390]  }
0x6d: {  	v28 =	vld [tilespmem:s9+$0xA3A0]  }
0x6e: {  	v24 =	vld [tilespmem:s9+$0xA3B0];
	s9 =	spop (v2sf);
	(v2sf) =	vpush v3, $0x5  }
0x6f: {  	v13 =	vld [tilespmem:s9+$0xA380]  }
0x70: {  	v20 =	vld [tilespmem:s9+$0xA390]  }
0x71: {  	v50 =	vld [tilespmem:s9+$0xA3A0]  }
0x72: {  	v35 =	vld [tilespmem:s9+$0xA3B0];
	s9 =	spop (v2sf);
	(v2sf) =	vpush v3, $0x6  }
0x73: {  	v45 =	vld [tilespmem:s17+$0xFFFFFEF0]  }
0x74: {  	v31 =	vld [tilespmem:s17+$0xFFFFFF10]  }
0x75: {  	v33 =	vld [tilespmem:s17+$0xFFFFFF20]  }
0x76: {  	v46 =	vld [tilespmem:s15+$0xFFFFFF30]  }
0x77: {  	v38 =	vld [tilespmem:s17+$0xFFFFFF50]  }
0x78: {  	v54 =	vld [tilespmem:s17+$0xFFFFFF60]  }
0x79: {  	v61 =	vld [tilespmem:s17+$0xFFFFFF80]  }
0x7a: {  	[tilespmem:$0x1FB00] =	vst v11;
	v11 =	vld [tilespmem:s9+$0xA380]  }
0x7b: {  	[tilespmem:$0x1FB40] =	vst v31;
	v31 =	vld [tilespmem:s9+$0xA390]  }
0x7c: {  	[tilespmem:$0x1FB30] =	vst v45;
	v45 =	vld [tilespmem:s9+$0xA3A0]  }
0x7d: {  	[tilespmem:$0x1FB50] =	vst v46;
	v46 =	vld [tilespmem:s9+$0xA3B0];
	s9 =	spop (v2sf)  }
0x7e: {  	[tilespmem:$0x1FB60] =	vst v33;
	v33 =	vld [tilespmem:s9+$0xA380]  }
0x7f: {  	[tilespmem:$0x1FB90] =	vst v38;
	v38 =	vld [tilespmem:s9+$0xA390]  }
0x80: {  	v55 =	vld [tilespmem:s9+$0xA3A0]  }
0x81: {  	[tilespmem:$0x1FBD0] =	vst v54;
	v54 =	vld [tilespmem:s9+$0xA3B0];
	s9 =	spop (v2sf)  }
0x82: {  	[tilespmem:$0x1FBF0] =	vst v61;
	v61 =	vld [tilespmem:s9+$0xA3A0];
	_ =	sdelay $0x4  }
0x83: {  	[tilespmem:$0x1FC20] =	vst v61;
	v61 =	vld [tilespmem:s17+$0xFFFFFFB0];
	_ =	sdelay $0x4  }
0x84: {  	[tilespmem:$0x1FC80] =	vst v61;
	v61 =	vld [tilespmem:s15+$0xFFFFFFC0];
	_ =	sdelay $0x4  }
0x85: {  	[tilespmem:$0x1FC50] =	vst v61;
	v61 =	vld [tilespmem:s15+$0xFFFFFFD0];
	_ =	sdelay $0x3  }
0x86: {  	(v2sf) =	vpush v3, $0x7  }
0x87: {  	[tilespmem:$0x1FC70] =	vst v61;
	v61 =	vld [tilespmem:s17+$0xFFFFFFD0];
	_ =	sdelay $0x2  }
0x88: {  	v42 =	vld [tilespmem:s17+$0xFFFFFEB0]  }
0x89: {  	v62 =	vld [tilespmem:s17+$0xFFFFFFA0]  }
0x8a: {  	[tilespmem:$0x1FCA0] =	vst v61;
	v61 =	vld [tilespmem:s15+$0xFFFFFFE0];
	_ =	sdelay $0x1  }
0x8b: {  	v39 =	vld [tilespmem:s15+$0xFFFFFF60]  }
0x8c: {  	[tilespmem:$0x1FB10] =	vst v42;
	v42 =	vld [tilespmem:s17+$0xFFFFFF90]  }
0x8d: {  	[tilespmem:$0x1FC60] =	vst v62;
	v62 =	vld [tilespmem:s15+$0xFFFFFFB0]  }
0x8e: {  	[tilespmem:$0x1FCB0] =	vst v61;
	v61 =	vld [tilespmem:s17+$0xFFFFFFE0];
	_ =	sdelay $0x1  }
0x8f: {  	[tilespmem:$0x1FBA0] =	vst v39;
	v39 =	vld [tilespmem:s9+$0xA380]  }
0x90: {  	[tilespmem:$0x1FC00] =	vst v42;
	v42 =	vld [tilespmem:s9+$0xA390]  }
0x91: {  	[tilespmem:$0x1FC30] =	vst v62;
	v62 =	vld [tilespmem:s9+$0xA3B0];
	s9 =	spop (v2sf)  }
0x92: {  	[tilespmem:$0x1FD10] =	vst v61;
	v61 =	vld [tilespmem:s9+$0xA3A0];
	_ =	sdelay $0x4  }
0x93: {  	[tilespmem:$0x1FCC0] =	vst v61;
	v61 =	vld [tilespmem:s15+$0xFFFFFFF0];
	_ =	sdelay $0x4  }
0x94: {  	[tilespmem:$0x1FCD0] =	vst v61;
	v61 =	vld [tilespmem:s17+$0xFFFFFFF0];
	_ =	sdelay $0x3  }
0x95: {  	(v2sf) =	vpush v3, $0x8  }
0x96: {  	[tilespmem:$0x1FD40] =	vst v61;
	v61 =	vld [tilespmem:s9+$0xA3B0];
	_ =	sdelay $0x2  }
0x97: {  	v57 =	vld [tilespmem:s17+$0xFFFFFF70];
	_ =	sdelay $0x1  }
0x98: {  	[tilespmem:$0x1FCE0] =	vst v61;
	v61 =	vld [tilespmem:s15+$0x0];
	_ =	sdelay $0x2  }
0x99: {  	[tilespmem:$0x1FBE0] =	vst v57;
	v57 =	vld [tilespmem:s15+$0xFFFFFFA0]  }
0x9a: {  	[tilespmem:$0x1FC40] =	vst v62;
	v62 =	vld [tilespmem:s17+$0xFFFFFFC0]  }
0x9b: {  	[tilespmem:$0x1FCF0] =	vst v61;
	v61 =	vld [tilespmem:s17+$0x0];
	_ =	sdelay $0x2  }
0x9c: {  	[tilespmem:$0x1FC10] =	vst v57;
	v57 =	vld [tilespmem:s9+$0xA380]  }
0x9d: {  	[tilespmem:$0x1FC90] =	vst v62;
	v62 =	vld [tilespmem:s9+$0xA390];
	s9 =	spop (v2sf)  }
0x9e: {  	[tilespmem:$0x1FD50] =	vst v61;
	v61 =	vld [tilespmem:s9+$0xA380];
	_ =	sdelay $0x4  }
0x9f: {  	[tilespmem:$0x1FD00] =	vst v61;
	v61 =	vld [tilespmem:s15+$0x10];
	_ =	sdelay $0x4  }
0xa0: {  	[tilespmem:$0x1FD20] =	vst v61;
	v61 =	vld [tilespmem:s17+$0x10];
	_ =	sdelay $0x4  }
0xa1: {  	[tilespmem:$0x1FD60] =	vst v61;
	v61 =	vld [tilespmem:s9+$0xA390];
	_ =	sdelay $0x4  }
0xa2: {  	[tilespmem:$0x1FD30] =	vst v61;
	v61 =	vld [tilespmem:s15+$0x20];
	_ =	sdelay $0x1  }
0xa3: {  	v14 =	vld [tilespmem:s15+$0xFFFFFE00]  }
0xa4: {  	v26 =	vld [tilespmem:s17+$0xFFFFFE00]  }
0xa5: {  	v17 =	vld [tilespmem:s15+$0xFFFFFE10]  }
0xa6: {  	[tilespmem:$0x1FD70] =	vst v61;
	v61 =	vld [tilespmem:s17+$0x20]  }
0xa7: {  	v48 =	vld [tilespmem:s17+$0xFFFFFE10]  }
0xa8: {  	v23 =	vld [tilespmem:s15+$0xFFFFFE20]  }
0xa9: {  	v43 =	vld [tilespmem:s17+$0xFFFFFE20]  }
0xaa: {  	v53 =	vld [tilespmem:s15+$0xFFFFFE30]  }
0xab: {  	[tilespmem:$0x1FDB0] =	vst v61;
	v61 =	vld [tilespmem:s9+$0xA3A0]  }
0xac: {  	v2 =	vld [tilespmem:s15+$0xFFFFFE40]  }
0xad: {  	v8 =	vld [tilespmem:s17+$0xFFFFFE40]  }
0xae: {  	v7 =	vld [tilespmem:s15+$0xFFFFFE50]  }
0xaf: {  	v22 =	vld [tilespmem:s17+$0xFFFFFE50]  }
0xb0: {  	[tilespmem:$0x1FD80] =	vst v61;
	v61 =	vld [tilespmem:s15+$0x30]  }
0xb1: {  	v16 =	vld [tilespmem:s15+$0xFFFFFE60]  }
0xb2: {  	v41 =	vld [tilespmem:s17+$0xFFFFFE60]  }
0xb3: {  	v37 =	vld [tilespmem:s15+$0xFFFFFE70]  }
0xb4: {  	v10 =	vld [tilespmem:s15+$0xFFFFFE80]  }
0xb5: {  	[tilespmem:$0x1FD90] =	vst v61;
	v61 =	vld [tilespmem:s17+$0x30]  }
0xb6: {  	v27 =	vld [tilespmem:s17+$0xFFFFFE80]  }
0xb7: {  	v19 =	vld [tilespmem:s15+$0xFFFFFE90]  }
0xb8: {  	v40 =	vld [tilespmem:s17+$0xFFFFFE90]  }
0xb9: {  	v34 =	vld [tilespmem:s15+$0xFFFFFEA0];
	(v2sf) =	vpush v3, $0x9  }
0xba: {  	[tilespmem:$0x1FDE0] =	vst v61;
	v61 =	vld [tilespmem:s9+$0xA3B0]  }
0xbb: {  	v32 =	vld [tilespmem:s15+$0xFFFFFEB0]  }
0xbc: {  	v25 =	vld [tilespmem:s15+$0xFFFFFEC0]  }
0xbd: {  	v60 =	vld [tilespmem:s17+$0xFFFFFEC0]  }
0xbe: {  	v29 =	vld [tilespmem:s15+$0xFFFFFED0]  }
0xbf: {  	[tilespmem:$0x1FDA0] =	vst v61;
	v61 =	vld [tilespmem:s15+$0x40]  }
0xc0: {  	v58 =	vld [tilespmem:s17+$0xFFFFFED0]  }
0xc1: {  	v63 =	vld [tilespmem:s15+$0xFFFFFEE0]  }
0xc2: {  	v44 =	vld [tilespmem:s17+$0xFFFFFEE0]  }
0xc3: {  	v51 =	vld [tilespmem:s15+$0xFFFFFEF0]  }
0xc4: {  	[tilespmem:$0x1FDC0] =	vst v61;
	v61 =	vld [tilespmem:s17+$0x40]  }
0xc5: {  	v21 =	vld [tilespmem:s15+$0xFFFFFF00]  }
0xc6: {  	v36 =	vld [tilespmem:s15+$0xFFFFFF10]  }
0xc7: {  	v59 =	vld [tilespmem:s15+$0xFFFFFF20]  }
0xc8: {  	v47 =	vld [tilespmem:s17+$0xFFFFFF30];
	s9 =	spop (v2sf)  }
0xc9: {  	[tilespmem:$0x1FE10] =	vst v61;
	v61 =	vld [tilespmem:s9+$0xA380]  }
0xca: {  	v49 =	vld [tilespmem:s17+$0xFFFFFF40]  }
0xcb: {  	v56 =	vld [tilespmem:s15+$0xFFFFFF70]  }
0xcc: {  	[tilespmem:$0x1FB20] =	vst v44;
	v44 =	vld [tilespmem:s17+$0xFFFFFF00]  }
0xcd: {  	[tilespmem:$0x1FB70] =	vst v47;
	v47 =	vld [tilespmem:s15+$0xFFFFFF40]  }
0xce: {  	[tilespmem:$0x1FDD0] =	vst v61;
	v61 =	vld [tilespmem:s15+$0x50]  }
0xcf: {  	[tilespmem:$0x1FB80] =	vst v49;
	v49 =	vld [tilespmem:s15+$0xFFFFFF50];
	v6 =	vmul.f32 v6, v14  }
0xd0: {  	[tilespmem:$0x1FBC0] =	vst v56;
	v56 =	vld [tilespmem:s15+$0xFFFFFF90];
	v12 =	vmul.f32 v12, v17  }
0xd1: {  	v14 =	vmul.f32 v52, v53;
	v52 =	vld [tilespmem:s15+$0xD0];
	v6 =	vmul.f32 v6, v26  }
0xd2: {  	v26 =	vmul.f32 v18, v23;
	v18 =	vld [tilespmem:$0x1FAE0]  }
0xd3: {  	v1 =	vmul.f32 v1, v2;
	v2 =	vmul.f32 v12, v48;
	v6 =	vadd.f32 $0.0e+00, v6;
	[tilespmem:$0x1FDF0] =	vst v61;
	v61 =	vld [tilespmem:s17+$0x50]  }
0xd4: {  	v53 =	vld [tilespmem:s17+$0xD0]  }
0xd5: {  	v4 =	vmul.f32 v4, v7;
	v7 =	vld [tilespmem:s17+$0xE0];
	v12 =	vmul.f32 v26, v43;
	v2 =	vadd.f32 v2, v6  }
0xd6: {  	v48 =	vld [tilespmem:s17+$0xC0];
	v1 =	vmul.f32 v1, v8  }
0xd7: {  	v8 =	vld [tilespmem:s15+$0xE0];
	v6 =	vmul.f32 v14, v18;
	v2 =	vadd.f32 v12, v2  }
0xd8: {  	v4 =	vmul.f32 v4, v22;
	v1 =	vadd.f32 $0.0e+00, v1;
	[tilespmem:$0x1FE40] =	vst v61;
	v61 =	vld [tilespmem:s9+$0xA390]  }
0xd9: {  	v43 =	vld [tilespmem:s17+$0xF0];
	v2 =	vadd.f32 v6, v2  }
0xda: {  	v1 =	vadd.f32 v4, v1;
	v4 =	vld [tilespmem:s15+$0xF0]  }
0xdb: {  	[tilespmem:$0x1FF60] =	vst v2;
	v2 =	vld [tilespmem:$0x1FAF0]  }
0xdc: {  	v34 =	vmul.f32 v28, v34;
	v28 =	vld [tilespmem:$0x1FB20]  }
0xdd: {  	v23 =	vmul.f32 v30, v37;
	v5 =	vmul.f32 v5, v10;
	[tilespmem:$0x1FE00] =	vst v61;
	v61 =	vld [tilespmem:s15+$0x60]  }
0xde: {  	v37 =	vmul.f32 v24, v32;
	v32 =	vld [tilespmem:$0x1FB50];
	v13 =	vmul.f32 v13, v25  }
0xdf: {  	v20 =	vmul.f32 v20, v29;
	v25 =	vmul.f32 v35, v51;
	v29 =	vld [tilespmem:$0x1FB30]  }
0xe0: {  	v51 =	vld [tilespmem:$0x1FBE0];
	v26 =	vmul.f32 v5, v27;
	v27 =	vmul.f32 v15, v19  }
0xe1: {  	v15 =	vld [tilespmem:s15+$0x110]  }
0xe2: {  	v30 =	vmul.f32 v27, v40;
	v12 =	vadd.f32 $0.0e+00, v26;
	[tilespmem:$0x1FE20] =	vst v61;
	v61 =	vld [tilespmem:s17+$0x60]  }
0xe3: {  	v40 =	vld [tilespmem:$0x1FB00]  }
0xe4: {  	v6 =	vadd.f32 v30, v12;
	v12 =	vld [tilespmem:s15+$0x100]  }
0xe5: {  	v30 =	vld [tilespmem:$0x1FB40]  }
0xe6: {  	v18 =	vmul.f32 v25, v29;
	v25 =	vld [tilespmem:s15+$0x130]  }
0xe7: {  	(v2sf) =	vpush v3, $0xA;
	[tilespmem:$0x1FE70] =	vst v61;
	v61 =	vld [tilespmem:s9+$0xA3A0]  }
0xe8: {  	v2 =	vmul.f32 v23, v2;
	v23 =	vmul.f32 v11, v21;
	v11 =	vld [tilespmem:s17+$0x100]  }
0xe9: {  	v27 =	vmul.f32 v31, v36;
	v36 =	vld [tilespmem:$0x1FB60]  }
0xea: {  	v31 =	vmul.f32 v45, v59;
	v59 =	vld [tilespmem:$0x1FC30]  }
0xeb: {  	[tilespmem:$0x1FBB0] =	vst v55;
	v55 =	vld [tilespmem:s15+$0xFFFFFF80]  }
0xec: {  	[tilespmem:$0x1FE30] =	vst v61;
	v61 =	vld [tilespmem:s15+$0x70]  }
0xed: {  	v26 =	vmul.f32 v23, v44;
	v44 =	vld [tilespmem:$0x1FBA0]  }
0xee: {  	v45 =	vld [tilespmem:$0x1FBB0]  }
0xef: {  	v19 =	vmul.f32 v27, v30;
	v27 =	vld [tilespmem:s15+$0x140]  }
0xf0: {  	v35 =	vmul.f32 v33, v47;
	v47 =	vmul.f32 v39, v55;
	v55 =	vld [tilespmem:$0x1FC00]  }
0xf1: {  	[tilespmem:$0x1FE80] =	vst v61;
	v61 =	vld [tilespmem:s17+$0x70]  }
0xf2: {  	v24 =	vmul.f32 v50, v63;
	v50 =	vmul.f32 v42, v56;
	v56 =	vld [tilespmem:$0x1FC10]  }
0xf3: {  	v13 =	vmul.f32 v13, v60;
	v60 =	vld [tilespmem:$0x1FC40]  }
0xf4: {  	v63 =	vld [tilespmem:$0x1FC50]  }
0xf5: {  	v39 =	vld [tilespmem:$0x1FCA0]  }
0xf6: {  	[tilespmem:$0x1FED0] =	vst v61;
	v61 =	vld [tilespmem:s9+$0xA3B0];
	s9 =	spop (v2sf)  }
0xf7: {  	v17 =	vld [tilespmem:s9+$0xA3B0]  }
0xf8: {  	v42 =	vld [tilespmem:$0x1FCD0]  }
0xf9: {  	v23 =	vmul.f32 v45, v44;
	v44 =	vld [tilespmem:$0x1FCE0]  }
0xfa: {  	v45 =	vld [tilespmem:$0x1FCF0]  }
0xfb: {  	v33 =	vmul.f32 v57, v63;
	v57 =	vld [tilespmem:$0x1FD80]  }
0xfc: {  	v63 =	vld [tilespmem:$0x1FDD0];
	[tilespmem:$0x1FF20] =	vst v17;
	v17 =	vmul.f32 v9, v16  }
0xfd: {  	[tilespmem:$0x1FE90] =	vst v61;
	v61 =	vld [tilespmem:s15+$0x80]  }
0xfe: {  	v22 =	vmul.f32 v17, v41;
	v17 =	vmul.f32 v24, v28;
	v24 =	vld [tilespmem:s15+$0x120]  }
0xff: {  	v41 =	vmul.f32 v34, v40;
	v40 =	vld [tilespmem:$0x1FB80]  }
0x100: {  	v34 =	vmul.f32 v46, v32;
	v46 =	vld [tilespmem:$0x1FBC0]  }
0x101: {  	v28 =	vld [tilespmem:s17+$0x130]  }
0x102: {  	v32 =	vmul.f32 v60, v59;
	v59 =	vld [tilespmem:$0x1FDA0]  }
0x103: {  	v60 =	vld [tilespmem:$0x1FDB0]  }
0x104: {  	[tilespmem:$0x1FE50] =	vst v61;
	v61 =	vld [tilespmem:s17+$0x80]  }
0x105: {  	v6 =	vadd.f32 v41, v6;
	v41 =	vld [tilespmem:$0x1FB90]  }
0x106: {  	v1 =	vadd.f32 v22, v1;
	v22 =	vmul.f32 v20, v58;
	v58 =	vld [tilespmem:$0x1FC20]  }
0x107: {  	v13 =	vadd.f32 $0.0e+00, v13;
	v20 =	vmul.f32 v31, v36;
	v31 =	vld [tilespmem:s17+$0x140]  }
0x108: {  	v36 =	vld [tilespmem:$0x1FC70]  }
0x109: {  	v2 =	vadd.f32 v2, v1;
	v1 =	vld [tilespmem:$0x1FB10];
	v14 =	vadd.f32 v22, v13  }
0x10a: {  	v13 =	vld [tilespmem:s17+$0x110]  }
0x10b: {  	v14 =	vadd.f32 v17, v14;
	v17 =	vld [tilespmem:s17+$0x120]  }
0x10c: {  	[tilespmem:$0x1FEA0] =	vst v61;
	v61 =	vld [tilespmem:s9+$0xA380]  }
0x10d: {  	v29 =	vmul.f32 v58, v56;
	v56 =	vld [tilespmem:$0x1FD70]  }
0x10e: {  	v58 =	vld [tilespmem:$0x1FD90]  }
0x10f: {  	v1 =	vmul.f32 v37, v1;
	v37 =	vmul.f32 v38, v49;
	v38 =	vld [tilespmem:$0x1FB70]  }
0x110: {  	v49 =	vld [tilespmem:$0x1FBD0]  }
0x111: {  	v1 =	vadd.f32 v1, v6;
	v6 =	vadd.f32 $0.0e+00, v26;
	v26 =	vmul.f32 v54, v46;
	v54 =	vld [tilespmem:$0x1FBF0]  }
0x112: {  	v46 =	vld [tilespmem:$0x1FD00]  }
0x113: {  	[tilespmem:$0x1FE60] =	vst v61;
	v61 =	vld [tilespmem:s15+$0x90]  }
0x114: {  	v19 =	vadd.f32 v19, v6;
	v6 =	vadd.f32 v18, v14;
	v18 =	vmul.f32 v35, v40;
	v35 =	vld [tilespmem:$0x1FC60]  }
0x115: {  	v40 =	vld [tilespmem:$0x1FCB0]  }
0x116: {  	v14 =	vmul.f32 v34, v38;
	v38 =	vld [tilespmem:$0x1FC90]  }
0x117: {  	v23 =	vmul.f32 v23, v49;
	v49 =	vld [tilespmem:$0x1FD20]  }
0x118: {  	v19 =	vadd.f32 v20, v19;
	v20 =	vmul.f32 v37, v41;
	v37 =	vld [tilespmem:$0x1FC80]  }
0x119: {  	v41 =	vld [tilespmem:$0x1FCC0]  }
0x11a: {  	v18 =	vadd.f32 $0.0e+00, v18;
	[tilespmem:$0x1FEB0] =	vst v61;
	v61 =	vld [tilespmem:s17+$0x90]  }
0x11b: {  	v14 =	vadd.f32 v14, v19;
	v19 =	vmul.f32 v26, v51;
	v26 =	vmul.f32 v47, v54;
	v47 =	vld [tilespmem:$0x1FD10]  }
0x11c: {  	v18 =	vadd.f32 v20, v18;
	v20 =	vmul.f32 v50, v55;
	v50 =	vld [tilespmem:$0x1FD30]  }
0x11d: {  	v51 =	vld [tilespmem:$0x1FD40]  }
0x11e: {  	v54 =	vld [tilespmem:$0x1FD50]  }
0x11f: {  	v55 =	vld [tilespmem:$0x1FD60]  }
0x120: {  	v26 =	vadd.f32 $0.0e+00, v26;
	v18 =	vadd.f32 v23, v18;
	v23 =	vmul.f32 v29, v35;
	v35 =	vld [tilespmem:s15+$0x150]  }
0x121: {  	v29 =	vmul.f32 v62, v36;
	v62 =	vld [tilespmem:$0x1FDC0]  }
0x122: {  	v20 =	vadd.f32 v20, v26;
	v26 =	vmul.f32 v32, v37;
	v32 =	vmul.f32 v33, v38;
	v33 =	vld [tilespmem:s17+$0x150]  }
0x123: {  	v38 =	vld [tilespmem:s15+$0x160]  }
0x124: {  	v18 =	vadd.f32 v19, v18;
	v19 =	vmul.f32 v29, v39;
	v29 =	vmul.f32 v41, v40;
	v40 =	vld [tilespmem:s17+$0x160]  }
0x125: {  	v41 =	vld [tilespmem:s15+$0x170]  }
0x126: {  	v37 =	vmul.f32 v46, v45;
	v45 =	vld [tilespmem:s15+$0x180]  }
0x127: {  	v46 =	vld [tilespmem:s17+$0x180]  }
0x128: {  	[tilespmem:$0x1FF00] =	vst v61;
	v61 =	vld [tilespmem:s9+$0xA390]  }
0x129: {  	v39 =	vmul.f32 v50, v49;
	v49 =	vld [tilespmem:$0x1FDE0]  }
0x12a: {  	(v2sf) =	vpush v3, $0xB;
	v50 =	vld [tilespmem:$0x1FDF0]  }
0x12b: {  	v20 =	vadd.f32 v23, v20;
	v23 =	vmul.f32 v44, v42;
	v42 =	vmul.f32 v59, v58;
	v58 =	vld [tilespmem:$0x1FE50]  }
0x12c: {  	v59 =	vld [tilespmem:$0x1FE60]  }
0x12d: {  	v23 =	vmul.f32 v23, v51;
	v51 =	vld [tilespmem:$0x1FE00]  }
0x12e: {  	v32 =	vadd.f32 $0.0e+00, v32;
	v20 =	vadd.f32 v26, v20;
	v26 =	vmul.f32 v37, v54;
	v54 =	vld [tilespmem:$0x1FE10]  }
0x12f: {  	(v2sf) =	vpush v3, $0xC;
	[tilespmem:$0x1FEC0] =	vst v61;
	v61 =	vld [tilespmem:s15+$0xA0]  }
0x130: {  	v19 =	vadd.f32 v19, v32;
	v32 =	vmul.f32 v39, v55;
	v55 =	vld [tilespmem:$0x1FE20]  }
0x131: {  	v29 =	vmul.f32 v29, v47;
	v39 =	vmul.f32 v57, v56;
	v56 =	vld [tilespmem:$0x1FE30]  }
0x132: {  	v57 =	vld [tilespmem:$0x1FE40]  }
0x133: {  	v19 =	vadd.f32 v29, v19;
	v29 =	vmul.f32 v39, v60;
	v60 =	vld [tilespmem:$0x1FE70]  }
0x134: {  	[tilespmem:$0x1FEE0] =	vst v61;
	v61 =	vld [tilespmem:s17+$0xA0]  }
0x135: {  	v39 =	vmul.f32 v63, v62;
	v62 =	vld [tilespmem:$0x1FE80]  }
0x136: {  	v63 =	vld [tilespmem:$0x1FE90]  }
0x137: {  	v19 =	vadd.f32 v23, v19;
	v23 =	vmul.f32 v39, v54;
	v54 =	vld [tilespmem:$0x1FEA0]  }
0x138: {  	v39 =	vmul.f32 v56, v55;
	v55 =	vld [tilespmem:$0x1FEB0]  }
0x139: {  	[tilespmem:$0x1FF30] =	vst v61;
	v61 =	vld [tilespmem:s9+$0xA3A0];
	s9 =	spop (v2sf)  }
0x13a: {  	[tilespmem:$0x1FF50] =	vst v48;
	(v2sf) =	vpush v3, $0xD;
	v48 =	vld [tilespmem:s9+$0xA380]  }
0x13b: {  	v10 =	vld [tilespmem:s9+$0xA390]  }
0x13c: {  	v5 =	vld [tilespmem:s9+$0xA3A0]  }
0x13d: {  	v9 =	vld [tilespmem:s9+$0xA3B0]  }
0x13e: {  	s9 =	spop (v2sf);
	(v2sf) =	vpush v3, $0xE;
	[tilespmem:$0x1FEF0] =	vst v61;
	v61 =	vld [tilespmem:s15+$0xB0]  }
0x13f: {  	v56 =	vld [tilespmem:$0x1FEC0]  }
0x140: {  	v39 =	vmul.f32 v39, v60;
	v60 =	vld [tilespmem:$0x1FF00]  }
0x141: {  	v16 =	vld [tilespmem:s9+$0xA380]  }
0x142: {  	v21 =	vld [tilespmem:s9+$0xA390]  }
0x143: {  	[tilespmem:$0x1FF10] =	vst v61;
	v61 =	vld [tilespmem:s17+$0xB0]  }
0x144: {  	v22 =	vld [tilespmem:s9+$0xA3A0]  }
0x145: {  	v30 =	vld [tilespmem:s9+$0xA3B0]  }
0x146: {  	v5 =	vmul.f32 v5, v8;
	v8 =	vld [tilespmem:s15+$0x1B0]  }
0x147: {  	v12 =	vmul.f32 v16, v12;
	v16 =	vld [tilespmem:s17+$0x1B0]  }
0x148: {  	[tilespmem:$0x1FF40] =	vst v61;
	v61 =	vld [tilespmem:s15+$0xC0]  }
0x149: {  	s9 =	spop (v2sf);
	(v2sf) =	vpush v3, $0xF;
	v3 =	vadd.f32 $0.0e+00, v26;
	v26 =	vld [tilespmem:s17+$0x170]  }
0x14a: {  	v34 =	vld [tilespmem:s9+$0xA380]  }
0x14b: {  	v36 =	vld [tilespmem:s9+$0xA390]  }
0x14c: {  	v37 =	vld [tilespmem:s9+$0xA3A0]  }
0x14d: {  	v44 =	vld [tilespmem:s9+$0xA3B0];
	s9 =	spop (v2sf)  }
0x14e: {  	v47 =	vld [tilespmem:s9+$0xA380]  }
0x14f: {  	v3 =	vadd.f32 v32, v3;
	v32 =	vmul.f32 v42, v49;
	v42 =	vmul.f32 v51, v50;
	v50 =	vld [tilespmem:s15+$0x190]  }
0x150: {  	v51 =	vld [tilespmem:s17+$0x190]  }
0x151: {  	v49 =	vmul.f32 v63, v62;
	v62 =	vld [tilespmem:$0x1FF10]  }
0x152: {  	v63 =	vld [tilespmem:$0x1FF20]  }
0x153: {  	v10 =	vmul.f32 v10, v52;
	v52 =	vld [tilespmem:s9+$0xA3A0]  }
0x154: {  	v3 =	vadd.f32 v29, v3;
	v29 =	vmul.f32 v42, v57;
	v42 =	vmul.f32 v59, v58;
	v57 =	vld [tilespmem:$0x1FED0]  }
0x155: {  	v58 =	vld [tilespmem:$0x1FEE0]  }
0x156: {  	v59 =	vld [tilespmem:$0x1FEF0];
	v3 =	vadd.f32 v32, v3;
	v32 =	vmul.f32 v42, v54;
	v42 =	vmul.f32 v56, v55  }
0x157: {  	v4 =	vmul.f32 v9, v4;
	v10 =	vmul.f32 v10, v53;
	v9 =	vld [tilespmem:s9+$0xA3B0]  }
0x158: {  	v23 =	vadd.f32 $0.0e+00, v23;
	v5 =	vmul.f32 v5, v7;
	v42 =	vmul.f32 v42, v60;
	v60 =	vld [tilespmem:$0x1FF30]  }
0x159: {  	v4 =	vmul.f32 v4, v43;
	v48 =	vmul.f32 v48, v61;
	v61 =	vld [tilespmem:$0x1FF40]  }
0x15a: {  	v11 =	vmul.f32 v12, v11;
	v23 =	vadd.f32 v29, v23;
	v55 =	vmul.f32 v63, v62;
	v62 =	vld [tilespmem:$0x1FF50]  }
0x15b: {  	v54 =	vld [tilespmem:s9+$0xA390];
	v32 =	vadd.f32 $0.0e+00, v32;
	v29 =	vmul.f32 v49, v57;
	v49 =	vmul.f32 v59, v58  }
0x15c: {  	v56 =	vld [tilespmem:s15+$0x1A0];
	v53 =	vmul.f32 v34, v27;
	v8 =	vmul.f32 v9, v8  }
0x15d: {  	v23 =	vadd.f32 v39, v23;
	v57 =	vld [tilespmem:$0x1FF60];
	v32 =	vadd.f32 v42, v32;
	v39 =	vmul.f32 v49, v60  }
0x15e: {  	v42 =	vmul.f32 v55, v61;
	v55 =	vld [tilespmem:s15+$0x1D0];
	v61 =	vmul.f32 v53, v31  }
0x15f: {  	v31 =	vld [tilespmem:s15+$0x1E0];
	v23 =	vadd.f32 v29, v23;
	v29 =	vmul.f32 v48, v62;
	v32 =	vadd.f32 v39, v32  }
0x160: {  	v59 =	vmul.f32 v36, v35;
	v62 =	vmul.f32 v37, v38;
	v37 =	vld [tilespmem:s15+$0x1F0]  }
0x161: {  	v49 =	vld [tilespmem:s17+$0x1A0];
	v63 =	vadd.f32 $0.0e+00, v29;
	s9 =	spop (v2sf);
	v29 =	vadd.f32 v42, v32;
	v32 =	vmul.f32 v21, v15  }
0x162: {  	v34 =	vmul.f32 v54, v50;
	v39 =	vmul.f32 v22, v24;
	v43 =	vld [tilespmem:s9+$0xA380]  }
0x163: {  	v11 =	vadd.f32 $0.0e+00, v11;
	(xrf2) =	vadd.scan.msk.f32 $0xffff, v57;
	v15 =	vld [tilespmem:s15+$0x1C0];
	v42 =	vmul.f32 v30, v25;
	v12 =	vmul.f32 v32, v13  }
0x164: {  	v38 =	vmul.f32 v52, v56;
	(xrf2) =	vadd.scan.msk.f32 $0xffff, v2;
	v7 =	vadd.f32 v10, v63;
	v63 =	vld [tilespmem:s9+$0xA390];
	v48 =	vmul.f32 v39, v17  }
0x165: {  	(xrf2) =	vadd.scan.msk.f32 $0xffff, v1;
	v21 =	vld [tilespmem:s17+$0x1C0];
	v30 =	vmul.f32 v47, v45;
	v58 =	vmul.f32 v42, v28;
	v11 =	vadd.f32 v12, v11  }
0x166: {  	v35 =	vld [tilespmem:s9+$0xA3A0];
	(xrf2) =	vadd.scan.msk.f32 $0xffff, v6;
	v5 =	vadd.f32 v5, v7;
	v28 =	vmul.f32 v59, v33;
	v32 =	vmul.f32 v44, v41  }
0x167: {  	v60 =	vld [tilespmem:s17+$0x1D0];
	(xrf2) =	vadd.scan.msk.f32 $0xffff, v14;
	v42 =	vmul.f32 v38, v49;
	v1 =	vadd.f32 v48, v11;
	v11 =	vmul.f32 v30, v46  }
0x168: {  	v39 =	vld [tilespmem:s9+$0xA3B0];
	(xrf2) =	vadd.scan.msk.f32 $0xffff, v18;
	v2 =	vadd.f32 v4, v5;
	v4 =	vadd.f32 $0.0e+00, v61;
	v36 =	vmul.f32 v43, v15  }
0x169: {  	v33 =	vld [tilespmem:s17+$0x1E0];
	v5 =	vmul.f32 v62, v40;
	(xrf2) =	vadd.scan.msk.f32 $0xffff, v20;
	v12 =	vmul.f32 v34, v51;
	v11 =	vadd.f32 $0.0e+00, v11  }
0x16a: {  	(xrf2) =	vadd.scan.msk.f32 $0xffff, v19;
	v41 =	vmul.f32 v63, v55;
	v4 =	vadd.f32 v28, v4;
	v40 =	vmul.f32 v36, v21  }
0x16b: {  	v6 =	vmul.f32 v32, v26;
	v44 =	vmul.f32 v35, v31;
	(xrf2) =	vadd.scan.msk.f32 $0xffff, v3;
	v43 =	vld [tilespmem:s17+$0x1F0];
	v3 =	vadd.f32 v12, v11  }
0x16c: {  	(xrf2) =	vadd.scan.msk.f32 $0xffff, v23;
	v7 =	vmul.f32 v41, v60;
	v4 =	vadd.f32 v5, v4;
	v5 =	vadd.f32 $0.0e+00, v40  }
0x16d: {  	v49 =	vmul.f32 v39, v37;
	v46 =	vmul.f32 v8, v16;
	v45, _, _ =	vpop (xrf2);
	(xrf2) =	vadd.scan.msk.f32 $0xffff, v29;
	v3 =	vadd.f32 v42, v3  }
0x16e: {  	v48 =	vmul.f32 v44, v33;
	v1 =	vadd.f32 v58, v1;
	v47, _, _ =	vpop (xrf2);
	(xrf2) =	vadd.scan.msk.f32 $0xffff, v2;
	v2 =	vadd.f32 v7, v5  }
0x16f: {  	v4 =	vadd.f32 v6, v4;
	v8 =	vbroadcast v47, $0xF;
	v3 =	vadd.f32 v46, v3  }
0x170: {  	v50, _, _ =	vpop (xrf2);
	(xrf2) =	vadd.scan.msk.f32 $0xffff, v1;
	v1 =	vbroadcast v45, $0xF;
	v52 =	vmul.f32 v49, v43;
	v2 =	vadd.f32 v48, v2  }
0x171: {  	v51, _, _ =	vpop (xrf2);
	v53 =	vbroadcast v50, $0xF;
	(xrf2) =	vadd.scan.msk.f32 $0xffff, v4  }
0x172: {  	v6 =	vbroadcast v51, $0xF;
	v54, _, _ =	vpop (xrf2);
	v1 =	vsel vm1, v1, v8;
	v2 =	vadd.f32 v52, v2;
	(xrf2) =	vadd.scan.msk.f32 $0xffff, v3  }
0x173: {  	v55 =	vbroadcast v54, $0xF;
	v1 =	vsel vm2, v1, v53;
	v3, _, _ =	vpop (xrf2)  }
0x174: {  	v1 =	vsel vm3, v1, v6;
	v56, _, _ =	vpop (xrf2);
	v3 =	vbroadcast v3, $0xF  }
0x175: {  	v1 =	vsel vm4, v1, v55;
	v4 =	vbroadcast v56, $0xF;
	v57, _, _ =	vpop (xrf2)  }
0x176: {  	(xrf2) =	vadd.scan.msk.f32 $0xffff, v2;
	v2, _, _ =	vpop (xrf2);
	v1 =	vsel vm5, v1, v3;
	v3 =	vbroadcast v57, $0xF  }
0x177: {  	v58, _, _ =	vpop (xrf2);
	v1 =	vsel vm6, v1, v4;
	v2 =	vbroadcast v2, $0xF  }
0x178: {  	v59, _, _ =	vpop (xrf2);
	v1 =	vsel vm15, v1, v3;
	v3 =	vbroadcast v58, $0xF  }
0x179: {  	v60, _, _ =	vpop (xrf2);
	v1 =	vsel vm7, v1, v2;
	v2 =	vbroadcast v59, $0xF  }
0x17a: {  	v61, _, _ =	vpop (xrf2);
	v1 =	vsel vm8, v1, v3;
	v3 =	vbroadcast v60, $0xF  }
0x17b: {  	v62, _, _ =	vpop (xrf2);
	v1 =	vsel vm9, v1, v2;
	v2 =	vbroadcast v61, $0xF  }
0x17c: {  	v63, _, _ =	vpop (xrf2);
	v1 =	vsel vm10, v1, v3;
	v3 =	vbroadcast v62, $0xF  }
0x17d: {  	v1 =	vsel vm11, v1, v2;
	v2 =	vbroadcast v63, $0xF  }
0x17e: {  	v1 =	vsel vm12, v1, v3;
	v3 =	vld [tilespmem:$0x1FF70];
	_ =	sdelay $0x2  }
0x17f: {  	v1 =	vsel vm13, v1, v2;
	v2, _, _ =	vpop (xrf2)  }
0x180: {  	v1 =	vsel vm14, v1, v2  }
0x181: {  	v2 =	vand.u32 $0x7FFFFFFF, v1  }
0x182: {  	vm0 =	vge.f32 v1, $0.0e+00;
	v1 =	vxor.u32 $0xFFFFFFFF, v1;
	v2 =	vxor.u32 $0x80000000, v2  }
0x183: {  	v1 =	vsel vm0, v2, v1;
	v2 =	vld [tilespmem:$0x1FF80]  }
0x184: {  	v3 =	vld.idx.msk [tilespmem:v3+s8+$0x0 ss:$0x1], $0xffff;
	_ =	sdelay $0x1  }
0x185: {  	p1 =	sne.s32 s22, $0x1C0  }
.Ltmp0:
0x186: {  	_ = 	snop;
	(pc) =	sbr.rel @p1 .LBB2_3-.Ltmp0, $4  }
0x187: {  	_ = 	snop  }
0x188: {  	vm0 =	veq.s32 v3, $0x0  }
0x189: {  	v1 =	vsel vm0, $0x0, v1  }
0x18a: {  	s22 =	sadd.s32 $0x40, s22;
	s15 =	sadd.s32 $0x400, s15;
	s17 =	sadd.s32 $0x400, s17;
	[tilespmem:v2+s8+$0x0 ss:$0x1] =	vst.idx.msk $0xffff, v1  }
0x18b: {  	_ =	swait.ge [sflag:s29], $0x2000  }
0x18c: {  	[sflag:s29] =	ssyncset.done $0x0  }
0x18d: {  	[sflag:s29] =	ssyncadd.s32 $0xFFFFE000  }
0x18e: {  	s8 =	sor.u32 $0x1, s20;
	_ =	swait.ge [sflag:s29], $0x2000  }
0x18f: {  	p1 =	sgt.u32 s8, $0x3E;
	[sflag:s29] =	ssyncset.done $0x0  }
0x190: {  	s8 =	simm.s32 @!p1 $0x1;
	[sflag:s29] =	ssyncadd.s32 $0xFFFFE000  }
0x191: {  	_ =	swait.ge @!p1 [sflag:s8], $0x80  }
0x192: {  	[sflag:s8] =	ssyncset.done @!p1 $0x0  }
0x193: {  	[sflag:s8] =	ssyncadd.s32 @!p1 $0xFFFFFF80  }
0x194: {  	_ =	swait.ge @!p1 [sflag:s8], $0x80  }
0x195: {  	[sflag:s8] =	ssyncset.done @!p1 $0x0  }
0x196: {  	[sflag:s8] =	ssyncadd.s32 @!p1 $0xFFFFFF80  }
0x197: {  	_ =	swait.ge @!p1 [sflag:s8], $0x80  }
0x198: {  	s9 =	simm.s32 @!p1 $0x2000;
	[sflag:s8] =	ssyncset.done @!p1 $0x0  }
0x199: {  	s15 =	simm.s32 @!p1 $0x2380;
	[sflag:s8] =	ssyncadd.s32 @!p1 $0xFFFFFF80;
	s8 =	simm.s32 @!p1 $0x80  }
0x19a: {  	[tilespmem:s15], [sflag:$0x3] =	stream.indirect.gather @!p1 [hbm4b:s7+s8], $0x40, s9, s8, $0xb8;
	[tilespmem:$0x1DD80] =	vst v63  }
0x19b: {  	s9 =	simm.s32 @!p1 $0x2200;
	s15 =	simm.s32 @!p1 $0x6380  }
0x19c: {  	[tilespmem:s15], [sflag:$0x3] =	stream.indirect.gather @!p1 [hbm4b:s7+s8], $0x40, s9, s8, $0xb8;
	[tilespmem:$0x1DD80] =	vst v63  }
0x19d: {  	v1 =	vld [tilespmem:$0x2180]  }
0x19e: {  	v2 =	vld [tilespmem:$0x2190]  }
0x19f: {  	v3 =	vld [tilespmem:$0x21A0]  }
0x1a0: {  	v4 =	vld [tilespmem:$0x21B0]  }
0x1a1: {  	v5 =	vld [tilespmem:$0x21C0]  }
0x1a2: {  	[tilespmem:$0x2300] =	vst v1;
	v1 =	vld [tilespmem:$0x21D0]  }
0x1a3: {  	[tilespmem:$0x2310] =	vst v2;
	v2 =	vld [tilespmem:$0x21E0]  }
0x1a4: {  	[tilespmem:$0x2320] =	vst v3;
	v3 =	vld [tilespmem:$0x21F0]  }
0x1a5: {  	[tilespmem:$0x2330] =	vst v4  }
0x1a6: {  	[tilespmem:$0x2340] =	vst v5  }
0x1a7: {  	[tilespmem:$0x2350] =	vst v1  }
0x1a8: {  	[tilespmem:$0x2360] =	vst v2  }
0x1a9: {  	s8 =	sadd.s32 @!p0 $0x180, s19;
	s9 =	simm.s32 @!p0 $0x80;
	s15 =	simm.s32 @!p0 $0x2080;
	[tilespmem:$0x2370] =	vst v3  }
0x1aa: {  	[tilespmem:s15], [sflag:$0x2] =	stream.indirect.gather @!p0 [hbm4b:s5+s9], $0x1, s8, s9, $0xb8;
	[tilespmem:$0x1DD80] =	vst v63  }
0x1ab: {  	s15 =	simm.s32 @!p0 $0x2180  }
0x1ac: {  	v1 =	vmov s12;
	[tilespmem:s15], [sflag:$0x2] =	stream.indirect.gather @!p0 [hbm4b:s6+s9], $0x1, s8, s9, $0xb8;
	[tilespmem:$0x1DD80] =	vst v63  }
0x1ad: {  	[tilespmem:$0x1FAC0] =	vst v1;
	s15 =	simm.s32 @!p0 $0x2280  }
0x1ae: {  	v1 =	vmov s2;
	[tilespmem:s15], [sflag:$0x2] =	stream.indirect.gather @!p0 [hbm4b:s1+s9], $0x1, s8, s9, $0xb8;
	[tilespmem:$0x1DD80] =	vst v63  }
0x1af: {  	s17 =	simm.s32 $0x8770;
	s19 =	simm.s32 $0x0;
	[tilespmem:$0x1FAD0] =	vst v1;
	s15 =	simm.s32 $0x4770  }
.LBB2_5:
0x1b0: {  	s8 =	sshra.s32 s19, $0x2  }
0x1b1: {  	v1 =	vld [tilespmem:s8+$0x2300];
	_ =	sdelay $0x4  }
0x1b2: {  	v1 =	vshll.u32 v1, $0x8  }
0x1b3: {  	v3 =	vshra.s32 v1, $0x2  }
0x1b4: {  	(v2sf) =	vpush v3, $0x0;
	_ =	sdelay $0xd  }
0x1b5: {  	(v2sf) =	vpush v3, $0x1  }
0x1b6: {  	s9 =	spop (v2sf);
	(v2sf) =	vpush v3, $0x2;
	_ =	sdelay $0xd  }
0x1b7: {  	s22 =	spop (v2sf);
	(v2sf) =	vpush v3, $0x3  }
0x1b8: {  	s20 =	spop (v2sf);
	(v2sf) =	vpush v3, $0x4;
	_ =	sdelay $0x2  }
0x1b9: {  	v1 =	vld [tilespmem:s17+$0xFFFFFC40];
	_ =	sdelay $0x3  }
0x1ba: {  	v5 =	vld [tilespmem:s17+$0xFFFFFC80]  }
0x1bb: {  	[tilespmem:$0x1F630] =	vst v1;
	v1 =	vld [tilespmem:s22+$0xA380]  }
0x1bc: {  	v4 =	vld [tilespmem:s22+$0xA390]  }
0x1bd: {  	v9 =	vld [tilespmem:s22+$0xA3A0]  }
0x1be: {  	v30 =	vld [tilespmem:s22+$0xA3B0]  }
0x1bf: {  	[tilespmem:$0x1F640] =	vst v5;
	v5 =	vld [tilespmem:s20+$0xA380]  }
0x1c0: {  	v15 =	vld [tilespmem:s20+$0xA390]  }
0x1c1: {  	v28 =	vld [tilespmem:s20+$0xA3A0];
	s22 =	spop (v2sf);
	(v2sf) =	vpush v3, $0x5  }
0x1c2: {  	v24 =	vld [tilespmem:s20+$0xA3B0];
	s20 =	spop (v2sf);
	(v2sf) =	vpush v3, $0x6;
	_ =	sdelay $0x2  }
0x1c3: {  	v11 =	vld [tilespmem:s17+$0xFFFFFCB0]  }
0x1c4: {  	v45 =	vld [tilespmem:s17+$0xFFFFFD00]  }
0x1c5: {  	v31 =	vld [tilespmem:s17+$0xFFFFFD20]  }
0x1c6: {  	v46 =	vld [tilespmem:s15+$0xFFFFFD40]  }
0x1c7: {  	v61 =	vld [tilespmem:s17+$0xFFFFFD90]  }
0x1c8: {  	v13 =	vld [tilespmem:s22+$0xA380]  }
0x1c9: {  	v20 =	vld [tilespmem:s22+$0xA390]  }
0x1ca: {  	v50 =	vld [tilespmem:s22+$0xA3A0]  }
0x1cb: {  	v35 =	vld [tilespmem:s22+$0xA3B0]  }
0x1cc: {  	[tilespmem:$0x1F650] =	vst v11;
	v11 =	vld [tilespmem:s20+$0xA380]  }
0x1cd: {  	[tilespmem:$0x1F690] =	vst v31;
	v31 =	vld [tilespmem:s20+$0xA390]  }
0x1ce: {  	[tilespmem:$0x1F680] =	vst v45;
	v45 =	vld [tilespmem:s20+$0xA3A0];
	s22 =	spop (v2sf)  }
0x1cf: {  	[tilespmem:$0x1F6A0] =	vst v46;
	v46 =	vld [tilespmem:s20+$0xA3B0];
	s20 =	spop (v2sf)  }
0x1d0: {  	[tilespmem:$0x1F740] =	vst v61;
	v61 =	vld [tilespmem:s20+$0xA3A0];
	_ =	sdelay $0x4  }
0x1d1: {  	[tilespmem:$0x1F770] =	vst v61;
	v61 =	vld [tilespmem:s17+$0xFFFFFDC0];
	_ =	sdelay $0x4  }
0x1d2: {  	[tilespmem:$0x1F7D0] =	vst v61;
	v61 =	vld [tilespmem:s15+$0xFFFFFDD0];
	_ =	sdelay $0x4  }
0x1d3: {  	[tilespmem:$0x1F7A0] =	vst v61;
	v61 =	vld [tilespmem:s15+$0xFFFFFDE0];
	_ =	sdelay $0x3  }
0x1d4: {  	(v2sf) =	vpush v3, $0x7  }
0x1d5: {  	[tilespmem:$0x1F7C0] =	vst v61;
	v61 =	vld [tilespmem:s17+$0xFFFFFDE0]  }
0x1d6: {  	v14 =	vld [tilespmem:s15+$0xFFFFFC10]  }
0x1d7: {  	v26 =	vld [tilespmem:s17+$0xFFFFFC10]  }
0x1d8: {  	v17 =	vld [tilespmem:s15+$0xFFFFFC20]  }
0x1d9: {  	v48 =	vld [tilespmem:s17+$0xFFFFFC20]  }
0x1da: {  	[tilespmem:$0x1F7F0] =	vst v61;
	v61 =	vld [tilespmem:s15+$0xFFFFFDF0]  }
0x1db: {  	v33 =	vld [tilespmem:s17+$0xFFFFFD30]  }
0x1dc: {  	v38 =	vld [tilespmem:s17+$0xFFFFFD60]  }
0x1dd: {  	v23 =	vld [tilespmem:s15+$0xFFFFFC30]  }
0x1de: {  	v54 =	vld [tilespmem:s17+$0xFFFFFD70]  }
0x1df: {  	[tilespmem:$0x1F800] =	vst v61;
	v61 =	vld [tilespmem:s17+$0xFFFFFDF0]  }
0x1e0: {  	[tilespmem:$0x1F6B0] =	vst v33;
	v33 =	vld [tilespmem:s22+$0xA380]  }
0x1e1: {  	[tilespmem:$0x1F6E0] =	vst v38;
	v38 =	vld [tilespmem:s22+$0xA390]  }
0x1e2: {  	v55 =	vld [tilespmem:s22+$0xA3A0]  }
0x1e3: {  	[tilespmem:$0x1F720] =	vst v54;
	v54 =	vld [tilespmem:s22+$0xA3B0];
	s22 =	spop (v2sf)  }
0x1e4: {  	[tilespmem:$0x1F860] =	vst v61;
	v61 =	vld [tilespmem:s22+$0xA3A0]  }
0x1e5: {  	v43 =	vld [tilespmem:s17+$0xFFFFFC30]  }
0x1e6: {  	v53 =	vld [tilespmem:s15+$0xFFFFFC40]  }
0x1e7: {  	v2 =	vld [tilespmem:s15+$0xFFFFFC50]  }
0x1e8: {  	v8 =	vld [tilespmem:s17+$0xFFFFFC50]  }
0x1e9: {  	[tilespmem:$0x1F810] =	vst v61;
	v61 =	vld [tilespmem:s15+$0xFFFFFE00]  }
0x1ea: {  	v7 =	vld [tilespmem:s15+$0xFFFFFC60]  }
0x1eb: {  	v22 =	vld [tilespmem:s17+$0xFFFFFC60]  }
0x1ec: {  	v16 =	vld [tilespmem:s15+$0xFFFFFC70]  }
0x1ed: {  	v41 =	vld [tilespmem:s17+$0xFFFFFC70]  }
0x1ee: {  	[tilespmem:$0x1F820] =	vst v61;
	v61 =	vld [tilespmem:s17+$0xFFFFFE00]  }
0x1ef: {  	v37 =	vld [tilespmem:s15+$0xFFFFFC80]  }
0x1f0: {  	v10 =	vld [tilespmem:s15+$0xFFFFFC90]  }
0x1f1: {  	v27 =	vld [tilespmem:s17+$0xFFFFFC90]  }
0x1f2: {  	v19 =	vld [tilespmem:s15+$0xFFFFFCA0];
	(v2sf) =	vpush v3, $0x8  }
0x1f3: {  	[tilespmem:$0x1F890] =	vst v61;
	v61 =	vld [tilespmem:s22+$0xA3B0]  }
0x1f4: {  	v40 =	vld [tilespmem:s17+$0xFFFFFCA0]  }
0x1f5: {  	v34 =	vld [tilespmem:s15+$0xFFFFFCB0]  }
0x1f6: {  	v42 =	vld [tilespmem:s17+$0xFFFFFCC0]  }
0x1f7: {  	v62 =	vld [tilespmem:s17+$0xFFFFFDB0]  }
0x1f8: {  	[tilespmem:$0x1F830] =	vst v61;
	v61 =	vld [tilespmem:s15+$0xFFFFFE10]  }
0x1f9: {  	v32 =	vld [tilespmem:s15+$0xFFFFFCC0]  }
0x1fa: {  	v39 =	vld [tilespmem:s15+$0xFFFFFD70]  }
0x1fb: {  	[tilespmem:$0x1F660] =	vst v42;
	v42 =	vld [tilespmem:s17+$0xFFFFFDA0]  }
0x1fc: {  	[tilespmem:$0x1F7B0] =	vst v62;
	v62 =	vld [tilespmem:s15+$0xFFFFFDC0]  }
0x1fd: {  	[tilespmem:$0x1F840] =	vst v61;
	v61 =	vld [tilespmem:s17+$0xFFFFFE10]  }
0x1fe: {  	v25 =	vld [tilespmem:s15+$0xFFFFFCD0]  }
0x1ff: {  	[tilespmem:$0x1F6F0] =	vst v39;
	v39 =	vld [tilespmem:s20+$0xA380]  }
0x200: {  	[tilespmem:$0x1F750] =	vst v42;
	v42 =	vld [tilespmem:s20+$0xA390]  }
0x201: {  	[tilespmem:$0x1F780] =	vst v62;
	v62 =	vld [tilespmem:s20+$0xA3B0];
	s20 =	spop (v2sf)  }
0x202: {  	[tilespmem:$0x1F8A0] =	vst v61;
	v61 =	vld [tilespmem:s20+$0xA380]  }
0x203: {  	v60 =	vld [tilespmem:s17+$0xFFFFFCD0]  }
0x204: {  	v29 =	vld [tilespmem:s15+$0xFFFFFCE0]  }
0x205: {  	v58 =	vld [tilespmem:s17+$0xFFFFFCE0]  }
0x206: {  	v63 =	vld [tilespmem:s15+$0xFFFFFCF0]  }
0x207: {  	[tilespmem:$0x1F850] =	vst v61;
	v61 =	vld [tilespmem:s15+$0xFFFFFE20]  }
0x208: {  	v44 =	vld [tilespmem:s17+$0xFFFFFCF0]  }
0x209: {  	v51 =	vld [tilespmem:s15+$0xFFFFFD00]  }
0x20a: {  	v21 =	vld [tilespmem:s15+$0xFFFFFD10]  }
0x20b: {  	v36 =	vld [tilespmem:s15+$0xFFFFFD20]  }
0x20c: {  	[tilespmem:$0x1F870] =	vst v61;
	v61 =	vld [tilespmem:s17+$0xFFFFFE20]  }
0x20d: {  	v59 =	vld [tilespmem:s15+$0xFFFFFD30]  }
0x20e: {  	v47 =	vld [tilespmem:s17+$0xFFFFFD40]  }
0x20f: {  	v49 =	vld [tilespmem:s17+$0xFFFFFD50]  }
0x210: {  	v56 =	vld [tilespmem:s15+$0xFFFFFD80]  }
0x211: {  	[tilespmem:$0x1F8B0] =	vst v61;
	v61 =	vld [tilespmem:s20+$0xA390]  }
0x212: {  	v57 =	vld [tilespmem:s17+$0xFFFFFD80]  }
0x213: {  	[tilespmem:$0x1F670] =	vst v44;
	v44 =	vld [tilespmem:s17+$0xFFFFFD10]  }
0x214: {  	[tilespmem:$0x1F6C0] =	vst v47;
	v47 =	vld [tilespmem:s15+$0xFFFFFD50]  }
0x215: {  	[tilespmem:$0x1F6D0] =	vst v49;
	v49 =	vld [tilespmem:s15+$0xFFFFFD60]  }
0x216: {  	[tilespmem:$0x1F880] =	vst v61;
	v61 =	vld [tilespmem:s15+$0xFFFFFE30]  }
0x217: {  	v6 =	vld [tilespmem:s9+$0xA380]  }
0x218: {  	v12 =	vld [tilespmem:s9+$0xA390]  }
0x219: {  	v52 =	vld [tilespmem:s9+$0xA3B0]  }
0x21a: {  	v18 =	vld [tilespmem:s9+$0xA3A0]  }
0x21b: {  	[tilespmem:$0x1F8C0] =	vst v61;
	v61 =	vld [tilespmem:s17+$0xFFFFFE30]  }
0x21c: {  	[tilespmem:$0x1F710] =	vst v56;
	v56 =	vld [tilespmem:s15+$0xFFFFFDA0];
	v6 =	vmul.f32 v6, v14  }
0x21d: {  	[tilespmem:$0x1F730] =	vst v57;
	v57 =	vld [tilespmem:s15+$0xFFFFFDB0];
	v12 =	vmul.f32 v12, v17  }
0x21e: {  	v14 =	vmul.f32 v52, v53;
	v52 =	vld [tilespmem:s15+$0xFFFFFEE0];
	v6 =	vmul.f32 v6, v26  }
0x21f: {  	v26 =	vmul.f32 v18, v23;
	v18 =	vld [tilespmem:$0x1F630]  }
0x220: {  	v1 =	vmul.f32 v1, v2;
	v2 =	vmul.f32 v12, v48;
	v6 =	vadd.f32 $0.0e+00, v6;
	[tilespmem:$0x1F900] =	vst v61;
	v61 =	vld [tilespmem:s20+$0xA3A0]  }
0x221: {  	v53 =	vld [tilespmem:s17+$0xFFFFFEE0]  }
0x222: {  	v4 =	vmul.f32 v4, v7;
	v7 =	vld [tilespmem:s17+$0xFFFFFEF0];
	v12 =	vmul.f32 v26, v43;
	v2 =	vadd.f32 v2, v6  }
0x223: {  	v48 =	vld [tilespmem:s17+$0xFFFFFED0];
	v1 =	vmul.f32 v1, v8  }
0x224: {  	v8 =	vld [tilespmem:s15+$0xFFFFFEF0];
	v6 =	vmul.f32 v14, v18;
	v2 =	vadd.f32 v12, v2  }
0x225: {  	v4 =	vmul.f32 v4, v22;
	v1 =	vadd.f32 $0.0e+00, v1;
	[tilespmem:$0x1F8D0] =	vst v61;
	v61 =	vld [tilespmem:s15+$0xFFFFFE40]  }
0x226: {  	v43 =	vld [tilespmem:s17+$0xFFFFFF00];
	v2 =	vadd.f32 v6, v2  }
0x227: {  	v1 =	vadd.f32 v4, v1;
	v4 =	vld [tilespmem:s15+$0xFFFFFF00]  }
0x228: {  	[tilespmem:$0x1FAB0] =	vst v2;
	v2 =	vld [tilespmem:$0x1F640]  }
0x229: {  	v34 =	vmul.f32 v28, v34;
	v28 =	vld [tilespmem:$0x1F670]  }
0x22a: {  	v23 =	vmul.f32 v30, v37;
	v5 =	vmul.f32 v5, v10;
	[tilespmem:$0x1F8E0] =	vst v61;
	v61 =	vld [tilespmem:s17+$0xFFFFFE40]  }
0x22b: {  	v37 =	vmul.f32 v24, v32;
	v32 =	vld [tilespmem:$0x1F6A0];
	v13 =	vmul.f32 v13, v25  }
0x22c: {  	v20 =	vmul.f32 v20, v29;
	v25 =	vmul.f32 v35, v51;
	v29 =	vld [tilespmem:$0x1F680]  }
0x22d: {  	v51 =	vld [tilespmem:$0x1F730];
	v26 =	vmul.f32 v5, v27;
	v27 =	vmul.f32 v15, v19  }
0x22e: {  	v15 =	vld [tilespmem:s15+$0xFFFFFF20];
	(v2sf) =	vpush v3, $0x9  }
0x22f: {  	v30 =	vmul.f32 v27, v40;
	v12 =	vadd.f32 $0.0e+00, v26;
	[tilespmem:$0x1F930] =	vst v61;
	v61 =	vld [tilespmem:s20+$0xA3B0]  }
0x230: {  	v40 =	vld [tilespmem:$0x1F650]  }
0x231: {  	v6 =	vadd.f32 v30, v12;
	v12 =	vld [tilespmem:s15+$0xFFFFFF10]  }
0x232: {  	v30 =	vld [tilespmem:$0x1F690]  }
0x233: {  	v18 =	vmul.f32 v25, v29;
	v25 =	vld [tilespmem:s15+$0xFFFFFF40]  }
0x234: {  	[tilespmem:$0x1F8F0] =	vst v61;
	v61 =	vld [tilespmem:s15+$0xFFFFFE50]  }
0x235: {  	v2 =	vmul.f32 v23, v2;
	v23 =	vmul.f32 v11, v21;
	v11 =	vld [tilespmem:s17+$0xFFFFFF10]  }
0x236: {  	v27 =	vmul.f32 v31, v36;
	v36 =	vld [tilespmem:$0x1F6B0]  }
0x237: {  	v31 =	vmul.f32 v45, v59;
	v59 =	vld [tilespmem:$0x1F780];
	(v2sf) =	vpush v3, $0xA  }
0x238: {  	[tilespmem:$0x1F790] =	vst v62;
	v62 =	vld [tilespmem:s17+$0xFFFFFDD0]  }
0x239: {  	[tilespmem:$0x1F910] =	vst v61;
	v61 =	vld [tilespmem:s17+$0xFFFFFE50]  }
0x23a: {  	[tilespmem:$0x1F700] =	vst v55;
	v55 =	vld [tilespmem:s15+$0xFFFFFD90]  }
0x23b: {  	v26 =	vmul.f32 v23, v44;
	v44 =	vld [tilespmem:$0x1F6F0]  }
0x23c: {  	[tilespmem:$0x1F760] =	vst v57;
	v57 =	vld [tilespmem:s22+$0xA380]  }
0x23d: {  	[tilespmem:$0x1F7E0] =	vst v62;
	v62 =	vld [tilespmem:s22+$0xA390];
	s22 =	spop (v2sf)  }
0x23e: {  	[tilespmem:$0x1F960] =	vst v61;
	v61 =	vld [tilespmem:s22+$0xA380]  }
0x23f: {  	v45 =	vld [tilespmem:$0x1F700]  }
0x240: {  	v19 =	vmul.f32 v27, v30;
	v27 =	vld [tilespmem:s15+$0xFFFFFF50]  }
0x241: {  	v35 =	vmul.f32 v33, v47;
	v47 =	vmul.f32 v39, v55;
	v55 =	vld [tilespmem:$0x1F750]  }
0x242: {  	v24 =	vmul.f32 v50, v63;
	v50 =	vmul.f32 v42, v56;
	v56 =	vld [tilespmem:$0x1F760]  }
0x243: {  	[tilespmem:$0x1F920] =	vst v61;
	v61 =	vld [tilespmem:s15+$0xFFFFFE60]  }
0x244: {  	v13 =	vmul.f32 v13, v60;
	v60 =	vld [tilespmem:$0x1F790]  }
0x245: {  	v63 =	vld [tilespmem:$0x1F7A0]  }
0x246: {  	v39 =	vld [tilespmem:$0x1F7F0];
	s20 =	spop (v2sf)  }
0x247: {  	v17 =	vld [tilespmem:s20+$0xA3B0]  }
0x248: {  	[tilespmem:$0x1F940] =	vst v61;
	v61 =	vld [tilespmem:s17+$0xFFFFFE60]  }
0x249: {  	v42 =	vld [tilespmem:$0x1F820]  }
0x24a: {  	v23 =	vmul.f32 v45, v44;
	v44 =	vld [tilespmem:$0x1F830]  }
0x24b: {  	v45 =	vld [tilespmem:$0x1F840]  }
0x24c: {  	v33 =	vmul.f32 v57, v63;
	v57 =	vld [tilespmem:$0x1F8D0];
	[tilespmem:$0x1FA70] =	vst v17;
	v17 =	vmul.f32 v9, v16  }
0x24d: {  	[tilespmem:$0x1F990] =	vst v61;
	v61 =	vld [tilespmem:s22+$0xA390]  }
0x24e: {  	v22 =	vmul.f32 v17, v41;
	v17 =	vmul.f32 v24, v28;
	v24 =	vld [tilespmem:s15+$0xFFFFFF30]  }
0x24f: {  	v41 =	vmul.f32 v34, v40;
	v40 =	vld [tilespmem:$0x1F6D0]  }
0x250: {  	v34 =	vmul.f32 v46, v32;
	v46 =	vld [tilespmem:$0x1F710]  }
0x251: {  	v28 =	vld [tilespmem:s17+$0xFFFFFF40]  }
0x252: {  	[tilespmem:$0x1F950] =	vst v61;
	v61 =	vld [tilespmem:s15+$0xFFFFFE70]  }
0x253: {  	v32 =	vmul.f32 v60, v59;
	v59 =	vld [tilespmem:$0x1F8F0]  }
0x254: {  	v60 =	vld [tilespmem:$0x1F900]  }
0x255: {  	v6 =	vadd.f32 v41, v6;
	v41 =	vld [tilespmem:$0x1F6E0]  }
0x256: {  	v1 =	vadd.f32 v22, v1;
	v22 =	vmul.f32 v20, v58;
	v58 =	vld [tilespmem:$0x1F770]  }
0x257: {  	[tilespmem:$0x1F970] =	vst v61;
	v61 =	vld [tilespmem:s17+$0xFFFFFE70]  }
0x258: {  	v20 =	vmul.f32 v31, v36;
	v31 =	vld [tilespmem:s17+$0xFFFFFF50]  }
0x259: {  	v13 =	vadd.f32 $0.0e+00, v13;
	v36 =	vld [tilespmem:$0x1F7C0]  }
0x25a: {  	v2 =	vadd.f32 v2, v1;
	v1 =	vld [tilespmem:$0x1F660]  }
0x25b: {  	v14 =	vadd.f32 v22, v13;
	v13 =	vld [tilespmem:s17+$0xFFFFFF20]  }
0x25c: {  	[tilespmem:$0x1F9C0] =	vst v61;
	v61 =	vld [tilespmem:s22+$0xA3A0]  }
0x25d: {  	v14 =	vadd.f32 v17, v14;
	v17 =	vld [tilespmem:s17+$0xFFFFFF30]  }
0x25e: {  	v29 =	vmul.f32 v58, v56;
	v56 =	vld [tilespmem:$0x1F8C0]  }
0x25f: {  	v58 =	vld [tilespmem:$0x1F8E0]  }
0x260: {  	v1 =	vmul.f32 v37, v1;
	v37 =	vmul.f32 v38, v49;
	v38 =	vld [tilespmem:$0x1F6C0]  }
0x261: {  	[tilespmem:$0x1F980] =	vst v61;
	v61 =	vld [tilespmem:s15+$0xFFFFFE80]  }
0x262: {  	v49 =	vld [tilespmem:$0x1F720]  }
0x263: {  	v1 =	vadd.f32 v1, v6;
	v6 =	vadd.f32 $0.0e+00, v26;
	v26 =	vmul.f32 v54, v46;
	v54 =	vld [tilespmem:$0x1F740]  }
0x264: {  	v46 =	vld [tilespmem:$0x1F850]  }
0x265: {  	v19 =	vadd.f32 v19, v6;
	v6 =	vadd.f32 v18, v14;
	v18 =	vmul.f32 v35, v40;
	v35 =	vld [tilespmem:$0x1F7B0]  }
0x266: {  	[tilespmem:$0x1F9D0] =	vst v61;
	v61 =	vld [tilespmem:s17+$0xFFFFFE80]  }
0x267: {  	v40 =	vld [tilespmem:$0x1F800]  }
0x268: {  	v63 =	vld [tilespmem:$0x1F920]  }
0x269: {  	v14 =	vmul.f32 v34, v38;
	v38 =	vld [tilespmem:$0x1F7E0]  }
0x26a: {  	v23 =	vmul.f32 v23, v49;
	v49 =	vld [tilespmem:$0x1F870]  }
0x26b: {  	[tilespmem:$0x1FA20] =	vst v61;
	v61 =	vld [tilespmem:s22+$0xA3B0]  }
0x26c: {  	v19 =	vadd.f32 v20, v19;
	v20 =	vmul.f32 v37, v41;
	v37 =	vld [tilespmem:$0x1F7D0]  }
0x26d: {  	v18 =	vadd.f32 $0.0e+00, v18;
	v41 =	vld [tilespmem:$0x1F810]  }
0x26e: {  	v14 =	vadd.f32 v14, v19;
	v19 =	vmul.f32 v26, v51;
	v26 =	vmul.f32 v47, v54;
	v47 =	vld [tilespmem:$0x1F860]  }
0x26f: {  	v18 =	vadd.f32 v20, v18;
	v20 =	vmul.f32 v50, v55;
	v50 =	vld [tilespmem:$0x1F880]  }
0x270: {  	[tilespmem:$0x1F9E0] =	vst v61;
	v61 =	vld [tilespmem:s15+$0xFFFFFE90]  }
0x271: {  	v51 =	vld [tilespmem:$0x1F890]  }
0x272: {  	v54 =	vld [tilespmem:$0x1F8A0]  }
0x273: {  	v55 =	vld [tilespmem:$0x1F8B0]  }
0x274: {  	v18 =	vadd.f32 v23, v18;
	v23 =	vmul.f32 v29, v35;
	v35 =	vld [tilespmem:s15+$0xFFFFFF60]  }
0x275: {  	v26 =	vadd.f32 $0.0e+00, v26;
	[tilespmem:$0x1F9A0] =	vst v61;
	v61 =	vld [tilespmem:s17+$0xFFFFFE90]  }
0x276: {  	v29 =	vmul.f32 v62, v36;
	v62 =	vld [tilespmem:$0x1F910]  }
0x277: {  	v20 =	vadd.f32 v20, v26;
	v26 =	vmul.f32 v32, v37;
	v32 =	vmul.f32 v33, v38;
	v33 =	vld [tilespmem:s17+$0xFFFFFF60]  }
0x278: {  	v38 =	vld [tilespmem:s15+$0xFFFFFF70]  }
0x279: {  	v18 =	vadd.f32 v19, v18;
	v19 =	vmul.f32 v29, v39;
	v29 =	vmul.f32 v41, v40;
	v40 =	vld [tilespmem:s17+$0xFFFFFF70]  }
0x27a: {  	(v2sf) =	vpush v3, $0xB;
	[tilespmem:$0x1F9F0] =	vst v61;
	v61 =	vld [tilespmem:s20+$0xA380]  }
0x27b: {  	v41 =	vld [tilespmem:s15+$0xFFFFFF80]  }
0x27c: {  	v37 =	vmul.f32 v46, v45;
	v45 =	vld [tilespmem:s15+$0xFFFFFF90]  }
0x27d: {  	v46 =	vld [tilespmem:s17+$0xFFFFFF90]  }
0x27e: {  	v39 =	vmul.f32 v50, v49;
	v49 =	vld [tilespmem:$0x1F930]  }
0x27f: {  	v20 =	vadd.f32 v23, v20;
	[tilespmem:$0x1F9B0] =	vst v61;
	v61 =	vld [tilespmem:s15+$0xFFFFFEA0]  }
0x280: {  	v50 =	vld [tilespmem:$0x1F940];
	v32 =	vadd.f32 $0.0e+00, v32  }
0x281: {  	v23 =	vmul.f32 v44, v42;
	v20 =	vadd.f32 v26, v20;
	v26 =	vmul.f32 v37, v54;
	v54 =	vld [tilespmem:$0x1F960]  }
0x282: {  	v19 =	vadd.f32 v19, v32;
	v32 =	vmul.f32 v39, v55;
	v39 =	vmul.f32 v57, v56;
	v57 =	vld [tilespmem:$0x1F990]  }
0x283: {  	v23 =	vmul.f32 v23, v51;
	v51 =	vld [tilespmem:$0x1F950]  }
0x284: {  	v29 =	vmul.f32 v29, v47;
	[tilespmem:$0x1FA00] =	vst v61;
	v61 =	vld [tilespmem:s17+$0xFFFFFEA0]  }
0x285: {  	v55 =	vld [tilespmem:$0x1F970]  }
0x286: {  	v19 =	vadd.f32 v29, v19;
	v29 =	vmul.f32 v39, v60;
	v60 =	vld [tilespmem:$0x1F9C0]  }
0x287: {  	v56 =	vld [tilespmem:$0x1F980]  }
0x288: {  	v39 =	vmul.f32 v63, v62;
	v62 =	vld [tilespmem:$0x1F9D0]  }
0x289: {  	(v2sf) =	vpush v3, $0xC;
	s22 =	spop (v2sf);
	[tilespmem:$0x1FA50] =	vst v61;
	v61 =	vld [tilespmem:s20+$0xA390]  }
0x28a: {  	[tilespmem:$0x1FAA0] =	vst v48;
	v48 =	vld [tilespmem:s22+$0xA380]  }
0x28b: {  	v5 =	vld [tilespmem:s22+$0xA3A0]  }
0x28c: {  	v10 =	vld [tilespmem:s22+$0xA390]  }
0x28d: {  	v9 =	vld [tilespmem:s22+$0xA3B0]  }
0x28e: {  	(v2sf) =	vpush v3, $0xD;
	[tilespmem:$0x1FA10] =	vst v61;
	v61 =	vld [tilespmem:s15+$0xFFFFFEB0]  }
0x28f: {  	v63 =	vld [tilespmem:$0x1F9E0]  }
0x290: {  	v5 =	vmul.f32 v5, v8;
	v8 =	vld [tilespmem:s15+$0xFFFFFFC0]  }
0x291: {  	v42 =	vmul.f32 v59, v58;
	v58 =	vld [tilespmem:$0x1F9A0]  }
0x292: {  	v19 =	vadd.f32 v23, v19;
	v23 =	vmul.f32 v39, v54;
	v54 =	vld [tilespmem:$0x1F9F0]  }
0x293: {  	[tilespmem:$0x1FA30] =	vst v61;
	v61 =	vld [tilespmem:s17+$0xFFFFFEB0]  }
0x294: {  	v39 =	vmul.f32 v56, v55;
	v59 =	vld [tilespmem:$0x1F9B0]  }
0x295: {  	v55 =	vld [tilespmem:$0x1FA00]  }
0x296: {  	v39 =	vmul.f32 v39, v60;
	v60 =	vld [tilespmem:$0x1FA50]  }
0x297: {  	v56 =	vld [tilespmem:$0x1FA10]  }
0x298: {  	[tilespmem:$0x1FA80] =	vst v61;
	v61 =	vld [tilespmem:s20+$0xA3A0];
	s20 =	spop (v2sf)  }
0x299: {  	v16 =	vld [tilespmem:s20+$0xA380]  }
0x29a: {  	v21 =	vld [tilespmem:s20+$0xA390]  }
0x29b: {  	v22 =	vld [tilespmem:s20+$0xA3A0]  }
0x29c: {  	(v2sf) =	vpush v3, $0xE;
	v30 =	vld [tilespmem:s20+$0xA3B0]  }
0x29d: {  	s22 =	spop (v2sf);
	(v2sf) =	vpush v3, $0xF;
	v3 =	vadd.f32 $0.0e+00, v26;
	v26 =	vld [tilespmem:s17+$0xFFFFFF80]  }
0x29e: {  	v34 =	vld [tilespmem:s22+$0xA380]  }
0x29f: {  	v36 =	vld [tilespmem:s22+$0xA390]  }
0x2a0: {  	v37 =	vld [tilespmem:s22+$0xA3A0]  }
0x2a1: {  	v44 =	vld [tilespmem:s22+$0xA3B0]  }
0x2a2: {  	v3 =	vadd.f32 v32, v3;
	v32 =	vmul.f32 v42, v49;
	v42 =	vmul.f32 v51, v50;
	v50 =	vld [tilespmem:s15+$0xFFFFFFA0]  }
0x2a3: {  	[tilespmem:$0x1FA40] =	vst v61;
	v61 =	vld [tilespmem:s15+$0xFFFFFEC0]  }
0x2a4: {  	v51 =	vld [tilespmem:s17+$0xFFFFFFA0]  }
0x2a5: {  	v3 =	vadd.f32 v29, v3;
	v29 =	vmul.f32 v42, v57;
	v57 =	vld [tilespmem:$0x1FA20]  }
0x2a6: {  	v42 =	vmul.f32 v59, v58;
	v58 =	vld [tilespmem:$0x1FA30]  }
0x2a7: {  	v59 =	vld [tilespmem:$0x1FA40]  }
0x2a8: {  	v3 =	vadd.f32 v32, v3;
	v32 =	vmul.f32 v42, v54;
	v42 =	vmul.f32 v56, v55;
	[tilespmem:$0x1FA60] =	vst v61;
	v61 =	vld [tilespmem:s17+$0xFFFFFEC0]  }
0x2a9: {  	v49 =	vmul.f32 v63, v62;
	v63 =	vld [tilespmem:$0x1FA70]  }
0x2aa: {  	v42 =	vmul.f32 v42, v60;
	v60 =	vld [tilespmem:$0x1FA80]  }
0x2ab: {  	v23 =	vadd.f32 $0.0e+00, v23;
	v56 =	vld [tilespmem:s15+$0xFFFFFFB0]  }
0x2ac: {  	v62 =	vld [tilespmem:$0x1FA60]  }
0x2ad: {  	v23 =	vadd.f32 v29, v23;
	v29 =	vmul.f32 v49, v57;
	v49 =	vmul.f32 v59, v58;
	[tilespmem:$0x1FA90] =	vst v61;
	v61 =	vld [tilespmem:s15+$0xFFFFFED0]  }
0x2ae: {  	v57 =	vld [tilespmem:$0x1FAB0]  }
0x2af: {  	v23 =	vadd.f32 v39, v23;
	v39 =	vmul.f32 v49, v60;
	v49 =	vld [tilespmem:s17+$0xFFFFFFB0];
	s20 =	spop (v2sf)  }
0x2b0: {  	v47 =	vld [tilespmem:s20+$0xA380]  }
0x2b1: {  	v10 =	vmul.f32 v10, v52;
	v55 =	vmul.f32 v63, v62;
	v62 =	vld [tilespmem:$0x1FAA0]  }
0x2b2: {  	v4 =	vmul.f32 v9, v4;
	v32 =	vadd.f32 $0.0e+00, v32;
	v48 =	vmul.f32 v48, v61;
	v61 =	vld [tilespmem:$0x1FA90]  }
0x2b3: {  	v10 =	vmul.f32 v10, v53;
	v12 =	vmul.f32 v16, v12;
	v54 =	vld [tilespmem:s20+$0xA390]  }
0x2b4: {  	v5 =	vmul.f32 v5, v7;
	v4 =	vmul.f32 v4, v43;
	v32 =	vadd.f32 v42, v32;
	v52 =	vld [tilespmem:s20+$0xA3A0]  }
0x2b5: {  	v53 =	vmul.f32 v34, v27;
	v11 =	vmul.f32 v12, v11;
	v9 =	vld [tilespmem:s20+$0xA3B0];
	s22 =	spop (v2sf)  }
0x2b6: {  	v59 =	vmul.f32 v36, v35;
	v32 =	vadd.f32 v39, v32;
	v39 =	vmul.f32 v22, v24;
	v43 =	vld [tilespmem:s22+$0xA380]  }
0x2b7: {  	v23 =	vadd.f32 v29, v23;
	v35 =	vld [tilespmem:s22+$0xA3A0];
	v29 =	vmul.f32 v48, v62;
	v42 =	vmul.f32 v55, v61  }
0x2b8: {  	v48 =	vmul.f32 v39, v17;
	v62 =	vmul.f32 v37, v38;
	v37 =	vld [tilespmem:s15+$0x0]  }
0x2b9: {  	v39 =	vld [tilespmem:s22+$0xA3B0];
	v63 =	vadd.f32 $0.0e+00, v29;
	v29 =	vadd.f32 v42, v32;
	v32 =	vmul.f32 v21, v15  }
0x2ba: {  	v34 =	vmul.f32 v54, v50;
	v8 =	vmul.f32 v9, v8;
	v55 =	vld [tilespmem:s15+$0xFFFFFFE0]  }
0x2bb: {  	v11 =	vadd.f32 $0.0e+00, v11;
	(xrf2) =	vadd.scan.msk.f32 $0xffff, v57;
	v15 =	vld [tilespmem:s15+$0xFFFFFFD0];
	v42 =	vmul.f32 v30, v25;
	v12 =	vmul.f32 v32, v13  }
0x2bc: {  	(xrf2) =	vadd.scan.msk.f32 $0xffff, v2;
	v38 =	vmul.f32 v52, v56;
	v61 =	vmul.f32 v53, v31;
	v7 =	vadd.f32 v10, v63;
	v63 =	vld [tilespmem:s22+$0xA390]  }
0x2bd: {  	(xrf2) =	vadd.scan.msk.f32 $0xffff, v1;
	v21 =	vld [tilespmem:s17+$0xFFFFFFD0];
	v30 =	vmul.f32 v47, v45;
	v58 =	vmul.f32 v42, v28;
	v11 =	vadd.f32 v12, v11  }
0x2be: {  	(xrf2) =	vadd.scan.msk.f32 $0xffff, v6;
	v31 =	vld [tilespmem:s15+$0xFFFFFFF0];
	v5 =	vadd.f32 v5, v7;
	v28 =	vmul.f32 v59, v33;
	v32 =	vmul.f32 v44, v41  }
0x2bf: {  	v60 =	vld [tilespmem:s17+$0xFFFFFFE0];
	(xrf2) =	vadd.scan.msk.f32 $0xffff, v14;
	v42 =	vmul.f32 v38, v49;
	v1 =	vadd.f32 v48, v11;
	v11 =	vmul.f32 v30, v46  }
0x2c0: {  	v16 =	vld [tilespmem:s17+$0xFFFFFFC0];
	(xrf2) =	vadd.scan.msk.f32 $0xffff, v18;
	v2 =	vadd.f32 v4, v5;
	v4 =	vadd.f32 $0.0e+00, v61;
	v36 =	vmul.f32 v43, v15  }
0x2c1: {  	(xrf2) =	vadd.scan.msk.f32 $0xffff, v20;
	v33 =	vld [tilespmem:s17+$0xFFFFFFF0];
	v5 =	vmul.f32 v62, v40;
	v12 =	vmul.f32 v34, v51;
	v11 =	vadd.f32 $0.0e+00, v11  }
0x2c2: {  	(xrf2) =	vadd.scan.msk.f32 $0xffff, v19;
	v41 =	vmul.f32 v63, v55;
	v4 =	vadd.f32 v28, v4;
	v40 =	vmul.f32 v36, v21  }
0x2c3: {  	(xrf2) =	vadd.scan.msk.f32 $0xffff, v3;
	v49 =	vmul.f32 v39, v37;
	v44 =	vmul.f32 v35, v31;
	v43 =	vld [tilespmem:s17+$0x0];
	v3 =	vadd.f32 v12, v11  }
0x2c4: {  	(xrf2) =	vadd.scan.msk.f32 $0xffff, v23;
	v7 =	vmul.f32 v41, v60;
	v4 =	vadd.f32 v5, v4;
	v5 =	vadd.f32 $0.0e+00, v40  }
0x2c5: {  	v45, _, _ =	vpop (xrf2);
	(xrf2) =	vadd.scan.msk.f32 $0xffff, v29;
	v6 =	vmul.f32 v32, v26;
	v46 =	vmul.f32 v8, v16;
	v3 =	vadd.f32 v42, v3  }
0x2c6: {  	v47, _, _ =	vpop (xrf2);
	(xrf2) =	vadd.scan.msk.f32 $0xffff, v2;
	v48 =	vmul.f32 v44, v33;
	v1 =	vadd.f32 v58, v1;
	v2 =	vadd.f32 v7, v5  }
0x2c7: {  	v8 =	vbroadcast v47, $0xF;
	v4 =	vadd.f32 v6, v4;
	v3 =	vadd.f32 v46, v3  }
0x2c8: {  	v50, _, _ =	vpop (xrf2);
	(xrf2) =	vadd.scan.msk.f32 $0xffff, v1;
	v1 =	vbroadcast v45, $0xF;
	v52 =	vmul.f32 v49, v43;
	v2 =	vadd.f32 v48, v2  }
0x2c9: {  	v53 =	vbroadcast v50, $0xF;
	v51, _, _ =	vpop (xrf2);
	(xrf2) =	vadd.scan.msk.f32 $0xffff, v4  }
0x2ca: {  	v54, _, _ =	vpop (xrf2);
	v6 =	vbroadcast v51, $0xF;
	v1 =	vsel vm1, v1, v8;
	v2 =	vadd.f32 v52, v2;
	(xrf2) =	vadd.scan.msk.f32 $0xffff, v3  }
0x2cb: {  	v55 =	vbroadcast v54, $0xF;
	v1 =	vsel vm2, v1, v53;
	v3, _, _ =	vpop (xrf2)  }
0x2cc: {  	v1 =	vsel vm3, v1, v6;
	v56, _, _ =	vpop (xrf2);
	v3 =	vbroadcast v3, $0xF  }
0x2cd: {  	v1 =	vsel vm4, v1, v55;
	v4 =	vbroadcast v56, $0xF;
	v57, _, _ =	vpop (xrf2)  }
0x2ce: {  	(xrf2) =	vadd.scan.msk.f32 $0xffff, v2;
	v2, _, _ =	vpop (xrf2);
	v1 =	vsel vm5, v1, v3;
	v3 =	vbroadcast v57, $0xF  }
0x2cf: {  	v58, _, _ =	vpop (xrf2);
	v1 =	vsel vm6, v1, v4;
	v2 =	vbroadcast v2, $0xF  }
0x2d0: {  	v59, _, _ =	vpop (xrf2);
	v1 =	vsel vm15, v1, v3;
	v3 =	vbroadcast v58, $0xF  }
0x2d1: {  	v60, _, _ =	vpop (xrf2);
	v1 =	vsel vm7, v1, v2;
	v2 =	vbroadcast v59, $0xF  }
0x2d2: {  	v61, _, _ =	vpop (xrf2);
	v1 =	vsel vm8, v1, v3;
	v3 =	vbroadcast v60, $0xF  }
0x2d3: {  	v62, _, _ =	vpop (xrf2);
	v1 =	vsel vm9, v1, v2;
	v2 =	vbroadcast v61, $0xF  }
0x2d4: {  	v63, _, _ =	vpop (xrf2);
	v1 =	vsel vm10, v1, v3;
	v3 =	vbroadcast v62, $0xF  }
0x2d5: {  	v1 =	vsel vm11, v1, v2;
	v2 =	vbroadcast v63, $0xF  }
0x2d6: {  	v1 =	vsel vm12, v1, v3;
	v3 =	vld [tilespmem:$0x1FAC0];
	_ =	sdelay $0x2  }
0x2d7: {  	v1 =	vsel vm13, v1, v2;
	v2, _, _ =	vpop (xrf2)  }
0x2d8: {  	v1 =	vsel vm14, v1, v2  }
0x2d9: {  	v2 =	vand.u32 $0x7FFFFFFF, v1  }
0x2da: {  	vm0 =	vge.f32 v1, $0.0e+00;
	v1 =	vxor.u32 $0xFFFFFFFF, v1;
	v2 =	vxor.u32 $0x80000000, v2  }
0x2db: {  	v1 =	vsel vm0, v2, v1;
	v2 =	vld [tilespmem:$0x1FAD0]  }
0x2dc: {  	v3 =	vld.idx.msk [tilespmem:v3+s8+$0x0 ss:$0x1], $0xffff;
	_ =	sdelay $0x1  }
0x2dd: {  	p0 =	sne.s32 s19, $0x1C0  }
.Ltmp1:
0x2de: {  	_ = 	snop;
	(pc) =	sbr.rel @p0 .LBB2_5-.Ltmp1, $4  }
0x2df: {  	_ = 	snop  }
0x2e0: {  	vm0 =	veq.s32 v3, $0x0  }
0x2e1: {  	v1 =	vsel vm0, $0x0, v1  }
0x2e2: {  	s19 =	sadd.s32 $0x40, s19;
	s15 =	sadd.s32 $0x400, s15;
	s17 =	sadd.s32 $0x400, s17;
	[tilespmem:v2+s8+$0x0 ss:$0x1] =	vst.idx.msk $0xffff, v1  }
0x2e3: {  	s16 =	sadd.s32 $0x1, s16  }
0x2e4: {  	p0 =	sne.s32 s16, $0x20  }
.Ltmp2:
0x2e5: {  	_ = 	snop;
	(pc) =	sbr.rel @p0 .LBB2_2-.Ltmp2, $3  }
0x2e6: {  	_ =	sdelay $0x1  }
0x2e7: {  	s3 =	sadd.s32 $0x100, s3  }
0x2e8: {  	s0 =	sadd.s32 $0x100, s0;
	s2 =	sadd.s32 $0x100, s2;
	s12 =	sadd.s32 $0x100, s12  }
0x2e9: {  	s0 =	simm.s32 $0x0  }
0x2ea: {  	s2 =	simm.s32 $0x1BDC0;
	s3 =	simm.s32 $0x1BDA0;
	s12 =	simm.s32 $0x30  }
.LBB2_8:
0x2eb: {  	v2 =	vmov s2;
	_ =	sdelay $0x3  }
0x2ec: {  	s8 =	simm.s32 $0x0;
	s15 =	simm.s32 $0x0  }
.LBB2_9:
0x2ed: {  	_ =	sdelay $0x2  }
0x2ee: {  	s9 =	simm.s32 $0x0  }
0x2ef: {  	v3 =	vld.idx.msk [tilespmem:v2+s9+$0x20 ss:$0x1], $0xffff  }
0x2f0: {  	v5 =	vld.idx.msk [tilespmem:v2+s9+$0x30 ss:$0x1], $0xffff  }
0x2f1: {  	v7 =	vld.idx.msk [tilespmem:v2+s9+$0x0 ss:$0x1], $0xffff  }
0x2f2: {  	v8 =	vld.idx.msk [tilespmem:v2+s9+$0x10 ss:$0x1], $0xffff  }
0x2f3: {  	v11 =	vld.idx.msk [tilespmem:v2+s9+$0xFFFFFFE0 ss:$0x1], $0xffff  }
0x2f4: {  	v12 =	vld.idx.msk [tilespmem:v2+s9+$0xFFFFFFF0 ss:$0x1], $0xffff  }
0x2f5: {  	v13 =	vld.idx.msk [tilespmem:v2+s9+$0xFFFFFFC0 ss:$0x1], $0xffff  }
0x2f6: {  	s16 =	sshrl.u32 s30, s15;
	s17 =	simm.s32 $0x80;
	v14 =	vld.idx.msk [tilespmem:v2+s9+$0xFFFFFFD0 ss:$0x1], $0xffff  }
0x2f7: {  	s16 =	sor.u32 s16, s8;
	v9 =	vld.idx.msk [tilespmem:v2+s17+$0x20 ss:$0x1], $0xffff  }
0x2f8: {  	v4 =	vld.idx.msk [tilespmem:v2+s17+$0x30 ss:$0x1], $0xffff;
	v1 =	vmov s16  }
0x2f9: {  	v10 =	vimm.s32 $0x0;
	v6 =	vld.idx.msk [tilespmem:v2+s17+$0x0 ss:$0x1], $0xffff;
	vm2 =	vge.u32 v3, v1;
	vm3 =	vge.u32 v7, v1  }
0x2fa: {  	v3 =	vld.idx.msk [tilespmem:v2+s17+$0x10 ss:$0x1], $0xffff;
	vm0 =	vge.u32 v8, v1;
	vm15 =	vge.u32 v5, v1;
	vm4 =	vge.u32 v13, v1  }
0x2fb: {  	v5 =	vld.idx.msk [tilespmem:v2+s17+$0xFFFFFFE0 ss:$0x1], $0xffff;
	vm5 =	vge.u32 v11, v1;
	vm1 =	vge.u32 v12, v1;
	vm6 =	vge.u32 v14, v1  }
0x2fc: {  	v7 =	vld.idx.msk [tilespmem:v2+s17+$0xFFFFFFF0 ss:$0x1], $0xffff;
	v13 =	vimm.s32 $0x0;
	v12 =	vsel vm3, $0x1, v0;
	v11 =	vsel vm2, $0x1, v0  }
0x2fd: {  	s19 =	simm.s32 $0x400;
	v8 =	vld.idx.msk [tilespmem:v2+s17+$0xFFFFFFC0 ss:$0x1], $0xffff;
	v15 =	vsel vm4, $0x1, v0;
	v16 =	vsel vm6, $0x1, v0;
	v14 =	vsel vm5, $0x1, v0  }
.LBB2_10:
0x2fe: {  	p0 =	sne.s32 s19, $0x1E00;
	v17 =	vld.idx.msk [tilespmem:v2+s17+$0xFFFFFFD0 ss:$0x1], $0xffff;
	s17 =	sshra.s32 s19, $0x2;
	v10 =	vadd.s32 v15, v10;
	v13 =	vadd.s32 v16, v13;
	v19 =	vsel vm1, $0x1, v0;
	v16 =	vmovc v4  }
0x2ff: {  	v15 =	vmovc v6;
	v18 =	vld.idx.msk [tilespmem:v2+s17+$0x20 ss:$0x1], $0xffff;
	v10 =	vadd.s32 v14, v10;
	v13 =	vadd.s32 v19, v13;
	v14 =	vsel vm0, $0x1, v0  }
0x300: {  	v4 =	vld.idx.msk [tilespmem:v2+s17+$0x30 ss:$0x1], $0xffff;
	v10 =	vadd.s32 v12, v10;
	v12 =	vadd.s32 v14, v13;
	v13 =	vsel vm15, $0x1, v0  }
.Ltmp3:
0x301: {  	vm2 =	vge.u32 v9, v1;
	v6 =	vld.idx.msk [tilespmem:v2+s17+$0x0 ss:$0x1], $0xffff;
	v10 =	vadd.s32 v11, v10;
	v13 =	vadd.s32 v13, v12;
	(pc) =	sbr.rel @p0 .LBB2_10-.Ltmp3, $4  }
0x302: {  	vm3 =	vge.u32 v15, v1;
	vm0 =	vge.u32 v3, v1;
	vm15 =	vge.u32 v16, v1;
	v3 =	vld.idx.msk [tilespmem:v2+s17+$0x10 ss:$0x1], $0xffff  }
0x303: {  	vm5 =	vge.u32 v5, v1;
	vm1 =	vge.u32 v7, v1;
	vm4 =	vge.u32 v8, v1;
	v5 =	vld.idx.msk [tilespmem:v2+s17+$0xFFFFFFE0 ss:$0x1], $0xffff  }
0x304: {  	v12 =	vsel vm3, $0x1, v0;
	v11 =	vsel vm2, $0x1, v0;
	vm6 =	vge.u32 v17, v1;
	v7 =	vld.idx.msk [tilespmem:v2+s17+$0xFFFFFFF0 ss:$0x1], $0xffff  }
0x305: {  	s19 =	sadd.s32 $0x200, s19;
	v14 =	vsel vm5, $0x1, v0;
	v15 =	vsel vm4, $0x1, v0;
	v16 =	vsel vm6, $0x1, v0;
	v9 =	vmovc v18;
	v8 =	vld.idx.msk [tilespmem:v2+s17+$0xFFFFFFC0 ss:$0x1], $0xffff  }
0x306: {  	_ =	sdelay $0x2  }
0x307: {  	v10 =	vadd.s32 v15, v10;
	v13 =	vadd.s32 v16, v13;
	v51 =	vsel vm1, $0x1, v0  }
0x308: {  	v52 =	vld.idx.msk [tilespmem:v2+s17+$0xFFFFFFD0 ss:$0x1], $0xffff;
	v53 =	vsel vm0, $0x1, v0;
	v55 =	vsel vm15, $0x1, v0;
	vm0 =	vge.u32 v9, v1  }
0x309: {  	vm1 =	vge.u32 v6, v1;
	vm3 =	vge.u32 v4, v1;
	v10 =	vadd.s32 v14, v10  }
0x30a: {  	v13 =	vadd.s32 v51, v13;
	vm2 =	vge.u32 v3, v1;
	v3 =	vsel vm0, $0x1, v0  }
0x30b: {  	v10 =	vadd.s32 v12, v10;
	v54 =	vadd.s32 v53, v13;
	vm5 =	vge.u32 v5, v1  }
0x30c: {  	v61 =	vsel vm2, $0x1, v0;
	v56 =	vadd.s32 v11, v10;
	v57 =	vadd.s32 v55, v54  }
0x30d: {  	vm6 =	vge.u32 v7, v1;
	vm4 =	vge.u32 v8, v1;
	vm15 =	vge.u32 v52, v1  }
0x30e: {  	v60 =	vsel vm5, $0x1, v0;
	v58 =	vsel vm4, $0x1, v0;
	v59 =	vsel vm15, $0x1, v0  }
0x30f: {  	v7 =	vsel vm6, $0x1, v0;
	v4 =	vadd.s32 v58, v56;
	v5 =	vadd.s32 v59, v57  }
0x310: {  	v1 =	vsel vm1, $0x1, v0;
	v4 =	vadd.s32 v60, v4;
	v5 =	vadd.s32 v7, v5  }
0x311: {  	v63 =	vsel vm3, $0x1, v0;
	v1 =	vadd.s32 v1, v4;
	v62 =	vadd.s32 v61, v5  }
0x312: {  	v1 =	vadd.s32 v3, v1;
	v3 =	vadd.s32 v63, v62  }
0x313: {  	v1 =	vadd.s32 v1, v3  }
0x314: {  	(xrf0) =	vadd.scan.msk.s32 $0xffff, v1;
	_ =	sdelay $0x5  }
0x315: {  	v1, _, _ =	vpop (xrf0)  }
0x316: {  	(v2sf) =	vpush v1, $0xF;
	_ =	sdelay $0xa  }
0x317: {  	s15 =	sadd.s32 $0x1, s15  }
0x318: {  	p1 =	sne.s32 s15, $0x20  }
.Ltmp4:
0x319: {  	_ = 	snop;
	(pc) =	sbr.rel @p1 .LBB2_9-.Ltmp4, $4  }
0x31a: {  	_ = 	snop  }
0x31b: {  	s9 =	spop (v2sf)  }
0x31c: {  	p0 =	sgt.s32 s9, $0x3F  }
0x31d: {  	s8 =	smov.u32 @p0 s16  }
0x31e: {  	_ =	sdelay $0x2  }
0x31f: {  	s9 =	simm.s32 $0x0  }
0x320: {  	v3 =	vld.idx.msk [tilespmem:v2+s9+$0x20 ss:$0x1], $0xffff  }
0x321: {  	v5 =	vld.idx.msk [tilespmem:v2+s9+$0x30 ss:$0x1], $0xffff  }
0x322: {  	v7 =	vld.idx.msk [tilespmem:v2+s9+$0x0 ss:$0x1], $0xffff  }
0x323: {  	v8 =	vld.idx.msk [tilespmem:v2+s9+$0x10 ss:$0x1], $0xffff  }
0x324: {  	v11 =	vld.idx.msk [tilespmem:v2+s9+$0xFFFFFFE0 ss:$0x1], $0xffff  }
0x325: {  	v12 =	vld.idx.msk [tilespmem:v2+s9+$0xFFFFFFF0 ss:$0x1], $0xffff  }
0x326: {  	v13 =	vld.idx.msk [tilespmem:v2+s9+$0xFFFFFFC0 ss:$0x1], $0xffff  }
0x327: {  	s15 =	simm.s32 $0x80;
	v14 =	vld.idx.msk [tilespmem:v2+s9+$0xFFFFFFD0 ss:$0x1], $0xffff  }
0x328: {  	v9 =	vld.idx.msk [tilespmem:v2+s15+$0x20 ss:$0x1], $0xffff  }
0x329: {  	v1 =	vmov s8;
	v4 =	vld.idx.msk [tilespmem:v2+s15+$0x30 ss:$0x1], $0xffff  }
0x32a: {  	v10 =	vimm.s32 $0x0;
	v6 =	vld.idx.msk [tilespmem:v2+s15+$0x0 ss:$0x1], $0xffff;
	vm2 =	vgt.u32 v3, v1;
	vm3 =	vgt.u32 v7, v1  }
0x32b: {  	v3 =	vld.idx.msk [tilespmem:v2+s15+$0x10 ss:$0x1], $0xffff;
	vm0 =	vgt.u32 v8, v1;
	vm15 =	vgt.u32 v5, v1;
	vm4 =	vgt.u32 v13, v1  }
0x32c: {  	v5 =	vld.idx.msk [tilespmem:v2+s15+$0xFFFFFFE0 ss:$0x1], $0xffff;
	vm5 =	vgt.u32 v11, v1;
	vm1 =	vgt.u32 v12, v1;
	vm6 =	vgt.u32 v14, v1  }
0x32d: {  	v7 =	vld.idx.msk [tilespmem:v2+s15+$0xFFFFFFF0 ss:$0x1], $0xffff;
	v13 =	vimm.s32 $0x0;
	v12 =	vsel vm3, $0x1, v0;
	v11 =	vsel vm2, $0x1, v0  }
0x32e: {  	s8 =	simm.s32 $0x400;
	v8 =	vld.idx.msk [tilespmem:v2+s15+$0xFFFFFFC0 ss:$0x1], $0xffff;
	v15 =	vsel vm4, $0x1, v0;
	v16 =	vsel vm6, $0x1, v0;
	v14 =	vsel vm5, $0x1, v0  }
.LBB2_13:
0x32f: {  	p0 =	sne.s32 s8, $0x1E00;
	v17 =	vld.idx.msk [tilespmem:v2+s15+$0xFFFFFFD0 ss:$0x1], $0xffff;
	s15 =	sshra.s32 s8, $0x2;
	v10 =	vadd.s32 v15, v10;
	v13 =	vadd.s32 v16, v13;
	v19 =	vsel vm1, $0x1, v0;
	v16 =	vmovc v4  }
0x330: {  	v15 =	vmovc v6;
	v18 =	vld.idx.msk [tilespmem:v2+s15+$0x20 ss:$0x1], $0xffff;
	v10 =	vadd.s32 v14, v10;
	v13 =	vadd.s32 v19, v13;
	v14 =	vsel vm0, $0x1, v0  }
0x331: {  	v4 =	vld.idx.msk [tilespmem:v2+s15+$0x30 ss:$0x1], $0xffff;
	v10 =	vadd.s32 v12, v10;
	v12 =	vadd.s32 v14, v13;
	v13 =	vsel vm15, $0x1, v0  }
.Ltmp5:
0x332: {  	vm2 =	vgt.u32 v9, v1;
	v6 =	vld.idx.msk [tilespmem:v2+s15+$0x0 ss:$0x1], $0xffff;
	v10 =	vadd.s32 v11, v10;
	v13 =	vadd.s32 v13, v12;
	(pc) =	sbr.rel @p0 .LBB2_13-.Ltmp5, $4  }
0x333: {  	vm3 =	vgt.u32 v15, v1;
	vm0 =	vgt.u32 v3, v1;
	vm15 =	vgt.u32 v16, v1;
	v3 =	vld.idx.msk [tilespmem:v2+s15+$0x10 ss:$0x1], $0xffff  }
0x334: {  	vm5 =	vgt.u32 v5, v1;
	vm1 =	vgt.u32 v7, v1;
	vm4 =	vgt.u32 v8, v1;
	v5 =	vld.idx.msk [tilespmem:v2+s15+$0xFFFFFFE0 ss:$0x1], $0xffff  }
0x335: {  	v12 =	vsel vm3, $0x1, v0;
	v11 =	vsel vm2, $0x1, v0;
	vm6 =	vgt.u32 v17, v1;
	v7 =	vld.idx.msk [tilespmem:v2+s15+$0xFFFFFFF0 ss:$0x1], $0xffff  }
0x336: {  	s8 =	sadd.s32 $0x200, s8;
	v14 =	vsel vm5, $0x1, v0;
	v15 =	vsel vm4, $0x1, v0;
	v16 =	vsel vm6, $0x1, v0;
	v9 =	vmovc v18;
	v8 =	vld.idx.msk [tilespmem:v2+s15+$0xFFFFFFC0 ss:$0x1], $0xffff  }
0x337: {  	_ =	sdelay $0x2  }
0x338: {  	v10 =	vadd.s32 v15, v10;
	v13 =	vadd.s32 v16, v13;
	v58 =	vsel vm1, $0x1, v0  }
0x339: {  	v2 =	vld.idx.msk [tilespmem:v2+s15+$0xFFFFFFD0 ss:$0x1], $0xffff;
	v59 =	vsel vm0, $0x1, v0;
	v61 =	vsel vm15, $0x1, v0;
	vm0 =	vgt.u32 v9, v1  }
0x33a: {  	vm1 =	vgt.u32 v6, v1;
	vm3 =	vgt.u32 v4, v1;
	v10 =	vadd.s32 v14, v10  }
0x33b: {  	v13 =	vadd.s32 v58, v13;
	vm2 =	vgt.u32 v3, v1;
	v3 =	vsel vm0, $0x1, v0  }
0x33c: {  	v10 =	vadd.s32 v12, v10;
	v60 =	vadd.s32 v59, v13;
	vm5 =	vgt.u32 v5, v1  }
0x33d: {  	v62 =	vadd.s32 v11, v10;
	v63 =	vadd.s32 v61, v60;
	vm6 =	vgt.u32 v7, v1  }
0x33e: {  	v6 =	vsel vm5, $0x1, v0;
	vm4 =	vgt.u32 v8, v1;
	vm15 =	vgt.u32 v2, v1  }
0x33f: {  	v7 =	vsel vm6, $0x1, v0;
	v4 =	vsel vm4, $0x1, v0;
	v5 =	vsel vm15, $0x1, v0  }
0x340: {  	v2 =	vsel vm1, $0x1, v0;
	v4 =	vadd.s32 v4, v62;
	v5 =	vadd.s32 v5, v63  }
0x341: {  	v4 =	vadd.s32 v6, v4;
	v6 =	vsel vm2, $0x1, v0;
	v5 =	vadd.s32 v7, v5  }
0x342: {  	v2 =	vadd.s32 v2, v4;
	v4 =	vadd.s32 v6, v5;
	v5 =	vsel vm3, $0x1, v0  }
0x343: {  	v2 =	vadd.s32 v3, v2;
	v3 =	vadd.s32 v5, v4  }
0x344: {  	v2 =	vadd.s32 v2, v3  }
0x345: {  	(xrf0) =	vadd.scan.msk.s32 $0xffff, v2;
	_ =	sdelay $0x4  }
0x346: {  	v3 =	vmov s3  }
0x347: {  	v2, _, _ =	vpop (xrf0)  }
0x348: {  	(v2sf) =	vpush v2, $0xF;
	_ =	sdelay $0x1  }
0x349: {  	s16 =	simm.s32 $0x0  }
0x34a: {  	v5 =	vld.idx.msk [tilespmem:v3+s16+$0xFFFFFFE0 ss:$0x1], $0xffff;
	_ =	sdelay $0x4  }
0x34b: {  	vm0 =	veq.s32 v5, v1  }
0x34c: {  	v2 =	vsel vm0, $0x1, v0  }
0x34d: {  	(xrf0) =	vadd.scan.msk.s32 $0xffff, v2;
	_ =	sdelay $0x4  }
0x34e: {  	s9 =	simm.s32 $0x0;
	v2 =	vsel vm0, $0xFFFFFFFF, v0;
	s8 =	spop (v2sf)  }
0x34f: {  	v2 =	vadd.s32 s9, v2;
	v6, _, _ =	vpop (xrf0);
	s8 =	ssub.s32 $0x40, s8  }
0x350: {  	v7 =	vadd.s32 v6, v2;
	v4 =	vmov s8  }
0x351: {  	v2 =	vmov s12;
	vm1 =	vlt.s32 v7, v4  }
0x352: {  	vm2 =	vgt.u32 v5, v1;
	vm0 =	vmand vm0, vm1  }
0x353: {  	vm1 =	vne.s32 v5, $0x0;
	vm0 =	vmor vm2, vm0  }
0x354: {  	vm0 =	vmand vm1, vm0  }
0x355: {  	(v2sf) =	vpush v6, $0xF;
	v5 =	vsel vm0, $0x1, v0  }
0x356: {  	[tilespmem:v2+s16+$0xFFFFFFD0 ss:$0x1] =	vst.idx.msk $0xffff, v5  }
0x357: {  	v5 =	vld.idx.msk [tilespmem:v3+s16+$0xFFFFFFF0 ss:$0x1], $0xffff;
	_ =	sdelay $0x4  }
0x358: {  	vm0 =	veq.s32 v5, v1  }
0x359: {  	v6 =	vsel vm0, $0x1, v0  }
0x35a: {  	(xrf0) =	vadd.scan.msk.s32 $0xffff, v6;
	_ =	sdelay $0x5  }
0x35b: {  	s19 =	spop (v2sf);
	v6 =	vsel vm0, $0xFFFFFFFF, v0;
	v7, _, _ =	vpop (xrf0)  }
0x35c: {  	s8 =	sadd.s32 $0x0, s19;
	v6 =	vadd.s32 v6, v7  }
0x35d: {  	v6 =	vadd.s32 s8, v6  }
0x35e: {  	vm1 =	vlt.s32 v6, v4  }
0x35f: {  	vm2 =	vgt.u32 v5, v1;
	vm0 =	vmand vm0, vm1  }
0x360: {  	vm1 =	vne.s32 v5, $0x0;
	vm0 =	vmor vm2, vm0  }
0x361: {  	vm0 =	vmand vm1, vm0  }
0x362: {  	(v2sf) =	vpush v7, $0xF;
	v5 =	vsel vm0, $0x1, v0  }
0x363: {  	[tilespmem:v2+s16+$0xFFFFFFE0 ss:$0x1] =	vst.idx.msk $0xffff, v5  }
0x364: {  	v5 =	vld.idx.msk [tilespmem:v3+s16+$0x0 ss:$0x1], $0xffff;
	_ =	sdelay $0x4  }
0x365: {  	vm0 =	veq.s32 v5, v1  }
0x366: {  	v6 =	vsel vm0, $0x1, v0  }
0x367: {  	(xrf0) =	vadd.scan.msk.s32 $0xffff, v6;
	_ =	sdelay $0x5  }
0x368: {  	s20 =	spop (v2sf);
	v6 =	vsel vm0, $0xFFFFFFFF, v0;
	v7, _, _ =	vpop (xrf0)  }
0x369: {  	s8 =	sadd.s32 s8, s20;
	v6 =	vadd.s32 v6, v7  }
0x36a: {  	v6 =	vadd.s32 s8, v6  }
0x36b: {  	vm1 =	vlt.s32 v6, v4  }
0x36c: {  	vm2 =	vgt.u32 v5, v1;
	vm0 =	vmand vm0, vm1  }
0x36d: {  	vm1 =	vne.s32 v5, $0x0;
	vm0 =	vmor vm2, vm0  }
0x36e: {  	vm0 =	vmand vm1, vm0  }
0x36f: {  	v5 =	vsel vm0, $0x1, v0  }
0x370: {  	(v2sf) =	vpush v7, $0xF;
	[tilespmem:v2+s16+$0xFFFFFFF0 ss:$0x1] =	vst.idx.msk $0xffff, v5  }
0x371: {  	v5 =	vld.idx.msk [tilespmem:v3+s16+$0x10 ss:$0x1], $0xffff;
	_ =	sdelay $0x4  }
0x372: {  	vm0 =	veq.s32 v5, v1  }
0x373: {  	v6 =	vsel vm0, $0x1, v0  }
0x374: {  	(xrf0) =	vadd.scan.msk.s32 $0xffff, v6;
	_ =	sdelay $0x5  }
0x375: {  	v6, _, _ =	vpop (xrf0)  }
0x376: {  	v7 =	vsel vm0, $0xFFFFFFFF, v0;
	s22 =	spop (v2sf);
	(v2sf) =	vpush v6, $0xF  }
0x377: {  	s17 =	sadd.s32 s8, s22;
	v6 =	vadd.s32 v7, v6  }
0x378: {  	v6 =	vadd.s32 s17, v6  }
0x379: {  	vm1 =	vlt.s32 v6, v4  }
0x37a: {  	vm2 =	vgt.u32 v5, v1;
	vm0 =	vmand vm0, vm1  }
0x37b: {  	vm1 =	vne.s32 v5, $0x0;
	vm0 =	vmor vm2, vm0  }
0x37c: {  	vm0 =	vmand vm1, vm0  }
0x37d: {  	v5 =	vsel vm0, $0x1, v0  }
0x37e: {  	s8 =	simm.s32 $0x40;
	[tilespmem:v2+s16+$0x0 ss:$0x1] =	vst.idx.msk $0xffff, v5  }
0x37f: {  	v5 =	vld.idx.msk [tilespmem:v3+s8+$0xFFFFFFE0 ss:$0x1], $0xffff;
	_ =	sdelay $0x4  }
0x380: {  	vm0 =	veq.s32 v5, v1  }
0x381: {  	s15 =	simm.s32 $0x200;
	v6 =	vsel vm0, $0x1, v0;
	s16 =	spop (v2sf)  }
.LBB2_15:
0x382: {  	p0 =	sne.s32 s15, $0x1F00  }
0x383: {  	(xrf0) =	vadd.scan.msk.s32 $0xffff, v6;
	s9 =	sadd.s32 s17, s16;
	s16 =	smov.u32 s15;
	s15 =	sadd.s32 $0x100, s15  }
0x384: {  	_ =	sdelay $0x3  }
0x385: {  	v6 =	vsel vm0, $0xFFFFFFFF, v0  }
0x386: {  	v6 =	vadd.s32 s9, v6;
	v7, _, _ =	vpop (xrf0)  }
0x387: {  	v6 =	vadd.s32 v7, v6;
	(v2sf) =	vpush v7, $0xF  }
0x388: {  	vm1 =	vlt.s32 v6, v4  }
0x389: {  	vm2 =	vgt.u32 v5, v1;
	vm0 =	vmand vm0, vm1  }
0x38a: {  	vm1 =	vne.s32 v5, $0x0;
	vm0 =	vmor vm2, vm0  }
0x38b: {  	vm0 =	vmand vm1, vm0  }
0x38c: {  	v5 =	vsel vm0, $0x1, v0  }
0x38d: {  	[tilespmem:v2+s8+$0xFFFFFFD0 ss:$0x1] =	vst.idx.msk $0xffff, v5  }
0x38e: {  	v5 =	vld.idx.msk [tilespmem:v3+s8+$0xFFFFFFF0 ss:$0x1], $0xffff;
	_ =	sdelay $0x5  }
0x38f: {  	vm0 =	veq.s32 v5, v1  }
0x390: {  	v6 =	vsel vm0, $0x1, v0  }
0x391: {  	s17 =	spop (v2sf);
	(xrf0) =	vadd.scan.msk.s32 $0xffff, v6;
	_ =	sdelay $0x5  }
0x392: {  	v6 =	vsel vm0, $0xFFFFFFFF, v0;
	v7, _, _ =	vpop (xrf0)  }
0x393: {  	s9 =	sadd.s32 s9, s17;
	v6 =	vadd.s32 v6, v7;
	(v2sf) =	vpush v7, $0xF  }
0x394: {  	v6 =	vadd.s32 s9, v6  }
0x395: {  	vm1 =	vlt.s32 v6, v4  }
0x396: {  	vm2 =	vgt.u32 v5, v1;
	vm0 =	vmand vm0, vm1  }
0x397: {  	vm1 =	vne.s32 v5, $0x0;
	vm0 =	vmor vm2, vm0  }
0x398: {  	vm0 =	vmand vm1, vm0  }
0x399: {  	v5 =	vsel vm0, $0x1, v0  }
0x39a: {  	[tilespmem:v2+s8+$0xFFFFFFE0 ss:$0x1] =	vst.idx.msk $0xffff, v5  }
0x39b: {  	v5 =	vld.idx.msk [tilespmem:v3+s8+$0x0 ss:$0x1], $0xffff;
	_ =	sdelay $0x5  }
0x39c: {  	vm0 =	veq.s32 v5, v1  }
0x39d: {  	v6 =	vsel vm0, $0x1, v0;
	s17 =	spop (v2sf)  }
0x39e: {  	s9 =	sadd.s32 s9, s17;
	(xrf0) =	vadd.scan.msk.s32 $0xffff, v6;
	_ =	sdelay $0x5  }
0x39f: {  	v6 =	vsel vm0, $0xFFFFFFFF, v0;
	v7, _, _ =	vpop (xrf0)  }
0x3a0: {  	v6 =	vadd.s32 v6, v7;
	(v2sf) =	vpush v7, $0xF  }
0x3a1: {  	v6 =	vadd.s32 s9, v6  }
0x3a2: {  	vm1 =	vlt.s32 v6, v4  }
0x3a3: {  	vm2 =	vgt.u32 v5, v1;
	vm0 =	vmand vm0, vm1  }
0x3a4: {  	vm1 =	vne.s32 v5, $0x0;
	vm0 =	vmor vm2, vm0  }
0x3a5: {  	vm0 =	vmand vm1, vm0  }
0x3a6: {  	v5 =	vsel vm0, $0x1, v0  }
0x3a7: {  	[tilespmem:v2+s8+$0xFFFFFFF0 ss:$0x1] =	vst.idx.msk $0xffff, v5  }
0x3a8: {  	v5 =	vld.idx.msk [tilespmem:v3+s8+$0x10 ss:$0x1], $0xffff;
	_ =	sdelay $0x5  }
0x3a9: {  	vm0 =	veq.s32 v5, v1  }
0x3aa: {  	v6 =	vsel vm0, $0x1, v0;
	s17 =	spop (v2sf)  }
0x3ab: {  	(xrf0) =	vadd.scan.msk.s32 $0xffff, v6;
	_ =	sdelay $0x5  }
0x3ac: {  	v6 =	vsel vm0, $0xFFFFFFFF, v0;
	v7, _, _ =	vpop (xrf0)  }
0x3ad: {  	s17 =	sadd.s32 s9, s17;
	v6 =	vadd.s32 v6, v7;
	(v2sf) =	vpush v7, $0xF  }
0x3ae: {  	v6 =	vadd.s32 s17, v6  }
0x3af: {  	vm1 =	vlt.s32 v6, v4  }
0x3b0: {  	vm2 =	vgt.u32 v5, v1;
	vm0 =	vmand vm0, vm1  }
0x3b1: {  	vm1 =	vne.s32 v5, $0x0;
	vm0 =	vmor vm2, vm0  }
0x3b2: {  	vm0 =	vmand vm1, vm0  }
0x3b3: {  	v5 =	vsel vm0, $0x1, v0  }
0x3b4: {  	[tilespmem:v2+s8+$0x0 ss:$0x1] =	vst.idx.msk $0xffff, v5;
	s8 =	sshra.s32 s16, $0x2  }
0x3b5: {  	v5 =	vld.idx.msk [tilespmem:v3+s8+$0xFFFFFFE0 ss:$0x1], $0xffff;
	_ =	sdelay $0x2  }
.Ltmp6:
0x3b6: {  	(pc) =	sbr.rel @p0 .LBB2_15-.Ltmp6, $3  }
0x3b7: {  	_ =	sdelay $0x1  }
0x3b8: {  	vm0 =	veq.s32 v5, v1  }
0x3b9: {  	v6 =	vsel vm0, $0x1, v0;
	s16 =	spop (v2sf)  }
0x3ba: {  	(xrf0) =	vadd.scan.msk.s32 $0xffff, v6;
	_ =	sdelay $0x4  }
0x3bb: {  	s9 =	sadd.s32 s17, s16;
	v52 =	vsel vm0, $0xFFFFFFFF, v0  }
0x3bc: {  	v6 =	vadd.s32 s9, v52;
	v7, _, _ =	vpop (xrf0)  }
0x3bd: {  	v6 =	vadd.s32 v7, v6  }
0x3be: {  	vm1 =	vlt.s32 v6, v4  }
0x3bf: {  	vm0 =	vmand vm0, vm1;
	vm1 =	vgt.u32 v5, v1  }
0x3c0: {  	vm0 =	vmor vm1, vm0;
	vm1 =	vne.s32 v5, $0x0  }
0x3c1: {  	vm0 =	vmand vm1, vm0  }
0x3c2: {  	(v2sf) =	vpush v7, $0xF;
	v53 =	vsel vm0, $0x1, v0  }
0x3c3: {  	[tilespmem:v2+s8+$0xFFFFFFD0 ss:$0x1] =	vst.idx.msk $0xffff, v53  }
0x3c4: {  	v5 =	vld.idx.msk [tilespmem:v3+s8+$0xFFFFFFF0 ss:$0x1], $0xffff;
	_ =	sdelay $0x4  }
0x3c5: {  	vm0 =	veq.s32 v5, v1  }
0x3c6: {  	v54 =	vsel vm0, $0x1, v0  }
0x3c7: {  	(xrf0) =	vadd.scan.msk.s32 $0xffff, v54;
	_ =	sdelay $0x5  }
0x3c8: {  	v55 =	vsel vm0, $0xFFFFFFFF, v0;
	s15 =	spop (v2sf);
	v56, _, _ =	vpop (xrf0)  }
0x3c9: {  	s9 =	sadd.s32 s9, s15;
	v6 =	vadd.s32 v55, v56  }
0x3ca: {  	v6 =	vadd.s32 s9, v6  }
0x3cb: {  	vm1 =	vlt.s32 v6, v4  }
0x3cc: {  	vm0 =	vmand vm0, vm1;
	vm1 =	vgt.u32 v5, v1  }
0x3cd: {  	vm0 =	vmor vm1, vm0;
	vm1 =	vne.s32 v5, $0x0  }
0x3ce: {  	vm0 =	vmand vm1, vm0  }
0x3cf: {  	(v2sf) =	vpush v56, $0xF;
	v57 =	vsel vm0, $0x1, v0  }
0x3d0: {  	[tilespmem:v2+s8+$0xFFFFFFE0 ss:$0x1] =	vst.idx.msk $0xffff, v57  }
0x3d1: {  	v5 =	vld.idx.msk [tilespmem:v3+s8+$0x0 ss:$0x1], $0xffff;
	_ =	sdelay $0x4  }
0x3d2: {  	vm0 =	veq.s32 v5, v1  }
0x3d3: {  	v58 =	vsel vm0, $0x1, v0  }
0x3d4: {  	(xrf0) =	vadd.scan.msk.s32 $0xffff, v58;
	_ =	sdelay $0x5  }
0x3d5: {  	v59 =	vsel vm0, $0xFFFFFFFF, v0;
	s19 =	spop (v2sf);
	v60, _, _ =	vpop (xrf0)  }
0x3d6: {  	s9 =	sadd.s32 s9, s19;
	v6 =	vadd.s32 v59, v60  }
0x3d7: {  	v6 =	vadd.s32 s9, v6  }
0x3d8: {  	vm1 =	vlt.s32 v6, v4  }
0x3d9: {  	vm0 =	vmand vm0, vm1;
	vm1 =	vgt.u32 v5, v1  }
0x3da: {  	vm0 =	vmor vm1, vm0;
	vm1 =	vne.s32 v5, $0x0  }
0x3db: {  	vm0 =	vmand vm1, vm0  }
0x3dc: {  	v61 =	vsel vm0, $0x1, v0  }
0x3dd: {  	[tilespmem:v2+s8+$0xFFFFFFF0 ss:$0x1] =	vst.idx.msk $0xffff, v61  }
0x3de: {  	v3 =	vld.idx.msk [tilespmem:v3+s8+$0x10 ss:$0x1], $0xffff;
	_ =	sdelay $0x4  }
0x3df: {  	vm0 =	veq.s32 v3, v1  }
0x3e0: {  	(v2sf) =	vpush v60, $0xF;
	v62 =	vsel vm0, $0x1, v0  }
0x3e1: {  	(xrf0) =	vadd.scan.msk.s32 $0xffff, v62;
	_ =	sdelay $0x5  }
0x3e2: {  	v5, _, _ =	vpop (xrf0)  }
0x3e3: {  	(v2sf) =	vpush v5, $0xF;
	_ =	sdelay $0x6  }
0x3e4: {  	v63 =	vsel vm0, $0xFFFFFFFF, v0;
	s20 =	spop (v2sf)  }
0x3e5: {  	s9 =	sadd.s32 s9, s20;
	v5 =	vadd.s32 v63, v5  }
0x3e6: {  	s0 =	sadd.s32 $0x1, s0;
	v5 =	vadd.s32 s9, v5  }
0x3e7: {  	p0 =	sne.s32 s0, $0x4;
	vm1 =	vlt.s32 v5, v4  }
.Ltmp7:
0x3e8: {  	vm2 =	vgt.u32 v3, v1;
	vm0 =	vmand vm0, vm1;
	(pc) =	sbr.rel @p0 .LBB2_8-.Ltmp7, $4  }
0x3e9: {  	vm1 =	vne.s32 v3, $0x0;
	vm0 =	vmor vm2, vm0  }
0x3ea: {  	vm0 =	vmand vm1, vm0  }
0x3eb: {  	s2 =	sadd.s32 $0x800, s2;
	v1 =	vsel vm0, $0x1, v0  }
0x3ec: {  	s3 =	sadd.s32 $0x800, s3;
	s12 =	sadd.s32 $0x800, s12;
	[tilespmem:v2+s8+$0x0 ss:$0x1] =	vst.idx.msk $0xffff, v1;
	s22 =	spop (v2sf)  }
0x3ed: {  	[hbm4b:s10+s4] =	stream.linear.scatter [tilespmem:s4], [sflag:$0x5], $0x2000, $0x38;
	[tilespmem:$0x1DD80] =	vst v63  }
0x3ee: {  	_ =	swait.ge [sflag:s13], $0x2000  }
0x3ef: {  	v1 =	vld [tilespmem:$0x1FF90];
	_ =	sdelay $0x4  }
0x3f0: {  	vm1 =	vnez.u8 v1;
	v1 =	vld [tilespmem:$0x1FFA0];
	_ =	sdelay $0x4  }
0x3f1: {  	vm2 =	vnez.u8 v1;
	v1 =	vld [tilespmem:$0x1FFB0];
	_ =	sdelay $0x4  }
0x3f2: {  	vm3 =	vnez.u8 v1;
	v1 =	vld [tilespmem:$0x1FFC0];
	_ =	sdelay $0x4  }
0x3f3: {  	vm4 =	vnez.u8 v1;
	v1 =	vld [tilespmem:$0x1FFD0];
	_ =	sdelay $0x4  }
0x3f4: {  	vm5 =	vnez.u8 v1;
	v1 =	vld [tilespmem:$0x1FFE0];
	_ =	sdelay $0x3  }
0x3f5: {  	s31 =	sadd.s32 $0x1, s31  }
0x3f6: {  	p0 =	sne.s32 s31, s11;
	vm6 =	vnez.u8 v1;
	v1 =	vld [tilespmem:$0x1FFF0]  }
.Ltmp8:
0x3f7: {  	_ = 	snop;
	(pc) =	sbr.rel @p0 .LBB2_1-.Ltmp8, $3  }
0x3f8: {  	_ =	sdelay $0x1  }
0x3f9: {  	[sflag:s13] =	ssyncset.done $0x0  }
0x3fa: {  	[sflag:s13] =	ssyncadd.s32 $0xFFFFE000;
	vm15 =	vnez.u8 v1  }
0x3fb: {  	_ =	sfence.sel $0x180000  }
0x3fc: {  	[bflag:$0x0] =	sbarrier.arrive $0xFFFF  }
0x3fd: {  	_ =	strace $0x90000047  }
0x3fe: {  	s0 =	stileid.u32;
	[bflag:$0x2] =	sbarrier.arrive $0xFFFF  }
0x3ff: {  	p0 =	sne.s32 s0, $0x0;
	s0 =	rddreg [dreg:$0x2]  }
0x400: {  	s0 =	sadd.s32 @!p0 $0x100000, s0  }
0x401: {  	[sflag:s0] =	ssyncadd.tile.s32 @!p0 $0x1;
	_ =	shalt  }
.Lfunc_end2:
_tile_overlayer_lowered:
.L_overlay_start_2:
0x402: {  	(tag) =	ssettag $0x2  }
0x403: {  	s0 =	rddreg [dreg:$0x0];
	s2 =	stileid.u32  }
0x404: {  	s1 =	rddreg [dreg:$0x1];
	p0 =	sne.s32 s2, $0x0  }
0x405: {  	s3 =	rddreg [dreg:$0x2];
	[bflag:$0x3] =	sbarrier.arrive $0xFFFF;
	s2 =	simm.s32 @!p0 $0x1C05  }
0x406: {  	[timem:s3], [sflag:s2] =	dma.local @!p0 [hbm:s0], s1  }
0x407: {  	s0 =	simm.s32 @!p0 $0x5  }
0x408: {  	_ =	swait.ge @!p0 [sflag:s0], s1  }
0x409: {  	s1 =	ssub.s32 @!p0 $0x0, s1;
	[sflag:s0] =	ssyncset.done @!p0 $0x0  }
0x40a: {  	[sflag:s0] =	ssyncadd.s32 @!p0 s1  }
0x40b: {  	[bflag:$0x3] =	sbarrier.arrive $0xFFFF  }
0x40c: {  	_ =	shalt  }

</sc_bundles>
